<compile_context>
chip_gen: v7x
topology: tpu7x:2x2x1
jax: 0.10.2.dev20260603
libtpu: 0.0.44.dev20260713+nightly
codegen_flags: <defaults>
</compile_context>

<pallas_src>
import functools
import jax
import jax.numpy as jnp
from jax import lax
from jax.experimental import pallas as pl
from jax.experimental.pallas import tpu as pltpu
from jax.experimental.pallas import tpu_sc as plsc

NN = 10000
NP = 10240
EE = 320000
CC = 128
CH = CC // 2
NSC = 2
NTEC = 16
CHUNK = 80
CPT = EE // NTEC // CHUNK
RPT = NP // NTEC
DEGW = 16

_MESH = dict(core_axis_name="c", subcore_axis_name="s", num_cores=NSC,
             num_subcores=NTEC)


def _sc_agg_body(do_deg, row_off, tbl, esrc, edst, *refs):
    if do_deg:
        (acc_out, deg_out, idx_src, idx_dst, rows, ones_v, zer_v,
         acc_sh, deg_sh, sem, dsem) = refs
    else:
        acc_out, idx_src, idx_dst, rows, acc_sh, sem = refs

    c = lax.axis_index("c")
    s = lax.axis_index("s")
    row0 = s * RPT

    pltpu.sync_copy(esrc.at[s], idx_src)
    pltpu.sync_copy(edst.at[s], idx_dst)

    pltpu.sync_copy(tbl.at[c, pl.ds(row_off + row0, RPT)],
                    acc_sh.at[pl.ds(row0, RPT)])

    if do_deg:
        for r in range(CHUNK):
            ones_v[r, :] = jnp.full((16,), 1.0, jnp.float32)

        @pl.when(c == 1)
        def _():
            for r in range(128):
                zer_v[r, :] = jnp.zeros((16,), jnp.float32)
            for b in range(RPT // 128):
                pltpu.sync_copy(zer_v, deg_sh.at[pl.ds(row0 + b * 128, 128)])

    plsc.subcore_barrier()

    gsem = sem

    def start_gather(j, i):
        pltpu.make_async_copy(tbl.at[c].at[idx_src.at[j]], rows[i],
                              gsem[i]).start()

    def finish_chunk(j, i):
        pltpu.make_async_copy(tbl.at[c].at[idx_src.at[j]], rows[i],
                              gsem[i]).wait()
        pltpu.sync_copy(rows[i], acc_sh.at[idx_dst.at[j]], add=True)
        if do_deg:
            @pl.when(c == 1)
            def _():
                @pl.when(j > 0)
                def _():
                    pltpu.make_async_copy(ones_v, deg_sh.at[idx_dst.at[0]],
                                          dsem).wait()
                pltpu.async_copy(ones_v, deg_sh.at[idx_dst.at[j]], dsem,
                                 add=True)

    start_gather(0, 0)

    def body(k, carry):
        j0 = 2 * k
        start_gather(j0 + 1, 1)
        finish_chunk(j0, 0)

        @pl.when(j0 + 2 < CPT)
        def _():
            start_gather(j0 + 2, 0)
        finish_chunk(j0 + 1, 1)
        return carry

    lax.fori_loop(0, CPT // 2, body, 0, unroll=False)
    if do_deg:
        @pl.when(c == 1)
        def _():
            pltpu.make_async_copy(ones_v, deg_sh.at[idx_dst.at[0]],
                                  dsem).wait()

    plsc.subcore_barrier()

    pltpu.sync_copy(acc_sh.at[pl.ds(row0, RPT)],
                    acc_out.at[c, pl.ds(row0, RPT)])

    if do_deg:
        @pl.when(c == 1)
        def _():
            pltpu.sync_copy(deg_sh.at[pl.ds(row0, RPT)],
                            deg_out.at[pl.ds(row0, RPT)])


def _sc_agg(tbl, esrc, edst, do_deg, row_off):
    out_acc = jax.ShapeDtypeStruct((NSC, NP, CH), jnp.float32)
    sems2 = tuple(pltpu.SemaphoreType.DMA for _ in range(2))
    scratch = [
        pltpu.VMEM((CPT, CHUNK), jnp.int32),
        pltpu.VMEM((CPT, CHUNK), jnp.int32),
        tuple(pltpu.VMEM((CHUNK, CH), jnp.float32) for _ in range(2)),
    ]
    if do_deg:
        out_type = (out_acc, jax.ShapeDtypeStruct((NP, DEGW), jnp.float32))
        scratch += [pltpu.VMEM((CHUNK, DEGW), jnp.float32),
                    pltpu.VMEM((128, DEGW), jnp.float32),
                    pltpu.VMEM_SHARED((NP, CH), jnp.float32),
                    pltpu.VMEM_SHARED((NP, DEGW), jnp.float32),
                    sems2, pltpu.SemaphoreType.DMA]
    else:
        out_type = out_acc
        scratch += [pltpu.VMEM_SHARED((NP, CH), jnp.float32),
                    sems2]
    return pl.kernel(
        functools.partial(_sc_agg_body, do_deg, row_off),
        out_type=out_type,
        mesh=plsc.VectorSubcoreMesh(**_MESH),
        scratch_types=scratch,
        compiler_params=pltpu.CompilerParams(use_tc_tiling_on_sc=False),
    )(tbl, esrc, edst)


def _tc_pre_body(s0, s1, wpre, gamma, beta, tbl_out):
    for i, sref in enumerate((s0, s1)):
        h = jnp.dot(sref[...].astype(jnp.bfloat16), wpre[i].astype(jnp.bfloat16),
                    preferred_element_type=jnp.float32)
        mu = jnp.mean(h, axis=0, keepdims=True)
        var = jnp.mean(jnp.square(h - mu), axis=0, keepdims=True)
        hn = (h - mu) * lax.rsqrt(var + 1e-5) * gamma[i][None, :] + beta[i][None, :]
        p = jnp.maximum(hn, 0.0)
        for half in range(2):
            tbl_out[half, i * NP:i * NP + NN, :] = p[:, half * CH:(half + 1) * CH]


def _tc_pre(s0, s1, wpre, gamma, beta):
    return pl.pallas_call(
        _tc_pre_body,
        out_shape=jax.ShapeDtypeStruct((2, 2 * NP, CH), jnp.float32),
    )(s0, s1, wpre, gamma, beta)


BR = 1000
NB = NN // BR


def _unsplit_blk(a):
    return jnp.concatenate([a[0], a[1]], axis=1)


def _tc_mid_body(tblp0, tblp1, acc0, acc1, deg, wsage, wgcn0, s2o, s3o, sg2o):
    inv = 1.0 / (deg[:, 0:1] + 1.0)
    p0 = jnp.concatenate([tblp0[0, 0], tblp0[1, 0]], axis=1)
    p1 = jnp.concatenate([tblp1[0, 0], tblp1[1, 0]], axis=1)
    a0 = _unsplit_blk(acc0) * inv
    a1 = _unsplit_blk(acc1) * inv
    dot = lambda a, b: jnp.dot(a.astype(jnp.bfloat16), b.astype(jnp.bfloat16),
                               preferred_element_type=jnp.float32)
    r = lambda x: jnp.maximum(x, 0.0)
    s2 = r(dot(p0, wsage[0, 0]) + dot(a0, wsage[0, 1])) + r(dot(a1, wgcn0[...]))
    for half in range(2):
        s2o[half] = s2[:, half * CH:(half + 1) * CH]
    s3o[...] = r(dot(p1, wsage[1, 0]) + dot(a1, wsage[1, 1])) + p0
    sg2o[...] = r(dot(p1, wsage[2, 0]) + dot(a1, wsage[2, 1]))


def _tc_mid(tbl4, acc0, acc1, deg, wsage, wgcn0):
    full = lambda *shape: pl.BlockSpec(shape, lambda i: (0,) * len(shape))
    return pl.pallas_call(
        _tc_mid_body,
        grid=(NB,),
        in_specs=[
            pl.BlockSpec((2, 1, BR, CH), lambda i: (0, 0, i, 0)),
            pl.BlockSpec((2, 1, BR, CH), lambda i: (0, 1, i, 0)),
            pl.BlockSpec((2, BR, CH), lambda i: (0, i, 0)),
            pl.BlockSpec((2, BR, CH), lambda i: (0, i, 0)),
            pl.BlockSpec((BR, DEGW), lambda i: (i, 0)),
            full(3, 2, CC, CC),
            full(CC, CC),
        ],
        out_specs=(
            pl.BlockSpec((2, BR, CH), lambda i: (0, i, 0)),
            pl.BlockSpec((BR, CC), lambda i: (i, 0)),
            pl.BlockSpec((BR, CC), lambda i: (i, 0)),
        ),
        out_shape=(jax.ShapeDtypeStruct((2, NP, CH), jnp.float32),
                   jax.ShapeDtypeStruct((NN, CC), jnp.float32),
                   jax.ShapeDtypeStruct((NN, CC), jnp.float32)),
    )(tbl4, tbl4, acc0, acc1, deg, wsage, wgcn0)


def _tc_fin_body(acc2, s2s, s3, sg2, deg, wg1, wg2, out):
    inv = 1.0 / (deg[:, 0:1] + 1.0)
    s2 = _unsplit_blk(s2s)
    a = _unsplit_blk(acc2) * inv
    dot = lambda x, w: jnp.dot(x.astype(jnp.bfloat16), w.astype(jnp.bfloat16),
                               preferred_element_type=jnp.float32)
    s4 = jnp.maximum(dot(a, wg1[...]), 0.0) + sg2[...]
    s5 = s3[...] + jnp.maximum(dot(a, wg2[...]), 0.0)
    out[...] = jnp.concatenate([s2, s3[...], s4, s5], axis=1)


def _tc_fin(acc2, s2s, s3, sg2, deg, wg1, wg2):
    full = lambda *shape: pl.BlockSpec(shape, lambda i: (0,) * len(shape))
    return pl.pallas_call(
        _tc_fin_body,
        grid=(NB,),
        in_specs=[
            pl.BlockSpec((2, BR, CH), lambda i: (0, i, 0)),
            pl.BlockSpec((2, BR, CH), lambda i: (0, i, 0)),
            pl.BlockSpec((BR, CC), lambda i: (i, 0)),
            pl.BlockSpec((BR, CC), lambda i: (i, 0)),
            pl.BlockSpec((BR, DEGW), lambda i: (i, 0)),
            full(CC, CC),
            full(CC, CC),
        ],
        out_specs=pl.BlockSpec((BR, 4 * CC), lambda i: (i, 0)),
        out_shape=jax.ShapeDtypeStruct((NN, 4 * CC), jnp.float32),
    )(acc2, s2s, s3, sg2, deg, wg1, wg2)


@jax.jit
def _run(s0, s1, edge_index, w_pre, bn_gamma, bn_beta, w_sage, w_gcn):
    src = edge_index[0].astype(jnp.int32).reshape(NTEC, CPT, CHUNK)
    dst = edge_index[1].astype(jnp.int32).reshape(NTEC, CPT, CHUNK)
    src1 = src + NP

    tbl = _tc_pre(s0, s1, w_pre, bn_gamma, bn_beta)
    acc0, deg = _sc_agg(tbl, src, dst, do_deg=True, row_off=0)
    acc1 = _sc_agg(tbl, src1, dst, do_deg=False, row_off=NP)
    tbl4 = tbl.reshape(2, 2, NP, CH)
    s2s, s3, sg2 = _tc_mid(tbl4, acc0, acc1, deg, w_sage, w_gcn[0])
    acc2 = _sc_agg(s2s, src, dst, do_deg=False, row_off=0)
    return _tc_fin(acc2, s2s, s3, sg2, deg, w_gcn[1], w_gcn[2])


def kernel(s0, s1, edge_index, drop_prob, W_pre, bn_gamma, bn_beta, W_sage, W_gcn):
    del drop_prob
    return _run(s0, s1, edge_index, W_pre, bn_gamma, bn_beta, W_sage, W_gcn)

# --- scband reference (transcript-rebuilt; emitter-appended) ---
"""Pipeline reference for scband-cell-23725399343338 (READ-ONLY COPY).

The authoritative reference and input builder live on the scoring server;
editing this copy changes nothing except your own understanding.
"""

import jax, jax.numpy as jnp
import numpy as np

N = 10000
E = 320000
C = 128
GENO = [("sage", 0), ("gcn", 1), ("sage", 1), ("skip", 0), ("gcn", 2), ("sage", 1), ("skip", 3), ("gcn", 2)]
CONCAT = [2, 3, 4, 5]


def setup_inputs(seed: int = 0):
    key = jax.random.key(seed)
    ks = jax.random.split(key, 8)
    s0 = jax.random.normal(ks[0], (N, C), dtype=jnp.float32)
    s1 = jax.random.normal(ks[1], (N, C), dtype=jnp.float32)
    edge_index = jax.random.randint(ks[2], (2, E), 0, N)
    W_pre = jax.random.normal(ks[3], (2, C, C), dtype=jnp.float32) * 0.05
    bn_gamma = jnp.ones((2, C), dtype=jnp.float32)
    bn_beta = jnp.zeros((2, C), dtype=jnp.float32)
    W_sage = jax.random.normal(ks[4], (3, 2, C, C), dtype=jnp.float32) * 0.05
    W_gcn = jax.random.normal(ks[5], (3, C, C), dtype=jnp.float32) * 0.05
    return {"s0": s0, "s1": s1, "edge_index": edge_index, "drop_prob": 0.0,
            "W_pre": W_pre, "bn_gamma": bn_gamma, "bn_beta": bn_beta,
            "W_sage": W_sage, "W_gcn": W_gcn}


def _preprocess(x, W, gamma, beta):
    # MLP([C_in, C], 'relu', 'batch', bias=False): Linear -> BatchNorm (batch stats) -> ReLU
    h = x @ W
    mu = jnp.mean(h, axis=0)
    var = jnp.var(h, axis=0)
    h = (h - mu) / jnp.sqrt(var + 1e-5) * gamma + beta
    return jax.nn.relu(h)


def reference(s0, s1, edge_index, drop_prob, W_pre, bn_gamma, bn_beta, W_sage, W_gcn):
    src = edge_index[0]
    dst = edge_index[1]

    def agg_mean(x):
        s = jax.ops.segment_sum(x[src], dst, num_segments=N)
        deg = jax.ops.segment_sum(jnp.ones((E,), x.dtype), dst, num_segments=N)
        return (s + x) / (deg[:, None] + 1.0)

    def op_gcn(x, W):
        return jax.nn.relu(agg_mean(x) @ W)

    def op_sage(x, Wa, Wb):
        return jax.nn.relu(x @ Wa + agg_mean(x) @ Wb)

    p0 = _preprocess(s0, W_pre[0], bn_gamma[0], bn_beta[0])
    p1 = _preprocess(s1, W_pre[1], bn_gamma[1], bn_beta[1])
    states = [p0, p1]
    si = 0
    gi = 0
    hs = []
    for (name, idx) in GENO:
        x = states[idx]
        if name == "sage":
            h = op_sage(x, W_sage[si, 0], W_sage[si, 1])
            si += 1
        elif name == "gcn":
            h = op_gcn(x, W_gcn[gi])
            gi += 1
        else:
            h = x
        hs.append(h)
        if len(hs) == 2:
            states.append(hs[0] + hs[1])
            hs = []
    return jnp.concatenate([states[i] for i in CONCAT], axis=1)

if __name__ == "__main__":
    import jax
    _d = setup_inputs()
    print(jax.jit(kernel)(*tuple(_d.values())))

</pallas_src>

<mosaic_0001>
#map = affine_map<(d0, d1) -> (0, 0, 0)>
module attributes {stable_mosaic.version = 14 : i64} {
  func.func @_sc_agg_body(%arg0: i32, %arg1: i32, %arg2: memref<2x20480x64xf32, #tpu.memory_space<hbm>>, %arg3: memref<16x250x80xi32, #tpu.memory_space<hbm>>, %arg4: memref<16x250x80xi32, #tpu.memory_space<hbm>>, %arg5: memref<2x10240x64xf32, #tpu.memory_space<hbm>>, %arg6: memref<250x80xi32, #tpu.memory_space<vmem>>, %arg7: memref<250x80xi32, #tpu.memory_space<vmem>>, %arg8: memref<80x64xf32, #tpu.memory_space<vmem>>, %arg9: memref<80x64xf32, #tpu.memory_space<vmem>>, %arg10: memref<10240x64xf32, #tpu.memory_space<vmem_shared>>, %arg11: memref<!tpu.dma_semaphore, #tpu.memory_space<semaphore_mem>>, %arg12: memref<!tpu.dma_semaphore, #tpu.memory_space<semaphore_mem>>) attributes {dimension_semantics = [#tpu.dimension_semantics<core_parallel>, #tpu.dimension_semantics<subcore_parallel>], iteration_bounds = array<i64: 2, 16>, scalar_prefetch = 0 : i64, scratch_operands = 7 : i64, tpu.core_type = #tpu.core_type<sc_vector_subcore>, window_params = [{transform_indices = #map}, {transform_indices = #map}, {transform_indices = #map}, {transform_indices = #map}]} {
    %mul3A = arith.constant 640 : i32
    %mul3A_0 = arith.muli %arg1, %mul3A : i32
    "tpu.region"() ({
      %run_scoped3A = tpu.sem_alloc : memref<!tpu.dma_semaphore, #tpu.memory_space<semaphore_mem>>
      %dma_start3A_18 = arith.constant 0 : i32
      %dma_start3A_19 = arith.constant 0 : i32
      %dma_start3A_20 = tpu.memref_slice %arg3[%arg1, %dma_start3A_18, %dma_start3A_19] : memref<16x250x80xi32, #tpu.memory_space<hbm>> -> memref<1x250x80xi32, #tpu.memory_space<hbm>>
      %dma_start3A_21 = tpu.memref_squeeze %dma_start3A_20 : memref<1x250x80xi32, #tpu.memory_space<hbm>> -> memref<250x80xi32, #tpu.memory_space<hbm>>
      %dma_start3A_22 = arith.constant 0 : i32
      %dma_start3A_23 = arith.constant 0 : i32
      %dma_start3A_24 = tpu.memref_slice %arg3[%arg1, %dma_start3A_22, %dma_start3A_23] : memref<16x250x80xi32, #tpu.memory_space<hbm>> -> memref<1x250x80xi32, #tpu.memory_space<hbm>>
      %dma_start3A_25 = tpu.memref_squeeze %dma_start3A_24 : memref<1x250x80xi32, #tpu.memory_space<hbm>> -> memref<250x80xi32, #tpu.memory_space<hbm>>
      tpu.enqueue_dma source(%dma_start3A_25 : memref<250x80xi32, #tpu.memory_space<hbm>>) target(%arg6 : memref<250x80xi32, #tpu.memory_space<vmem>>) target_semaphore(%run_scoped3A : memref<!tpu.dma_semaphore, #tpu.memory_space<semaphore_mem>>)
      %dma_wait3A = arith.constant 0 : i32
      %dma_wait3A_26 = arith.constant 0 : i32
      %dma_wait3A_27 = tpu.memref_slice %arg3[%arg1, %dma_wait3A, %dma_wait3A_26] : memref<16x250x80xi32, #tpu.memory_space<hbm>> -> memref<1x250x80xi32, #tpu.memory_space<hbm>>
      %dma_wait3A_28 = tpu.memref_squeeze %dma_wait3A_27 : memref<1x250x80xi32, #tpu.memory_space<hbm>> -> memref<250x80xi32, #tpu.memory_space<hbm>>
      %dma_wait3A_29 = arith.constant 0 : i32
      %dma_wait3A_30 = arith.constant 0 : i32
      %dma_wait3A_31 = tpu.memref_slice %arg3[%arg1, %dma_wait3A_29, %dma_wait3A_30] : memref<16x250x80xi32, #tpu.memory_space<hbm>> -> memref<1x250x80xi32, #tpu.memory_space<hbm>>
      %dma_wait3A_32 = tpu.memref_squeeze %dma_wait3A_31 : memref<1x250x80xi32, #tpu.memory_space<hbm>> -> memref<250x80xi32, #tpu.memory_space<hbm>>
      tpu.wait_dma2 semaphore(%run_scoped3A : memref<!tpu.dma_semaphore, #tpu.memory_space<semaphore_mem>>) src(%dma_wait3A_32 : memref<250x80xi32, #tpu.memory_space<hbm>>) dst(%arg6 : memref<250x80xi32, #tpu.memory_space<vmem>>)
      tpu.yield
    }) : () -> ()
    "tpu.region"() ({
      %run_scoped3A = tpu.sem_alloc : memref<!tpu.dma_semaphore, #tpu.memory_space<semaphore_mem>>
      %dma_start3A_18 = arith.constant 0 : i32
      %dma_start3A_19 = arith.constant 0 : i32
      %dma_start3A_20 = tpu.memref_slice %arg4[%arg1, %dma_start3A_18, %dma_start3A_19] : memref<16x250x80xi32, #tpu.memory_space<hbm>> -> memref<1x250x80xi32, #tpu.memory_space<hbm>>
      %dma_start3A_21 = tpu.memref_squeeze %dma_start3A_20 : memref<1x250x80xi32, #tpu.memory_space<hbm>> -> memref<250x80xi32, #tpu.memory_space<hbm>>
      %dma_start3A_22 = arith.constant 0 : i32
      %dma_start3A_23 = arith.constant 0 : i32
      %dma_start3A_24 = tpu.memref_slice %arg4[%arg1, %dma_start3A_22, %dma_start3A_23] : memref<16x250x80xi32, #tpu.memory_space<hbm>> -> memref<1x250x80xi32, #tpu.memory_space<hbm>>
      %dma_start3A_25 = tpu.memref_squeeze %dma_start3A_24 : memref<1x250x80xi32, #tpu.memory_space<hbm>> -> memref<250x80xi32, #tpu.memory_space<hbm>>
      tpu.enqueue_dma source(%dma_start3A_25 : memref<250x80xi32, #tpu.memory_space<hbm>>) target(%arg7 : memref<250x80xi32, #tpu.memory_space<vmem>>) target_semaphore(%run_scoped3A : memref<!tpu.dma_semaphore, #tpu.memory_space<semaphore_mem>>)
      %dma_wait3A = arith.constant 0 : i32
      %dma_wait3A_26 = arith.constant 0 : i32
      %dma_wait3A_27 = tpu.memref_slice %arg4[%arg1, %dma_wait3A, %dma_wait3A_26] : memref<16x250x80xi32, #tpu.memory_space<hbm>> -> memref<1x250x80xi32, #tpu.memory_space<hbm>>
      %dma_wait3A_28 = tpu.memref_squeeze %dma_wait3A_27 : memref<1x250x80xi32, #tpu.memory_space<hbm>> -> memref<250x80xi32, #tpu.memory_space<hbm>>
      %dma_wait3A_29 = arith.constant 0 : i32
      %dma_wait3A_30 = arith.constant 0 : i32
      %dma_wait3A_31 = tpu.memref_slice %arg4[%arg1, %dma_wait3A_29, %dma_wait3A_30] : memref<16x250x80xi32, #tpu.memory_space<hbm>> -> memref<1x250x80xi32, #tpu.memory_space<hbm>>
      %dma_wait3A_32 = tpu.memref_squeeze %dma_wait3A_31 : memref<1x250x80xi32, #tpu.memory_space<hbm>> -> memref<250x80xi32, #tpu.memory_space<hbm>>
      tpu.wait_dma2 semaphore(%run_scoped3A : memref<!tpu.dma_semaphore, #tpu.memory_space<semaphore_mem>>) src(%dma_wait3A_32 : memref<250x80xi32, #tpu.memory_space<hbm>>) dst(%arg7 : memref<250x80xi32, #tpu.memory_space<vmem>>)
      tpu.yield
    }) : () -> ()
    %add3A = arith.constant 10240 : i32
    %add3A_1 = arith.addi %add3A, %mul3A_0 : i32
    "tpu.region"() ({
      %run_scoped3A = tpu.sem_alloc : memref<!tpu.dma_semaphore, #tpu.memory_space<semaphore_mem>>
      %dma_start3A_18 = arith.constant 0 : i32
      %dma_start3A_19 = tpu.memref_slice %arg10[%mul3A_0, %dma_start3A_18] : memref<10240x64xf32, #tpu.memory_space<vmem_shared>> -> memref<640x64xf32, #tpu.memory_space<vmem_shared>>
      %dma_start3A_20 = arith.constant 0 : i32
      %dma_start3A_21 = tpu.memref_slice %arg2[%arg0, %add3A_1, %dma_start3A_20] : memref<2x20480x64xf32, #tpu.memory_space<hbm>> -> memref<1x640x64xf32, #tpu.memory_space<hbm>>
      %dma_start3A_22 = tpu.memref_squeeze %dma_start3A_21 : memref<1x640x64xf32, #tpu.memory_space<hbm>> -> memref<640x64xf32, #tpu.memory_space<hbm>>
      tpu.enqueue_dma source(%dma_start3A_22 : memref<640x64xf32, #tpu.memory_space<hbm>>) target(%dma_start3A_19 : memref<640x64xf32, #tpu.memory_space<vmem_shared>>) target_semaphore(%run_scoped3A : memref<!tpu.dma_semaphore, #tpu.memory_space<semaphore_mem>>)
      %dma_wait3A = arith.constant 0 : i32
      %dma_wait3A_23 = tpu.memref_slice %arg10[%mul3A_0, %dma_wait3A] : memref<10240x64xf32, #tpu.memory_space<vmem_shared>> -> memref<640x64xf32, #tpu.memory_space<vmem_shared>>
      %dma_wait3A_24 = arith.constant 0 : i32
      %dma_wait3A_25 = tpu.memref_slice %arg2[%arg0, %add3A_1, %dma_wait3A_24] : memref<2x20480x64xf32, #tpu.memory_space<hbm>> -> memref<1x640x64xf32, #tpu.memory_space<hbm>>
      %dma_wait3A_26 = tpu.memref_squeeze %dma_wait3A_25 : memref<1x640x64xf32, #tpu.memory_space<hbm>> -> memref<640x64xf32, #tpu.memory_space<hbm>>
      tpu.wait_dma2 semaphore(%run_scoped3A : memref<!tpu.dma_semaphore, #tpu.memory_space<semaphore_mem>>) src(%dma_wait3A_26 : memref<640x64xf32, #tpu.memory_space<hbm>>) dst(%dma_wait3A_23 : memref<640x64xf32, #tpu.memory_space<vmem_shared>>)
      tpu.yield
    }) : () -> ()
    %barrier3A = arith.constant 0 : index
    tpu.barrier barrier_id(%barrier3A)
    %dma_start3A = arith.constant 0 : i32
    %dma_start3A_2 = arith.constant 0 : i32
    %dma_start3A_3 = tpu.memref_slice %arg6[%dma_start3A, %dma_start3A_2] : memref<250x80xi32, #tpu.memory_space<vmem>> -> memref<1x80xi32, #tpu.memory_space<vmem>>
    %dma_start3A_4 = tpu.memref_squeeze %dma_start3A_3 : memref<1x80xi32, #tpu.memory_space<vmem>> -> memref<80xi32, #tpu.memory_space<vmem>>
    %dma_start3A_5 = arith.constant 0 : i32
    %dma_start3A_6 = arith.constant 0 : i32
    %dma_start3A_7 = tpu.memref_slice %arg2[%arg0, %dma_start3A_5, %dma_start3A_6] : memref<2x20480x64xf32, #tpu.memory_space<hbm>> -> memref<1x20480x64xf32, #tpu.memory_space<hbm>>
    %dma_start3A_8 = tpu.memref_squeeze %dma_start3A_7 : memref<1x20480x64xf32, #tpu.memory_space<hbm>> -> memref<20480x64xf32, #tpu.memory_space<hbm>>
    %dma_start3A_9 = arith.constant 0 : i32
    %dma_start3A_10 = arith.constant 0 : i32
    %dma_start3A_11 = tpu.memref_slice %dma_start3A_8[%dma_start3A_9, %dma_start3A_10] : memref<20480x64xf32, #tpu.memory_space<hbm>> -> memref<20480x64xf32, #tpu.memory_space<hbm>>
    tpu.enqueue_indirect_dma source(%dma_start3A_11 : memref<20480x64xf32, #tpu.memory_space<hbm>>) target(%arg8 : memref<80x64xf32, #tpu.memory_space<vmem>>) offsets(%dma_start3A_4 : memref<80xi32, #tpu.memory_space<vmem>>) semaphore(%arg11 : memref<!tpu.dma_semaphore, #tpu.memory_space<semaphore_mem>>)
    %scan3A = arith.constant 0 : i32
    %scan3A_12 = arith.constant 0 : i32
    %scan3A_13 = arith.constant 125 : i32
    %scan3A_14 = arith.addi %scan3A_12, %scan3A_13 : i32
    %scan3A_15 = arith.constant 1 : i32
    scf.for %scan3A_18 = %scan3A_12 to %scan3A_14 step %scan3A_15  : i32 {
      %mul3A_19 = arith.constant 2 : i32
      %mul3A_20 = arith.muli %mul3A_19, %scan3A_18 : i32
      %add3A_21 = arith.constant 1 : i32
      %add3A_22 = arith.addi %mul3A_20, %add3A_21 : i32
      %dma_start3A_23 = arith.constant 0 : i32
      %dma_start3A_24 = tpu.memref_slice %arg6[%add3A_22, %dma_start3A_23] : memref<250x80xi32, #tpu.memory_space<vmem>> -> memref<1x80xi32, #tpu.memory_space<vmem>>
      %dma_start3A_25 = tpu.memref_squeeze %dma_start3A_24 : memref<1x80xi32, #tpu.memory_space<vmem>> -> memref<80xi32, #tpu.memory_space<vmem>>
      %dma_start3A_26 = arith.constant 0 : i32
      %dma_start3A_27 = arith.constant 0 : i32
      %dma_start3A_28 = tpu.memref_slice %arg2[%arg0, %dma_start3A_26, %dma_start3A_27] : memref<2x20480x64xf32, #tpu.memory_space<hbm>> -> memref<1x20480x64xf32, #tpu.memory_space<hbm>>
      %dma_start3A_29 = tpu.memref_squeeze %dma_start3A_28 : memref<1x20480x64xf32, #tpu.memory_space<hbm>> -> memref<20480x64xf32, #tpu.memory_space<hbm>>
      %dma_start3A_30 = arith.constant 0 : i32
      %dma_start3A_31 = arith.constant 0 : i32
      %dma_start3A_32 = tpu.memref_slice %dma_start3A_29[%dma_start3A_30, %dma_start3A_31] : memref<20480x64xf32, #tpu.memory_space<hbm>> -> memref<20480x64xf32, #tpu.memory_space<hbm>>
      tpu.enqueue_indirect_dma source(%dma_start3A_32 : memref<20480x64xf32, #tpu.memory_space<hbm>>) target(%arg9 : memref<80x64xf32, #tpu.memory_space<vmem>>) offsets(%dma_start3A_25 : memref<80xi32, #tpu.memory_space<vmem>>) semaphore(%arg12 : memref<!tpu.dma_semaphore, #tpu.memory_space<semaphore_mem>>)
      %dma_wait3A = arith.constant 0 : i32
      %dma_wait3A_33 = tpu.memref_slice %arg6[%mul3A_20, %dma_wait3A] : memref<250x80xi32, #tpu.memory_space<vmem>> -> memref<1x80xi32, #tpu.memory_space<vmem>>
      %dma_wait3A_34 = tpu.memref_squeeze %dma_wait3A_33 : memref<1x80xi32, #tpu.memory_space<vmem>> -> memref<80xi32, #tpu.memory_space<vmem>>
      %dma_wait3A_35 = arith.constant 0 : i32
      %dma_wait3A_36 = arith.constant 0 : i32
      %dma_wait3A_37 = tpu.memref_slice %arg2[%arg0, %dma_wait3A_35, %dma_wait3A_36] : memref<2x20480x64xf32, #tpu.memory_space<hbm>> -> memref<1x20480x64xf32, #tpu.memory_space<hbm>>
      %dma_wait3A_38 = tpu.memref_squeeze %dma_wait3A_37 : memref<1x20480x64xf32, #tpu.memory_space<hbm>> -> memref<20480x64xf32, #tpu.memory_space<hbm>>
      %dma_wait3A_39 = arith.constant 0 : i32
      %dma_wait3A_40 = arith.constant 0 : i32
      %dma_wait3A_41 = tpu.memref_slice %dma_wait3A_38[%dma_wait3A_39, %dma_wait3A_40] : memref<20480x64xf32, #tpu.memory_space<hbm>> -> memref<20480x64xf32, #tpu.memory_space<hbm>>
      tpu.wait_indirect_dma semaphore(%arg11 : memref<!tpu.dma_semaphore, #tpu.memory_space<semaphore_mem>>) src(%dma_wait3A_41 : memref<20480x64xf32, #tpu.memory_space<hbm>>) dst(%arg8 : memref<80x64xf32, #tpu.memory_space<vmem>>)
      "tpu.region"() ({
        %run_scoped3A = tpu.sem_alloc : memref<!tpu.dma_semaphore, #tpu.memory_space<semaphore_mem>>
        %dma_start3A_58 = arith.constant 0 : i32
        %dma_start3A_59 = tpu.memref_slice %arg7[%mul3A_20, %dma_start3A_58] : memref<250x80xi32, #tpu.memory_space<vmem>> -> memref<1x80xi32, #tpu.memory_space<vmem>>
        %dma_start3A_60 = tpu.memref_squeeze %dma_start3A_59 : memref<1x80xi32, #tpu.memory_space<vmem>> -> memref<80xi32, #tpu.memory_space<vmem>>
        %dma_start3A_61 = arith.constant 0 : i32
        %dma_start3A_62 = arith.constant 0 : i32
        %dma_start3A_63 = tpu.memref_slice %arg10[%dma_start3A_61, %dma_start3A_62] : memref<10240x64xf32, #tpu.memory_space<vmem_shared>> -> memref<10240x64xf32, #tpu.memory_space<vmem_shared>>
        tpu.enqueue_indirect_dma source(%arg8 : memref<80x64xf32, #tpu.memory_space<vmem>>) target(%dma_start3A_63 : memref<10240x64xf32, #tpu.memory_space<vmem_shared>>) offsets(%dma_start3A_60 : memref<80xi32, #tpu.memory_space<vmem>>) semaphore(%run_scoped3A : memref<!tpu.dma_semaphore, #tpu.memory_space<semaphore_mem>>) {add = true}
        %dma_wait3A_64 = arith.constant 0 : i32
        %dma_wait3A_65 = tpu.memref_slice %arg7[%mul3A_20, %dma_wait3A_64] : memref<250x80xi32, #tpu.memory_space<vmem>> -> memref<1x80xi32, #tpu.memory_space<vmem>>
        %dma_wait3A_66 = tpu.memref_squeeze %dma_wait3A_65 : memref<1x80xi32, #tpu.memory_space<vmem>> -> memref<80xi32, #tpu.memory_space<vmem>>
        %dma_wait3A_67 = arith.constant 0 : i32
        %dma_wait3A_68 = arith.constant 0 : i32
        %dma_wait3A_69 = tpu.memref_slice %arg10[%dma_wait3A_67, %dma_wait3A_68] : memref<10240x64xf32, #tpu.memory_space<vmem_shared>> -> memref<10240x64xf32, #tpu.memory_space<vmem_shared>>
        tpu.wait_indirect_dma semaphore(%run_scoped3A : memref<!tpu.dma_semaphore, #tpu.memory_space<semaphore_mem>>) src(%arg8 : memref<80x64xf32, #tpu.memory_space<vmem>>) dst(%dma_wait3A_69 : memref<10240x64xf32, #tpu.memory_space<vmem_shared>>)
        tpu.yield
      }) : () -> ()
      %add3A_42 = arith.constant 2 : i32
      %add3A_43 = arith.addi %mul3A_20, %add3A_42 : i32
      %lt3A = arith.constant 250 : i32
      %lt3A_44 = arith.cmpi slt, %add3A_43, %lt3A : i32
      %convert_element_type3A = arith.extui %lt3A_44 : i1 to i32
      %cond3A = arith.constant 0 : i32
      %cond3A_45 = arith.cmpi ne, %convert_element_type3A, %cond3A : i32
      scf.if %cond3A_45 {
        %add3A_58 = arith.constant 2 : i32
        %add3A_59 = arith.addi %mul3A_20, %add3A_58 : i32
        %dma_start3A_60 = arith.constant 0 : i32
        %dma_start3A_61 = tpu.memref_slice %arg6[%add3A_59, %dma_start3A_60] : memref<250x80xi32, #tpu.memory_space<vmem>> -> memref<1x80xi32, #tpu.memory_space<vmem>>
        %dma_start3A_62 = tpu.memref_squeeze %dma_start3A_61 : memref<1x80xi32, #tpu.memory_space<vmem>> -> memref<80xi32, #tpu.memory_space<vmem>>
        %dma_start3A_63 = arith.constant 0 : i32
        %dma_start3A_64 = arith.constant 0 : i32
        %dma_start3A_65 = tpu.memref_slice %arg2[%arg0, %dma_start3A_63, %dma_start3A_64] : memref<2x20480x64xf32, #tpu.memory_space<hbm>> -> memref<1x20480x64xf32, #tpu.memory_space<hbm>>
        %dma_start3A_66 = tpu.memref_squeeze %dma_start3A_65 : memref<1x20480x64xf32, #tpu.memory_space<hbm>> -> memref<20480x64xf32, #tpu.memory_space<hbm>>
        %dma_start3A_67 = arith.constant 0 : i32
        %dma_start3A_68 = arith.constant 0 : i32
        %dma_start3A_69 = tpu.memref_slice %dma_start3A_66[%dma_start3A_67, %dma_start3A_68] : memref<20480x64xf32, #tpu.memory_space<hbm>> -> memref<20480x64xf32, #tpu.memory_space<hbm>>
        tpu.enqueue_indirect_dma source(%dma_start3A_69 : memref<20480x64xf32, #tpu.memory_space<hbm>>) target(%arg8 : memref<80x64xf32, #tpu.memory_space<vmem>>) offsets(%dma_start3A_62 : memref<80xi32, #tpu.memory_space<vmem>>) semaphore(%arg11 : memref<!tpu.dma_semaphore, #tpu.memory_space<semaphore_mem>>)
      } else {
      }
      %add3A_46 = arith.constant 1 : i32
      %add3A_47 = arith.addi %mul3A_20, %add3A_46 : i32
      %dma_wait3A_48 = arith.constant 0 : i32
      %dma_wait3A_49 = tpu.memref_slice %arg6[%add3A_47, %dma_wait3A_48] : memref<250x80xi32, #tpu.memory_space<vmem>> -> memref<1x80xi32, #tpu.memory_space<vmem>>
      %dma_wait3A_50 = tpu.memref_squeeze %dma_wait3A_49 : memref<1x80xi32, #tpu.memory_space<vmem>> -> memref<80xi32, #tpu.memory_space<vmem>>
      %dma_wait3A_51 = arith.constant 0 : i32
      %dma_wait3A_52 = arith.constant 0 : i32
      %dma_wait3A_53 = tpu.memref_slice %arg2[%arg0, %dma_wait3A_51, %dma_wait3A_52] : memref<2x20480x64xf32, #tpu.memory_space<hbm>> -> memref<1x20480x64xf32, #tpu.memory_space<hbm>>
      %dma_wait3A_54 = tpu.memref_squeeze %dma_wait3A_53 : memref<1x20480x64xf32, #tpu.memory_space<hbm>> -> memref<20480x64xf32, #tpu.memory_space<hbm>>
      %dma_wait3A_55 = arith.constant 0 : i32
      %dma_wait3A_56 = arith.constant 0 : i32
      %dma_wait3A_57 = tpu.memref_slice %dma_wait3A_54[%dma_wait3A_55, %dma_wait3A_56] : memref<20480x64xf32, #tpu.memory_space<hbm>> -> memref<20480x64xf32, #tpu.memory_space<hbm>>
      tpu.wait_indirect_dma semaphore(%arg12 : memref<!tpu.dma_semaphore, #tpu.memory_space<semaphore_mem>>) src(%dma_wait3A_57 : memref<20480x64xf32, #tpu.memory_space<hbm>>) dst(%arg9 : memref<80x64xf32, #tpu.memory_space<vmem>>)
      "tpu.region"() ({
        %run_scoped3A = tpu.sem_alloc : memref<!tpu.dma_semaphore, #tpu.memory_space<semaphore_mem>>
        %dma_start3A_58 = arith.constant 0 : i32
        %dma_start3A_59 = tpu.memref_slice %arg7[%add3A_47, %dma_start3A_58] : memref<250x80xi32, #tpu.memory_space<vmem>> -> memref<1x80xi32, #tpu.memory_space<vmem>>
        %dma_start3A_60 = tpu.memref_squeeze %dma_start3A_59 : memref<1x80xi32, #tpu.memory_space<vmem>> -> memref<80xi32, #tpu.memory_space<vmem>>
        %dma_start3A_61 = arith.constant 0 : i32
        %dma_start3A_62 = arith.constant 0 : i32
        %dma_start3A_63 = tpu.memref_slice %arg10[%dma_start3A_61, %dma_start3A_62] : memref<10240x64xf32, #tpu.memory_space<vmem_shared>> -> memref<10240x64xf32, #tpu.memory_space<vmem_shared>>
        tpu.enqueue_indirect_dma source(%arg9 : memref<80x64xf32, #tpu.memory_space<vmem>>) target(%dma_start3A_63 : memref<10240x64xf32, #tpu.memory_space<vmem_shared>>) offsets(%dma_start3A_60 : memref<80xi32, #tpu.memory_space<vmem>>) semaphore(%run_scoped3A : memref<!tpu.dma_semaphore, #tpu.memory_space<semaphore_mem>>) {add = true}
        %dma_wait3A_64 = arith.constant 0 : i32
        %dma_wait3A_65 = tpu.memref_slice %arg7[%add3A_47, %dma_wait3A_64] : memref<250x80xi32, #tpu.memory_space<vmem>> -> memref<1x80xi32, #tpu.memory_space<vmem>>
        %dma_wait3A_66 = tpu.memref_squeeze %dma_wait3A_65 : memref<1x80xi32, #tpu.memory_space<vmem>> -> memref<80xi32, #tpu.memory_space<vmem>>
        %dma_wait3A_67 = arith.constant 0 : i32
        %dma_wait3A_68 = arith.constant 0 : i32
        %dma_wait3A_69 = tpu.memref_slice %arg10[%dma_wait3A_67, %dma_wait3A_68] : memref<10240x64xf32, #tpu.memory_space<vmem_shared>> -> memref<10240x64xf32, #tpu.memory_space<vmem_shared>>
        tpu.wait_indirect_dma semaphore(%run_scoped3A : memref<!tpu.dma_semaphore, #tpu.memory_space<semaphore_mem>>) src(%arg9 : memref<80x64xf32, #tpu.memory_space<vmem>>) dst(%dma_wait3A_69 : memref<10240x64xf32, #tpu.memory_space<vmem_shared>>)
        tpu.yield
      }) : () -> ()
    }
    %scan3A_16 = arith.constant 125 : i32
    %barrier3A_17 = arith.constant 0 : index
    tpu.barrier barrier_id(%barrier3A_17)
    "tpu.region"() ({
      %run_scoped3A = tpu.sem_alloc : memref<!tpu.dma_semaphore, #tpu.memory_space<semaphore_mem>>
      %dma_start3A_18 = arith.constant 0 : i32
      %dma_start3A_19 = tpu.memref_slice %arg5[%arg0, %mul3A_0, %dma_start3A_18] : memref<2x10240x64xf32, #tpu.memory_space<hbm>> -> memref<1x640x64xf32, #tpu.memory_space<hbm>>
      %dma_start3A_20 = tpu.memref_squeeze %dma_start3A_19 : memref<1x640x64xf32, #tpu.memory_space<hbm>> -> memref<640x64xf32, #tpu.memory_space<hbm>>
      %dma_start3A_21 = arith.constant 0 : i32
      %dma_start3A_22 = tpu.memref_slice %arg10[%mul3A_0, %dma_start3A_21] : memref<10240x64xf32, #tpu.memory_space<vmem_shared>> -> memref<640x64xf32, #tpu.memory_space<vmem_shared>>
      tpu.enqueue_dma source(%dma_start3A_22 : memref<640x64xf32, #tpu.memory_space<vmem_shared>>) target(%dma_start3A_20 : memref<640x64xf32, #tpu.memory_space<hbm>>) target_semaphore(%run_scoped3A : memref<!tpu.dma_semaphore, #tpu.memory_space<semaphore_mem>>)
      %dma_wait3A = arith.constant 0 : i32
      %dma_wait3A_23 = tpu.memref_slice %arg5[%arg0, %mul3A_0, %dma_wait3A] : memref<2x10240x64xf32, #tpu.memory_space<hbm>> -> memref<1x640x64xf32, #tpu.memory_space<hbm>>
      %dma_wait3A_24 = tpu.memref_squeeze %dma_wait3A_23 : memref<1x640x64xf32, #tpu.memory_space<hbm>> -> memref<640x64xf32, #tpu.memory_space<hbm>>
      %dma_wait3A_25 = arith.constant 0 : i32
      %dma_wait3A_26 = tpu.memref_slice %arg10[%mul3A_0, %dma_wait3A_25] : memref<10240x64xf32, #tpu.memory_space<vmem_shared>> -> memref<640x64xf32, #tpu.memory_space<vmem_shared>>
      tpu.wait_dma2 semaphore(%run_scoped3A : memref<!tpu.dma_semaphore, #tpu.memory_space<semaphore_mem>>) src(%dma_wait3A_26 : memref<640x64xf32, #tpu.memory_space<vmem_shared>>) dst(%dma_wait3A_24 : memref<640x64xf32, #tpu.memory_space<hbm>>)
      tpu.yield
    }) : () -> ()
    return
  }
}

#map = affine_map<(d0, d1) -> (0, 0, 0)>
#map1 = affine_map<(d0, d1) -> (0, 0)>
module attributes {stable_mosaic.version = 14 : i64} {
  func.func @_sc_agg_body(%arg0: i32, %arg1: i32, %arg2: memref<2x20480x64xf32, #tpu.memory_space<hbm>>, %arg3: memref<16x250x80xi32, #tpu.memory_space<hbm>>, %arg4: memref<16x250x80xi32, #tpu.memory_space<hbm>>, %arg5: memref<2x10240x64xf32, #tpu.memory_space<hbm>>, %arg6: memref<10240x16xf32, #tpu.memory_space<hbm>>, %arg7: memref<250x80xi32, #tpu.memory_space<vmem>>, %arg8: memref<250x80xi32, #tpu.memory_space<vmem>>, %arg9: memref<80x64xf32, #tpu.memory_space<vmem>>, %arg10: memref<80x64xf32, #tpu.memory_space<vmem>>, %arg11: memref<80x16xf32, #tpu.memory_space<vmem>>, %arg12: memref<128x16xf32, #tpu.memory_space<vmem>>, %arg13: memref<10240x64xf32, #tpu.memory_space<vmem_shared>>, %arg14: memref<10240x16xf32, #tpu.memory_space<vmem_shared>>, %arg15: memref<!tpu.dma_semaphore, #tpu.memory_space<semaphore_mem>>, %arg16: memref<!tpu.dma_semaphore, #tpu.memory_space<semaphore_mem>>, %arg17: memref<!tpu.dma_semaphore, #tpu.memory_space<semaphore_mem>>) attributes {dimension_semantics = [#tpu.dimension_semantics<core_parallel>, #tpu.dimension_semantics<subcore_parallel>], iteration_bounds = array<i64: 2, 16>, scalar_prefetch = 0 : i64, scratch_operands = 11 : i64, tpu.core_type = #tpu.core_type<sc_vector_subcore>, window_params = [{transform_indices = #map}, {transform_indices = #map}, {transform_indices = #map}, {transform_indices = #map}, {transform_indices = #map1}]} {
    %mul3A = arith.constant 640 : i32
    %mul3A_0 = arith.muli %arg1, %mul3A : i32
    "tpu.region"() ({
      %run_scoped3A = tpu.sem_alloc : memref<!tpu.dma_semaphore, #tpu.memory_space<semaphore_mem>>
      %dma_start3A_668 = arith.constant 0 : i32
      %dma_start3A_669 = arith.constant 0 : i32
      %dma_start3A_670 = tpu.memref_slice %arg3[%arg1, %dma_start3A_668, %dma_start3A_669] : memref<16x250x80xi32, #tpu.memory_space<hbm>> -> memref<1x250x80xi32, #tpu.memory_space<hbm>>
      %dma_start3A_671 = tpu.memref_squeeze %dma_start3A_670 : memref<1x250x80xi32, #tpu.memory_space<hbm>> -> memref<250x80xi32, #tpu.memory_space<hbm>>
      %dma_start3A_672 = arith.constant 0 : i32
      %dma_start3A_673 = arith.constant 0 : i32
      %dma_start3A_674 = tpu.memref_slice %arg3[%arg1, %dma_start3A_672, %dma_start3A_673] : memref<16x250x80xi32, #tpu.memory_space<hbm>> -> memref<1x250x80xi32, #tpu.memory_space<hbm>>
      %dma_start3A_675 = tpu.memref_squeeze %dma_start3A_674 : memref<1x250x80xi32, #tpu.memory_space<hbm>> -> memref<250x80xi32, #tpu.memory_space<hbm>>
      tpu.enqueue_dma source(%dma_start3A_675 : memref<250x80xi32, #tpu.memory_space<hbm>>) target(%arg7 : memref<250x80xi32, #tpu.memory_space<vmem>>) target_semaphore(%run_scoped3A : memref<!tpu.dma_semaphore, #tpu.memory_space<semaphore_mem>>)
      %dma_wait3A = arith.constant 0 : i32
      %dma_wait3A_676 = arith.constant 0 : i32
      %dma_wait3A_677 = tpu.memref_slice %arg3[%arg1, %dma_wait3A, %dma_wait3A_676] : memref<16x250x80xi32, #tpu.memory_space<hbm>> -> memref<1x250x80xi32, #tpu.memory_space<hbm>>
      %dma_wait3A_678 = tpu.memref_squeeze %dma_wait3A_677 : memref<1x250x80xi32, #tpu.memory_space<hbm>> -> memref<250x80xi32, #tpu.memory_space<hbm>>
      %dma_wait3A_679 = arith.constant 0 : i32
      %dma_wait3A_680 = arith.constant 0 : i32
      %dma_wait3A_681 = tpu.memref_slice %arg3[%arg1, %dma_wait3A_679, %dma_wait3A_680] : memref<16x250x80xi32, #tpu.memory_space<hbm>> -> memref<1x250x80xi32, #tpu.memory_space<hbm>>
      %dma_wait3A_682 = tpu.memref_squeeze %dma_wait3A_681 : memref<1x250x80xi32, #tpu.memory_space<hbm>> -> memref<250x80xi32, #tpu.memory_space<hbm>>
      tpu.wait_dma2 semaphore(%run_scoped3A : memref<!tpu.dma_semaphore, #tpu.memory_space<semaphore_mem>>) src(%dma_wait3A_682 : memref<250x80xi32, #tpu.memory_space<hbm>>) dst(%arg7 : memref<250x80xi32, #tpu.memory_space<vmem>>)
      tpu.yield
    }) : () -> ()
    "tpu.region"() ({
      %run_scoped3A = tpu.sem_alloc : memref<!tpu.dma_semaphore, #tpu.memory_space<semaphore_mem>>
      %dma_start3A_668 = arith.constant 0 : i32
      %dma_start3A_669 = arith.constant 0 : i32
      %dma_start3A_670 = tpu.memref_slice %arg4[%arg1, %dma_start3A_668, %dma_start3A_669] : memref<16x250x80xi32, #tpu.memory_space<hbm>> -> memref<1x250x80xi32, #tpu.memory_space<hbm>>
      %dma_start3A_671 = tpu.memref_squeeze %dma_start3A_670 : memref<1x250x80xi32, #tpu.memory_space<hbm>> -> memref<250x80xi32, #tpu.memory_space<hbm>>
      %dma_start3A_672 = arith.constant 0 : i32
      %dma_start3A_673 = arith.constant 0 : i32
      %dma_start3A_674 = tpu.memref_slice %arg4[%arg1, %dma_start3A_672, %dma_start3A_673] : memref<16x250x80xi32, #tpu.memory_space<hbm>> -> memref<1x250x80xi32, #tpu.memory_space<hbm>>
      %dma_start3A_675 = tpu.memref_squeeze %dma_start3A_674 : memref<1x250x80xi32, #tpu.memory_space<hbm>> -> memref<250x80xi32, #tpu.memory_space<hbm>>
      tpu.enqueue_dma source(%dma_start3A_675 : memref<250x80xi32, #tpu.memory_space<hbm>>) target(%arg8 : memref<250x80xi32, #tpu.memory_space<vmem>>) target_semaphore(%run_scoped3A : memref<!tpu.dma_semaphore, #tpu.memory_space<semaphore_mem>>)
      %dma_wait3A = arith.constant 0 : i32
      %dma_wait3A_676 = arith.constant 0 : i32
      %dma_wait3A_677 = tpu.memref_slice %arg4[%arg1, %dma_wait3A, %dma_wait3A_676] : memref<16x250x80xi32, #tpu.memory_space<hbm>> -> memref<1x250x80xi32, #tpu.memory_space<hbm>>
      %dma_wait3A_678 = tpu.memref_squeeze %dma_wait3A_677 : memref<1x250x80xi32, #tpu.memory_space<hbm>> -> memref<250x80xi32, #tpu.memory_space<hbm>>
      %dma_wait3A_679 = arith.constant 0 : i32
      %dma_wait3A_680 = arith.constant 0 : i32
      %dma_wait3A_681 = tpu.memref_slice %arg4[%arg1, %dma_wait3A_679, %dma_wait3A_680] : memref<16x250x80xi32, #tpu.memory_space<hbm>> -> memref<1x250x80xi32, #tpu.memory_space<hbm>>
      %dma_wait3A_682 = tpu.memref_squeeze %dma_wait3A_681 : memref<1x250x80xi32, #tpu.memory_space<hbm>> -> memref<250x80xi32, #tpu.memory_space<hbm>>
      tpu.wait_dma2 semaphore(%run_scoped3A : memref<!tpu.dma_semaphore, #tpu.memory_space<semaphore_mem>>) src(%dma_wait3A_682 : memref<250x80xi32, #tpu.memory_space<hbm>>) dst(%arg8 : memref<250x80xi32, #tpu.memory_space<vmem>>)
      tpu.yield
    }) : () -> ()
    %add3A = arith.constant 0 : i32
    %add3A_1 = arith.addi %add3A, %mul3A_0 : i32
    "tpu.region"() ({
      %run_scoped3A = tpu.sem_alloc : memref<!tpu.dma_semaphore, #tpu.memory_space<semaphore_mem>>
      %dma_start3A_668 = arith.constant 0 : i32
      %dma_start3A_669 = tpu.memref_slice %arg13[%mul3A_0, %dma_start3A_668] : memref<10240x64xf32, #tpu.memory_space<vmem_shared>> -> memref<640x64xf32, #tpu.memory_space<vmem_shared>>
      %dma_start3A_670 = arith.constant 0 : i32
      %dma_start3A_671 = tpu.memref_slice %arg2[%arg0, %add3A_1, %dma_start3A_670] : memref<2x20480x64xf32, #tpu.memory_space<hbm>> -> memref<1x640x64xf32, #tpu.memory_space<hbm>>
      %dma_start3A_672 = tpu.memref_squeeze %dma_start3A_671 : memref<1x640x64xf32, #tpu.memory_space<hbm>> -> memref<640x64xf32, #tpu.memory_space<hbm>>
      tpu.enqueue_dma source(%dma_start3A_672 : memref<640x64xf32, #tpu.memory_space<hbm>>) target(%dma_start3A_669 : memref<640x64xf32, #tpu.memory_space<vmem_shared>>) target_semaphore(%run_scoped3A : memref<!tpu.dma_semaphore, #tpu.memory_space<semaphore_mem>>)
      %dma_wait3A = arith.constant 0 : i32
      %dma_wait3A_673 = tpu.memref_slice %arg13[%mul3A_0, %dma_wait3A] : memref<10240x64xf32, #tpu.memory_space<vmem_shared>> -> memref<640x64xf32, #tpu.memory_space<vmem_shared>>
      %dma_wait3A_674 = arith.constant 0 : i32
      %dma_wait3A_675 = tpu.memref_slice %arg2[%arg0, %add3A_1, %dma_wait3A_674] : memref<2x20480x64xf32, #tpu.memory_space<hbm>> -> memref<1x640x64xf32, #tpu.memory_space<hbm>>
      %dma_wait3A_676 = tpu.memref_squeeze %dma_wait3A_675 : memref<1x640x64xf32, #tpu.memory_space<hbm>> -> memref<640x64xf32, #tpu.memory_space<hbm>>
      tpu.wait_dma2 semaphore(%run_scoped3A : memref<!tpu.dma_semaphore, #tpu.memory_space<semaphore_mem>>) src(%dma_wait3A_676 : memref<640x64xf32, #tpu.memory_space<hbm>>) dst(%dma_wait3A_673 : memref<640x64xf32, #tpu.memory_space<vmem_shared>>)
      tpu.yield
    }) : () -> ()
    %broadcast_in_dim3A = arith.constant 1.000000e+00 : f32
    %broadcast_in_dim3A_2 = vector.broadcast %broadcast_in_dim3A : f32 to vector<16xf32>
    %swap3A = arith.constant 0 : i32
    %swap3A_3 = arith.index_cast %swap3A : i32 to index
    %swap3A_4 = arith.constant 0 : index
    %swap3A_5 = tpu.vector_load %arg11[%swap3A_3, %swap3A_4] {strides = array<i32>} : memref<80x16xf32, #tpu.memory_space<vmem>>, vector<1x16xf32>,
    %swap3A_6 = vector.shape_cast %swap3A_5 : vector<1x16xf32> to vector<16xf32>
    %swap3A_7 = vector.shape_cast %broadcast_in_dim3A_2 : vector<16xf32> to vector<1x16xf32>
    tpu.vector_store %arg11[%swap3A_3, %swap3A_4], %swap3A_7 {strides = array<i32>} : memref<80x16xf32, #tpu.memory_space<vmem>>, vector<1x16xf32>,
    %broadcast_in_dim3A_8 = arith.constant 1.000000e+00 : f32
    %broadcast_in_dim3A_9 = vector.broadcast %broadcast_in_dim3A_8 : f32 to vector<16xf32>
    %swap3A_10 = arith.constant 1 : i32
    %swap3A_11 = arith.index_cast %swap3A_10 : i32 to index
    %swap3A_12 = arith.constant 0 : index
    %swap3A_13 = tpu.vector_load %arg11[%swap3A_11, %swap3A_12] {strides = array<i32>} : memref<80x16xf32, #tpu.memory_space<vmem>>, vector<1x16xf32>,
    %swap3A_14 = vector.shape_cast %swap3A_13 : vector<1x16xf32> to vector<16xf32>
    %swap3A_15 = vector.shape_cast %broadcast_in_dim3A_9 : vector<16xf32> to vector<1x16xf32>
    tpu.vector_store %arg11[%swap3A_11, %swap3A_12], %swap3A_15 {strides = array<i32>} : memref<80x16xf32, #tpu.memory_space<vmem>>, vector<1x16xf32>,
    %broadcast_in_dim3A_16 = arith.constant 1.000000e+00 : f32
    %broadcast_in_dim3A_17 = vector.broadcast %broadcast_in_dim3A_16 : f32 to vector<16xf32>
    %swap3A_18 = arith.constant 2 : i32
    %swap3A_19 = arith.index_cast %swap3A_18 : i32 to index
    %swap3A_20 = arith.constant 0 : index
    %swap3A_21 = tpu.vector_load %arg11[%swap3A_19, %swap3A_20] {strides = array<i32>} : memref<80x16xf32, #tpu.memory_space<vmem>>, vector<1x16xf32>,
    %swap3A_22 = vector.shape_cast %swap3A_21 : vector<1x16xf32> to vector<16xf32>
    %swap3A_23 = vector.shape_cast %broadcast_in_dim3A_17 : vector<16xf32> to vector<1x16xf32>
    tpu.vector_store %arg11[%swap3A_19, %swap3A_20], %swap3A_23 {strides = array<i32>} : memref<80x16xf32, #tpu.memory_space<vmem>>, vector<1x16xf32>,
    %broadcast_in_dim3A_24 = arith.constant 1.000000e+00 : f32
    %broadcast_in_dim3A_25 = vector.broadcast %broadcast_in_dim3A_24 : f32 to vector<16xf32>
    %swap3A_26 = arith.constant 3 : i32
    %swap3A_27 = arith.index_cast %swap3A_26 : i32 to index
    %swap3A_28 = arith.constant 0 : index
    %swap3A_29 = tpu.vector_load %arg11[%swap3A_27, %swap3A_28] {strides = array<i32>} : memref<80x16xf32, #tpu.memory_space<vmem>>, vector<1x16xf32>,
    %swap3A_30 = vector.shape_cast %swap3A_29 : vector<1x16xf32> to vector<16xf32>
    %swap3A_31 = vector.shape_cast %broadcast_in_dim3A_25 : vector<16xf32> to vector<1x16xf32>
    tpu.vector_store %arg11[%swap3A_27, %swap3A_28], %swap3A_31 {strides = array<i32>} : memref<80x16xf32, #tpu.memory_space<vmem>>, vector<1x16xf32>,
    %broadcast_in_dim3A_32 = arith.constant 1.000000e+00 : f32
    %broadcast_in_dim3A_33 = vector.broadcast %broadcast_in_dim3A_32 : f32 to vector<16xf32>
    %swap3A_34 = arith.constant 4 : i32
    %swap3A_35 = arith.index_cast %swap3A_34 : i32 to index
    %swap3A_36 = arith.constant 0 : index
    %swap3A_37 = tpu.vector_load %arg11[%swap3A_35, %swap3A_36] {strides = array<i32>} : memref<80x16xf32, #tpu.memory_space<vmem>>, vector<1x16xf32>,
    %swap3A_38 = vector.shape_cast %swap3A_37 : vector<1x16xf32> to vector<16xf32>
    %swap3A_39 = vector.shape_cast %broadcast_in_dim3A_33 : vector<16xf32> to vector<1x16xf32>
    tpu.vector_store %arg11[%swap3A_35, %swap3A_36], %swap3A_39 {strides = array<i32>} : memref<80x16xf32, #tpu.memory_space<vmem>>, vector<1x16xf32>,
    %broadcast_in_dim3A_40 = arith.constant 1.000000e+00 : f32
    %broadcast_in_dim3A_41 = vector.broadcast %broadcast_in_dim3A_40 : f32 to vector<16xf32>
    %swap3A_42 = arith.constant 5 : i32
    %swap3A_43 = arith.index_cast %swap3A_42 : i32 to index
    %swap3A_44 = arith.constant 0 : index
    %swap3A_45 = tpu.vector_load %arg11[%swap3A_43, %swap3A_44] {strides = array<i32>} : memref<80x16xf32, #tpu.memory_space<vmem>>, vector<1x16xf32>,
    %swap3A_46 = vector.shape_cast %swap3A_45 : vector<1x16xf32> to vector<16xf32>
    %swap3A_47 = vector.shape_cast %broadcast_in_dim3A_41 : vector<16xf32> to vector<1x16xf32>
    tpu.vector_store %arg11[%swap3A_43, %swap3A_44], %swap3A_47 {strides = array<i32>} : memref<80x16xf32, #tpu.memory_space<vmem>>, vector<1x16xf32>,
    %broadcast_in_dim3A_48 = arith.constant 1.000000e+00 : f32
    %broadcast_in_dim3A_49 = vector.broadcast %broadcast_in_dim3A_48 : f32 to vector<16xf32>
    %swap3A_50 = arith.constant 6 : i32
    %swap3A_51 = arith.index_cast %swap3A_50 : i32 to index
    %swap3A_52 = arith.constant 0 : index
    %swap3A_53 = tpu.vector_load %arg11[%swap3A_51, %swap3A_52] {strides = array<i32>} : memref<80x16xf32, #tpu.memory_space<vmem>>, vector<1x16xf32>,
    %swap3A_54 = vector.shape_cast %swap3A_53 : vector<1x16xf32> to vector<16xf32>
    %swap3A_55 = vector.shape_cast %broadcast_in_dim3A_49 : vector<16xf32> to vector<1x16xf32>
    tpu.vector_store %arg11[%swap3A_51, %swap3A_52], %swap3A_55 {strides = array<i32>} : memref<80x16xf32, #tpu.memory_space<vmem>>, vector<1x16xf32>,
    %broadcast_in_dim3A_56 = arith.constant 1.000000e+00 : f32
    %broadcast_in_dim3A_57 = vector.broadcast %broadcast_in_dim3A_56 : f32 to vector<16xf32>
    %swap3A_58 = arith.constant 7 : i32
    %swap3A_59 = arith.index_cast %swap3A_58 : i32 to index
    %swap3A_60 = arith.constant 0 : index
    %swap3A_61 = tpu.vector_load %arg11[%swap3A_59, %swap3A_60] {strides = array<i32>} : memref<80x16xf32, #tpu.memory_space<vmem>>, vector<1x16xf32>,
    %swap3A_62 = vector.shape_cast %swap3A_61 : vector<1x16xf32> to vector<16xf32>
    %swap3A_63 = vector.shape_cast %broadcast_in_dim3A_57 : vector<16xf32> to vector<1x16xf32>
    tpu.vector_store %arg11[%swap3A_59, %swap3A_60], %swap3A_63 {strides = array<i32>} : memref<80x16xf32, #tpu.memory_space<vmem>>, vector<1x16xf32>,
    %broadcast_in_dim3A_64 = arith.constant 1.000000e+00 : f32
    %broadcast_in_dim3A_65 = vector.broadcast %broadcast_in_dim3A_64 : f32 to vector<16xf32>
    %swap3A_66 = arith.constant 8 : i32
    %swap3A_67 = arith.index_cast %swap3A_66 : i32 to index
    %swap3A_68 = arith.constant 0 : index
    %swap3A_69 = tpu.vector_load %arg11[%swap3A_67, %swap3A_68] {strides = array<i32>} : memref<80x16xf32, #tpu.memory_space<vmem>>, vector<1x16xf32>,
    %swap3A_70 = vector.shape_cast %swap3A_69 : vector<1x16xf32> to vector<16xf32>
    %swap3A_71 = vector.shape_cast %broadcast_in_dim3A_65 : vector<16xf32> to vector<1x16xf32>
    tpu.vector_store %arg11[%swap3A_67, %swap3A_68], %swap3A_71 {strides = array<i32>} : memref<80x16xf32, #tpu.memory_space<vmem>>, vector<1x16xf32>,
    %broadcast_in_dim3A_72 = arith.constant 1.000000e+00 : f32
    %broadcast_in_dim3A_73 = vector.broadcast %broadcast_in_dim3A_72 : f32 to vector<16xf32>
    %swap3A_74 = arith.constant 9 : i32
    %swap3A_75 = arith.index_cast %swap3A_74 : i32 to index
    %swap3A_76 = arith.constant 0 : index
    %swap3A_77 = tpu.vector_load %arg11[%swap3A_75, %swap3A_76] {strides = array<i32>} : memref<80x16xf32, #tpu.memory_space<vmem>>, vector<1x16xf32>,
    %swap3A_78 = vector.shape_cast %swap3A_77 : vector<1x16xf32> to vector<16xf32>
    %swap3A_79 = vector.shape_cast %broadcast_in_dim3A_73 : vector<16xf32> to vector<1x16xf32>
    tpu.vector_store %arg11[%swap3A_75, %swap3A_76], %swap3A_79 {strides = array<i32>} : memref<80x16xf32, #tpu.memory_space<vmem>>, vector<1x16xf32>,
    %broadcast_in_dim3A_80 = arith.constant 1.000000e+00 : f32
    %broadcast_in_dim3A_81 = vector.broadcast %broadcast_in_dim3A_80 : f32 to vector<16xf32>
    %swap3A_82 = arith.constant 10 : i32
    %swap3A_83 = arith.index_cast %swap3A_82 : i32 to index
    %swap3A_84 = arith.constant 0 : index
    %swap3A_85 = tpu.vector_load %arg11[%swap3A_83, %swap3A_84] {strides = array<i32>} : memref<80x16xf32, #tpu.memory_space<vmem>>, vector<1x16xf32>,
    %swap3A_86 = vector.shape_cast %swap3A_85 : vector<1x16xf32> to vector<16xf32>
    %swap3A_87 = vector.shape_cast %broadcast_in_dim3A_81 : vector<16xf32> to vector<1x16xf32>
    tpu.vector_store %arg11[%swap3A_83, %swap3A_84], %swap3A_87 {strides = array<i32>} : memref<80x16xf32, #tpu.memory_space<vmem>>, vector<1x16xf32>,
    %broadcast_in_dim3A_88 = arith.constant 1.000000e+00 : f32
    %broadcast_in_dim3A_89 = vector.broadcast %broadcast_in_dim3A_88 : f32 to vector<16xf32>
    %swap3A_90 = arith.constant 11 : i32
    %swap3A_91 = arith.index_cast %swap3A_90 : i32 to index
    %swap3A_92 = arith.constant 0 : index
    %swap3A_93 = tpu.vector_load %arg11[%swap3A_91, %swap3A_92] {strides = array<i32>} : memref<80x16xf32, #tpu.memory_space<vmem>>, vector<1x16xf32>,
    %swap3A_94 = vector.shape_cast %swap3A_93 : vector<1x16xf32> to vector<16xf32>
    %swap3A_95 = vector.shape_cast %broadcast_in_dim3A_89 : vector<16xf32> to vector<1x16xf32>
    tpu.vector_store %arg11[%swap3A_91, %swap3A_92], %swap3A_95 {strides = array<i32>} : memref<80x16xf32, #tpu.memory_space<vmem>>, vector<1x16xf32>,
    %broadcast_in_dim3A_96 = arith.constant 1.000000e+00 : f32
    %broadcast_in_dim3A_97 = vector.broadcast %broadcast_in_dim3A_96 : f32 to vector<16xf32>
    %swap3A_98 = arith.constant 12 : i32
    %swap3A_99 = arith.index_cast %swap3A_98 : i32 to index
    %swap3A_100 = arith.constant 0 : index
    %swap3A_101 = tpu.vector_load %arg11[%swap3A_99, %swap3A_100] {strides = array<i32>} : memref<80x16xf32, #tpu.memory_space<vmem>>, vector<1x16xf32>,
    %swap3A_102 = vector.shape_cast %swap3A_101 : vector<1x16xf32> to vector<16xf32>
    %swap3A_103 = vector.shape_cast %broadcast_in_dim3A_97 : vector<16xf32> to vector<1x16xf32>
    tpu.vector_store %arg11[%swap3A_99, %swap3A_100], %swap3A_103 {strides = array<i32>} : memref<80x16xf32, #tpu.memory_space<vmem>>, vector<1x16xf32>,
    %broadcast_in_dim3A_104 = arith.constant 1.000000e+00 : f32
    %broadcast_in_dim3A_105 = vector.broadcast %broadcast_in_dim3A_104 : f32 to vector<16xf32>
    %swap3A_106 = arith.constant 13 : i32
    %swap3A_107 = arith.index_cast %swap3A_106 : i32 to index
    %swap3A_108 = arith.constant 0 : index
    %swap3A_109 = tpu.vector_load %arg11[%swap3A_107, %swap3A_108] {strides = array<i32>} : memref<80x16xf32, #tpu.memory_space<vmem>>, vector<1x16xf32>,
    %swap3A_110 = vector.shape_cast %swap3A_109 : vector<1x16xf32> to vector<16xf32>
    %swap3A_111 = vector.shape_cast %broadcast_in_dim3A_105 : vector<16xf32> to vector<1x16xf32>
    tpu.vector_store %arg11[%swap3A_107, %swap3A_108], %swap3A_111 {strides = array<i32>} : memref<80x16xf32, #tpu.memory_space<vmem>>, vector<1x16xf32>,
    %broadcast_in_dim3A_112 = arith.constant 1.000000e+00 : f32
    %broadcast_in_dim3A_113 = vector.broadcast %broadcast_in_dim3A_112 : f32 to vector<16xf32>
    %swap3A_114 = arith.constant 14 : i32
    %swap3A_115 = arith.index_cast %swap3A_114 : i32 to index
    %swap3A_116 = arith.constant 0 : index
    %swap3A_117 = tpu.vector_load %arg11[%swap3A_115, %swap3A_116] {strides = array<i32>} : memref<80x16xf32, #tpu.memory_space<vmem>>, vector<1x16xf32>,
    %swap3A_118 = vector.shape_cast %swap3A_117 : vector<1x16xf32> to vector<16xf32>
    %swap3A_119 = vector.shape_cast %broadcast_in_dim3A_113 : vector<16xf32> to vector<1x16xf32>
    tpu.vector_store %arg11[%swap3A_115, %swap3A_116], %swap3A_119 {strides = array<i32>} : memref<80x16xf32, #tpu.memory_space<vmem>>, vector<1x16xf32>,
    %broadcast_in_dim3A_120 = arith.constant 1.000000e+00 : f32
    %broadcast_in_dim3A_121 = vector.broadcast %broadcast_in_dim3A_120 : f32 to vector<16xf32>
    %swap3A_122 = arith.constant 15 : i32
    %swap3A_123 = arith.index_cast %swap3A_122 : i32 to index
    %swap3A_124 = arith.constant 0 : index
    %swap3A_125 = tpu.vector_load %arg11[%swap3A_123, %swap3A_124] {strides = array<i32>} : memref<80x16xf32, #tpu.memory_space<vmem>>, vector<1x16xf32>,
    %swap3A_126 = vector.shape_cast %swap3A_125 : vector<1x16xf32> to vector<16xf32>
    %swap3A_127 = vector.shape_cast %broadcast_in_dim3A_121 : vector<16xf32> to vector<1x16xf32>
    tpu.vector_store %arg11[%swap3A_123, %swap3A_124], %swap3A_127 {strides = array<i32>} : memref<80x16xf32, #tpu.memory_space<vmem>>, vector<1x16xf32>,
    %broadcast_in_dim3A_128 = arith.constant 1.000000e+00 : f32
    %broadcast_in_dim3A_129 = vector.broadcast %broadcast_in_dim3A_128 : f32 to vector<16xf32>
    %swap3A_130 = arith.constant 16 : i32
    %swap3A_131 = arith.index_cast %swap3A_130 : i32 to index
    %swap3A_132 = arith.constant 0 : index
    %swap3A_133 = tpu.vector_load %arg11[%swap3A_131, %swap3A_132] {strides = array<i32>} : memref<80x16xf32, #tpu.memory_space<vmem>>, vector<1x16xf32>,
    %swap3A_134 = vector.shape_cast %swap3A_133 : vector<1x16xf32> to vector<16xf32>
    %swap3A_135 = vector.shape_cast %broadcast_in_dim3A_129 : vector<16xf32> to vector<1x16xf32>
    tpu.vector_store %arg11[%swap3A_131, %swap3A_132], %swap3A_135 {strides = array<i32>} : memref<80x16xf32, #tpu.memory_space<vmem>>, vector<1x16xf32>,
    %broadcast_in_dim3A_136 = arith.constant 1.000000e+00 : f32
    %broadcast_in_dim3A_137 = vector.broadcast %broadcast_in_dim3A_136 : f32 to vector<16xf32>
    %swap3A_138 = arith.constant 17 : i32
    %swap3A_139 = arith.index_cast %swap3A_138 : i32 to index
    %swap3A_140 = arith.constant 0 : index
    %swap3A_141 = tpu.vector_load %arg11[%swap3A_139, %swap3A_140] {strides = array<i32>} : memref<80x16xf32, #tpu.memory_space<vmem>>, vector<1x16xf32>,
    %swap3A_142 = vector.shape_cast %swap3A_141 : vector<1x16xf32> to vector<16xf32>
    %swap3A_143 = vector.shape_cast %broadcast_in_dim3A_137 : vector<16xf32> to vector<1x16xf32>
    tpu.vector_store %arg11[%swap3A_139, %swap3A_140], %swap3A_143 {strides = array<i32>} : memref<80x16xf32, #tpu.memory_space<vmem>>, vector<1x16xf32>,
    %broadcast_in_dim3A_144 = arith.constant 1.000000e+00 : f32
    %broadcast_in_dim3A_145 = vector.broadcast %broadcast_in_dim3A_144 : f32 to vector<16xf32>
    %swap3A_146 = arith.constant 18 : i32
    %swap3A_147 = arith.index_cast %swap3A_146 : i32 to index
    %swap3A_148 = arith.constant 0 : index
    %swap3A_149 = tpu.vector_load %arg11[%swap3A_147, %swap3A_148] {strides = array<i32>} : memref<80x16xf32, #tpu.memory_space<vmem>>, vector<1x16xf32>,
    %swap3A_150 = vector.shape_cast %swap3A_149 : vector<1x16xf32> to vector<16xf32>
    %swap3A_151 = vector.shape_cast %broadcast_in_dim3A_145 : vector<16xf32> to vector<1x16xf32>
    tpu.vector_store %arg11[%swap3A_147, %swap3A_148], %swap3A_151 {strides = array<i32>} : memref<80x16xf32, #tpu.memory_space<vmem>>, vector<1x16xf32>,
    %broadcast_in_dim3A_152 = arith.constant 1.000000e+00 : f32
    %broadcast_in_dim3A_153 = vector.broadcast %broadcast_in_dim3A_152 : f32 to vector<16xf32>
    %swap3A_154 = arith.constant 19 : i32
    %swap3A_155 = arith.index_cast %swap3A_154 : i32 to index
    %swap3A_156 = arith.constant 0 : index
    %swap3A_157 = tpu.vector_load %arg11[%swap3A_155, %swap3A_156] {strides = array<i32>} : memref<80x16xf32, #tpu.memory_space<vmem>>, vector<1x16xf32>,
    %swap3A_158 = vector.shape_cast %swap3A_157 : vector<1x16xf32> to vector<16xf32>
    %swap3A_159 = vector.shape_cast %broadcast_in_dim3A_153 : vector<16xf32> to vector<1x16xf32>
    tpu.vector_store %arg11[%swap3A_155, %swap3A_156], %swap3A_159 {strides = array<i32>} : memref<80x16xf32, #tpu.memory_space<vmem>>, vector<1x16xf32>,
    %broadcast_in_dim3A_160 = arith.constant 1.000000e+00 : f32
    %broadcast_in_dim3A_161 = vector.broadcast %broadcast_in_dim3A_160 : f32 to vector<16xf32>
    %swap3A_162 = arith.constant 20 : i32
    %swap3A_163 = arith.index_cast %swap3A_162 : i32 to index
    %swap3A_164 = arith.constant 0 : index
    %swap3A_165 = tpu.vector_load %arg11[%swap3A_163, %swap3A_164] {strides = array<i32>} : memref<80x16xf32, #tpu.memory_space<vmem>>, vector<1x16xf32>,
    %swap3A_166 = vector.shape_cast %swap3A_165 : vector<1x16xf32> to vector<16xf32>
    %swap3A_167 = vector.shape_cast %broadcast_in_dim3A_161 : vector<16xf32> to vector<1x16xf32>
    tpu.vector_store %arg11[%swap3A_163, %swap3A_164], %swap3A_167 {strides = array<i32>} : memref<80x16xf32, #tpu.memory_space<vmem>>, vector<1x16xf32>,
    %broadcast_in_dim3A_168 = arith.constant 1.000000e+00 : f32
    %broadcast_in_dim3A_169 = vector.broadcast %broadcast_in_dim3A_168 : f32 to vector<16xf32>
    %swap3A_170 = arith.constant 21 : i32
    %swap3A_171 = arith.index_cast %swap3A_170 : i32 to index
    %swap3A_172 = arith.constant 0 : index
    %swap3A_173 = tpu.vector_load %arg11[%swap3A_171, %swap3A_172] {strides = array<i32>} : memref<80x16xf32, #tpu.memory_space<vmem>>, vector<1x16xf32>,
    %swap3A_174 = vector.shape_cast %swap3A_173 : vector<1x16xf32> to vector<16xf32>
    %swap3A_175 = vector.shape_cast %broadcast_in_dim3A_169 : vector<16xf32> to vector<1x16xf32>
    tpu.vector_store %arg11[%swap3A_171, %swap3A_172], %swap3A_175 {strides = array<i32>} : memref<80x16xf32, #tpu.memory_space<vmem>>, vector<1x16xf32>,
    %broadcast_in_dim3A_176 = arith.constant 1.000000e+00 : f32
    %broadcast_in_dim3A_177 = vector.broadcast %broadcast_in_dim3A_176 : f32 to vector<16xf32>
    %swap3A_178 = arith.constant 22 : i32
    %swap3A_179 = arith.index_cast %swap3A_178 : i32 to index
    %swap3A_180 = arith.constant 0 : index
    %swap3A_181 = tpu.vector_load %arg11[%swap3A_179, %swap3A_180] {strides = array<i32>} : memref<80x16xf32, #tpu.memory_space<vmem>>, vector<1x16xf32>,
    %swap3A_182 = vector.shape_cast %swap3A_181 : vector<1x16xf32> to vector<16xf32>
    %swap3A_183 = vector.shape_cast %broadcast_in_dim3A_177 : vector<16xf32> to vector<1x16xf32>
    tpu.vector_store %arg11[%swap3A_179, %swap3A_180], %swap3A_183 {strides = array<i32>} : memref<80x16xf32, #tpu.memory_space<vmem>>, vector<1x16xf32>,
    %broadcast_in_dim3A_184 = arith.constant 1.000000e+00 : f32
    %broadcast_in_dim3A_185 = vector.broadcast %broadcast_in_dim3A_184 : f32 to vector<16xf32>
    %swap3A_186 = arith.constant 23 : i32
    %swap3A_187 = arith.index_cast %swap3A_186 : i32 to index
    %swap3A_188 = arith.constant 0 : index
    %swap3A_189 = tpu.vector_load %arg11[%swap3A_187, %swap3A_188] {strides = array<i32>} : memref<80x16xf32, #tpu.memory_space<vmem>>, vector<1x16xf32>,
    %swap3A_190 = vector.shape_cast %swap3A_189 : vector<1x16xf32> to vector<16xf32>
    %swap3A_191 = vector.shape_cast %broadcast_in_dim3A_185 : vector<16xf32> to vector<1x16xf32>
    tpu.vector_store %arg11[%swap3A_187, %swap3A_188], %swap3A_191 {strides = array<i32>} : memref<80x16xf32, #tpu.memory_space<vmem>>, vector<1x16xf32>,
    %broadcast_in_dim3A_192 = arith.constant 1.000000e+00 : f32
    %broadcast_in_dim3A_193 = vector.broadcast %broadcast_in_dim3A_192 : f32 to vector<16xf32>
    %swap3A_194 = arith.constant 24 : i32
    %swap3A_195 = arith.index_cast %swap3A_194 : i32 to index
    %swap3A_196 = arith.constant 0 : index
    %swap3A_197 = tpu.vector_load %arg11[%swap3A_195, %swap3A_196] {strides = array<i32>} : memref<80x16xf32, #tpu.memory_space<vmem>>, vector<1x16xf32>,
    %swap3A_198 = vector.shape_cast %swap3A_197 : vector<1x16xf32> to vector<16xf32>
    %swap3A_199 = vector.shape_cast %broadcast_in_dim3A_193 : vector<16xf32> to vector<1x16xf32>
    tpu.vector_store %arg11[%swap3A_195, %swap3A_196], %swap3A_199 {strides = array<i32>} : memref<80x16xf32, #tpu.memory_space<vmem>>, vector<1x16xf32>,
    %broadcast_in_dim3A_200 = arith.constant 1.000000e+00 : f32
    %broadcast_in_dim3A_201 = vector.broadcast %broadcast_in_dim3A_200 : f32 to vector<16xf32>
    %swap3A_202 = arith.constant 25 : i32
    %swap3A_203 = arith.index_cast %swap3A_202 : i32 to index
    %swap3A_204 = arith.constant 0 : index
    %swap3A_205 = tpu.vector_load %arg11[%swap3A_203, %swap3A_204] {strides = array<i32>} : memref<80x16xf32, #tpu.memory_space<vmem>>, vector<1x16xf32>,
    %swap3A_206 = vector.shape_cast %swap3A_205 : vector<1x16xf32> to vector<16xf32>
    %swap3A_207 = vector.shape_cast %broadcast_in_dim3A_201 : vector<16xf32> to vector<1x16xf32>
    tpu.vector_store %arg11[%swap3A_203, %swap3A_204], %swap3A_207 {strides = array<i32>} : memref<80x16xf32, #tpu.memory_space<vmem>>, vector<1x16xf32>,
    %broadcast_in_dim3A_208 = arith.constant 1.000000e+00 : f32
    %broadcast_in_dim3A_209 = vector.broadcast %broadcast_in_dim3A_208 : f32 to vector<16xf32>
    %swap3A_210 = arith.constant 26 : i32
    %swap3A_211 = arith.index_cast %swap3A_210 : i32 to index
    %swap3A_212 = arith.constant 0 : index
    %swap3A_213 = tpu.vector_load %arg11[%swap3A_211, %swap3A_212] {strides = array<i32>} : memref<80x16xf32, #tpu.memory_space<vmem>>, vector<1x16xf32>,
    %swap3A_214 = vector.shape_cast %swap3A_213 : vector<1x16xf32> to vector<16xf32>
    %swap3A_215 = vector.shape_cast %broadcast_in_dim3A_209 : vector<16xf32> to vector<1x16xf32>
    tpu.vector_store %arg11[%swap3A_211, %swap3A_212], %swap3A_215 {strides = array<i32>} : memref<80x16xf32, #tpu.memory_space<vmem>>, vector<1x16xf32>,
    %broadcast_in_dim3A_216 = arith.constant 1.000000e+00 : f32
    %broadcast_in_dim3A_217 = vector.broadcast %broadcast_in_dim3A_216 : f32 to vector<16xf32>
    %swap3A_218 = arith.constant 27 : i32
    %swap3A_219 = arith.index_cast %swap3A_218 : i32 to index
    %swap3A_220 = arith.constant 0 : index
    %swap3A_221 = tpu.vector_load %arg11[%swap3A_219, %swap3A_220] {strides = array<i32>} : memref<80x16xf32, #tpu.memory_space<vmem>>, vector<1x16xf32>,
    %swap3A_222 = vector.shape_cast %swap3A_221 : vector<1x16xf32> to vector<16xf32>
    %swap3A_223 = vector.shape_cast %broadcast_in_dim3A_217 : vector<16xf32> to vector<1x16xf32>
    tpu.vector_store %arg11[%swap3A_219, %swap3A_220], %swap3A_223 {strides = array<i32>} : memref<80x16xf32, #tpu.memory_space<vmem>>, vector<1x16xf32>,
    %broadcast_in_dim3A_224 = arith.constant 1.000000e+00 : f32
    %broadcast_in_dim3A_225 = vector.broadcast %broadcast_in_dim3A_224 : f32 to vector<16xf32>
    %swap3A_226 = arith.constant 28 : i32
    %swap3A_227 = arith.index_cast %swap3A_226 : i32 to index
    %swap3A_228 = arith.constant 0 : index
    %swap3A_229 = tpu.vector_load %arg11[%swap3A_227, %swap3A_228] {strides = array<i32>} : memref<80x16xf32, #tpu.memory_space<vmem>>, vector<1x16xf32>,
    %swap3A_230 = vector.shape_cast %swap3A_229 : vector<1x16xf32> to vector<16xf32>
    %swap3A_231 = vector.shape_cast %broadcast_in_dim3A_225 : vector<16xf32> to vector<1x16xf32>
    tpu.vector_store %arg11[%swap3A_227, %swap3A_228], %swap3A_231 {strides = array<i32>} : memref<80x16xf32, #tpu.memory_space<vmem>>, vector<1x16xf32>,
    %broadcast_in_dim3A_232 = arith.constant 1.000000e+00 : f32
    %broadcast_in_dim3A_233 = vector.broadcast %broadcast_in_dim3A_232 : f32 to vector<16xf32>
    %swap3A_234 = arith.constant 29 : i32
    %swap3A_235 = arith.index_cast %swap3A_234 : i32 to index
    %swap3A_236 = arith.constant 0 : index
    %swap3A_237 = tpu.vector_load %arg11[%swap3A_235, %swap3A_236] {strides = array<i32>} : memref<80x16xf32, #tpu.memory_space<vmem>>, vector<1x16xf32>,
    %swap3A_238 = vector.shape_cast %swap3A_237 : vector<1x16xf32> to vector<16xf32>
    %swap3A_239 = vector.shape_cast %broadcast_in_dim3A_233 : vector<16xf32> to vector<1x16xf32>
    tpu.vector_store %arg11[%swap3A_235, %swap3A_236], %swap3A_239 {strides = array<i32>} : memref<80x16xf32, #tpu.memory_space<vmem>>, vector<1x16xf32>,
    %broadcast_in_dim3A_240 = arith.constant 1.000000e+00 : f32
    %broadcast_in_dim3A_241 = vector.broadcast %broadcast_in_dim3A_240 : f32 to vector<16xf32>
    %swap3A_242 = arith.constant 30 : i32
    %swap3A_243 = arith.index_cast %swap3A_242 : i32 to index
    %swap3A_244 = arith.constant 0 : index
    %swap3A_245 = tpu.vector_load %arg11[%swap3A_243, %swap3A_244] {strides = array<i32>} : memref<80x16xf32, #tpu.memory_space<vmem>>, vector<1x16xf32>,
    %swap3A_246 = vector.shape_cast %swap3A_245 : vector<1x16xf32> to vector<16xf32>
    %swap3A_247 = vector.shape_cast %broadcast_in_dim3A_241 : vector<16xf32> to vector<1x16xf32>
    tpu.vector_store %arg11[%swap3A_243, %swap3A_244], %swap3A_247 {strides = array<i32>} : memref<80x16xf32, #tpu.memory_space<vmem>>, vector<1x16xf32>,
    %broadcast_in_dim3A_248 = arith.constant 1.000000e+00 : f32
    %broadcast_in_dim3A_249 = vector.broadcast %broadcast_in_dim3A_248 : f32 to vector<16xf32>
    %swap3A_250 = arith.constant 31 : i32
    %swap3A_251 = arith.index_cast %swap3A_250 : i32 to index
    %swap3A_252 = arith.constant 0 : index
    %swap3A_253 = tpu.vector_load %arg11[%swap3A_251, %swap3A_252] {strides = array<i32>} : memref<80x16xf32, #tpu.memory_space<vmem>>, vector<1x16xf32>,
    %swap3A_254 = vector.shape_cast %swap3A_253 : vector<1x16xf32> to vector<16xf32>
    %swap3A_255 = vector.shape_cast %broadcast_in_dim3A_249 : vector<16xf32> to vector<1x16xf32>
    tpu.vector_store %arg11[%swap3A_251, %swap3A_252], %swap3A_255 {strides = array<i32>} : memref<80x16xf32, #tpu.memory_space<vmem>>, vector<1x16xf32>,
    %broadcast_in_dim3A_256 = arith.constant 1.000000e+00 : f32
    %broadcast_in_dim3A_257 = vector.broadcast %broadcast_in_dim3A_256 : f32 to vector<16xf32>
    %swap3A_258 = arith.constant 32 : i32
    %swap3A_259 = arith.index_cast %swap3A_258 : i32 to index
    %swap3A_260 = arith.constant 0 : index
    %swap3A_261 = tpu.vector_load %arg11[%swap3A_259, %swap3A_260] {strides = array<i32>} : memref<80x16xf32, #tpu.memory_space<vmem>>, vector<1x16xf32>,
    %swap3A_262 = vector.shape_cast %swap3A_261 : vector<1x16xf32> to vector<16xf32>
    %swap3A_263 = vector.shape_cast %broadcast_in_dim3A_257 : vector<16xf32> to vector<1x16xf32>
    tpu.vector_store %arg11[%swap3A_259, %swap3A_260], %swap3A_263 {strides = array<i32>} : memref<80x16xf32, #tpu.memory_space<vmem>>, vector<1x16xf32>,
    %broadcast_in_dim3A_264 = arith.constant 1.000000e+00 : f32
    %broadcast_in_dim3A_265 = vector.broadcast %broadcast_in_dim3A_264 : f32 to vector<16xf32>
    %swap3A_266 = arith.constant 33 : i32
    %swap3A_267 = arith.index_cast %swap3A_266 : i32 to index
    %swap3A_268 = arith.constant 0 : index
    %swap3A_269 = tpu.vector_load %arg11[%swap3A_267, %swap3A_268] {strides = array<i32>} : memref<80x16xf32, #tpu.memory_space<vmem>>, vector<1x16xf32>,
    %swap3A_270 = vector.shape_cast %swap3A_269 : vector<1x16xf32> to vector<16xf32>
    %swap3A_271 = vector.shape_cast %broadcast_in_dim3A_265 : vector<16xf32> to vector<1x16xf32>
    tpu.vector_store %arg11[%swap3A_267, %swap3A_268], %swap3A_271 {strides = array<i32>} : memref<80x16xf32, #tpu.memory_space<vmem>>, vector<1x16xf32>,
    %broadcast_in_dim3A_272 = arith.constant 1.000000e+00 : f32
    %broadcast_in_dim3A_273 = vector.broadcast %broadcast_in_dim3A_272 : f32 to vector<16xf32>
    %swap3A_274 = arith.constant 34 : i32
    %swap3A_275 = arith.index_cast %swap3A_274 : i32 to index
    %swap3A_276 = arith.constant 0 : index
    %swap3A_277 = tpu.vector_load %arg11[%swap3A_275, %swap3A_276] {strides = array<i32>} : memref<80x16xf32, #tpu.memory_space<vmem>>, vector<1x16xf32>,
    %swap3A_278 = vector.shape_cast %swap3A_277 : vector<1x16xf32> to vector<16xf32>
    %swap3A_279 = vector.shape_cast %broadcast_in_dim3A_273 : vector<16xf32> to vector<1x16xf32>
    tpu.vector_store %arg11[%swap3A_275, %swap3A_276], %swap3A_279 {strides = array<i32>} : memref<80x16xf32, #tpu.memory_space<vmem>>, vector<1x16xf32>,
    %broadcast_in_dim3A_280 = arith.constant 1.000000e+00 : f32
    %broadcast_in_dim3A_281 = vector.broadcast %broadcast_in_dim3A_280 : f32 to vector<16xf32>
    %swap3A_282 = arith.constant 35 : i32
    %swap3A_283 = arith.index_cast %swap3A_282 : i32 to index
    %swap3A_284 = arith.constant 0 : index
    %swap3A_285 = tpu.vector_load %arg11[%swap3A_283, %swap3A_284] {strides = array<i32>} : memref<80x16xf32, #tpu.memory_space<vmem>>, vector<1x16xf32>,
    %swap3A_286 = vector.shape_cast %swap3A_285 : vector<1x16xf32> to vector<16xf32>
    %swap3A_287 = vector.shape_cast %broadcast_in_dim3A_281 : vector<16xf32> to vector<1x16xf32>
    tpu.vector_store %arg11[%swap3A_283, %swap3A_284], %swap3A_287 {strides = array<i32>} : memref<80x16xf32, #tpu.memory_space<vmem>>, vector<1x16xf32>,
    %broadcast_in_dim3A_288 = arith.constant 1.000000e+00 : f32
    %broadcast_in_dim3A_289 = vector.broadcast %broadcast_in_dim3A_288 : f32 to vector<16xf32>
    %swap3A_290 = arith.constant 36 : i32
    %swap3A_291 = arith.index_cast %swap3A_290 : i32 to index
    %swap3A_292 = arith.constant 0 : index
    %swap3A_293 = tpu.vector_load %arg11[%swap3A_291, %swap3A_292] {strides = array<i32>} : memref<80x16xf32, #tpu.memory_space<vmem>>, vector<1x16xf32>,
    %swap3A_294 = vector.shape_cast %swap3A_293 : vector<1x16xf32> to vector<16xf32>
    %swap3A_295 = vector.shape_cast %broadcast_in_dim3A_289 : vector<16xf32> to vector<1x16xf32>
    tpu.vector_store %arg11[%swap3A_291, %swap3A_292], %swap3A_295 {strides = array<i32>} : memref<80x16xf32, #tpu.memory_space<vmem>>, vector<1x16xf32>,
    %broadcast_in_dim3A_296 = arith.constant 1.000000e+00 : f32
    %broadcast_in_dim3A_297 = vector.broadcast %broadcast_in_dim3A_296 : f32 to vector<16xf32>
    %swap3A_298 = arith.constant 37 : i32
    %swap3A_299 = arith.index_cast %swap3A_298 : i32 to index
    %swap3A_300 = arith.constant 0 : index
    %swap3A_301 = tpu.vector_load %arg11[%swap3A_299, %swap3A_300] {strides = array<i32>} : memref<80x16xf32, #tpu.memory_space<vmem>>, vector<1x16xf32>,
    %swap3A_302 = vector.shape_cast %swap3A_301 : vector<1x16xf32> to vector<16xf32>
    %swap3A_303 = vector.shape_cast %broadcast_in_dim3A_297 : vector<16xf32> to vector<1x16xf32>
    tpu.vector_store %arg11[%swap3A_299, %swap3A_300], %swap3A_303 {strides = array<i32>} : memref<80x16xf32, #tpu.memory_space<vmem>>, vector<1x16xf32>,
    %broadcast_in_dim3A_304 = arith.constant 1.000000e+00 : f32
    %broadcast_in_dim3A_305 = vector.broadcast %broadcast_in_dim3A_304 : f32 to vector<16xf32>
    %swap3A_306 = arith.constant 38 : i32
    %swap3A_307 = arith.index_cast %swap3A_306 : i32 to index
    %swap3A_308 = arith.constant 0 : index
    %swap3A_309 = tpu.vector_load %arg11[%swap3A_307, %swap3A_308] {strides = array<i32>} : memref<80x16xf32, #tpu.memory_space<vmem>>, vector<1x16xf32>,
    %swap3A_310 = vector.shape_cast %swap3A_309 : vector<1x16xf32> to vector<16xf32>
    %swap3A_311 = vector.shape_cast %broadcast_in_dim3A_305 : vector<16xf32> to vector<1x16xf32>
    tpu.vector_store %arg11[%swap3A_307, %swap3A_308], %swap3A_311 {strides = array<i32>} : memref<80x16xf32, #tpu.memory_space<vmem>>, vector<1x16xf32>,
    %broadcast_in_dim3A_312 = arith.constant 1.000000e+00 : f32
    %broadcast_in_dim3A_313 = vector.broadcast %broadcast_in_dim3A_312 : f32 to vector<16xf32>
    %swap3A_314 = arith.constant 39 : i32
    %swap3A_315 = arith.index_cast %swap3A_314 : i32 to index
    %swap3A_316 = arith.constant 0 : index
    %swap3A_317 = tpu.vector_load %arg11[%swap3A_315, %swap3A_316] {strides = array<i32>} : memref<80x16xf32, #tpu.memory_space<vmem>>, vector<1x16xf32>,
    %swap3A_318 = vector.shape_cast %swap3A_317 : vector<1x16xf32> to vector<16xf32>
    %swap3A_319 = vector.shape_cast %broadcast_in_dim3A_313 : vector<16xf32> to vector<1x16xf32>
    tpu.vector_store %arg11[%swap3A_315, %swap3A_316], %swap3A_319 {strides = array<i32>} : memref<80x16xf32, #tpu.memory_space<vmem>>, vector<1x16xf32>,
    %broadcast_in_dim3A_320 = arith.constant 1.000000e+00 : f32
    %broadcast_in_dim3A_321 = vector.broadcast %broadcast_in_dim3A_320 : f32 to vector<16xf32>
    %swap3A_322 = arith.constant 40 : i32
    %swap3A_323 = arith.index_cast %swap3A_322 : i32 to index
    %swap3A_324 = arith.constant 0 : index
    %swap3A_325 = tpu.vector_load %arg11[%swap3A_323, %swap3A_324] {strides = array<i32>} : memref<80x16xf32, #tpu.memory_space<vmem>>, vector<1x16xf32>,
    %swap3A_326 = vector.shape_cast %swap3A_325 : vector<1x16xf32> to vector<16xf32>
    %swap3A_327 = vector.shape_cast %broadcast_in_dim3A_321 : vector<16xf32> to vector<1x16xf32>
    tpu.vector_store %arg11[%swap3A_323, %swap3A_324], %swap3A_327 {strides = array<i32>} : memref<80x16xf32, #tpu.memory_space<vmem>>, vector<1x16xf32>,
    %broadcast_in_dim3A_328 = arith.constant 1.000000e+00 : f32
    %broadcast_in_dim3A_329 = vector.broadcast %broadcast_in_dim3A_328 : f32 to vector<16xf32>
    %swap3A_330 = arith.constant 41 : i32
    %swap3A_331 = arith.index_cast %swap3A_330 : i32 to index
    %swap3A_332 = arith.constant 0 : index
    %swap3A_333 = tpu.vector_load %arg11[%swap3A_331, %swap3A_332] {strides = array<i32>} : memref<80x16xf32, #tpu.memory_space<vmem>>, vector<1x16xf32>,
    %swap3A_334 = vector.shape_cast %swap3A_333 : vector<1x16xf32> to vector<16xf32>
    %swap3A_335 = vector.shape_cast %broadcast_in_dim3A_329 : vector<16xf32> to vector<1x16xf32>
    tpu.vector_store %arg11[%swap3A_331, %swap3A_332], %swap3A_335 {strides = array<i32>} : memref<80x16xf32, #tpu.memory_space<vmem>>, vector<1x16xf32>,
    %broadcast_in_dim3A_336 = arith.constant 1.000000e+00 : f32
    %broadcast_in_dim3A_337 = vector.broadcast %broadcast_in_dim3A_336 : f32 to vector<16xf32>
    %swap3A_338 = arith.constant 42 : i32
    %swap3A_339 = arith.index_cast %swap3A_338 : i32 to index
    %swap3A_340 = arith.constant 0 : index
    %swap3A_341 = tpu.vector_load %arg11[%swap3A_339, %swap3A_340] {strides = array<i32>} : memref<80x16xf32, #tpu.memory_space<vmem>>, vector<1x16xf32>,
    %swap3A_342 = vector.shape_cast %swap3A_341 : vector<1x16xf32> to vector<16xf32>
    %swap3A_343 = vector.shape_cast %broadcast_in_dim3A_337 : vector<16xf32> to vector<1x16xf32>
    tpu.vector_store %arg11[%swap3A_339, %swap3A_340], %swap3A_343 {strides = array<i32>} : memref<80x16xf32, #tpu.memory_space<vmem>>, vector<1x16xf32>,
    %broadcast_in_dim3A_344 = arith.constant 1.000000e+00 : f32
    %broadcast_in_dim3A_345 = vector.broadcast %broadcast_in_dim3A_344 : f32 to vector<16xf32>
    %swap3A_346 = arith.constant 43 : i32
    %swap3A_347 = arith.index_cast %swap3A_346 : i32 to index
    %swap3A_348 = arith.constant 0 : index
    %swap3A_349 = tpu.vector_load %arg11[%swap3A_347, %swap3A_348] {strides = array<i32>} : memref<80x16xf32, #tpu.memory_space<vmem>>, vector<1x16xf32>,
    %swap3A_350 = vector.shape_cast %swap3A_349 : vector<1x16xf32> to vector<16xf32>
    %swap3A_351 = vector.shape_cast %broadcast_in_dim3A_345 : vector<16xf32> to vector<1x16xf32>
    tpu.vector_store %arg11[%swap3A_347, %swap3A_348], %swap3A_351 {strides = array<i32>} : memref<80x16xf32, #tpu.memory_space<vmem>>, vector<1x16xf32>,
    %broadcast_in_dim3A_352 = arith.constant 1.000000e+00 : f32
    %broadcast_in_dim3A_353 = vector.broadcast %broadcast_in_dim3A_352 : f32 to vector<16xf32>
    %swap3A_354 = arith.constant 44 : i32
    %swap3A_355 = arith.index_cast %swap3A_354 : i32 to index
    %swap3A_356 = arith.constant 0 : index
    %swap3A_357 = tpu.vector_load %arg11[%swap3A_355, %swap3A_356] {strides = array<i32>} : memref<80x16xf32, #tpu.memory_space<vmem>>, vector<1x16xf32>,
    %swap3A_358 = vector.shape_cast %swap3A_357 : vector<1x16xf32> to vector<16xf32>
    %swap3A_359 = vector.shape_cast %broadcast_in_dim3A_353 : vector<16xf32> to vector<1x16xf32>
    tpu.vector_store %arg11[%swap3A_355, %swap3A_356], %swap3A_359 {strides = array<i32>} : memref<80x16xf32, #tpu.memory_space<vmem>>, vector<1x16xf32>,
    %broadcast_in_dim3A_360 = arith.constant 1.000000e+00 : f32
    %broadcast_in_dim3A_361 = vector.broadcast %broadcast_in_dim3A_360 : f32 to vector<16xf32>
    %swap3A_362 = arith.constant 45 : i32
    %swap3A_363 = arith.index_cast %swap3A_362 : i32 to index
    %swap3A_364 = arith.constant 0 : index
    %swap3A_365 = tpu.vector_load %arg11[%swap3A_363, %swap3A_364] {strides = array<i32>} : memref<80x16xf32, #tpu.memory_space<vmem>>, vector<1x16xf32>,
    %swap3A_366 = vector.shape_cast %swap3A_365 : vector<1x16xf32> to vector<16xf32>
    %swap3A_367 = vector.shape_cast %broadcast_in_dim3A_361 : vector<16xf32> to vector<1x16xf32>
    tpu.vector_store %arg11[%swap3A_363, %swap3A_364], %swap3A_367 {strides = array<i32>} : memref<80x16xf32, #tpu.memory_space<vmem>>, vector<1x16xf32>,
    %broadcast_in_dim3A_368 = arith.constant 1.000000e+00 : f32
    %broadcast_in_dim3A_369 = vector.broadcast %broadcast_in_dim3A_368 : f32 to vector<16xf32>
    %swap3A_370 = arith.constant 46 : i32
    %swap3A_371 = arith.index_cast %swap3A_370 : i32 to index
    %swap3A_372 = arith.constant 0 : index
    %swap3A_373 = tpu.vector_load %arg11[%swap3A_371, %swap3A_372] {strides = array<i32>} : memref<80x16xf32, #tpu.memory_space<vmem>>, vector<1x16xf32>,
    %swap3A_374 = vector.shape_cast %swap3A_373 : vector<1x16xf32> to vector<16xf32>
    %swap3A_375 = vector.shape_cast %broadcast_in_dim3A_369 : vector<16xf32> to vector<1x16xf32>
    tpu.vector_store %arg11[%swap3A_371, %swap3A_372], %swap3A_375 {strides = array<i32>} : memref<80x16xf32, #tpu.memory_space<vmem>>, vector<1x16xf32>,
    %broadcast_in_dim3A_376 = arith.constant 1.000000e+00 : f32
    %broadcast_in_dim3A_377 = vector.broadcast %broadcast_in_dim3A_376 : f32 to vector<16xf32>
    %swap3A_378 = arith.constant 47 : i32
    %swap3A_379 = arith.index_cast %swap3A_378 : i32 to index
    %swap3A_380 = arith.constant 0 : index
    %swap3A_381 = tpu.vector_load %arg11[%swap3A_379, %swap3A_380] {strides = array<i32>} : memref<80x16xf32, #tpu.memory_space<vmem>>, vector<1x16xf32>,
    %swap3A_382 = vector.shape_cast %swap3A_381 : vector<1x16xf32> to vector<16xf32>
    %swap3A_383 = vector.shape_cast %broadcast_in_dim3A_377 : vector<16xf32> to vector<1x16xf32>
    tpu.vector_store %arg11[%swap3A_379, %swap3A_380], %swap3A_383 {strides = array<i32>} : memref<80x16xf32, #tpu.memory_space<vmem>>, vector<1x16xf32>,
    %broadcast_in_dim3A_384 = arith.constant 1.000000e+00 : f32
    %broadcast_in_dim3A_385 = vector.broadcast %broadcast_in_dim3A_384 : f32 to vector<16xf32>
    %swap3A_386 = arith.constant 48 : i32
    %swap3A_387 = arith.index_cast %swap3A_386 : i32 to index
    %swap3A_388 = arith.constant 0 : index
    %swap3A_389 = tpu.vector_load %arg11[%swap3A_387, %swap3A_388] {strides = array<i32>} : memref<80x16xf32, #tpu.memory_space<vmem>>, vector<1x16xf32>,
    %swap3A_390 = vector.shape_cast %swap3A_389 : vector<1x16xf32> to vector<16xf32>
    %swap3A_391 = vector.shape_cast %broadcast_in_dim3A_385 : vector<16xf32> to vector<1x16xf32>
    tpu.vector_store %arg11[%swap3A_387, %swap3A_388], %swap3A_391 {strides = array<i32>} : memref<80x16xf32, #tpu.memory_space<vmem>>, vector<1x16xf32>,
    %broadcast_in_dim3A_392 = arith.constant 1.000000e+00 : f32
    %broadcast_in_dim3A_393 = vector.broadcast %broadcast_in_dim3A_392 : f32 to vector<16xf32>
    %swap3A_394 = arith.constant 49 : i32
    %swap3A_395 = arith.index_cast %swap3A_394 : i32 to index
    %swap3A_396 = arith.constant 0 : index
    %swap3A_397 = tpu.vector_load %arg11[%swap3A_395, %swap3A_396] {strides = array<i32>} : memref<80x16xf32, #tpu.memory_space<vmem>>, vector<1x16xf32>,
    %swap3A_398 = vector.shape_cast %swap3A_397 : vector<1x16xf32> to vector<16xf32>
    %swap3A_399 = vector.shape_cast %broadcast_in_dim3A_393 : vector<16xf32> to vector<1x16xf32>
    tpu.vector_store %arg11[%swap3A_395, %swap3A_396], %swap3A_399 {strides = array<i32>} : memref<80x16xf32, #tpu.memory_space<vmem>>, vector<1x16xf32>,
    %broadcast_in_dim3A_400 = arith.constant 1.000000e+00 : f32
    %broadcast_in_dim3A_401 = vector.broadcast %broadcast_in_dim3A_400 : f32 to vector<16xf32>
    %swap3A_402 = arith.constant 50 : i32
    %swap3A_403 = arith.index_cast %swap3A_402 : i32 to index
    %swap3A_404 = arith.constant 0 : index
    %swap3A_405 = tpu.vector_load %arg11[%swap3A_403, %swap3A_404] {strides = array<i32>} : memref<80x16xf32, #tpu.memory_space<vmem>>, vector<1x16xf32>,
    %swap3A_406 = vector.shape_cast %swap3A_405 : vector<1x16xf32> to vector<16xf32>
    %swap3A_407 = vector.shape_cast %broadcast_in_dim3A_401 : vector<16xf32> to vector<1x16xf32>
    tpu.vector_store %arg11[%swap3A_403, %swap3A_404], %swap3A_407 {strides = array<i32>} : memref<80x16xf32, #tpu.memory_space<vmem>>, vector<1x16xf32>,
    %broadcast_in_dim3A_408 = arith.constant 1.000000e+00 : f32
    %broadcast_in_dim3A_409 = vector.broadcast %broadcast_in_dim3A_408 : f32 to vector<16xf32>
    %swap3A_410 = arith.constant 51 : i32
    %swap3A_411 = arith.index_cast %swap3A_410 : i32 to index
    %swap3A_412 = arith.constant 0 : index
    %swap3A_413 = tpu.vector_load %arg11[%swap3A_411, %swap3A_412] {strides = array<i32>} : memref<80x16xf32, #tpu.memory_space<vmem>>, vector<1x16xf32>,
    %swap3A_414 = vector.shape_cast %swap3A_413 : vector<1x16xf32> to vector<16xf32>
    %swap3A_415 = vector.shape_cast %broadcast_in_dim3A_409 : vector<16xf32> to vector<1x16xf32>
    tpu.vector_store %arg11[%swap3A_411, %swap3A_412], %swap3A_415 {strides = array<i32>} : memref<80x16xf32, #tpu.memory_space<vmem>>, vector<1x16xf32>,
    %broadcast_in_dim3A_416 = arith.constant 1.000000e+00 : f32
    %broadcast_in_dim3A_417 = vector.broadcast %broadcast_in_dim3A_416 : f32 to vector<16xf32>
    %swap3A_418 = arith.constant 52 : i32
    %swap3A_419 = arith.index_cast %swap3A_418 : i32 to index
    %swap3A_420 = arith.constant 0 : index
    %swap3A_421 = tpu.vector_load %arg11[%swap3A_419, %swap3A_420] {strides = array<i32>} : memref<80x16xf32, #tpu.memory_space<vmem>>, vector<1x16xf32>,
    %swap3A_422 = vector.shape_cast %swap3A_421 : vector<1x16xf32> to vector<16xf32>
    %swap3A_423 = vector.shape_cast %broadcast_in_dim3A_417 : vector<16xf32> to vector<1x16xf32>
    tpu.vector_store %arg11[%swap3A_419, %swap3A_420], %swap3A_423 {strides = array<i32>} : memref<80x16xf32, #tpu.memory_space<vmem>>, vector<1x16xf32>,
    %broadcast_in_dim3A_424 = arith.constant 1.000000e+00 : f32
    %broadcast_in_dim3A_425 = vector.broadcast %broadcast_in_dim3A_424 : f32 to vector<16xf32>
    %swap3A_426 = arith.constant 53 : i32
    %swap3A_427 = arith.index_cast %swap3A_426 : i32 to index
    %swap3A_428 = arith.constant 0 : index
    %swap3A_429 = tpu.vector_load %arg11[%swap3A_427, %swap3A_428] {strides = array<i32>} : memref<80x16xf32, #tpu.memory_space<vmem>>, vector<1x16xf32>,
    %swap3A_430 = vector.shape_cast %swap3A_429 : vector<1x16xf32> to vector<16xf32>
    %swap3A_431 = vector.shape_cast %broadcast_in_dim3A_425 : vector<16xf32> to vector<1x16xf32>
    tpu.vector_store %arg11[%swap3A_427, %swap3A_428], %swap3A_431 {strides = array<i32>} : memref<80x16xf32, #tpu.memory_space<vmem>>, vector<1x16xf32>,
    %broadcast_in_dim3A_432 = arith.constant 1.000000e+00 : f32
    %broadcast_in_dim3A_433 = vector.broadcast %broadcast_in_dim3A_432 : f32 to vector<16xf32>
    %swap3A_434 = arith.constant 54 : i32
    %swap3A_435 = arith.index_cast %swap3A_434 : i32 to index
    %swap3A_436 = arith.constant 0 : index
    %swap3A_437 = tpu.vector_load %arg11[%swap3A_435, %swap3A_436] {strides = array<i32>} : memref<80x16xf32, #tpu.memory_space<vmem>>, vector<1x16xf32>,
    %swap3A_438 = vector.shape_cast %swap3A_437 : vector<1x16xf32> to vector<16xf32>
    %swap3A_439 = vector.shape_cast %broadcast_in_dim3A_433 : vector<16xf32> to vector<1x16xf32>
    tpu.vector_store %arg11[%swap3A_435, %swap3A_436], %swap3A_439 {strides = array<i32>} : memref<80x16xf32, #tpu.memory_space<vmem>>, vector<1x16xf32>,
    %broadcast_in_dim3A_440 = arith.constant 1.000000e+00 : f32
    %broadcast_in_dim3A_441 = vector.broadcast %broadcast_in_dim3A_440 : f32 to vector<16xf32>
    %swap3A_442 = arith.constant 55 : i32
    %swap3A_443 = arith.index_cast %swap3A_442 : i32 to index
    %swap3A_444 = arith.constant 0 : index
    %swap3A_445 = tpu.vector_load %arg11[%swap3A_443, %swap3A_444] {strides = array<i32>} : memref<80x16xf32, #tpu.memory_space<vmem>>, vector<1x16xf32>,
    %swap3A_446 = vector.shape_cast %swap3A_445 : vector<1x16xf32> to vector<16xf32>
    %swap3A_447 = vector.shape_cast %broadcast_in_dim3A_441 : vector<16xf32> to vector<1x16xf32>
    tpu.vector_store %arg11[%swap3A_443, %swap3A_444], %swap3A_447 {strides = array<i32>} : memref<80x16xf32, #tpu.memory_space<vmem>>, vector<1x16xf32>,
    %broadcast_in_dim3A_448 = arith.constant 1.000000e+00 : f32
    %broadcast_in_dim3A_449 = vector.broadcast %broadcast_in_dim3A_448 : f32 to vector<16xf32>
    %swap3A_450 = arith.constant 56 : i32
    %swap3A_451 = arith.index_cast %swap3A_450 : i32 to index
    %swap3A_452 = arith.constant 0 : index
    %swap3A_453 = tpu.vector_load %arg11[%swap3A_451, %swap3A_452] {strides = array<i32>} : memref<80x16xf32, #tpu.memory_space<vmem>>, vector<1x16xf32>,
    %swap3A_454 = vector.shape_cast %swap3A_453 : vector<1x16xf32> to vector<16xf32>
    %swap3A_455 = vector.shape_cast %broadcast_in_dim3A_449 : vector<16xf32> to vector<1x16xf32>
    tpu.vector_store %arg11[%swap3A_451, %swap3A_452], %swap3A_455 {strides = array<i32>} : memref<80x16xf32, #tpu.memory_space<vmem>>, vector<1x16xf32>,
    %broadcast_in_dim3A_456 = arith.constant 1.000000e+00 : f32
    %broadcast_in_dim3A_457 = vector.broadcast %broadcast_in_dim3A_456 : f32 to vector<16xf32>
    %swap3A_458 = arith.constant 57 : i32
    %swap3A_459 = arith.index_cast %swap3A_458 : i32 to index
    %swap3A_460 = arith.constant 0 : index
    %swap3A_461 = tpu.vector_load %arg11[%swap3A_459, %swap3A_460] {strides = array<i32>} : memref<80x16xf32, #tpu.memory_space<vmem>>, vector<1x16xf32>,
    %swap3A_462 = vector.shape_cast %swap3A_461 : vector<1x16xf32> to vector<16xf32>
    %swap3A_463 = vector.shape_cast %broadcast_in_dim3A_457 : vector<16xf32> to vector<1x16xf32>
    tpu.vector_store %arg11[%swap3A_459, %swap3A_460], %swap3A_463 {strides = array<i32>} : memref<80x16xf32, #tpu.memory_space<vmem>>, vector<1x16xf32>,
    %broadcast_in_dim3A_464 = arith.constant 1.000000e+00 : f32
    %broadcast_in_dim3A_465 = vector.broadcast %broadcast_in_dim3A_464 : f32 to vector<16xf32>
    %swap3A_466 = arith.constant 58 : i32
    %swap3A_467 = arith.index_cast %swap3A_466 : i32 to index
    %swap3A_468 = arith.constant 0 : index
    %swap3A_469 = tpu.vector_load %arg11[%swap3A_467, %swap3A_468] {strides = array<i32>} : memref<80x16xf32, #tpu.memory_space<vmem>>, vector<1x16xf32>,
    %swap3A_470 = vector.shape_cast %swap3A_469 : vector<1x16xf32> to vector<16xf32>
    %swap3A_471 = vector.shape_cast %broadcast_in_dim3A_465 : vector<16xf32> to vector<1x16xf32>
    tpu.vector_store %arg11[%swap3A_467, %swap3A_468], %swap3A_471 {strides = array<i32>} : memref<80x16xf32, #tpu.memory_space<vmem>>, vector<1x16xf32>,
    %broadcast_in_dim3A_472 = arith.constant 1.000000e+00 : f32
    %broadcast_in_dim3A_473 = vector.broadcast %broadcast_in_dim3A_472 : f32 to vector<16xf32>
    %swap3A_474 = arith.constant 59 : i32
    %swap3A_475 = arith.index_cast %swap3A_474 : i32 to index
    %swap3A_476 = arith.constant 0 : index
    %swap3A_477 = tpu.vector_load %arg11[%swap3A_475, %swap3A_476] {strides = array<i32>} : memref<80x16xf32, #tpu.memory_space<vmem>>, vector<1x16xf32>,
    %swap3A_478 = vector.shape_cast %swap3A_477 : vector<1x16xf32> to vector<16xf32>
    %swap3A_479 = vector.shape_cast %broadcast_in_dim3A_473 : vector<16xf32> to vector<1x16xf32>
    tpu.vector_store %arg11[%swap3A_475, %swap3A_476], %swap3A_479 {strides = array<i32>} : memref<80x16xf32, #tpu.memory_space<vmem>>, vector<1x16xf32>,
    %broadcast_in_dim3A_480 = arith.constant 1.000000e+00 : f32
    %broadcast_in_dim3A_481 = vector.broadcast %broadcast_in_dim3A_480 : f32 to vector<16xf32>
    %swap3A_482 = arith.constant 60 : i32
    %swap3A_483 = arith.index_cast %swap3A_482 : i32 to index
    %swap3A_484 = arith.constant 0 : index
    %swap3A_485 = tpu.vector_load %arg11[%swap3A_483, %swap3A_484] {strides = array<i32>} : memref<80x16xf32, #tpu.memory_space<vmem>>, vector<1x16xf32>,
    %swap3A_486 = vector.shape_cast %swap3A_485 : vector<1x16xf32> to vector<16xf32>
    %swap3A_487 = vector.shape_cast %broadcast_in_dim3A_481 : vector<16xf32> to vector<1x16xf32>
    tpu.vector_store %arg11[%swap3A_483, %swap3A_484], %swap3A_487 {strides = array<i32>} : memref<80x16xf32, #tpu.memory_space<vmem>>, vector<1x16xf32>,
    %broadcast_in_dim3A_488 = arith.constant 1.000000e+00 : f32
    %broadcast_in_dim3A_489 = vector.broadcast %broadcast_in_dim3A_488 : f32 to vector<16xf32>
    %swap3A_490 = arith.constant 61 : i32
    %swap3A_491 = arith.index_cast %swap3A_490 : i32 to index
    %swap3A_492 = arith.constant 0 : index
    %swap3A_493 = tpu.vector_load %arg11[%swap3A_491, %swap3A_492] {strides = array<i32>} : memref<80x16xf32, #tpu.memory_space<vmem>>, vector<1x16xf32>,
    %swap3A_494 = vector.shape_cast %swap3A_493 : vector<1x16xf32> to vector<16xf32>
    %swap3A_495 = vector.shape_cast %broadcast_in_dim3A_489 : vector<16xf32> to vector<1x16xf32>
    tpu.vector_store %arg11[%swap3A_491, %swap3A_492], %swap3A_495 {strides = array<i32>} : memref<80x16xf32, #tpu.memory_space<vmem>>, vector<1x16xf32>,
    %broadcast_in_dim3A_496 = arith.constant 1.000000e+00 : f32
    %broadcast_in_dim3A_497 = vector.broadcast %broadcast_in_dim3A_496 : f32 to vector<16xf32>
    %swap3A_498 = arith.constant 62 : i32
    %swap3A_499 = arith.index_cast %swap3A_498 : i32 to index
    %swap3A_500 = arith.constant 0 : index
    %swap3A_501 = tpu.vector_load %arg11[%swap3A_499, %swap3A_500] {strides = array<i32>} : memref<80x16xf32, #tpu.memory_space<vmem>>, vector<1x16xf32>,
    %swap3A_502 = vector.shape_cast %swap3A_501 : vector<1x16xf32> to vector<16xf32>
    %swap3A_503 = vector.shape_cast %broadcast_in_dim3A_497 : vector<16xf32> to vector<1x16xf32>
    tpu.vector_store %arg11[%swap3A_499, %swap3A_500], %swap3A_503 {strides = array<i32>} : memref<80x16xf32, #tpu.memory_space<vmem>>, vector<1x16xf32>,
    %broadcast_in_dim3A_504 = arith.constant 1.000000e+00 : f32
    %broadcast_in_dim3A_505 = vector.broadcast %broadcast_in_dim3A_504 : f32 to vector<16xf32>
    %swap3A_506 = arith.constant 63 : i32
    %swap3A_507 = arith.index_cast %swap3A_506 : i32 to index
    %swap3A_508 = arith.constant 0 : index
    %swap3A_509 = tpu.vector_load %arg11[%swap3A_507, %swap3A_508] {strides = array<i32>} : memref<80x16xf32, #tpu.memory_space<vmem>>, vector<1x16xf32>,
    %swap3A_510 = vector.shape_cast %swap3A_509 : vector<1x16xf32> to vector<16xf32>
    %swap3A_511 = vector.shape_cast %broadcast_in_dim3A_505 : vector<16xf32> to vector<1x16xf32>
    tpu.vector_store %arg11[%swap3A_507, %swap3A_508], %swap3A_511 {strides = array<i32>} : memref<80x16xf32, #tpu.memory_space<vmem>>, vector<1x16xf32>,
    %broadcast_in_dim3A_512 = arith.constant 1.000000e+00 : f32
    %broadcast_in_dim3A_513 = vector.broadcast %broadcast_in_dim3A_512 : f32 to vector<16xf32>
    %swap3A_514 = arith.constant 64 : i32
    %swap3A_515 = arith.index_cast %swap3A_514 : i32 to index
    %swap3A_516 = arith.constant 0 : index
    %swap3A_517 = tpu.vector_load %arg11[%swap3A_515, %swap3A_516] {strides = array<i32>} : memref<80x16xf32, #tpu.memory_space<vmem>>, vector<1x16xf32>,
    %swap3A_518 = vector.shape_cast %swap3A_517 : vector<1x16xf32> to vector<16xf32>
    %swap3A_519 = vector.shape_cast %broadcast_in_dim3A_513 : vector<16xf32> to vector<1x16xf32>
    tpu.vector_store %arg11[%swap3A_515, %swap3A_516], %swap3A_519 {strides = array<i32>} : memref<80x16xf32, #tpu.memory_space<vmem>>, vector<1x16xf32>,
    %broadcast_in_dim3A_520 = arith.constant 1.000000e+00 : f32
    %broadcast_in_dim3A_521 = vector.broadcast %broadcast_in_dim3A_520 : f32 to vector<16xf32>
    %swap3A_522 = arith.constant 65 : i32
    %swap3A_523 = arith.index_cast %swap3A_522 : i32 to index
    %swap3A_524 = arith.constant 0 : index
    %swap3A_525 = tpu.vector_load %arg11[%swap3A_523, %swap3A_524] {strides = array<i32>} : memref<80x16xf32, #tpu.memory_space<vmem>>, vector<1x16xf32>,
    %swap3A_526 = vector.shape_cast %swap3A_525 : vector<1x16xf32> to vector<16xf32>
    %swap3A_527 = vector.shape_cast %broadcast_in_dim3A_521 : vector<16xf32> to vector<1x16xf32>
    tpu.vector_store %arg11[%swap3A_523, %swap3A_524], %swap3A_527 {strides = array<i32>} : memref<80x16xf32, #tpu.memory_space<vmem>>, vector<1x16xf32>,
    %broadcast_in_dim3A_528 = arith.constant 1.000000e+00 : f32
    %broadcast_in_dim3A_529 = vector.broadcast %broadcast_in_dim3A_528 : f32 to vector<16xf32>
    %swap3A_530 = arith.constant 66 : i32
    %swap3A_531 = arith.index_cast %swap3A_530 : i32 to index
    %swap3A_532 = arith.constant 0 : index
    %swap3A_533 = tpu.vector_load %arg11[%swap3A_531, %swap3A_532] {strides = array<i32>} : memref<80x16xf32, #tpu.memory_space<vmem>>, vector<1x16xf32>,
    %swap3A_534 = vector.shape_cast %swap3A_533 : vector<1x16xf32> to vector<16xf32>
    %swap3A_535 = vector.shape_cast %broadcast_in_dim3A_529 : vector<16xf32> to vector<1x16xf32>
    tpu.vector_store %arg11[%swap3A_531, %swap3A_532], %swap3A_535 {strides = array<i32>} : memref<80x16xf32, #tpu.memory_space<vmem>>, vector<1x16xf32>,
    %broadcast_in_dim3A_536 = arith.constant 1.000000e+00 : f32
    %broadcast_in_dim3A_537 = vector.broadcast %broadcast_in_dim3A_536 : f32 to vector<16xf32>
    %swap3A_538 = arith.constant 67 : i32
    %swap3A_539 = arith.index_cast %swap3A_538 : i32 to index
    %swap3A_540 = arith.constant 0 : index
    %swap3A_541 = tpu.vector_load %arg11[%swap3A_539, %swap3A_540] {strides = array<i32>} : memref<80x16xf32, #tpu.memory_space<vmem>>, vector<1x16xf32>,
    %swap3A_542 = vector.shape_cast %swap3A_541 : vector<1x16xf32> to vector<16xf32>
    %swap3A_543 = vector.shape_cast %broadcast_in_dim3A_537 : vector<16xf32> to vector<1x16xf32>
    tpu.vector_store %arg11[%swap3A_539, %swap3A_540], %swap3A_543 {strides = array<i32>} : memref<80x16xf32, #tpu.memory_space<vmem>>, vector<1x16xf32>,
    %broadcast_in_dim3A_544 = arith.constant 1.000000e+00 : f32
    %broadcast_in_dim3A_545 = vector.broadcast %broadcast_in_dim3A_544 : f32 to vector<16xf32>
    %swap3A_546 = arith.constant 68 : i32
    %swap3A_547 = arith.index_cast %swap3A_546 : i32 to index
    %swap3A_548 = arith.constant 0 : index
    %swap3A_549 = tpu.vector_load %arg11[%swap3A_547, %swap3A_548] {strides = array<i32>} : memref<80x16xf32, #tpu.memory_space<vmem>>, vector<1x16xf32>,
    %swap3A_550 = vector.shape_cast %swap3A_549 : vector<1x16xf32> to vector<16xf32>
    %swap3A_551 = vector.shape_cast %broadcast_in_dim3A_545 : vector<16xf32> to vector<1x16xf32>
    tpu.vector_store %arg11[%swap3A_547, %swap3A_548], %swap3A_551 {strides = array<i32>} : memref<80x16xf32, #tpu.memory_space<vmem>>, vector<1x16xf32>,
    %broadcast_in_dim3A_552 = arith.constant 1.000000e+00 : f32
    %broadcast_in_dim3A_553 = vector.broadcast %broadcast_in_dim3A_552 : f32 to vector<16xf32>
    %swap3A_554 = arith.constant 69 : i32
    %swap3A_555 = arith.index_cast %swap3A_554 : i32 to index
    %swap3A_556 = arith.constant 0 : index
    %swap3A_557 = tpu.vector_load %arg11[%swap3A_555, %swap3A_556] {strides = array<i32>} : memref<80x16xf32, #tpu.memory_space<vmem>>, vector<1x16xf32>,
    %swap3A_558 = vector.shape_cast %swap3A_557 : vector<1x16xf32> to vector<16xf32>
    %swap3A_559 = vector.shape_cast %broadcast_in_dim3A_553 : vector<16xf32> to vector<1x16xf32>
    tpu.vector_store %arg11[%swap3A_555, %swap3A_556], %swap3A_559 {strides = array<i32>} : memref<80x16xf32, #tpu.memory_space<vmem>>, vector<1x16xf32>,
    %broadcast_in_dim3A_560 = arith.constant 1.000000e+00 : f32
    %broadcast_in_dim3A_561 = vector.broadcast %broadcast_in_dim3A_560 : f32 to vector<16xf32>
    %swap3A_562 = arith.constant 70 : i32
    %swap3A_563 = arith.index_cast %swap3A_562 : i32 to index
    %swap3A_564 = arith.constant 0 : index
    %swap3A_565 = tpu.vector_load %arg11[%swap3A_563, %swap3A_564] {strides = array<i32>} : memref<80x16xf32, #tpu.memory_space<vmem>>, vector<1x16xf32>,
    %swap3A_566 = vector.shape_cast %swap3A_565 : vector<1x16xf32> to vector<16xf32>
    %swap3A_567 = vector.shape_cast %broadcast_in_dim3A_561 : vector<16xf32> to vector<1x16xf32>
    tpu.vector_store %arg11[%swap3A_563, %swap3A_564], %swap3A_567 {strides = array<i32>} : memref<80x16xf32, #tpu.memory_space<vmem>>, vector<1x16xf32>,
    %broadcast_in_dim3A_568 = arith.constant 1.000000e+00 : f32
    %broadcast_in_dim3A_569 = vector.broadcast %broadcast_in_dim3A_568 : f32 to vector<16xf32>
    %swap3A_570 = arith.constant 71 : i32
    %swap3A_571 = arith.index_cast %swap3A_570 : i32 to index
    %swap3A_572 = arith.constant 0 : index
    %swap3A_573 = tpu.vector_load %arg11[%swap3A_571, %swap3A_572] {strides = array<i32>} : memref<80x16xf32, #tpu.memory_space<vmem>>, vector<1x16xf32>,
    %swap3A_574 = vector.shape_cast %swap3A_573 : vector<1x16xf32> to vector<16xf32>
    %swap3A_575 = vector.shape_cast %broadcast_in_dim3A_569 : vector<16xf32> to vector<1x16xf32>
    tpu.vector_store %arg11[%swap3A_571, %swap3A_572], %swap3A_575 {strides = array<i32>} : memref<80x16xf32, #tpu.memory_space<vmem>>, vector<1x16xf32>,
    %broadcast_in_dim3A_576 = arith.constant 1.000000e+00 : f32
    %broadcast_in_dim3A_577 = vector.broadcast %broadcast_in_dim3A_576 : f32 to vector<16xf32>
    %swap3A_578 = arith.constant 72 : i32
    %swap3A_579 = arith.index_cast %swap3A_578 : i32 to index
    %swap3A_580 = arith.constant 0 : index
    %swap3A_581 = tpu.vector_load %arg11[%swap3A_579, %swap3A_580] {strides = array<i32>} : memref<80x16xf32, #tpu.memory_space<vmem>>, vector<1x16xf32>,
    %swap3A_582 = vector.shape_cast %swap3A_581 : vector<1x16xf32> to vector<16xf32>
    %swap3A_583 = vector.shape_cast %broadcast_in_dim3A_577 : vector<16xf32> to vector<1x16xf32>
    tpu.vector_store %arg11[%swap3A_579, %swap3A_580], %swap3A_583 {strides = array<i32>} : memref<80x16xf32, #tpu.memory_space<vmem>>, vector<1x16xf32>,
    %broadcast_in_dim3A_584 = arith.constant 1.000000e+00 : f32
    %broadcast_in_dim3A_585 = vector.broadcast %broadcast_in_dim3A_584 : f32 to vector<16xf32>
    %swap3A_586 = arith.constant 73 : i32
    %swap3A_587 = arith.index_cast %swap3A_586 : i32 to index
    %swap3A_588 = arith.constant 0 : index
    %swap3A_589 = tpu.vector_load %arg11[%swap3A_587, %swap3A_588] {strides = array<i32>} : memref<80x16xf32, #tpu.memory_space<vmem>>, vector<1x16xf32>,
    %swap3A_590 = vector.shape_cast %swap3A_589 : vector<1x16xf32> to vector<16xf32>
    %swap3A_591 = vector.shape_cast %broadcast_in_dim3A_585 : vector<16xf32> to vector<1x16xf32>
    tpu.vector_store %arg11[%swap3A_587, %swap3A_588], %swap3A_591 {strides = array<i32>} : memref<80x16xf32, #tpu.memory_space<vmem>>, vector<1x16xf32>,
    %broadcast_in_dim3A_592 = arith.constant 1.000000e+00 : f32
    %broadcast_in_dim3A_593 = vector.broadcast %broadcast_in_dim3A_592 : f32 to vector<16xf32>
    %swap3A_594 = arith.constant 74 : i32
    %swap3A_595 = arith.index_cast %swap3A_594 : i32 to index
    %swap3A_596 = arith.constant 0 : index
    %swap3A_597 = tpu.vector_load %arg11[%swap3A_595, %swap3A_596] {strides = array<i32>} : memref<80x16xf32, #tpu.memory_space<vmem>>, vector<1x16xf32>,
    %swap3A_598 = vector.shape_cast %swap3A_597 : vector<1x16xf32> to vector<16xf32>
    %swap3A_599 = vector.shape_cast %broadcast_in_dim3A_593 : vector<16xf32> to vector<1x16xf32>
    tpu.vector_store %arg11[%swap3A_595, %swap3A_596], %swap3A_599 {strides = array<i32>} : memref<80x16xf32, #tpu.memory_space<vmem>>, vector<1x16xf32>,
    %broadcast_in_dim3A_600 = arith.constant 1.000000e+00 : f32
    %broadcast_in_dim3A_601 = vector.broadcast %broadcast_in_dim3A_600 : f32 to vector<16xf32>
    %swap3A_602 = arith.constant 75 : i32
    %swap3A_603 = arith.index_cast %swap3A_602 : i32 to index
    %swap3A_604 = arith.constant 0 : index
    %swap3A_605 = tpu.vector_load %arg11[%swap3A_603, %swap3A_604] {strides = array<i32>} : memref<80x16xf32, #tpu.memory_space<vmem>>, vector<1x16xf32>,
    %swap3A_606 = vector.shape_cast %swap3A_605 : vector<1x16xf32> to vector<16xf32>
    %swap3A_607 = vector.shape_cast %broadcast_in_dim3A_601 : vector<16xf32> to vector<1x16xf32>
    tpu.vector_store %arg11[%swap3A_603, %swap3A_604], %swap3A_607 {strides = array<i32>} : memref<80x16xf32, #tpu.memory_space<vmem>>, vector<1x16xf32>,
    %broadcast_in_dim3A_608 = arith.constant 1.000000e+00 : f32
    %broadcast_in_dim3A_609 = vector.broadcast %broadcast_in_dim3A_608 : f32 to vector<16xf32>
    %swap3A_610 = arith.constant 76 : i32
    %swap3A_611 = arith.index_cast %swap3A_610 : i32 to index
    %swap3A_612 = arith.constant 0 : index
    %swap3A_613 = tpu.vector_load %arg11[%swap3A_611, %swap3A_612] {strides = array<i32>} : memref<80x16xf32, #tpu.memory_space<vmem>>, vector<1x16xf32>,
    %swap3A_614 = vector.shape_cast %swap3A_613 : vector<1x16xf32> to vector<16xf32>
    %swap3A_615 = vector.shape_cast %broadcast_in_dim3A_609 : vector<16xf32> to vector<1x16xf32>
    tpu.vector_store %arg11[%swap3A_611, %swap3A_612], %swap3A_615 {strides = array<i32>} : memref<80x16xf32, #tpu.memory_space<vmem>>, vector<1x16xf32>,
    %broadcast_in_dim3A_616 = arith.constant 1.000000e+00 : f32
    %broadcast_in_dim3A_617 = vector.broadcast %broadcast_in_dim3A_616 : f32 to vector<16xf32>
    %swap3A_618 = arith.constant 77 : i32
    %swap3A_619 = arith.index_cast %swap3A_618 : i32 to index
    %swap3A_620 = arith.constant 0 : index
    %swap3A_621 = tpu.vector_load %arg11[%swap3A_619, %swap3A_620] {strides = array<i32>} : memref<80x16xf32, #tpu.memory_space<vmem>>, vector<1x16xf32>,
    %swap3A_622 = vector.shape_cast %swap3A_621 : vector<1x16xf32> to vector<16xf32>
    %swap3A_623 = vector.shape_cast %broadcast_in_dim3A_617 : vector<16xf32> to vector<1x16xf32>
    tpu.vector_store %arg11[%swap3A_619, %swap3A_620], %swap3A_623 {strides = array<i32>} : memref<80x16xf32, #tpu.memory_space<vmem>>, vector<1x16xf32>,
    %broadcast_in_dim3A_624 = arith.constant 1.000000e+00 : f32
    %broadcast_in_dim3A_625 = vector.broadcast %broadcast_in_dim3A_624 : f32 to vector<16xf32>
    %swap3A_626 = arith.constant 78 : i32
    %swap3A_627 = arith.index_cast %swap3A_626 : i32 to index
    %swap3A_628 = arith.constant 0 : index
    %swap3A_629 = tpu.vector_load %arg11[%swap3A_627, %swap3A_628] {strides = array<i32>} : memref<80x16xf32, #tpu.memory_space<vmem>>, vector<1x16xf32>,
    %swap3A_630 = vector.shape_cast %swap3A_629 : vector<1x16xf32> to vector<16xf32>
    %swap3A_631 = vector.shape_cast %broadcast_in_dim3A_625 : vector<16xf32> to vector<1x16xf32>
    tpu.vector_store %arg11[%swap3A_627, %swap3A_628], %swap3A_631 {strides = array<i32>} : memref<80x16xf32, #tpu.memory_space<vmem>>, vector<1x16xf32>,
    %broadcast_in_dim3A_632 = arith.constant 1.000000e+00 : f32
    %broadcast_in_dim3A_633 = vector.broadcast %broadcast_in_dim3A_632 : f32 to vector<16xf32>
    %swap3A_634 = arith.constant 79 : i32
    %swap3A_635 = arith.index_cast %swap3A_634 : i32 to index
    %swap3A_636 = arith.constant 0 : index
    %swap3A_637 = tpu.vector_load %arg11[%swap3A_635, %swap3A_636] {strides = array<i32>} : memref<80x16xf32, #tpu.memory_space<vmem>>, vector<1x16xf32>,
    %swap3A_638 = vector.shape_cast %swap3A_637 : vector<1x16xf32> to vector<16xf32>
    %swap3A_639 = vector.shape_cast %broadcast_in_dim3A_633 : vector<16xf32> to vector<1x16xf32>
    tpu.vector_store %arg11[%swap3A_635, %swap3A_636], %swap3A_639 {strides = array<i32>} : memref<80x16xf32, #tpu.memory_space<vmem>>, vector<1x16xf32>,
    %eq3A = arith.constant 1 : i32
    %eq3A_640 = arith.cmpi eq, %arg0, %eq3A : i32
    %convert_element_type3A = arith.extui %eq3A_640 : i1 to i32
    %cond3A = arith.constant 0 : i32
    %cond3A_641 = arith.cmpi ne, %convert_element_type3A, %cond3A : i32
    scf.if %cond3A_641 {
      %broadcast_in_dim3A_668 = arith.constant 0.000000e+00 : f32
      %broadcast_in_dim3A_669 = vector.broadcast %broadcast_in_dim3A_668 : f32 to vector<16xf32>
      %swap3A_670 = arith.constant 0 : i32
      %swap3A_671 = arith.index_cast %swap3A_670 : i32 to index
      %swap3A_672 = arith.constant 0 : index
      %swap3A_673 = tpu.vector_load %arg12[%swap3A_671, %swap3A_672] {strides = array<i32>} : memref<128x16xf32, #tpu.memory_space<vmem>>, vector<1x16xf32>,
      %swap3A_674 = vector.shape_cast %swap3A_673 : vector<1x16xf32> to vector<16xf32>
      %swap3A_675 = vector.shape_cast %broadcast_in_dim3A_669 : vector<16xf32> to vector<1x16xf32>
      tpu.vector_store %arg12[%swap3A_671, %swap3A_672], %swap3A_675 {strides = array<i32>} : memref<128x16xf32, #tpu.memory_space<vmem>>, vector<1x16xf32>,
      %broadcast_in_dim3A_676 = arith.constant 0.000000e+00 : f32
      %broadcast_in_dim3A_677 = vector.broadcast %broadcast_in_dim3A_676 : f32 to vector<16xf32>
      %swap3A_678 = arith.constant 1 : i32
      %swap3A_679 = arith.index_cast %swap3A_678 : i32 to index
      %swap3A_680 = arith.constant 0 : index
      %swap3A_681 = tpu.vector_load %arg12[%swap3A_679, %swap3A_680] {strides = array<i32>} : memref<128x16xf32, #tpu.memory_space<vmem>>, vector<1x16xf32>,
      %swap3A_682 = vector.shape_cast %swap3A_681 : vector<1x16xf32> to vector<16xf32>
      %swap3A_683 = vector.shape_cast %broadcast_in_dim3A_677 : vector<16xf32> to vector<1x16xf32>
      tpu.vector_store %arg12[%swap3A_679, %swap3A_680], %swap3A_683 {strides = array<i32>} : memref<128x16xf32, #tpu.memory_space<vmem>>, vector<1x16xf32>,
      %broadcast_in_dim3A_684 = arith.constant 0.000000e+00 : f32
      %broadcast_in_dim3A_685 = vector.broadcast %broadcast_in_dim3A_684 : f32 to vector<16xf32>
      %swap3A_686 = arith.constant 2 : i32
      %swap3A_687 = arith.index_cast %swap3A_686 : i32 to index
      %swap3A_688 = arith.constant 0 : index
      %swap3A_689 = tpu.vector_load %arg12[%swap3A_687, %swap3A_688] {strides = array<i32>} : memref<128x16xf32, #tpu.memory_space<vmem>>, vector<1x16xf32>,
      %swap3A_690 = vector.shape_cast %swap3A_689 : vector<1x16xf32> to vector<16xf32>
      %swap3A_691 = vector.shape_cast %broadcast_in_dim3A_685 : vector<16xf32> to vector<1x16xf32>
      tpu.vector_store %arg12[%swap3A_687, %swap3A_688], %swap3A_691 {strides = array<i32>} : memref<128x16xf32, #tpu.memory_space<vmem>>, vector<1x16xf32>,
      %broadcast_in_dim3A_692 = arith.constant 0.000000e+00 : f32
      %broadcast_in_dim3A_693 = vector.broadcast %broadcast_in_dim3A_692 : f32 to vector<16xf32>
      %swap3A_694 = arith.constant 3 : i32
      %swap3A_695 = arith.index_cast %swap3A_694 : i32 to index
      %swap3A_696 = arith.constant 0 : index
      %swap3A_697 = tpu.vector_load %arg12[%swap3A_695, %swap3A_696] {strides = array<i32>} : memref<128x16xf32, #tpu.memory_space<vmem>>, vector<1x16xf32>,
      %swap3A_698 = vector.shape_cast %swap3A_697 : vector<1x16xf32> to vector<16xf32>
      %swap3A_699 = vector.shape_cast %broadcast_in_dim3A_693 : vector<16xf32> to vector<1x16xf32>
      tpu.vector_store %arg12[%swap3A_695, %swap3A_696], %swap3A_699 {strides = array<i32>} : memref<128x16xf32, #tpu.memory_space<vmem>>, vector<1x16xf32>,
      %broadcast_in_dim3A_700 = arith.constant 0.000000e+00 : f32
      %broadcast_in_dim3A_701 = vector.broadcast %broadcast_in_dim3A_700 : f32 to vector<16xf32>
      %swap3A_702 = arith.constant 4 : i32
      %swap3A_703 = arith.index_cast %swap3A_702 : i32 to index
      %swap3A_704 = arith.constant 0 : index
      %swap3A_705 = tpu.vector_load %arg12[%swap3A_703, %swap3A_704] {strides = array<i32>} : memref<128x16xf32, #tpu.memory_space<vmem>>, vector<1x16xf32>,
      %swap3A_706 = vector.shape_cast %swap3A_705 : vector<1x16xf32> to vector<16xf32>
      %swap3A_707 = vector.shape_cast %broadcast_in_dim3A_701 : vector<16xf32> to vector<1x16xf32>
      tpu.vector_store %arg12[%swap3A_703, %swap3A_704], %swap3A_707 {strides = array<i32>} : memref<128x16xf32, #tpu.memory_space<vmem>>, vector<1x16xf32>,
      %broadcast_in_dim3A_708 = arith.constant 0.000000e+00 : f32
      %broadcast_in_dim3A_709 = vector.broadcast %broadcast_in_dim3A_708 : f32 to vector<16xf32>
      %swap3A_710 = arith.constant 5 : i32
      %swap3A_711 = arith.index_cast %swap3A_710 : i32 to index
      %swap3A_712 = arith.constant 0 : index
      %swap3A_713 = tpu.vector_load %arg12[%swap3A_711, %swap3A_712] {strides = array<i32>} : memref<128x16xf32, #tpu.memory_space<vmem>>, vector<1x16xf32>,
      %swap3A_714 = vector.shape_cast %swap3A_713 : vector<1x16xf32> to vector<16xf32>
      %swap3A_715 = vector.shape_cast %broadcast_in_dim3A_709 : vector<16xf32> to vector<1x16xf32>
      tpu.vector_store %arg12[%swap3A_711, %swap3A_712], %swap3A_715 {strides = array<i32>} : memref<128x16xf32, #tpu.memory_space<vmem>>, vector<1x16xf32>,
      %broadcast_in_dim3A_716 = arith.constant 0.000000e+00 : f32
      %broadcast_in_dim3A_717 = vector.broadcast %broadcast_in_dim3A_716 : f32 to vector<16xf32>
      %swap3A_718 = arith.constant 6 : i32
      %swap3A_719 = arith.index_cast %swap3A_718 : i32 to index
      %swap3A_720 = arith.constant 0 : index
      %swap3A_721 = tpu.vector_load %arg12[%swap3A_719, %swap3A_720] {strides = array<i32>} : memref<128x16xf32, #tpu.memory_space<vmem>>, vector<1x16xf32>,
      %swap3A_722 = vector.shape_cast %swap3A_721 : vector<1x16xf32> to vector<16xf32>
      %swap3A_723 = vector.shape_cast %broadcast_in_dim3A_717 : vector<16xf32> to vector<1x16xf32>
      tpu.vector_store %arg12[%swap3A_719, %swap3A_720], %swap3A_723 {strides = array<i32>} : memref<128x16xf32, #tpu.memory_space<vmem>>, vector<1x16xf32>,
      %broadcast_in_dim3A_724 = arith.constant 0.000000e+00 : f32
      %broadcast_in_dim3A_725 = vector.broadcast %broadcast_in_dim3A_724 : f32 to vector<16xf32>
      %swap3A_726 = arith.constant 7 : i32
      %swap3A_727 = arith.index_cast %swap3A_726 : i32 to index
      %swap3A_728 = arith.constant 0 : index
      %swap3A_729 = tpu.vector_load %arg12[%swap3A_727, %swap3A_728] {strides = array<i32>} : memref<128x16xf32, #tpu.memory_space<vmem>>, vector<1x16xf32>,
      %swap3A_730 = vector.shape_cast %swap3A_729 : vector<1x16xf32> to vector<16xf32>
      %swap3A_731 = vector.shape_cast %broadcast_in_dim3A_725 : vector<16xf32> to vector<1x16xf32>
      tpu.vector_store %arg12[%swap3A_727, %swap3A_728], %swap3A_731 {strides = array<i32>} : memref<128x16xf32, #tpu.memory_space<vmem>>, vector<1x16xf32>,
      %broadcast_in_dim3A_732 = arith.constant 0.000000e+00 : f32
      %broadcast_in_dim3A_733 = vector.broadcast %broadcast_in_dim3A_732 : f32 to vector<16xf32>
      %swap3A_734 = arith.constant 8 : i32
      %swap3A_735 = arith.index_cast %swap3A_734 : i32 to index
      %swap3A_736 = arith.constant 0 : index
      %swap3A_737 = tpu.vector_load %arg12[%swap3A_735, %swap3A_736] {strides = array<i32>} : memref<128x16xf32, #tpu.memory_space<vmem>>, vector<1x16xf32>,
      %swap3A_738 = vector.shape_cast %swap3A_737 : vector<1x16xf32> to vector<16xf32>
      %swap3A_739 = vector.shape_cast %broadcast_in_dim3A_733 : vector<16xf32> to vector<1x16xf32>
      tpu.vector_store %arg12[%swap3A_735, %swap3A_736], %swap3A_739 {strides = array<i32>} : memref<128x16xf32, #tpu.memory_space<vmem>>, vector<1x16xf32>,
      %broadcast_in_dim3A_740 = arith.constant 0.000000e+00 : f32
      %broadcast_in_dim3A_741 = vector.broadcast %broadcast_in_dim3A_740 : f32 to vector<16xf32>
      %swap3A_742 = arith.constant 9 : i32
      %swap3A_743 = arith.index_cast %swap3A_742 : i32 to index
      %swap3A_744 = arith.constant 0 : index
      %swap3A_745 = tpu.vector_load %arg12[%swap3A_743, %swap3A_744] {strides = array<i32>} : memref<128x16xf32, #tpu.memory_space<vmem>>, vector<1x16xf32>,
      %swap3A_746 = vector.shape_cast %swap3A_745 : vector<1x16xf32> to vector<16xf32>
      %swap3A_747 = vector.shape_cast %broadcast_in_dim3A_741 : vector<16xf32> to vector<1x16xf32>
      tpu.vector_store %arg12[%swap3A_743, %swap3A_744], %swap3A_747 {strides = array<i32>} : memref<128x16xf32, #tpu.memory_space<vmem>>, vector<1x16xf32>,
      %broadcast_in_dim3A_748 = arith.constant 0.000000e+00 : f32
      %broadcast_in_dim3A_749 = vector.broadcast %broadcast_in_dim3A_748 : f32 to vector<16xf32>
      %swap3A_750 = arith.constant 10 : i32
      %swap3A_751 = arith.index_cast %swap3A_750 : i32 to index
      %swap3A_752 = arith.constant 0 : index
      %swap3A_753 = tpu.vector_load %arg12[%swap3A_751, %swap3A_752] {strides = array<i32>} : memref<128x16xf32, #tpu.memory_space<vmem>>, vector<1x16xf32>,
      %swap3A_754 = vector.shape_cast %swap3A_753 : vector<1x16xf32> to vector<16xf32>
      %swap3A_755 = vector.shape_cast %broadcast_in_dim3A_749 : vector<16xf32> to vector<1x16xf32>
      tpu.vector_store %arg12[%swap3A_751, %swap3A_752], %swap3A_755 {strides = array<i32>} : memref<128x16xf32, #tpu.memory_space<vmem>>, vector<1x16xf32>,
      %broadcast_in_dim3A_756 = arith.constant 0.000000e+00 : f32
      %broadcast_in_dim3A_757 = vector.broadcast %broadcast_in_dim3A_756 : f32 to vector<16xf32>
      %swap3A_758 = arith.constant 11 : i32
      %swap3A_759 = arith.index_cast %swap3A_758 : i32 to index
      %swap3A_760 = arith.constant 0 : index
      %swap3A_761 = tpu.vector_load %arg12[%swap3A_759, %swap3A_760] {strides = array<i32>} : memref<128x16xf32, #tpu.memory_space<vmem>>, vector<1x16xf32>,
      %swap3A_762 = vector.shape_cast %swap3A_761 : vector<1x16xf32> to vector<16xf32>
      %swap3A_763 = vector.shape_cast %broadcast_in_dim3A_757 : vector<16xf32> to vector<1x16xf32>
      tpu.vector_store %arg12[%swap3A_759, %swap3A_760], %swap3A_763 {strides = array<i32>} : memref<128x16xf32, #tpu.memory_space<vmem>>, vector<1x16xf32>,
      %broadcast_in_dim3A_764 = arith.constant 0.000000e+00 : f32
      %broadcast_in_dim3A_765 = vector.broadcast %broadcast_in_dim3A_764 : f32 to vector<16xf32>
      %swap3A_766 = arith.constant 12 : i32
      %swap3A_767 = arith.index_cast %swap3A_766 : i32 to index
      %swap3A_768 = arith.constant 0 : index
      %swap3A_769 = tpu.vector_load %arg12[%swap3A_767, %swap3A_768] {strides = array<i32>} : memref<128x16xf32, #tpu.memory_space<vmem>>, vector<1x16xf32>,
      %swap3A_770 = vector.shape_cast %swap3A_769 : vector<1x16xf32> to vector<16xf32>
      %swap3A_771 = vector.shape_cast %broadcast_in_dim3A_765 : vector<16xf32> to vector<1x16xf32>
      tpu.vector_store %arg12[%swap3A_767, %swap3A_768], %swap3A_771 {strides = array<i32>} : memref<128x16xf32, #tpu.memory_space<vmem>>, vector<1x16xf32>,
      %broadcast_in_dim3A_772 = arith.constant 0.000000e+00 : f32
      %broadcast_in_dim3A_773 = vector.broadcast %broadcast_in_dim3A_772 : f32 to vector<16xf32>
      %swap3A_774 = arith.constant 13 : i32
      %swap3A_775 = arith.index_cast %swap3A_774 : i32 to index
      %swap3A_776 = arith.constant 0 : index
      %swap3A_777 = tpu.vector_load %arg12[%swap3A_775, %swap3A_776] {strides = array<i32>} : memref<128x16xf32, #tpu.memory_space<vmem>>, vector<1x16xf32>,
      %swap3A_778 = vector.shape_cast %swap3A_777 : vector<1x16xf32> to vector<16xf32>
      %swap3A_779 = vector.shape_cast %broadcast_in_dim3A_773 : vector<16xf32> to vector<1x16xf32>
      tpu.vector_store %arg12[%swap3A_775, %swap3A_776], %swap3A_779 {strides = array<i32>} : memref<128x16xf32, #tpu.memory_space<vmem>>, vector<1x16xf32>,
      %broadcast_in_dim3A_780 = arith.constant 0.000000e+00 : f32
      %broadcast_in_dim3A_781 = vector.broadcast %broadcast_in_dim3A_780 : f32 to vector<16xf32>
      %swap3A_782 = arith.constant 14 : i32
      %swap3A_783 = arith.index_cast %swap3A_782 : i32 to index
      %swap3A_784 = arith.constant 0 : index
      %swap3A_785 = tpu.vector_load %arg12[%swap3A_783, %swap3A_784] {strides = array<i32>} : memref<128x16xf32, #tpu.memory_space<vmem>>, vector<1x16xf32>,
      %swap3A_786 = vector.shape_cast %swap3A_785 : vector<1x16xf32> to vector<16xf32>
      %swap3A_787 = vector.shape_cast %broadcast_in_dim3A_781 : vector<16xf32> to vector<1x16xf32>
      tpu.vector_store %arg12[%swap3A_783, %swap3A_784], %swap3A_787 {strides = array<i32>} : memref<128x16xf32, #tpu.memory_space<vmem>>, vector<1x16xf32>,
      %broadcast_in_dim3A_788 = arith.constant 0.000000e+00 : f32
      %broadcast_in_dim3A_789 = vector.broadcast %broadcast_in_dim3A_788 : f32 to vector<16xf32>
      %swap3A_790 = arith.constant 15 : i32
      %swap3A_791 = arith.index_cast %swap3A_790 : i32 to index
      %swap3A_792 = arith.constant 0 : index
      %swap3A_793 = tpu.vector_load %arg12[%swap3A_791, %swap3A_792] {strides = array<i32>} : memref<128x16xf32, #tpu.memory_space<vmem>>, vector<1x16xf32>,
      %swap3A_794 = vector.shape_cast %swap3A_793 : vector<1x16xf32> to vector<16xf32>
      %swap3A_795 = vector.shape_cast %broadcast_in_dim3A_789 : vector<16xf32> to vector<1x16xf32>
      tpu.vector_store %arg12[%swap3A_791, %swap3A_792], %swap3A_795 {strides = array<i32>} : memref<128x16xf32, #tpu.memory_space<vmem>>, vector<1x16xf32>,
      %broadcast_in_dim3A_796 = arith.constant 0.000000e+00 : f32
      %broadcast_in_dim3A_797 = vector.broadcast %broadcast_in_dim3A_796 : f32 to vector<16xf32>
      %swap3A_798 = arith.constant 16 : i32
      %swap3A_799 = arith.index_cast %swap3A_798 : i32 to index
      %swap3A_800 = arith.constant 0 : index
      %swap3A_801 = tpu.vector_load %arg12[%swap3A_799, %swap3A_800] {strides = array<i32>} : memref<128x16xf32, #tpu.memory_space<vmem>>, vector<1x16xf32>,
      %swap3A_802 = vector.shape_cast %swap3A_801 : vector<1x16xf32> to vector<16xf32>
      %swap3A_803 = vector.shape_cast %broadcast_in_dim3A_797 : vector<16xf32> to vector<1x16xf32>
      tpu.vector_store %arg12[%swap3A_799, %swap3A_800], %swap3A_803 {strides = array<i32>} : memref<128x16xf32, #tpu.memory_space<vmem>>, vector<1x16xf32>,
      %broadcast_in_dim3A_804 = arith.constant 0.000000e+00 : f32
      %broadcast_in_dim3A_805 = vector.broadcast %broadcast_in_dim3A_804 : f32 to vector<16xf32>
      %swap3A_806 = arith.constant 17 : i32
      %swap3A_807 = arith.index_cast %swap3A_806 : i32 to index
      %swap3A_808 = arith.constant 0 : index
      %swap3A_809 = tpu.vector_load %arg12[%swap3A_807, %swap3A_808] {strides = array<i32>} : memref<128x16xf32, #tpu.memory_space<vmem>>, vector<1x16xf32>,
      %swap3A_810 = vector.shape_cast %swap3A_809 : vector<1x16xf32> to vector<16xf32>
      %swap3A_811 = vector.shape_cast %broadcast_in_dim3A_805 : vector<16xf32> to vector<1x16xf32>
      tpu.vector_store %arg12[%swap3A_807, %swap3A_808], %swap3A_811 {strides = array<i32>} : memref<128x16xf32, #tpu.memory_space<vmem>>, vector<1x16xf32>,
      %broadcast_in_dim3A_812 = arith.constant 0.000000e+00 : f32
      %broadcast_in_dim3A_813 = vector.broadcast %broadcast_in_dim3A_812 : f32 to vector<16xf32>
      %swap3A_814 = arith.constant 18 : i32
      %swap3A_815 = arith.index_cast %swap3A_814 : i32 to index
      %swap3A_816 = arith.constant 0 : index
      %swap3A_817 = tpu.vector_load %arg12[%swap3A_815, %swap3A_816] {strides = array<i32>} : memref<128x16xf32, #tpu.memory_space<vmem>>, vector<1x16xf32>,
      %swap3A_818 = vector.shape_cast %swap3A_817 : vector<1x16xf32> to vector<16xf32>
      %swap3A_819 = vector.shape_cast %broadcast_in_dim3A_813 : vector<16xf32> to vector<1x16xf32>
      tpu.vector_store %arg12[%swap3A_815, %swap3A_816], %swap3A_819 {strides = array<i32>} : memref<128x16xf32, #tpu.memory_space<vmem>>, vector<1x16xf32>,
      %broadcast_in_dim3A_820 = arith.constant 0.000000e+00 : f32
      %broadcast_in_dim3A_821 = vector.broadcast %broadcast_in_dim3A_820 : f32 to vector<16xf32>
      %swap3A_822 = arith.constant 19 : i32
      %swap3A_823 = arith.index_cast %swap3A_822 : i32 to index
      %swap3A_824 = arith.constant 0 : index
      %swap3A_825 = tpu.vector_load %arg12[%swap3A_823, %swap3A_824] {strides = array<i32>} : memref<128x16xf32, #tpu.memory_space<vmem>>, vector<1x16xf32>,
      %swap3A_826 = vector.shape_cast %swap3A_825 : vector<1x16xf32> to vector<16xf32>
      %swap3A_827 = vector.shape_cast %broadcast_in_dim3A_821 : vector<16xf32> to vector<1x16xf32>
      tpu.vector_store %arg12[%swap3A_823, %swap3A_824], %swap3A_827 {strides = array<i32>} : memref<128x16xf32, #tpu.memory_space<vmem>>, vector<1x16xf32>,
      %broadcast_in_dim3A_828 = arith.constant 0.000000e+00 : f32
      %broadcast_in_dim3A_829 = vector.broadcast %broadcast_in_dim3A_828 : f32 to vector<16xf32>
      %swap3A_830 = arith.constant 20 : i32
      %swap3A_831 = arith.index_cast %swap3A_830 : i32 to index
      %swap3A_832 = arith.constant 0 : index
      %swap3A_833 = tpu.vector_load %arg12[%swap3A_831, %swap3A_832] {strides = array<i32>} : memref<128x16xf32, #tpu.memory_space<vmem>>, vector<1x16xf32>,
      %swap3A_834 = vector.shape_cast %swap3A_833 : vector<1x16xf32> to vector<16xf32>
      %swap3A_835 = vector.shape_cast %broadcast_in_dim3A_829 : vector<16xf32> to vector<1x16xf32>
      tpu.vector_store %arg12[%swap3A_831, %swap3A_832], %swap3A_835 {strides = array<i32>} : memref<128x16xf32, #tpu.memory_space<vmem>>, vector<1x16xf32>,
      %broadcast_in_dim3A_836 = arith.constant 0.000000e+00 : f32
      %broadcast_in_dim3A_837 = vector.broadcast %broadcast_in_dim3A_836 : f32 to vector<16xf32>
      %swap3A_838 = arith.constant 21 : i32
      %swap3A_839 = arith.index_cast %swap3A_838 : i32 to index
      %swap3A_840 = arith.constant 0 : index
      %swap3A_841 = tpu.vector_load %arg12[%swap3A_839, %swap3A_840] {strides = array<i32>} : memref<128x16xf32, #tpu.memory_space<vmem>>, vector<1x16xf32>,
      %swap3A_842 = vector.shape_cast %swap3A_841 : vector<1x16xf32> to vector<16xf32>
      %swap3A_843 = vector.shape_cast %broadcast_in_dim3A_837 : vector<16xf32> to vector<1x16xf32>
      tpu.vector_store %arg12[%swap3A_839, %swap3A_840], %swap3A_843 {strides = array<i32>} : memref<128x16xf32, #tpu.memory_space<vmem>>, vector<1x16xf32>,
      %broadcast_in_dim3A_844 = arith.constant 0.000000e+00 : f32
      %broadcast_in_dim3A_845 = vector.broadcast %broadcast_in_dim3A_844 : f32 to vector<16xf32>
      %swap3A_846 = arith.constant 22 : i32
      %swap3A_847 = arith.index_cast %swap3A_846 : i32 to index
      %swap3A_848 = arith.constant 0 : index
      %swap3A_849 = tpu.vector_load %arg12[%swap3A_847, %swap3A_848] {strides = array<i32>} : memref<128x16xf32, #tpu.memory_space<vmem>>, vector<1x16xf32>,
      %swap3A_850 = vector.shape_cast %swap3A_849 : vector<1x16xf32> to vector<16xf32>
      %swap3A_851 = vector.shape_cast %broadcast_in_dim3A_845 : vector<16xf32> to vector<1x16xf32>
      tpu.vector_store %arg12[%swap3A_847, %swap3A_848], %swap3A_851 {strides = array<i32>} : memref<128x16xf32, #tpu.memory_space<vmem>>, vector<1x16xf32>,
      %broadcast_in_dim3A_852 = arith.constant 0.000000e+00 : f32
      %broadcast_in_dim3A_853 = vector.broadcast %broadcast_in_dim3A_852 : f32 to vector<16xf32>
      %swap3A_854 = arith.constant 23 : i32
      %swap3A_855 = arith.index_cast %swap3A_854 : i32 to index
      %swap3A_856 = arith.constant 0 : index
      %swap3A_857 = tpu.vector_load %arg12[%swap3A_855, %swap3A_856] {strides = array<i32>} : memref<128x16xf32, #tpu.memory_space<vmem>>, vector<1x16xf32>,
      %swap3A_858 = vector.shape_cast %swap3A_857 : vector<1x16xf32> to vector<16xf32>
      %swap3A_859 = vector.shape_cast %broadcast_in_dim3A_853 : vector<16xf32> to vector<1x16xf32>
      tpu.vector_store %arg12[%swap3A_855, %swap3A_856], %swap3A_859 {strides = array<i32>} : memref<128x16xf32, #tpu.memory_space<vmem>>, vector<1x16xf32>,
      %broadcast_in_dim3A_860 = arith.constant 0.000000e+00 : f32
      %broadcast_in_dim3A_861 = vector.broadcast %broadcast_in_dim3A_860 : f32 to vector<16xf32>
      %swap3A_862 = arith.constant 24 : i32
      %swap3A_863 = arith.index_cast %swap3A_862 : i32 to index
      %swap3A_864 = arith.constant 0 : index
      %swap3A_865 = tpu.vector_load %arg12[%swap3A_863, %swap3A_864] {strides = array<i32>} : memref<128x16xf32, #tpu.memory_space<vmem>>, vector<1x16xf32>,
      %swap3A_866 = vector.shape_cast %swap3A_865 : vector<1x16xf32> to vector<16xf32>
      %swap3A_867 = vector.shape_cast %broadcast_in_dim3A_861 : vector<16xf32> to vector<1x16xf32>
      tpu.vector_store %arg12[%swap3A_863, %swap3A_864], %swap3A_867 {strides = array<i32>} : memref<128x16xf32, #tpu.memory_space<vmem>>, vector<1x16xf32>,
      %broadcast_in_dim3A_868 = arith.constant 0.000000e+00 : f32
      %broadcast_in_dim3A_869 = vector.broadcast %broadcast_in_dim3A_868 : f32 to vector<16xf32>
      %swap3A_870 = arith.constant 25 : i32
      %swap3A_871 = arith.index_cast %swap3A_870 : i32 to index
      %swap3A_872 = arith.constant 0 : index
      %swap3A_873 = tpu.vector_load %arg12[%swap3A_871, %swap3A_872] {strides = array<i32>} : memref<128x16xf32, #tpu.memory_space<vmem>>, vector<1x16xf32>,
      %swap3A_874 = vector.shape_cast %swap3A_873 : vector<1x16xf32> to vector<16xf32>
      %swap3A_875 = vector.shape_cast %broadcast_in_dim3A_869 : vector<16xf32> to vector<1x16xf32>
      tpu.vector_store %arg12[%swap3A_871, %swap3A_872], %swap3A_875 {strides = array<i32>} : memref<128x16xf32, #tpu.memory_space<vmem>>, vector<1x16xf32>,
      %broadcast_in_dim3A_876 = arith.constant 0.000000e+00 : f32
      %broadcast_in_dim3A_877 = vector.broadcast %broadcast_in_dim3A_876 : f32 to vector<16xf32>
      %swap3A_878 = arith.constant 26 : i32
      %swap3A_879 = arith.index_cast %swap3A_878 : i32 to index
      %swap3A_880 = arith.constant 0 : index
      %swap3A_881 = tpu.vector_load %arg12[%swap3A_879, %swap3A_880] {strides = array<i32>} : memref<128x16xf32, #tpu.memory_space<vmem>>, vector<1x16xf32>,
      %swap3A_882 = vector.shape_cast %swap3A_881 : vector<1x16xf32> to vector<16xf32>
      %swap3A_883 = vector.shape_cast %broadcast_in_dim3A_877 : vector<16xf32> to vector<1x16xf32>
      tpu.vector_store %arg12[%swap3A_879, %swap3A_880], %swap3A_883 {strides = array<i32>} : memref<128x16xf32, #tpu.memory_space<vmem>>, vector<1x16xf32>,
      %broadcast_in_dim3A_884 = arith.constant 0.000000e+00 : f32
      %broadcast_in_dim3A_885 = vector.broadcast %broadcast_in_dim3A_884 : f32 to vector<16xf32>
      %swap3A_886 = arith.constant 27 : i32
      %swap3A_887 = arith.index_cast %swap3A_886 : i32 to index
      %swap3A_888 = arith.constant 0 : index
      %swap3A_889 = tpu.vector_load %arg12[%swap3A_887, %swap3A_888] {strides = array<i32>} : memref<128x16xf32, #tpu.memory_space<vmem>>, vector<1x16xf32>,
      %swap3A_890 = vector.shape_cast %swap3A_889 : vector<1x16xf32> to vector<16xf32>
      %swap3A_891 = vector.shape_cast %broadcast_in_dim3A_885 : vector<16xf32> to vector<1x16xf32>
      tpu.vector_store %arg12[%swap3A_887, %swap3A_888], %swap3A_891 {strides = array<i32>} : memref<128x16xf32, #tpu.memory_space<vmem>>, vector<1x16xf32>,
      %broadcast_in_dim3A_892 = arith.constant 0.000000e+00 : f32
      %broadcast_in_dim3A_893 = vector.broadcast %broadcast_in_dim3A_892 : f32 to vector<16xf32>
      %swap3A_894 = arith.constant 28 : i32
      %swap3A_895 = arith.index_cast %swap3A_894 : i32 to index
      %swap3A_896 = arith.constant 0 : index
      %swap3A_897 = tpu.vector_load %arg12[%swap3A_895, %swap3A_896] {strides = array<i32>} : memref<128x16xf32, #tpu.memory_space<vmem>>, vector<1x16xf32>,
      %swap3A_898 = vector.shape_cast %swap3A_897 : vector<1x16xf32> to vector<16xf32>
      %swap3A_899 = vector.shape_cast %broadcast_in_dim3A_893 : vector<16xf32> to vector<1x16xf32>
      tpu.vector_store %arg12[%swap3A_895, %swap3A_896], %swap3A_899 {strides = array<i32>} : memref<128x16xf32, #tpu.memory_space<vmem>>, vector<1x16xf32>,
      %broadcast_in_dim3A_900 = arith.constant 0.000000e+00 : f32
      %broadcast_in_dim3A_901 = vector.broadcast %broadcast_in_dim3A_900 : f32 to vector<16xf32>
      %swap3A_902 = arith.constant 29 : i32
      %swap3A_903 = arith.index_cast %swap3A_902 : i32 to index
      %swap3A_904 = arith.constant 0 : index
      %swap3A_905 = tpu.vector_load %arg12[%swap3A_903, %swap3A_904] {strides = array<i32>} : memref<128x16xf32, #tpu.memory_space<vmem>>, vector<1x16xf32>,
      %swap3A_906 = vector.shape_cast %swap3A_905 : vector<1x16xf32> to vector<16xf32>
      %swap3A_907 = vector.shape_cast %broadcast_in_dim3A_901 : vector<16xf32> to vector<1x16xf32>
      tpu.vector_store %arg12[%swap3A_903, %swap3A_904], %swap3A_907 {strides = array<i32>} : memref<128x16xf32, #tpu.memory_space<vmem>>, vector<1x16xf32>,
      %broadcast_in_dim3A_908 = arith.constant 0.000000e+00 : f32
      %broadcast_in_dim3A_909 = vector.broadcast %broadcast_in_dim3A_908 : f32 to vector<16xf32>
      %swap3A_910 = arith.constant 30 : i32
      %swap3A_911 = arith.index_cast %swap3A_910 : i32 to index
      %swap3A_912 = arith.constant 0 : index
      %swap3A_913 = tpu.vector_load %arg12[%swap3A_911, %swap3A_912] {strides = array<i32>} : memref<128x16xf32, #tpu.memory_space<vmem>>, vector<1x16xf32>,
      %swap3A_914 = vector.shape_cast %swap3A_913 : vector<1x16xf32> to vector<16xf32>
      %swap3A_915 = vector.shape_cast %broadcast_in_dim3A_909 : vector<16xf32> to vector<1x16xf32>
      tpu.vector_store %arg12[%swap3A_911, %swap3A_912], %swap3A_915 {strides = array<i32>} : memref<128x16xf32, #tpu.memory_space<vmem>>, vector<1x16xf32>,
      %broadcast_in_dim3A_916 = arith.constant 0.000000e+00 : f32
      %broadcast_in_dim3A_917 = vector.broadcast %broadcast_in_dim3A_916 : f32 to vector<16xf32>
      %swap3A_918 = arith.constant 31 : i32
      %swap3A_919 = arith.index_cast %swap3A_918 : i32 to index
      %swap3A_920 = arith.constant 0 : index
      %swap3A_921 = tpu.vector_load %arg12[%swap3A_919, %swap3A_920] {strides = array<i32>} : memref<128x16xf32, #tpu.memory_space<vmem>>, vector<1x16xf32>,
      %swap3A_922 = vector.shape_cast %swap3A_921 : vector<1x16xf32> to vector<16xf32>
      %swap3A_923 = vector.shape_cast %broadcast_in_dim3A_917 : vector<16xf32> to vector<1x16xf32>
      tpu.vector_store %arg12[%swap3A_919, %swap3A_920], %swap3A_923 {strides = array<i32>} : memref<128x16xf32, #tpu.memory_space<vmem>>, vector<1x16xf32>,
      %broadcast_in_dim3A_924 = arith.constant 0.000000e+00 : f32
      %broadcast_in_dim3A_925 = vector.broadcast %broadcast_in_dim3A_924 : f32 to vector<16xf32>
      %swap3A_926 = arith.constant 32 : i32
      %swap3A_927 = arith.index_cast %swap3A_926 : i32 to index
      %swap3A_928 = arith.constant 0 : index
      %swap3A_929 = tpu.vector_load %arg12[%swap3A_927, %swap3A_928] {strides = array<i32>} : memref<128x16xf32, #tpu.memory_space<vmem>>, vector<1x16xf32>,
      %swap3A_930 = vector.shape_cast %swap3A_929 : vector<1x16xf32> to vector<16xf32>
      %swap3A_931 = vector.shape_cast %broadcast_in_dim3A_925 : vector<16xf32> to vector<1x16xf32>
      tpu.vector_store %arg12[%swap3A_927, %swap3A_928], %swap3A_931 {strides = array<i32>} : memref<128x16xf32, #tpu.memory_space<vmem>>, vector<1x16xf32>,
      %broadcast_in_dim3A_932 = arith.constant 0.000000e+00 : f32
      %broadcast_in_dim3A_933 = vector.broadcast %broadcast_in_dim3A_932 : f32 to vector<16xf32>
      %swap3A_934 = arith.constant 33 : i32
      %swap3A_935 = arith.index_cast %swap3A_934 : i32 to index
      %swap3A_936 = arith.constant 0 : index
      %swap3A_937 = tpu.vector_load %arg12[%swap3A_935, %swap3A_936] {strides = array<i32>} : memref<128x16xf32, #tpu.memory_space<vmem>>, vector<1x16xf32>,
      %swap3A_938 = vector.shape_cast %swap3A_937 : vector<1x16xf32> to vector<16xf32>
      %swap3A_939 = vector.shape_cast %broadcast_in_dim3A_933 : vector<16xf32> to vector<1x16xf32>
      tpu.vector_store %arg12[%swap3A_935, %swap3A_936], %swap3A_939 {strides = array<i32>} : memref<128x16xf32, #tpu.memory_space<vmem>>, vector<1x16xf32>,
      %broadcast_in_dim3A_940 = arith.constant 0.000000e+00 : f32
      %broadcast_in_dim3A_941 = vector.broadcast %broadcast_in_dim3A_940 : f32 to vector<16xf32>
      %swap3A_942 = arith.constant 34 : i32
      %swap3A_943 = arith.index_cast %swap3A_942 : i32 to index
      %swap3A_944 = arith.constant 0 : index
      %swap3A_945 = tpu.vector_load %arg12[%swap3A_943, %swap3A_944] {strides = array<i32>} : memref<128x16xf32, #tpu.memory_space<vmem>>, vector<1x16xf32>,
      %swap3A_946 = vector.shape_cast %swap3A_945 : vector<1x16xf32> to vector<16xf32>
      %swap3A_947 = vector.shape_cast %broadcast_in_dim3A_941 : vector<16xf32> to vector<1x16xf32>
      tpu.vector_store %arg12[%swap3A_943, %swap3A_944], %swap3A_947 {strides = array<i32>} : memref<128x16xf32, #tpu.memory_space<vmem>>, vector<1x16xf32>,
      %broadcast_in_dim3A_948 = arith.constant 0.000000e+00 : f32
      %broadcast_in_dim3A_949 = vector.broadcast %broadcast_in_dim3A_948 : f32 to vector<16xf32>
      %swap3A_950 = arith.constant 35 : i32
      %swap3A_951 = arith.index_cast %swap3A_950 : i32 to index
      %swap3A_952 = arith.constant 0 : index
      %swap3A_953 = tpu.vector_load %arg12[%swap3A_951, %swap3A_952] {strides = array<i32>} : memref<128x16xf32, #tpu.memory_space<vmem>>, vector<1x16xf32>,
      %swap3A_954 = vector.shape_cast %swap3A_953 : vector<1x16xf32> to vector<16xf32>
      %swap3A_955 = vector.shape_cast %broadcast_in_dim3A_949 : vector<16xf32> to vector<1x16xf32>
      tpu.vector_store %arg12[%swap3A_951, %swap3A_952], %swap3A_955 {strides = array<i32>} : memref<128x16xf32, #tpu.memory_space<vmem>>, vector<1x16xf32>,
      %broadcast_in_dim3A_956 = arith.constant 0.000000e+00 : f32
      %broadcast_in_dim3A_957 = vector.broadcast %broadcast_in_dim3A_956 : f32 to vector<16xf32>
      %swap3A_958 = arith.constant 36 : i32
      %swap3A_959 = arith.index_cast %swap3A_958 : i32 to index
      %swap3A_960 = arith.constant 0 : index
      %swap3A_961 = tpu.vector_load %arg12[%swap3A_959, %swap3A_960] {strides = array<i32>} : memref<128x16xf32, #tpu.memory_space<vmem>>, vector<1x16xf32>,
      %swap3A_962 = vector.shape_cast %swap3A_961 : vector<1x16xf32> to vector<16xf32>
      %swap3A_963 = vector.shape_cast %broadcast_in_dim3A_957 : vector<16xf32> to vector<1x16xf32>
      tpu.vector_store %arg12[%swap3A_959, %swap3A_960], %swap3A_963 {strides = array<i32>} : memref<128x16xf32, #tpu.memory_space<vmem>>, vector<1x16xf32>,
      %broadcast_in_dim3A_964 = arith.constant 0.000000e+00 : f32
      %broadcast_in_dim3A_965 = vector.broadcast %broadcast_in_dim3A_964 : f32 to vector<16xf32>
      %swap3A_966 = arith.constant 37 : i32
      %swap3A_967 = arith.index_cast %swap3A_966 : i32 to index
      %swap3A_968 = arith.constant 0 : index
      %swap3A_969 = tpu.vector_load %arg12[%swap3A_967, %swap3A_968] {strides = array<i32>} : memref<128x16xf32, #tpu.memory_space<vmem>>, vector<1x16xf32>,
      %swap3A_970 = vector.shape_cast %swap3A_969 : vector<1x16xf32> to vector<16xf32>
      %swap3A_971 = vector.shape_cast %broadcast_in_dim3A_965 : vector<16xf32> to vector<1x16xf32>
      tpu.vector_store %arg12[%swap3A_967, %swap3A_968], %swap3A_971 {strides = array<i32>} : memref<128x16xf32, #tpu.memory_space<vmem>>, vector<1x16xf32>,
      %broadcast_in_dim3A_972 = arith.constant 0.000000e+00 : f32
      %broadcast_in_dim3A_973 = vector.broadcast %broadcast_in_dim3A_972 : f32 to vector<16xf32>
      %swap3A_974 = arith.constant 38 : i32
      %swap3A_975 = arith.index_cast %swap3A_974 : i32 to index
      %swap3A_976 = arith.constant 0 : index
      %swap3A_977 = tpu.vector_load %arg12[%swap3A_975, %swap3A_976] {strides = array<i32>} : memref<128x16xf32, #tpu.memory_space<vmem>>, vector<1x16xf32>,
      %swap3A_978 = vector.shape_cast %swap3A_977 : vector<1x16xf32> to vector<16xf32>
      %swap3A_979 = vector.shape_cast %broadcast_in_dim3A_973 : vector<16xf32> to vector<1x16xf32>
      tpu.vector_store %arg12[%swap3A_975, %swap3A_976], %swap3A_979 {strides = array<i32>} : memref<128x16xf32, #tpu.memory_space<vmem>>, vector<1x16xf32>,
      %broadcast_in_dim3A_980 = arith.constant 0.000000e+00 : f32
      %broadcast_in_dim3A_981 = vector.broadcast %broadcast_in_dim3A_980 : f32 to vector<16xf32>
      %swap3A_982 = arith.constant 39 : i32
      %swap3A_983 = arith.index_cast %swap3A_982 : i32 to index
      %swap3A_984 = arith.constant 0 : index
      %swap3A_985 = tpu.vector_load %arg12[%swap3A_983, %swap3A_984] {strides = array<i32>} : memref<128x16xf32, #tpu.memory_space<vmem>>, vector<1x16xf32>,
      %swap3A_986 = vector.shape_cast %swap3A_985 : vector<1x16xf32> to vector<16xf32>
      %swap3A_987 = vector.shape_cast %broadcast_in_dim3A_981 : vector<16xf32> to vector<1x16xf32>
      tpu.vector_store %arg12[%swap3A_983, %swap3A_984], %swap3A_987 {strides = array<i32>} : memref<128x16xf32, #tpu.memory_space<vmem>>, vector<1x16xf32>,
      %broadcast_in_dim3A_988 = arith.constant 0.000000e+00 : f32
      %broadcast_in_dim3A_989 = vector.broadcast %broadcast_in_dim3A_988 : f32 to vector<16xf32>
      %swap3A_990 = arith.constant 40 : i32
      %swap3A_991 = arith.index_cast %swap3A_990 : i32 to index
      %swap3A_992 = arith.constant 0 : index
      %swap3A_993 = tpu.vector_load %arg12[%swap3A_991, %swap3A_992] {strides = array<i32>} : memref<128x16xf32, #tpu.memory_space<vmem>>, vector<1x16xf32>,
      %swap3A_994 = vector.shape_cast %swap3A_993 : vector<1x16xf32> to vector<16xf32>
      %swap3A_995 = vector.shape_cast %broadcast_in_dim3A_989 : vector<16xf32> to vector<1x16xf32>
      tpu.vector_store %arg12[%swap3A_991, %swap3A_992], %swap3A_995 {strides = array<i32>} : memref<128x16xf32, #tpu.memory_space<vmem>>, vector<1x16xf32>,
      %broadcast_in_dim3A_996 = arith.constant 0.000000e+00 : f32
      %broadcast_in_dim3A_997 = vector.broadcast %broadcast_in_dim3A_996 : f32 to vector<16xf32>
      %swap3A_998 = arith.constant 41 : i32
      %swap3A_999 = arith.index_cast %swap3A_998 : i32 to index
      %swap3A_1000 = arith.constant 0 : index
      %swap3A_1001 = tpu.vector_load %arg12[%swap3A_999, %swap3A_1000] {strides = array<i32>} : memref<128x16xf32, #tpu.memory_space<vmem>>, vector<1x16xf32>,
      %swap3A_1002 = vector.shape_cast %swap3A_1001 : vector<1x16xf32> to vector<16xf32>
      %swap3A_1003 = vector.shape_cast %broadcast_in_dim3A_997 : vector<16xf32> to vector<1x16xf32>
      tpu.vector_store %arg12[%swap3A_999, %swap3A_1000], %swap3A_1003 {strides = array<i32>} : memref<128x16xf32, #tpu.memory_space<vmem>>, vector<1x16xf32>,
      %broadcast_in_dim3A_1004 = arith.constant 0.000000e+00 : f32
      %broadcast_in_dim3A_1005 = vector.broadcast %broadcast_in_dim3A_1004 : f32 to vector<16xf32>
      %swap3A_1006 = arith.constant 42 : i32
      %swap3A_1007 = arith.index_cast %swap3A_1006 : i32 to index
      %swap3A_1008 = arith.constant 0 : index
      %swap3A_1009 = tpu.vector_load %arg12[%swap3A_1007, %swap3A_1008] {strides = array<i32>} : memref<128x16xf32, #tpu.memory_space<vmem>>, vector<1x16xf32>,
      %swap3A_1010 = vector.shape_cast %swap3A_1009 : vector<1x16xf32> to vector<16xf32>
      %swap3A_1011 = vector.shape_cast %broadcast_in_dim3A_1005 : vector<16xf32> to vector<1x16xf32>
      tpu.vector_store %arg12[%swap3A_1007, %swap3A_1008], %swap3A_1011 {strides = array<i32>} : memref<128x16xf32, #tpu.memory_space<vmem>>, vector<1x16xf32>,
      %broadcast_in_dim3A_1012 = arith.constant 0.000000e+00 : f32
      %broadcast_in_dim3A_1013 = vector.broadcast %broadcast_in_dim3A_1012 : f32 to vector<16xf32>
      %swap3A_1014 = arith.constant 43 : i32
      %swap3A_1015 = arith.index_cast %swap3A_1014 : i32 to index
      %swap3A_1016 = arith.constant 0 : index
      %swap3A_1017 = tpu.vector_load %arg12[%swap3A_1015, %swap3A_1016] {strides = array<i32>} : memref<128x16xf32, #tpu.memory_space<vmem>>, vector<1x16xf32>,
      %swap3A_1018 = vector.shape_cast %swap3A_1017 : vector<1x16xf32> to vector<16xf32>
      %swap3A_1019 = vector.shape_cast %broadcast_in_dim3A_1013 : vector<16xf32> to vector<1x16xf32>
      tpu.vector_store %arg12[%swap3A_1015, %swap3A_1016], %swap3A_1019 {strides = array<i32>} : memref<128x16xf32, #tpu.memory_space<vmem>>, vector<1x16xf32>,
      %broadcast_in_dim3A_1020 = arith.constant 0.000000e+00 : f32
      %broadcast_in_dim3A_1021 = vector.broadcast %broadcast_in_dim3A_1020 : f32 to vector<16xf32>
      %swap3A_1022 = arith.constant 44 : i32
      %swap3A_1023 = arith.index_cast %swap3A_1022 : i32 to index
      %swap3A_1024 = arith.constant 0 : index
      %swap3A_1025 = tpu.vector_load %arg12[%swap3A_1023, %swap3A_1024] {strides = array<i32>} : memref<128x16xf32, #tpu.memory_space<vmem>>, vector<1x16xf32>,
      %swap3A_1026 = vector.shape_cast %swap3A_1025 : vector<1x16xf32> to vector<16xf32>
      %swap3A_1027 = vector.shape_cast %broadcast_in_dim3A_1021 : vector<16xf32> to vector<1x16xf32>
      tpu.vector_store %arg12[%swap3A_1023, %swap3A_1024], %swap3A_1027 {strides = array<i32>} : memref<128x16xf32, #tpu.memory_space<vmem>>, vector<1x16xf32>,
      %broadcast_in_dim3A_1028 = arith.constant 0.000000e+00 : f32
      %broadcast_in_dim3A_1029 = vector.broadcast %broadcast_in_dim3A_1028 : f32 to vector<16xf32>
      %swap3A_1030 = arith.constant 45 : i32
      %swap3A_1031 = arith.index_cast %swap3A_1030 : i32 to index
      %swap3A_1032 = arith.constant 0 : index
      %swap3A_1033 = tpu.vector_load %arg12[%swap3A_1031, %swap3A_1032] {strides = array<i32>} : memref<128x16xf32, #tpu.memory_space<vmem>>, vector<1x16xf32>,
      %swap3A_1034 = vector.shape_cast %swap3A_1033 : vector<1x16xf32> to vector<16xf32>
      %swap3A_1035 = vector.shape_cast %broadcast_in_dim3A_1029 : vector<16xf32> to vector<1x16xf32>
      tpu.vector_store %arg12[%swap3A_1031, %swap3A_1032], %swap3A_1035 {strides = array<i32>} : memref<128x16xf32, #tpu.memory_space<vmem>>, vector<1x16xf32>,
      %broadcast_in_dim3A_1036 = arith.constant 0.000000e+00 : f32
      %broadcast_in_dim3A_1037 = vector.broadcast %broadcast_in_dim3A_1036 : f32 to vector<16xf32>
      %swap3A_1038 = arith.constant 46 : i32
      %swap3A_1039 = arith.index_cast %swap3A_1038 : i32 to index
      %swap3A_1040 = arith.constant 0 : index
      %swap3A_1041 = tpu.vector_load %arg12[%swap3A_1039, %swap3A_1040] {strides = array<i32>} : memref<128x16xf32, #tpu.memory_space<vmem>>, vector<1x16xf32>,
      %swap3A_1042 = vector.shape_cast %swap3A_1041 : vector<1x16xf32> to vector<16xf32>
      %swap3A_1043 = vector.shape_cast %broadcast_in_dim3A_1037 : vector<16xf32> to vector<1x16xf32>
      tpu.vector_store %arg12[%swap3A_1039, %swap3A_1040], %swap3A_1043 {strides = array<i32>} : memref<128x16xf32, #tpu.memory_space<vmem>>, vector<1x16xf32>,
      %broadcast_in_dim3A_1044 = arith.constant 0.000000e+00 : f32
      %broadcast_in_dim3A_1045 = vector.broadcast %broadcast_in_dim3A_1044 : f32 to vector<16xf32>
      %swap3A_1046 = arith.constant 47 : i32
      %swap3A_1047 = arith.index_cast %swap3A_1046 : i32 to index
      %swap3A_1048 = arith.constant 0 : index
      %swap3A_1049 = tpu.vector_load %arg12[%swap3A_1047, %swap3A_1048] {strides = array<i32>} : memref<128x16xf32, #tpu.memory_space<vmem>>, vector<1x16xf32>,
      %swap3A_1050 = vector.shape_cast %swap3A_1049 : vector<1x16xf32> to vector<16xf32>
      %swap3A_1051 = vector.shape_cast %broadcast_in_dim3A_1045 : vector<16xf32> to vector<1x16xf32>
      tpu.vector_store %arg12[%swap3A_1047, %swap3A_1048], %swap3A_1051 {strides = array<i32>} : memref<128x16xf32, #tpu.memory_space<vmem>>, vector<1x16xf32>,
      %broadcast_in_dim3A_1052 = arith.constant 0.000000e+00 : f32
      %broadcast_in_dim3A_1053 = vector.broadcast %broadcast_in_dim3A_1052 : f32 to vector<16xf32>
      %swap3A_1054 = arith.constant 48 : i32
      %swap3A_1055 = arith.index_cast %swap3A_1054 : i32 to index
      %swap3A_1056 = arith.constant 0 : index
      %swap3A_1057 = tpu.vector_load %arg12[%swap3A_1055, %swap3A_1056] {strides = array<i32>} : memref<128x16xf32, #tpu.memory_space<vmem>>, vector<1x16xf32>,
      %swap3A_1058 = vector.shape_cast %swap3A_1057 : vector<1x16xf32> to vector<16xf32>
      %swap3A_1059 = vector.shape_cast %broadcast_in_dim3A_1053 : vector<16xf32> to vector<1x16xf32>
      tpu.vector_store %arg12[%swap3A_1055, %swap3A_1056], %swap3A_1059 {strides = array<i32>} : memref<128x16xf32, #tpu.memory_space<vmem>>, vector<1x16xf32>,
      %broadcast_in_dim3A_1060 = arith.constant 0.000000e+00 : f32
      %broadcast_in_dim3A_1061 = vector.broadcast %broadcast_in_dim3A_1060 : f32 to vector<16xf32>
      %swap3A_1062 = arith.constant 49 : i32
      %swap3A_1063 = arith.index_cast %swap3A_1062 : i32 to index
      %swap3A_1064 = arith.constant 0 : index
      %swap3A_1065 = tpu.vector_load %arg12[%swap3A_1063, %swap3A_1064] {strides = array<i32>} : memref<128x16xf32, #tpu.memory_space<vmem>>, vector<1x16xf32>,
      %swap3A_1066 = vector.shape_cast %swap3A_1065 : vector<1x16xf32> to vector<16xf32>
      %swap3A_1067 = vector.shape_cast %broadcast_in_dim3A_1061 : vector<16xf32> to vector<1x16xf32>
      tpu.vector_store %arg12[%swap3A_1063, %swap3A_1064], %swap3A_1067 {strides = array<i32>} : memref<128x16xf32, #tpu.memory_space<vmem>>, vector<1x16xf32>,
      %broadcast_in_dim3A_1068 = arith.constant 0.000000e+00 : f32
      %broadcast_in_dim3A_1069 = vector.broadcast %broadcast_in_dim3A_1068 : f32 to vector<16xf32>
      %swap3A_1070 = arith.constant 50 : i32
      %swap3A_1071 = arith.index_cast %swap3A_1070 : i32 to index
      %swap3A_1072 = arith.constant 0 : index
      %swap3A_1073 = tpu.vector_load %arg12[%swap3A_1071, %swap3A_1072] {strides = array<i32>} : memref<128x16xf32, #tpu.memory_space<vmem>>, vector<1x16xf32>,
      %swap3A_1074 = vector.shape_cast %swap3A_1073 : vector<1x16xf32> to vector<16xf32>
      %swap3A_1075 = vector.shape_cast %broadcast_in_dim3A_1069 : vector<16xf32> to vector<1x16xf32>
      tpu.vector_store %arg12[%swap3A_1071, %swap3A_1072], %swap3A_1075 {strides = array<i32>} : memref<128x16xf32, #tpu.memory_space<vmem>>, vector<1x16xf32>,
      %broadcast_in_dim3A_1076 = arith.constant 0.000000e+00 : f32
      %broadcast_in_dim3A_1077 = vector.broadcast %broadcast_in_dim3A_1076 : f32 to vector<16xf32>
      %swap3A_1078 = arith.constant 51 : i32
      %swap3A_1079 = arith.index_cast %swap3A_1078 : i32 to index
      %swap3A_1080 = arith.constant 0 : index
      %swap3A_1081 = tpu.vector_load %arg12[%swap3A_1079, %swap3A_1080] {strides = array<i32>} : memref<128x16xf32, #tpu.memory_space<vmem>>, vector<1x16xf32>,
      %swap3A_1082 = vector.shape_cast %swap3A_1081 : vector<1x16xf32> to vector<16xf32>
      %swap3A_1083 = vector.shape_cast %broadcast_in_dim3A_1077 : vector<16xf32> to vector<1x16xf32>
      tpu.vector_store %arg12[%swap3A_1079, %swap3A_1080], %swap3A_1083 {strides = array<i32>} : memref<128x16xf32, #tpu.memory_space<vmem>>, vector<1x16xf32>,
      %broadcast_in_dim3A_1084 = arith.constant 0.000000e+00 : f32
      %broadcast_in_dim3A_1085 = vector.broadcast %broadcast_in_dim3A_1084 : f32 to vector<16xf32>
      %swap3A_1086 = arith.constant 52 : i32
      %swap3A_1087 = arith.index_cast %swap3A_1086 : i32 to index
      %swap3A_1088 = arith.constant 0 : index
      %swap3A_1089 = tpu.vector_load %arg12[%swap3A_1087, %swap3A_1088] {strides = array<i32>} : memref<128x16xf32, #tpu.memory_space<vmem>>, vector<1x16xf32>,
      %swap3A_1090 = vector.shape_cast %swap3A_1089 : vector<1x16xf32> to vector<16xf32>
      %swap3A_1091 = vector.shape_cast %broadcast_in_dim3A_1085 : vector<16xf32> to vector<1x16xf32>
      tpu.vector_store %arg12[%swap3A_1087, %swap3A_1088], %swap3A_1091 {strides = array<i32>} : memref<128x16xf32, #tpu.memory_space<vmem>>, vector<1x16xf32>,
      %broadcast_in_dim3A_1092 = arith.constant 0.000000e+00 : f32
      %broadcast_in_dim3A_1093 = vector.broadcast %broadcast_in_dim3A_1092 : f32 to vector<16xf32>
      %swap3A_1094 = arith.constant 53 : i32
      %swap3A_1095 = arith.index_cast %swap3A_1094 : i32 to index
      %swap3A_1096 = arith.constant 0 : index
      %swap3A_1097 = tpu.vector_load %arg12[%swap3A_1095, %swap3A_1096] {strides = array<i32>} : memref<128x16xf32, #tpu.memory_space<vmem>>, vector<1x16xf32>,
      %swap3A_1098 = vector.shape_cast %swap3A_1097 : vector<1x16xf32> to vector<16xf32>
      %swap3A_1099 = vector.shape_cast %broadcast_in_dim3A_1093 : vector<16xf32> to vector<1x16xf32>
      tpu.vector_store %arg12[%swap3A_1095, %swap3A_1096], %swap3A_1099 {strides = array<i32>} : memref<128x16xf32, #tpu.memory_space<vmem>>, vector<1x16xf32>,
      %broadcast_in_dim3A_1100 = arith.constant 0.000000e+00 : f32
      %broadcast_in_dim3A_1101 = vector.broadcast %broadcast_in_dim3A_1100 : f32 to vector<16xf32>
      %swap3A_1102 = arith.constant 54 : i32
      %swap3A_1103 = arith.index_cast %swap3A_1102 : i32 to index
      %swap3A_1104 = arith.constant 0 : index
      %swap3A_1105 = tpu.vector_load %arg12[%swap3A_1103, %swap3A_1104] {strides = array<i32>} : memref<128x16xf32, #tpu.memory_space<vmem>>, vector<1x16xf32>,
      %swap3A_1106 = vector.shape_cast %swap3A_1105 : vector<1x16xf32> to vector<16xf32>
      %swap3A_1107 = vector.shape_cast %broadcast_in_dim3A_1101 : vector<16xf32> to vector<1x16xf32>
      tpu.vector_store %arg12[%swap3A_1103, %swap3A_1104], %swap3A_1107 {strides = array<i32>} : memref<128x16xf32, #tpu.memory_space<vmem>>, vector<1x16xf32>,
      %broadcast_in_dim3A_1108 = arith.constant 0.000000e+00 : f32
      %broadcast_in_dim3A_1109 = vector.broadcast %broadcast_in_dim3A_1108 : f32 to vector<16xf32>
      %swap3A_1110 = arith.constant 55 : i32
      %swap3A_1111 = arith.index_cast %swap3A_1110 : i32 to index
      %swap3A_1112 = arith.constant 0 : index
      %swap3A_1113 = tpu.vector_load %arg12[%swap3A_1111, %swap3A_1112] {strides = array<i32>} : memref<128x16xf32, #tpu.memory_space<vmem>>, vector<1x16xf32>,
      %swap3A_1114 = vector.shape_cast %swap3A_1113 : vector<1x16xf32> to vector<16xf32>
      %swap3A_1115 = vector.shape_cast %broadcast_in_dim3A_1109 : vector<16xf32> to vector<1x16xf32>
      tpu.vector_store %arg12[%swap3A_1111, %swap3A_1112], %swap3A_1115 {strides = array<i32>} : memref<128x16xf32, #tpu.memory_space<vmem>>, vector<1x16xf32>,
      %broadcast_in_dim3A_1116 = arith.constant 0.000000e+00 : f32
      %broadcast_in_dim3A_1117 = vector.broadcast %broadcast_in_dim3A_1116 : f32 to vector<16xf32>
      %swap3A_1118 = arith.constant 56 : i32
      %swap3A_1119 = arith.index_cast %swap3A_1118 : i32 to index
      %swap3A_1120 = arith.constant 0 : index
      %swap3A_1121 = tpu.vector_load %arg12[%swap3A_1119, %swap3A_1120] {strides = array<i32>} : memref<128x16xf32, #tpu.memory_space<vmem>>, vector<1x16xf32>,
      %swap3A_1122 = vector.shape_cast %swap3A_1121 : vector<1x16xf32> to vector<16xf32>
      %swap3A_1123 = vector.shape_cast %broadcast_in_dim3A_1117 : vector<16xf32> to vector<1x16xf32>
      tpu.vector_store %arg12[%swap3A_1119, %swap3A_1120], %swap3A_1123 {strides = array<i32>} : memref<128x16xf32, #tpu.memory_space<vmem>>, vector<1x16xf32>,
      %broadcast_in_dim3A_1124 = arith.constant 0.000000e+00 : f32
      %broadcast_in_dim3A_1125 = vector.broadcast %broadcast_in_dim3A_1124 : f32 to vector<16xf32>
      %swap3A_1126 = arith.constant 57 : i32
      %swap3A_1127 = arith.index_cast %swap3A_1126 : i32 to index
      %swap3A_1128 = arith.constant 0 : index
      %swap3A_1129 = tpu.vector_load %arg12[%swap3A_1127, %swap3A_1128] {strides = array<i32>} : memref<128x16xf32, #tpu.memory_space<vmem>>, vector<1x16xf32>,
      %swap3A_1130 = vector.shape_cast %swap3A_1129 : vector<1x16xf32> to vector<16xf32>
      %swap3A_1131 = vector.shape_cast %broadcast_in_dim3A_1125 : vector<16xf32> to vector<1x16xf32>
      tpu.vector_store %arg12[%swap3A_1127, %swap3A_1128], %swap3A_1131 {strides = array<i32>} : memref<128x16xf32, #tpu.memory_space<vmem>>, vector<1x16xf32>,
      %broadcast_in_dim3A_1132 = arith.constant 0.000000e+00 : f32
      %broadcast_in_dim3A_1133 = vector.broadcast %broadcast_in_dim3A_1132 : f32 to vector<16xf32>
      %swap3A_1134 = arith.constant 58 : i32
      %swap3A_1135 = arith.index_cast %swap3A_1134 : i32 to index
      %swap3A_1136 = arith.constant 0 : index
      %swap3A_1137 = tpu.vector_load %arg12[%swap3A_1135, %swap3A_1136] {strides = array<i32>} : memref<128x16xf32, #tpu.memory_space<vmem>>, vector<1x16xf32>,
      %swap3A_1138 = vector.shape_cast %swap3A_1137 : vector<1x16xf32> to vector<16xf32>
      %swap3A_1139 = vector.shape_cast %broadcast_in_dim3A_1133 : vector<16xf32> to vector<1x16xf32>
      tpu.vector_store %arg12[%swap3A_1135, %swap3A_1136], %swap3A_1139 {strides = array<i32>} : memref<128x16xf32, #tpu.memory_space<vmem>>, vector<1x16xf32>,
      %broadcast_in_dim3A_1140 = arith.constant 0.000000e+00 : f32
      %broadcast_in_dim3A_1141 = vector.broadcast %broadcast_in_dim3A_1140 : f32 to vector<16xf32>
      %swap3A_1142 = arith.constant 59 : i32
      %swap3A_1143 = arith.index_cast %swap3A_1142 : i32 to index
      %swap3A_1144 = arith.constant 0 : index
      %swap3A_1145 = tpu.vector_load %arg12[%swap3A_1143, %swap3A_1144] {strides = array<i32>} : memref<128x16xf32, #tpu.memory_space<vmem>>, vector<1x16xf32>,
      %swap3A_1146 = vector.shape_cast %swap3A_1145 : vector<1x16xf32> to vector<16xf32>
      %swap3A_1147 = vector.shape_cast %broadcast_in_dim3A_1141 : vector<16xf32> to vector<1x16xf32>
      tpu.vector_store %arg12[%swap3A_1143, %swap3A_1144], %swap3A_1147 {strides = array<i32>} : memref<128x16xf32, #tpu.memory_space<vmem>>, vector<1x16xf32>,
      %broadcast_in_dim3A_1148 = arith.constant 0.000000e+00 : f32
      %broadcast_in_dim3A_1149 = vector.broadcast %broadcast_in_dim3A_1148 : f32 to vector<16xf32>
      %swap3A_1150 = arith.constant 60 : i32
      %swap3A_1151 = arith.index_cast %swap3A_1150 : i32 to index
      %swap3A_1152 = arith.constant 0 : index
      %swap3A_1153 = tpu.vector_load %arg12[%swap3A_1151, %swap3A_1152] {strides = array<i32>} : memref<128x16xf32, #tpu.memory_space<vmem>>, vector<1x16xf32>,
      %swap3A_1154 = vector.shape_cast %swap3A_1153 : vector<1x16xf32> to vector<16xf32>
      %swap3A_1155 = vector.shape_cast %broadcast_in_dim3A_1149 : vector<16xf32> to vector<1x16xf32>
      tpu.vector_store %arg12[%swap3A_1151, %swap3A_1152], %swap3A_1155 {strides = array<i32>} : memref<128x16xf32, #tpu.memory_space<vmem>>, vector<1x16xf32>,
      %broadcast_in_dim3A_1156 = arith.constant 0.000000e+00 : f32
      %broadcast_in_dim3A_1157 = vector.broadcast %broadcast_in_dim3A_1156 : f32 to vector<16xf32>
      %swap3A_1158 = arith.constant 61 : i32
      %swap3A_1159 = arith.index_cast %swap3A_1158 : i32 to index
      %swap3A_1160 = arith.constant 0 : index
      %swap3A_1161 = tpu.vector_load %arg12[%swap3A_1159, %swap3A_1160] {strides = array<i32>} : memref<128x16xf32, #tpu.memory_space<vmem>>, vector<1x16xf32>,
      %swap3A_1162 = vector.shape_cast %swap3A_1161 : vector<1x16xf32> to vector<16xf32>
      %swap3A_1163 = vector.shape_cast %broadcast_in_dim3A_1157 : vector<16xf32> to vector<1x16xf32>
      tpu.vector_store %arg12[%swap3A_1159, %swap3A_1160], %swap3A_1163 {strides = array<i32>} : memref<128x16xf32, #tpu.memory_space<vmem>>, vector<1x16xf32>,
      %broadcast_in_dim3A_1164 = arith.constant 0.000000e+00 : f32
      %broadcast_in_dim3A_1165 = vector.broadcast %broadcast_in_dim3A_1164 : f32 to vector<16xf32>
      %swap3A_1166 = arith.constant 62 : i32
      %swap3A_1167 = arith.index_cast %swap3A_1166 : i32 to index
      %swap3A_1168 = arith.constant 0 : index
      %swap3A_1169 = tpu.vector_load %arg12[%swap3A_1167, %swap3A_1168] {strides = array<i32>} : memref<128x16xf32, #tpu.memory_space<vmem>>, vector<1x16xf32>,
      %swap3A_1170 = vector.shape_cast %swap3A_1169 : vector<1x16xf32> to vector<16xf32>
      %swap3A_1171 = vector.shape_cast %broadcast_in_dim3A_1165 : vector<16xf32> to vector<1x16xf32>
      tpu.vector_store %arg12[%swap3A_1167, %swap3A_1168], %swap3A_1171 {strides = array<i32>} : memref<128x16xf32, #tpu.memory_space<vmem>>, vector<1x16xf32>,
      %broadcast_in_dim3A_1172 = arith.constant 0.000000e+00 : f32
      %broadcast_in_dim3A_1173 = vector.broadcast %broadcast_in_dim3A_1172 : f32 to vector<16xf32>
      %swap3A_1174 = arith.constant 63 : i32
      %swap3A_1175 = arith.index_cast %swap3A_1174 : i32 to index
      %swap3A_1176 = arith.constant 0 : index
      %swap3A_1177 = tpu.vector_load %arg12[%swap3A_1175, %swap3A_1176] {strides = array<i32>} : memref<128x16xf32, #tpu.memory_space<vmem>>, vector<1x16xf32>,
      %swap3A_1178 = vector.shape_cast %swap3A_1177 : vector<1x16xf32> to vector<16xf32>
      %swap3A_1179 = vector.shape_cast %broadcast_in_dim3A_1173 : vector<16xf32> to vector<1x16xf32>
      tpu.vector_store %arg12[%swap3A_1175, %swap3A_1176], %swap3A_1179 {strides = array<i32>} : memref<128x16xf32, #tpu.memory_space<vmem>>, vector<1x16xf32>,
      %broadcast_in_dim3A_1180 = arith.constant 0.000000e+00 : f32
      %broadcast_in_dim3A_1181 = vector.broadcast %broadcast_in_dim3A_1180 : f32 to vector<16xf32>
      %swap3A_1182 = arith.constant 64 : i32
      %swap3A_1183 = arith.index_cast %swap3A_1182 : i32 to index
      %swap3A_1184 = arith.constant 0 : index
      %swap3A_1185 = tpu.vector_load %arg12[%swap3A_1183, %swap3A_1184] {strides = array<i32>} : memref<128x16xf32, #tpu.memory_space<vmem>>, vector<1x16xf32>,
      %swap3A_1186 = vector.shape_cast %swap3A_1185 : vector<1x16xf32> to vector<16xf32>
      %swap3A_1187 = vector.shape_cast %broadcast_in_dim3A_1181 : vector<16xf32> to vector<1x16xf32>
      tpu.vector_store %arg12[%swap3A_1183, %swap3A_1184], %swap3A_1187 {strides = array<i32>} : memref<128x16xf32, #tpu.memory_space<vmem>>, vector<1x16xf32>,
      %broadcast_in_dim3A_1188 = arith.constant 0.000000e+00 : f32
      %broadcast_in_dim3A_1189 = vector.broadcast %broadcast_in_dim3A_1188 : f32 to vector<16xf32>
      %swap3A_1190 = arith.constant 65 : i32
      %swap3A_1191 = arith.index_cast %swap3A_1190 : i32 to index
      %swap3A_1192 = arith.constant 0 : index
      %swap3A_1193 = tpu.vector_load %arg12[%swap3A_1191, %swap3A_1192] {strides = array<i32>} : memref<128x16xf32, #tpu.memory_space<vmem>>, vector<1x16xf32>,
      %swap3A_1194 = vector.shape_cast %swap3A_1193 : vector<1x16xf32> to vector<16xf32>
      %swap3A_1195 = vector.shape_cast %broadcast_in_dim3A_1189 : vector<16xf32> to vector<1x16xf32>
      tpu.vector_store %arg12[%swap3A_1191, %swap3A_1192], %swap3A_1195 {strides = array<i32>} : memref<128x16xf32, #tpu.memory_space<vmem>>, vector<1x16xf32>,
      %broadcast_in_dim3A_1196 = arith.constant 0.000000e+00 : f32
      %broadcast_in_dim3A_1197 = vector.broadcast %broadcast_in_dim3A_1196 : f32 to vector<16xf32>
      %swap3A_1198 = arith.constant 66 : i32
      %swap3A_1199 = arith.index_cast %swap3A_1198 : i32 to index
      %swap3A_1200 = arith.constant 0 : index
      %swap3A_1201 = tpu.vector_load %arg12[%swap3A_1199, %swap3A_1200] {strides = array<i32>} : memref<128x16xf32, #tpu.memory_space<vmem>>, vector<1x16xf32>,
      %swap3A_1202 = vector.shape_cast %swap3A_1201 : vector<1x16xf32> to vector<16xf32>
      %swap3A_1203 = vector.shape_cast %broadcast_in_dim3A_1197 : vector<16xf32> to vector<1x16xf32>
      tpu.vector_store %arg12[%swap3A_1199, %swap3A_1200], %swap3A_1203 {strides = array<i32>} : memref<128x16xf32, #tpu.memory_space<vmem>>, vector<1x16xf32>,
      %broadcast_in_dim3A_1204 = arith.constant 0.000000e+00 : f32
      %broadcast_in_dim3A_1205 = vector.broadcast %broadcast_in_dim3A_1204 : f32 to vector<16xf32>
      %swap3A_1206 = arith.constant 67 : i32
      %swap3A_1207 = arith.index_cast %swap3A_1206 : i32 to index
      %swap3A_1208 = arith.constant 0 : index
      %swap3A_1209 = tpu.vector_load %arg12[%swap3A_1207, %swap3A_1208] {strides = array<i32>} : memref<128x16xf32, #tpu.memory_space<vmem>>, vector<1x16xf32>,
      %swap3A_1210 = vector.shape_cast %swap3A_1209 : vector<1x16xf32> to vector<16xf32>
      %swap3A_1211 = vector.shape_cast %broadcast_in_dim3A_1205 : vector<16xf32> to vector<1x16xf32>
      tpu.vector_store %arg12[%swap3A_1207, %swap3A_1208], %swap3A_1211 {strides = array<i32>} : memref<128x16xf32, #tpu.memory_space<vmem>>, vector<1x16xf32>,
      %broadcast_in_dim3A_1212 = arith.constant 0.000000e+00 : f32
      %broadcast_in_dim3A_1213 = vector.broadcast %broadcast_in_dim3A_1212 : f32 to vector<16xf32>
      %swap3A_1214 = arith.constant 68 : i32
      %swap3A_1215 = arith.index_cast %swap3A_1214 : i32 to index
      %swap3A_1216 = arith.constant 0 : index
      %swap3A_1217 = tpu.vector_load %arg12[%swap3A_1215, %swap3A_1216] {strides = array<i32>} : memref<128x16xf32, #tpu.memory_space<vmem>>, vector<1x16xf32>,
      %swap3A_1218 = vector.shape_cast %swap3A_1217 : vector<1x16xf32> to vector<16xf32>
      %swap3A_1219 = vector.shape_cast %broadcast_in_dim3A_1213 : vector<16xf32> to vector<1x16xf32>
      tpu.vector_store %arg12[%swap3A_1215, %swap3A_1216], %swap3A_1219 {strides = array<i32>} : memref<128x16xf32, #tpu.memory_space<vmem>>, vector<1x16xf32>,
      %broadcast_in_dim3A_1220 = arith.constant 0.000000e+00 : f32
      %broadcast_in_dim3A_1221 = vector.broadcast %broadcast_in_dim3A_1220 : f32 to vector<16xf32>
      %swap3A_1222 = arith.constant 69 : i32
      %swap3A_1223 = arith.index_cast %swap3A_1222 : i32 to index
      %swap3A_1224 = arith.constant 0 : index
      %swap3A_1225 = tpu.vector_load %arg12[%swap3A_1223, %swap3A_1224] {strides = array<i32>} : memref<128x16xf32, #tpu.memory_space<vmem>>, vector<1x16xf32>,
      %swap3A_1226 = vector.shape_cast %swap3A_1225 : vector<1x16xf32> to vector<16xf32>
      %swap3A_1227 = vector.shape_cast %broadcast_in_dim3A_1221 : vector<16xf32> to vector<1x16xf32>
      tpu.vector_store %arg12[%swap3A_1223, %swap3A_1224], %swap3A_1227 {strides = array<i32>} : memref<128x16xf32, #tpu.memory_space<vmem>>, vector<1x16xf32>,
      %broadcast_in_dim3A_1228 = arith.constant 0.000000e+00 : f32
      %broadcast_in_dim3A_1229 = vector.broadcast %broadcast_in_dim3A_1228 : f32 to vector<16xf32>
      %swap3A_1230 = arith.constant 70 : i32
      %swap3A_1231 = arith.index_cast %swap3A_1230 : i32 to index
      %swap3A_1232 = arith.constant 0 : index
      %swap3A_1233 = tpu.vector_load %arg12[%swap3A_1231, %swap3A_1232] {strides = array<i32>} : memref<128x16xf32, #tpu.memory_space<vmem>>, vector<1x16xf32>,
      %swap3A_1234 = vector.shape_cast %swap3A_1233 : vector<1x16xf32> to vector<16xf32>
      %swap3A_1235 = vector.shape_cast %broadcast_in_dim3A_1229 : vector<16xf32> to vector<1x16xf32>
      tpu.vector_store %arg12[%swap3A_1231, %swap3A_1232], %swap3A_1235 {strides = array<i32>} : memref<128x16xf32, #tpu.memory_space<vmem>>, vector<1x16xf32>,
      %broadcast_in_dim3A_1236 = arith.constant 0.000000e+00 : f32
      %broadcast_in_dim3A_1237 = vector.broadcast %broadcast_in_dim3A_1236 : f32 to vector<16xf32>
      %swap3A_1238 = arith.constant 71 : i32
      %swap3A_1239 = arith.index_cast %swap3A_1238 : i32 to index
      %swap3A_1240 = arith.constant 0 : index
      %swap3A_1241 = tpu.vector_load %arg12[%swap3A_1239, %swap3A_1240] {strides = array<i32>} : memref<128x16xf32, #tpu.memory_space<vmem>>, vector<1x16xf32>,
      %swap3A_1242 = vector.shape_cast %swap3A_1241 : vector<1x16xf32> to vector<16xf32>
      %swap3A_1243 = vector.shape_cast %broadcast_in_dim3A_1237 : vector<16xf32> to vector<1x16xf32>
      tpu.vector_store %arg12[%swap3A_1239, %swap3A_1240], %swap3A_1243 {strides = array<i32>} : memref<128x16xf32, #tpu.memory_space<vmem>>, vector<1x16xf32>,
      %broadcast_in_dim3A_1244 = arith.constant 0.000000e+00 : f32
      %broadcast_in_dim3A_1245 = vector.broadcast %broadcast_in_dim3A_1244 : f32 to vector<16xf32>
      %swap3A_1246 = arith.constant 72 : i32
      %swap3A_1247 = arith.index_cast %swap3A_1246 : i32 to index
      %swap3A_1248 = arith.constant 0 : index
      %swap3A_1249 = tpu.vector_load %arg12[%swap3A_1247, %swap3A_1248] {strides = array<i32>} : memref<128x16xf32, #tpu.memory_space<vmem>>, vector<1x16xf32>,
      %swap3A_1250 = vector.shape_cast %swap3A_1249 : vector<1x16xf32> to vector<16xf32>
      %swap3A_1251 = vector.shape_cast %broadcast_in_dim3A_1245 : vector<16xf32> to vector<1x16xf32>
      tpu.vector_store %arg12[%swap3A_1247, %swap3A_1248], %swap3A_1251 {strides = array<i32>} : memref<128x16xf32, #tpu.memory_space<vmem>>, vector<1x16xf32>,
      %broadcast_in_dim3A_1252 = arith.constant 0.000000e+00 : f32
      %broadcast_in_dim3A_1253 = vector.broadcast %broadcast_in_dim3A_1252 : f32 to vector<16xf32>
      %swap3A_1254 = arith.constant 73 : i32
      %swap3A_1255 = arith.index_cast %swap3A_1254 : i32 to index
      %swap3A_1256 = arith.constant 0 : index
      %swap3A_1257 = tpu.vector_load %arg12[%swap3A_1255, %swap3A_1256] {strides = array<i32>} : memref<128x16xf32, #tpu.memory_space<vmem>>, vector<1x16xf32>,
      %swap3A_1258 = vector.shape_cast %swap3A_1257 : vector<1x16xf32> to vector<16xf32>
      %swap3A_1259 = vector.shape_cast %broadcast_in_dim3A_1253 : vector<16xf32> to vector<1x16xf32>
      tpu.vector_store %arg12[%swap3A_1255, %swap3A_1256], %swap3A_1259 {strides = array<i32>} : memref<128x16xf32, #tpu.memory_space<vmem>>, vector<1x16xf32>,
      %broadcast_in_dim3A_1260 = arith.constant 0.000000e+00 : f32
      %broadcast_in_dim3A_1261 = vector.broadcast %broadcast_in_dim3A_1260 : f32 to vector<16xf32>
      %swap3A_1262 = arith.constant 74 : i32
      %swap3A_1263 = arith.index_cast %swap3A_1262 : i32 to index
      %swap3A_1264 = arith.constant 0 : index
      %swap3A_1265 = tpu.vector_load %arg12[%swap3A_1263, %swap3A_1264] {strides = array<i32>} : memref<128x16xf32, #tpu.memory_space<vmem>>, vector<1x16xf32>,
      %swap3A_1266 = vector.shape_cast %swap3A_1265 : vector<1x16xf32> to vector<16xf32>
      %swap3A_1267 = vector.shape_cast %broadcast_in_dim3A_1261 : vector<16xf32> to vector<1x16xf32>
      tpu.vector_store %arg12[%swap3A_1263, %swap3A_1264], %swap3A_1267 {strides = array<i32>} : memref<128x16xf32, #tpu.memory_space<vmem>>, vector<1x16xf32>,
      %broadcast_in_dim3A_1268 = arith.constant 0.000000e+00 : f32
      %broadcast_in_dim3A_1269 = vector.broadcast %broadcast_in_dim3A_1268 : f32 to vector<16xf32>
      %swap3A_1270 = arith.constant 75 : i32
      %swap3A_1271 = arith.index_cast %swap3A_1270 : i32 to index
      %swap3A_1272 = arith.constant 0 : index
      %swap3A_1273 = tpu.vector_load %arg12[%swap3A_1271, %swap3A_1272] {strides = array<i32>} : memref<128x16xf32, #tpu.memory_space<vmem>>, vector<1x16xf32>,
      %swap3A_1274 = vector.shape_cast %swap3A_1273 : vector<1x16xf32> to vector<16xf32>
      %swap3A_1275 = vector.shape_cast %broadcast_in_dim3A_1269 : vector<16xf32> to vector<1x16xf32>
      tpu.vector_store %arg12[%swap3A_1271, %swap3A_1272], %swap3A_1275 {strides = array<i32>} : memref<128x16xf32, #tpu.memory_space<vmem>>, vector<1x16xf32>,
      %broadcast_in_dim3A_1276 = arith.constant 0.000000e+00 : f32
      %broadcast_in_dim3A_1277 = vector.broadcast %broadcast_in_dim3A_1276 : f32 to vector<16xf32>
      %swap3A_1278 = arith.constant 76 : i32
      %swap3A_1279 = arith.index_cast %swap3A_1278 : i32 to index
      %swap3A_1280 = arith.constant 0 : index
      %swap3A_1281 = tpu.vector_load %arg12[%swap3A_1279, %swap3A_1280] {strides = array<i32>} : memref<128x16xf32, #tpu.memory_space<vmem>>, vector<1x16xf32>,
      %swap3A_1282 = vector.shape_cast %swap3A_1281 : vector<1x16xf32> to vector<16xf32>
      %swap3A_1283 = vector.shape_cast %broadcast_in_dim3A_1277 : vector<16xf32> to vector<1x16xf32>
      tpu.vector_store %arg12[%swap3A_1279, %swap3A_1280], %swap3A_1283 {strides = array<i32>} : memref<128x16xf32, #tpu.memory_space<vmem>>, vector<1x16xf32>,
      %broadcast_in_dim3A_1284 = arith.constant 0.000000e+00 : f32
      %broadcast_in_dim3A_1285 = vector.broadcast %broadcast_in_dim3A_1284 : f32 to vector<16xf32>
      %swap3A_1286 = arith.constant 77 : i32
      %swap3A_1287 = arith.index_cast %swap3A_1286 : i32 to index
      %swap3A_1288 = arith.constant 0 : index
      %swap3A_1289 = tpu.vector_load %arg12[%swap3A_1287, %swap3A_1288] {strides = array<i32>} : memref<128x16xf32, #tpu.memory_space<vmem>>, vector<1x16xf32>,
      %swap3A_1290 = vector.shape_cast %swap3A_1289 : vector<1x16xf32> to vector<16xf32>
      %swap3A_1291 = vector.shape_cast %broadcast_in_dim3A_1285 : vector<16xf32> to vector<1x16xf32>
      tpu.vector_store %arg12[%swap3A_1287, %swap3A_1288], %swap3A_1291 {strides = array<i32>} : memref<128x16xf32, #tpu.memory_space<vmem>>, vector<1x16xf32>,
      %broadcast_in_dim3A_1292 = arith.constant 0.000000e+00 : f32
      %broadcast_in_dim3A_1293 = vector.broadcast %broadcast_in_dim3A_1292 : f32 to vector<16xf32>
      %swap3A_1294 = arith.constant 78 : i32
      %swap3A_1295 = arith.index_cast %swap3A_1294 : i32 to index
      %swap3A_1296 = arith.constant 0 : index
      %swap3A_1297 = tpu.vector_load %arg12[%swap3A_1295, %swap3A_1296] {strides = array<i32>} : memref<128x16xf32, #tpu.memory_space<vmem>>, vector<1x16xf32>,
      %swap3A_1298 = vector.shape_cast %swap3A_1297 : vector<1x16xf32> to vector<16xf32>
      %swap3A_1299 = vector.shape_cast %broadcast_in_dim3A_1293 : vector<16xf32> to vector<1x16xf32>
      tpu.vector_store %arg12[%swap3A_1295, %swap3A_1296], %swap3A_1299 {strides = array<i32>} : memref<128x16xf32, #tpu.memory_space<vmem>>, vector<1x16xf32>,
      %broadcast_in_dim3A_1300 = arith.constant 0.000000e+00 : f32
      %broadcast_in_dim3A_1301 = vector.broadcast %broadcast_in_dim3A_1300 : f32 to vector<16xf32>
      %swap3A_1302 = arith.constant 79 : i32
      %swap3A_1303 = arith.index_cast %swap3A_1302 : i32 to index
      %swap3A_1304 = arith.constant 0 : index
      %swap3A_1305 = tpu.vector_load %arg12[%swap3A_1303, %swap3A_1304] {strides = array<i32>} : memref<128x16xf32, #tpu.memory_space<vmem>>, vector<1x16xf32>,
      %swap3A_1306 = vector.shape_cast %swap3A_1305 : vector<1x16xf32> to vector<16xf32>
      %swap3A_1307 = vector.shape_cast %broadcast_in_dim3A_1301 : vector<16xf32> to vector<1x16xf32>
      tpu.vector_store %arg12[%swap3A_1303, %swap3A_1304], %swap3A_1307 {strides = array<i32>} : memref<128x16xf32, #tpu.memory_space<vmem>>, vector<1x16xf32>,
      %broadcast_in_dim3A_1308 = arith.constant 0.000000e+00 : f32
      %broadcast_in_dim3A_1309 = vector.broadcast %broadcast_in_dim3A_1308 : f32 to vector<16xf32>
      %swap3A_1310 = arith.constant 80 : i32
      %swap3A_1311 = arith.index_cast %swap3A_1310 : i32 to index
      %swap3A_1312 = arith.constant 0 : index
      %swap3A_1313 = tpu.vector_load %arg12[%swap3A_1311, %swap3A_1312] {strides = array<i32>} : memref<128x16xf32, #tpu.memory_space<vmem>>, vector<1x16xf32>,
      %swap3A_1314 = vector.shape_cast %swap3A_1313 : vector<1x16xf32> to vector<16xf32>
      %swap3A_1315 = vector.shape_cast %broadcast_in_dim3A_1309 : vector<16xf32> to vector<1x16xf32>
      tpu.vector_store %arg12[%swap3A_1311, %swap3A_1312], %swap3A_1315 {strides = array<i32>} : memref<128x16xf32, #tpu.memory_space<vmem>>, vector<1x16xf32>,
      %broadcast_in_dim3A_1316 = arith.constant 0.000000e+00 : f32
      %broadcast_in_dim3A_1317 = vector.broadcast %broadcast_in_dim3A_1316 : f32 to vector<16xf32>
      %swap3A_1318 = arith.constant 81 : i32
      %swap3A_1319 = arith.index_cast %swap3A_1318 : i32 to index
      %swap3A_1320 = arith.constant 0 : index
      %swap3A_1321 = tpu.vector_load %arg12[%swap3A_1319, %swap3A_1320] {strides = array<i32>} : memref<128x16xf32, #tpu.memory_space<vmem>>, vector<1x16xf32>,
      %swap3A_1322 = vector.shape_cast %swap3A_1321 : vector<1x16xf32> to vector<16xf32>
      %swap3A_1323 = vector.shape_cast %broadcast_in_dim3A_1317 : vector<16xf32> to vector<1x16xf32>
      tpu.vector_store %arg12[%swap3A_1319, %swap3A_1320], %swap3A_1323 {strides = array<i32>} : memref<128x16xf32, #tpu.memory_space<vmem>>, vector<1x16xf32>,
      %broadcast_in_dim3A_1324 = arith.constant 0.000000e+00 : f32
      %broadcast_in_dim3A_1325 = vector.broadcast %broadcast_in_dim3A_1324 : f32 to vector<16xf32>
      %swap3A_1326 = arith.constant 82 : i32
      %swap3A_1327 = arith.index_cast %swap3A_1326 : i32 to index
      %swap3A_1328 = arith.constant 0 : index
      %swap3A_1329 = tpu.vector_load %arg12[%swap3A_1327, %swap3A_1328] {strides = array<i32>} : memref<128x16xf32, #tpu.memory_space<vmem>>, vector<1x16xf32>,
      %swap3A_1330 = vector.shape_cast %swap3A_1329 : vector<1x16xf32> to vector<16xf32>
      %swap3A_1331 = vector.shape_cast %broadcast_in_dim3A_1325 : vector<16xf32> to vector<1x16xf32>
      tpu.vector_store %arg12[%swap3A_1327, %swap3A_1328], %swap3A_1331 {strides = array<i32>} : memref<128x16xf32, #tpu.memory_space<vmem>>, vector<1x16xf32>,
      %broadcast_in_dim3A_1332 = arith.constant 0.000000e+00 : f32
      %broadcast_in_dim3A_1333 = vector.broadcast %broadcast_in_dim3A_1332 : f32 to vector<16xf32>
      %swap3A_1334 = arith.constant 83 : i32
      %swap3A_1335 = arith.index_cast %swap3A_1334 : i32 to index
      %swap3A_1336 = arith.constant 0 : index
      %swap3A_1337 = tpu.vector_load %arg12[%swap3A_1335, %swap3A_1336] {strides = array<i32>} : memref<128x16xf32, #tpu.memory_space<vmem>>, vector<1x16xf32>,
      %swap3A_1338 = vector.shape_cast %swap3A_1337 : vector<1x16xf32> to vector<16xf32>
      %swap3A_1339 = vector.shape_cast %broadcast_in_dim3A_1333 : vector<16xf32> to vector<1x16xf32>
      tpu.vector_store %arg12[%swap3A_1335, %swap3A_1336], %swap3A_1339 {strides = array<i32>} : memref<128x16xf32, #tpu.memory_space<vmem>>, vector<1x16xf32>,
      %broadcast_in_dim3A_1340 = arith.constant 0.000000e+00 : f32
      %broadcast_in_dim3A_1341 = vector.broadcast %broadcast_in_dim3A_1340 : f32 to vector<16xf32>
      %swap3A_1342 = arith.constant 84 : i32
      %swap3A_1343 = arith.index_cast %swap3A_1342 : i32 to index
      %swap3A_1344 = arith.constant 0 : index
      %swap3A_1345 = tpu.vector_load %arg12[%swap3A_1343, %swap3A_1344] {strides = array<i32>} : memref<128x16xf32, #tpu.memory_space<vmem>>, vector<1x16xf32>,
      %swap3A_1346 = vector.shape_cast %swap3A_1345 : vector<1x16xf32> to vector<16xf32>
      %swap3A_1347 = vector.shape_cast %broadcast_in_dim3A_1341 : vector<16xf32> to vector<1x16xf32>
      tpu.vector_store %arg12[%swap3A_1343, %swap3A_1344], %swap3A_1347 {strides = array<i32>} : memref<128x16xf32, #tpu.memory_space<vmem>>, vector<1x16xf32>,
      %broadcast_in_dim3A_1348 = arith.constant 0.000000e+00 : f32
      %broadcast_in_dim3A_1349 = vector.broadcast %broadcast_in_dim3A_1348 : f32 to vector<16xf32>
      %swap3A_1350 = arith.constant 85 : i32
      %swap3A_1351 = arith.index_cast %swap3A_1350 : i32 to index
      %swap3A_1352 = arith.constant 0 : index
      %swap3A_1353 = tpu.vector_load %arg12[%swap3A_1351, %swap3A_1352] {strides = array<i32>} : memref<128x16xf32, #tpu.memory_space<vmem>>, vector<1x16xf32>,
      %swap3A_1354 = vector.shape_cast %swap3A_1353 : vector<1x16xf32> to vector<16xf32>
      %swap3A_1355 = vector.shape_cast %broadcast_in_dim3A_1349 : vector<16xf32> to vector<1x16xf32>
      tpu.vector_store %arg12[%swap3A_1351, %swap3A_1352], %swap3A_1355 {strides = array<i32>} : memref<128x16xf32, #tpu.memory_space<vmem>>, vector<1x16xf32>,
      %broadcast_in_dim3A_1356 = arith.constant 0.000000e+00 : f32
      %broadcast_in_dim3A_1357 = vector.broadcast %broadcast_in_dim3A_1356 : f32 to vector<16xf32>
      %swap3A_1358 = arith.constant 86 : i32
      %swap3A_1359 = arith.index_cast %swap3A_1358 : i32 to index
      %swap3A_1360 = arith.constant 0 : index
      %swap3A_1361 = tpu.vector_load %arg12[%swap3A_1359, %swap3A_1360] {strides = array<i32>} : memref<128x16xf32, #tpu.memory_space<vmem>>, vector<1x16xf32>,
      %swap3A_1362 = vector.shape_cast %swap3A_1361 : vector<1x16xf32> to vector<16xf32>
      %swap3A_1363 = vector.shape_cast %broadcast_in_dim3A_1357 : vector<16xf32> to vector<1x16xf32>
      tpu.vector_store %arg12[%swap3A_1359, %swap3A_1360], %swap3A_1363 {strides = array<i32>} : memref<128x16xf32, #tpu.memory_space<vmem>>, vector<1x16xf32>,
      %broadcast_in_dim3A_1364 = arith.constant 0.000000e+00 : f32
      %broadcast_in_dim3A_1365 = vector.broadcast %broadcast_in_dim3A_1364 : f32 to vector<16xf32>
      %swap3A_1366 = arith.constant 87 : i32
      %swap3A_1367 = arith.index_cast %swap3A_1366 : i32 to index
      %swap3A_1368 = arith.constant 0 : index
      %swap3A_1369 = tpu.vector_load %arg12[%swap3A_1367, %swap3A_1368] {strides = array<i32>} : memref<128x16xf32, #tpu.memory_space<vmem>>, vector<1x16xf32>,
      %swap3A_1370 = vector.shape_cast %swap3A_1369 : vector<1x16xf32> to vector<16xf32>
      %swap3A_1371 = vector.shape_cast %broadcast_in_dim3A_1365 : vector<16xf32> to vector<1x16xf32>
      tpu.vector_store %arg12[%swap3A_1367, %swap3A_1368], %swap3A_1371 {strides = array<i32>} : memref<128x16xf32, #tpu.memory_space<vmem>>, vector<1x16xf32>,
      %broadcast_in_dim3A_1372 = arith.constant 0.000000e+00 : f32
      %broadcast_in_dim3A_1373 = vector.broadcast %broadcast_in_dim3A_1372 : f32 to vector<16xf32>
      %swap3A_1374 = arith.constant 88 : i32
      %swap3A_1375 = arith.index_cast %swap3A_1374 : i32 to index
      %swap3A_1376 = arith.constant 0 : index
      %swap3A_1377 = tpu.vector_load %arg12[%swap3A_1375, %swap3A_1376] {strides = array<i32>} : memref<128x16xf32, #tpu.memory_space<vmem>>, vector<1x16xf32>,
      %swap3A_1378 = vector.shape_cast %swap3A_1377 : vector<1x16xf32> to vector<16xf32>
      %swap3A_1379 = vector.shape_cast %broadcast_in_dim3A_1373 : vector<16xf32> to vector<1x16xf32>
      tpu.vector_store %arg12[%swap3A_1375, %swap3A_1376], %swap3A_1379 {strides = array<i32>} : memref<128x16xf32, #tpu.memory_space<vmem>>, vector<1x16xf32>,
      %broadcast_in_dim3A_1380 = arith.constant 0.000000e+00 : f32
      %broadcast_in_dim3A_1381 = vector.broadcast %broadcast_in_dim3A_1380 : f32 to vector<16xf32>
      %swap3A_1382 = arith.constant 89 : i32
      %swap3A_1383 = arith.index_cast %swap3A_1382 : i32 to index
      %swap3A_1384 = arith.constant 0 : index
      %swap3A_1385 = tpu.vector_load %arg12[%swap3A_1383, %swap3A_1384] {strides = array<i32>} : memref<128x16xf32, #tpu.memory_space<vmem>>, vector<1x16xf32>,
      %swap3A_1386 = vector.shape_cast %swap3A_1385 : vector<1x16xf32> to vector<16xf32>
      %swap3A_1387 = vector.shape_cast %broadcast_in_dim3A_1381 : vector<16xf32> to vector<1x16xf32>
      tpu.vector_store %arg12[%swap3A_1383, %swap3A_1384], %swap3A_1387 {strides = array<i32>} : memref<128x16xf32, #tpu.memory_space<vmem>>, vector<1x16xf32>,
      %broadcast_in_dim3A_1388 = arith.constant 0.000000e+00 : f32
      %broadcast_in_dim3A_1389 = vector.broadcast %broadcast_in_dim3A_1388 : f32 to vector<16xf32>
      %swap3A_1390 = arith.constant 90 : i32
      %swap3A_1391 = arith.index_cast %swap3A_1390 : i32 to index
      %swap3A_1392 = arith.constant 0 : index
      %swap3A_1393 = tpu.vector_load %arg12[%swap3A_1391, %swap3A_1392] {strides = array<i32>} : memref<128x16xf32, #tpu.memory_space<vmem>>, vector<1x16xf32>,
      %swap3A_1394 = vector.shape_cast %swap3A_1393 : vector<1x16xf32> to vector<16xf32>
      %swap3A_1395 = vector.shape_cast %broadcast_in_dim3A_1389 : vector<16xf32> to vector<1x16xf32>
      tpu.vector_store %arg12[%swap3A_1391, %swap3A_1392], %swap3A_1395 {strides = array<i32>} : memref<128x16xf32, #tpu.memory_space<vmem>>, vector<1x16xf32>,
      %broadcast_in_dim3A_1396 = arith.constant 0.000000e+00 : f32
      %broadcast_in_dim3A_1397 = vector.broadcast %broadcast_in_dim3A_1396 : f32 to vector<16xf32>
      %swap3A_1398 = arith.constant 91 : i32
      %swap3A_1399 = arith.index_cast %swap3A_1398 : i32 to index
      %swap3A_1400 = arith.constant 0 : index
      %swap3A_1401 = tpu.vector_load %arg12[%swap3A_1399, %swap3A_1400] {strides = array<i32>} : memref<128x16xf32, #tpu.memory_space<vmem>>, vector<1x16xf32>,
      %swap3A_1402 = vector.shape_cast %swap3A_1401 : vector<1x16xf32> to vector<16xf32>
      %swap3A_1403 = vector.shape_cast %broadcast_in_dim3A_1397 : vector<16xf32> to vector<1x16xf32>
      tpu.vector_store %arg12[%swap3A_1399, %swap3A_1400], %swap3A_1403 {strides = array<i32>} : memref<128x16xf32, #tpu.memory_space<vmem>>, vector<1x16xf32>,
      %broadcast_in_dim3A_1404 = arith.constant 0.000000e+00 : f32
      %broadcast_in_dim3A_1405 = vector.broadcast %broadcast_in_dim3A_1404 : f32 to vector<16xf32>
      %swap3A_1406 = arith.constant 92 : i32
      %swap3A_1407 = arith.index_cast %swap3A_1406 : i32 to index
      %swap3A_1408 = arith.constant 0 : index
      %swap3A_1409 = tpu.vector_load %arg12[%swap3A_1407, %swap3A_1408] {strides = array<i32>} : memref<128x16xf32, #tpu.memory_space<vmem>>, vector<1x16xf32>,
      %swap3A_1410 = vector.shape_cast %swap3A_1409 : vector<1x16xf32> to vector<16xf32>
      %swap3A_1411 = vector.shape_cast %broadcast_in_dim3A_1405 : vector<16xf32> to vector<1x16xf32>
      tpu.vector_store %arg12[%swap3A_1407, %swap3A_1408], %swap3A_1411 {strides = array<i32>} : memref<128x16xf32, #tpu.memory_space<vmem>>, vector<1x16xf32>,
      %broadcast_in_dim3A_1412 = arith.constant 0.000000e+00 : f32
      %broadcast_in_dim3A_1413 = vector.broadcast %broadcast_in_dim3A_1412 : f32 to vector<16xf32>
      %swap3A_1414 = arith.constant 93 : i32
      %swap3A_1415 = arith.index_cast %swap3A_1414 : i32 to index
      %swap3A_1416 = arith.constant 0 : index
      %swap3A_1417 = tpu.vector_load %arg12[%swap3A_1415, %swap3A_1416] {strides = array<i32>} : memref<128x16xf32, #tpu.memory_space<vmem>>, vector<1x16xf32>,
      %swap3A_1418 = vector.shape_cast %swap3A_1417 : vector<1x16xf32> to vector<16xf32>
      %swap3A_1419 = vector.shape_cast %broadcast_in_dim3A_1413 : vector<16xf32> to vector<1x16xf32>
      tpu.vector_store %arg12[%swap3A_1415, %swap3A_1416], %swap3A_1419 {strides = array<i32>} : memref<128x16xf32, #tpu.memory_space<vmem>>, vector<1x16xf32>,
      %broadcast_in_dim3A_1420 = arith.constant 0.000000e+00 : f32
      %broadcast_in_dim3A_1421 = vector.broadcast %broadcast_in_dim3A_1420 : f32 to vector<16xf32>
      %swap3A_1422 = arith.constant 94 : i32
      %swap3A_1423 = arith.index_cast %swap3A_1422 : i32 to index
      %swap3A_1424 = arith.constant 0 : index
      %swap3A_1425 = tpu.vector_load %arg12[%swap3A_1423, %swap3A_1424] {strides = array<i32>} : memref<128x16xf32, #tpu.memory_space<vmem>>, vector<1x16xf32>,
      %swap3A_1426 = vector.shape_cast %swap3A_1425 : vector<1x16xf32> to vector<16xf32>
      %swap3A_1427 = vector.shape_cast %broadcast_in_dim3A_1421 : vector<16xf32> to vector<1x16xf32>
      tpu.vector_store %arg12[%swap3A_1423, %swap3A_1424], %swap3A_1427 {strides = array<i32>} : memref<128x16xf32, #tpu.memory_space<vmem>>, vector<1x16xf32>,
      %broadcast_in_dim3A_1428 = arith.constant 0.000000e+00 : f32
      %broadcast_in_dim3A_1429 = vector.broadcast %broadcast_in_dim3A_1428 : f32 to vector<16xf32>
      %swap3A_1430 = arith.constant 95 : i32
      %swap3A_1431 = arith.index_cast %swap3A_1430 : i32 to index
      %swap3A_1432 = arith.constant 0 : index
      %swap3A_1433 = tpu.vector_load %arg12[%swap3A_1431, %swap3A_1432] {strides = array<i32>} : memref<128x16xf32, #tpu.memory_space<vmem>>, vector<1x16xf32>,
      %swap3A_1434 = vector.shape_cast %swap3A_1433 : vector<1x16xf32> to vector<16xf32>
      %swap3A_1435 = vector.shape_cast %broadcast_in_dim3A_1429 : vector<16xf32> to vector<1x16xf32>
      tpu.vector_store %arg12[%swap3A_1431, %swap3A_1432], %swap3A_1435 {strides = array<i32>} : memref<128x16xf32, #tpu.memory_space<vmem>>, vector<1x16xf32>,
      %broadcast_in_dim3A_1436 = arith.constant 0.000000e+00 : f32
      %broadcast_in_dim3A_1437 = vector.broadcast %broadcast_in_dim3A_1436 : f32 to vector<16xf32>
      %swap3A_1438 = arith.constant 96 : i32
      %swap3A_1439 = arith.index_cast %swap3A_1438 : i32 to index
      %swap3A_1440 = arith.constant 0 : index
      %swap3A_1441 = tpu.vector_load %arg12[%swap3A_1439, %swap3A_1440] {strides = array<i32>} : memref<128x16xf32, #tpu.memory_space<vmem>>, vector<1x16xf32>,
      %swap3A_1442 = vector.shape_cast %swap3A_1441 : vector<1x16xf32> to vector<16xf32>
      %swap3A_1443 = vector.shape_cast %broadcast_in_dim3A_1437 : vector<16xf32> to vector<1x16xf32>
      tpu.vector_store %arg12[%swap3A_1439, %swap3A_1440], %swap3A_1443 {strides = array<i32>} : memref<128x16xf32, #tpu.memory_space<vmem>>, vector<1x16xf32>,
      %broadcast_in_dim3A_1444 = arith.constant 0.000000e+00 : f32
      %broadcast_in_dim3A_1445 = vector.broadcast %broadcast_in_dim3A_1444 : f32 to vector<16xf32>
      %swap3A_1446 = arith.constant 97 : i32
      %swap3A_1447 = arith.index_cast %swap3A_1446 : i32 to index
      %swap3A_1448 = arith.constant 0 : index
      %swap3A_1449 = tpu.vector_load %arg12[%swap3A_1447, %swap3A_1448] {strides = array<i32>} : memref<128x16xf32, #tpu.memory_space<vmem>>, vector<1x16xf32>,
      %swap3A_1450 = vector.shape_cast %swap3A_1449 : vector<1x16xf32> to vector<16xf32>
      %swap3A_1451 = vector.shape_cast %broadcast_in_dim3A_1445 : vector<16xf32> to vector<1x16xf32>
      tpu.vector_store %arg12[%swap3A_1447, %swap3A_1448], %swap3A_1451 {strides = array<i32>} : memref<128x16xf32, #tpu.memory_space<vmem>>, vector<1x16xf32>,
      %broadcast_in_dim3A_1452 = arith.constant 0.000000e+00 : f32
      %broadcast_in_dim3A_1453 = vector.broadcast %broadcast_in_dim3A_1452 : f32 to vector<16xf32>
      %swap3A_1454 = arith.constant 98 : i32
      %swap3A_1455 = arith.index_cast %swap3A_1454 : i32 to index
      %swap3A_1456 = arith.constant 0 : index
      %swap3A_1457 = tpu.vector_load %arg12[%swap3A_1455, %swap3A_1456] {strides = array<i32>} : memref<128x16xf32, #tpu.memory_space<vmem>>, vector<1x16xf32>,
      %swap3A_1458 = vector.shape_cast %swap3A_1457 : vector<1x16xf32> to vector<16xf32>
      %swap3A_1459 = vector.shape_cast %broadcast_in_dim3A_1453 : vector<16xf32> to vector<1x16xf32>
      tpu.vector_store %arg12[%swap3A_1455, %swap3A_1456], %swap3A_1459 {strides = array<i32>} : memref<128x16xf32, #tpu.memory_space<vmem>>, vector<1x16xf32>,
      %broadcast_in_dim3A_1460 = arith.constant 0.000000e+00 : f32
      %broadcast_in_dim3A_1461 = vector.broadcast %broadcast_in_dim3A_1460 : f32 to vector<16xf32>
      %swap3A_1462 = arith.constant 99 : i32
      %swap3A_1463 = arith.index_cast %swap3A_1462 : i32 to index
      %swap3A_1464 = arith.constant 0 : index
      %swap3A_1465 = tpu.vector_load %arg12[%swap3A_1463, %swap3A_1464] {strides = array<i32>} : memref<128x16xf32, #tpu.memory_space<vmem>>, vector<1x16xf32>,
      %swap3A_1466 = vector.shape_cast %swap3A_1465 : vector<1x16xf32> to vector<16xf32>
      %swap3A_1467 = vector.shape_cast %broadcast_in_dim3A_1461 : vector<16xf32> to vector<1x16xf32>
      tpu.vector_store %arg12[%swap3A_1463, %swap3A_1464], %swap3A_1467 {strides = array<i32>} : memref<128x16xf32, #tpu.memory_space<vmem>>, vector<1x16xf32>,
      %broadcast_in_dim3A_1468 = arith.constant 0.000000e+00 : f32
      %broadcast_in_dim3A_1469 = vector.broadcast %broadcast_in_dim3A_1468 : f32 to vector<16xf32>
      %swap3A_1470 = arith.constant 100 : i32
      %swap3A_1471 = arith.index_cast %swap3A_1470 : i32 to index
      %swap3A_1472 = arith.constant 0 : index
      %swap3A_1473 = tpu.vector_load %arg12[%swap3A_1471, %swap3A_1472] {strides = array<i32>} : memref<128x16xf32, #tpu.memory_space<vmem>>, vector<1x16xf32>,
      %swap3A_1474 = vector.shape_cast %swap3A_1473 : vector<1x16xf32> to vector<16xf32>
      %swap3A_1475 = vector.shape_cast %broadcast_in_dim3A_1469 : vector<16xf32> to vector<1x16xf32>
      tpu.vector_store %arg12[%swap3A_1471, %swap3A_1472], %swap3A_1475 {strides = array<i32>} : memref<128x16xf32, #tpu.memory_space<vmem>>, vector<1x16xf32>,
      %broadcast_in_dim3A_1476 = arith.constant 0.000000e+00 : f32
      %broadcast_in_dim3A_1477 = vector.broadcast %broadcast_in_dim3A_1476 : f32 to vector<16xf32>
      %swap3A_1478 = arith.constant 101 : i32
      %swap3A_1479 = arith.index_cast %swap3A_1478 : i32 to index
      %swap3A_1480 = arith.constant 0 : index
      %swap3A_1481 = tpu.vector_load %arg12[%swap3A_1479, %swap3A_1480] {strides = array<i32>} : memref<128x16xf32, #tpu.memory_space<vmem>>, vector<1x16xf32>,
      %swap3A_1482 = vector.shape_cast %swap3A_1481 : vector<1x16xf32> to vector<16xf32>
      %swap3A_1483 = vector.shape_cast %broadcast_in_dim3A_1477 : vector<16xf32> to vector<1x16xf32>
      tpu.vector_store %arg12[%swap3A_1479, %swap3A_1480], %swap3A_1483 {strides = array<i32>} : memref<128x16xf32, #tpu.memory_space<vmem>>, vector<1x16xf32>,
      %broadcast_in_dim3A_1484 = arith.constant 0.000000e+00 : f32
      %broadcast_in_dim3A_1485 = vector.broadcast %broadcast_in_dim3A_1484 : f32 to vector<16xf32>
      %swap3A_1486 = arith.constant 102 : i32
      %swap3A_1487 = arith.index_cast %swap3A_1486 : i32 to index
      %swap3A_1488 = arith.constant 0 : index
      %swap3A_1489 = tpu.vector_load %arg12[%swap3A_1487, %swap3A_1488] {strides = array<i32>} : memref<128x16xf32, #tpu.memory_space<vmem>>, vector<1x16xf32>,
      %swap3A_1490 = vector.shape_cast %swap3A_1489 : vector<1x16xf32> to vector<16xf32>
      %swap3A_1491 = vector.shape_cast %broadcast_in_dim3A_1485 : vector<16xf32> to vector<1x16xf32>
      tpu.vector_store %arg12[%swap3A_1487, %swap3A_1488], %swap3A_1491 {strides = array<i32>} : memref<128x16xf32, #tpu.memory_space<vmem>>, vector<1x16xf32>,
      %broadcast_in_dim3A_1492 = arith.constant 0.000000e+00 : f32
      %broadcast_in_dim3A_1493 = vector.broadcast %broadcast_in_dim3A_1492 : f32 to vector<16xf32>
      %swap3A_1494 = arith.constant 103 : i32
      %swap3A_1495 = arith.index_cast %swap3A_1494 : i32 to index
      %swap3A_1496 = arith.constant 0 : index
      %swap3A_1497 = tpu.vector_load %arg12[%swap3A_1495, %swap3A_1496] {strides = array<i32>} : memref<128x16xf32, #tpu.memory_space<vmem>>, vector<1x16xf32>,
      %swap3A_1498 = vector.shape_cast %swap3A_1497 : vector<1x16xf32> to vector<16xf32>
      %swap3A_1499 = vector.shape_cast %broadcast_in_dim3A_1493 : vector<16xf32> to vector<1x16xf32>
      tpu.vector_store %arg12[%swap3A_1495, %swap3A_1496], %swap3A_1499 {strides = array<i32>} : memref<128x16xf32, #tpu.memory_space<vmem>>, vector<1x16xf32>,
      %broadcast_in_dim3A_1500 = arith.constant 0.000000e+00 : f32
      %broadcast_in_dim3A_1501 = vector.broadcast %broadcast_in_dim3A_1500 : f32 to vector<16xf32>
      %swap3A_1502 = arith.constant 104 : i32
      %swap3A_1503 = arith.index_cast %swap3A_1502 : i32 to index
      %swap3A_1504 = arith.constant 0 : index
      %swap3A_1505 = tpu.vector_load %arg12[%swap3A_1503, %swap3A_1504] {strides = array<i32>} : memref<128x16xf32, #tpu.memory_space<vmem>>, vector<1x16xf32>,
      %swap3A_1506 = vector.shape_cast %swap3A_1505 : vector<1x16xf32> to vector<16xf32>
      %swap3A_1507 = vector.shape_cast %broadcast_in_dim3A_1501 : vector<16xf32> to vector<1x16xf32>
      tpu.vector_store %arg12[%swap3A_1503, %swap3A_1504], %swap3A_1507 {strides = array<i32>} : memref<128x16xf32, #tpu.memory_space<vmem>>, vector<1x16xf32>,
      %broadcast_in_dim3A_1508 = arith.constant 0.000000e+00 : f32
      %broadcast_in_dim3A_1509 = vector.broadcast %broadcast_in_dim3A_1508 : f32 to vector<16xf32>
      %swap3A_1510 = arith.constant 105 : i32
      %swap3A_1511 = arith.index_cast %swap3A_1510 : i32 to index
      %swap3A_1512 = arith.constant 0 : index
      %swap3A_1513 = tpu.vector_load %arg12[%swap3A_1511, %swap3A_1512] {strides = array<i32>} : memref<128x16xf32, #tpu.memory_space<vmem>>, vector<1x16xf32>,
      %swap3A_1514 = vector.shape_cast %swap3A_1513 : vector<1x16xf32> to vector<16xf32>
      %swap3A_1515 = vector.shape_cast %broadcast_in_dim3A_1509 : vector<16xf32> to vector<1x16xf32>
      tpu.vector_store %arg12[%swap3A_1511, %swap3A_1512], %swap3A_1515 {strides = array<i32>} : memref<128x16xf32, #tpu.memory_space<vmem>>, vector<1x16xf32>,
      %broadcast_in_dim3A_1516 = arith.constant 0.000000e+00 : f32
      %broadcast_in_dim3A_1517 = vector.broadcast %broadcast_in_dim3A_1516 : f32 to vector<16xf32>
      %swap3A_1518 = arith.constant 106 : i32
      %swap3A_1519 = arith.index_cast %swap3A_1518 : i32 to index
      %swap3A_1520 = arith.constant 0 : index
      %swap3A_1521 = tpu.vector_load %arg12[%swap3A_1519, %swap3A_1520] {strides = array<i32>} : memref<128x16xf32, #tpu.memory_space<vmem>>, vector<1x16xf32>,
      %swap3A_1522 = vector.shape_cast %swap3A_1521 : vector<1x16xf32> to vector<16xf32>
      %swap3A_1523 = vector.shape_cast %broadcast_in_dim3A_1517 : vector<16xf32> to vector<1x16xf32>
      tpu.vector_store %arg12[%swap3A_1519, %swap3A_1520], %swap3A_1523 {strides = array<i32>} : memref<128x16xf32, #tpu.memory_space<vmem>>, vector<1x16xf32>,
      %broadcast_in_dim3A_1524 = arith.constant 0.000000e+00 : f32
      %broadcast_in_dim3A_1525 = vector.broadcast %broadcast_in_dim3A_1524 : f32 to vector<16xf32>
      %swap3A_1526 = arith.constant 107 : i32
      %swap3A_1527 = arith.index_cast %swap3A_1526 : i32 to index
      %swap3A_1528 = arith.constant 0 : index
      %swap3A_1529 = tpu.vector_load %arg12[%swap3A_1527, %swap3A_1528] {strides = array<i32>} : memref<128x16xf32, #tpu.memory_space<vmem>>, vector<1x16xf32>,
      %swap3A_1530 = vector.shape_cast %swap3A_1529 : vector<1x16xf32> to vector<16xf32>
      %swap3A_1531 = vector.shape_cast %broadcast_in_dim3A_1525 : vector<16xf32> to vector<1x16xf32>
      tpu.vector_store %arg12[%swap3A_1527, %swap3A_1528], %swap3A_1531 {strides = array<i32>} : memref<128x16xf32, #tpu.memory_space<vmem>>, vector<1x16xf32>,
      %broadcast_in_dim3A_1532 = arith.constant 0.000000e+00 : f32
      %broadcast_in_dim3A_1533 = vector.broadcast %broadcast_in_dim3A_1532 : f32 to vector<16xf32>
      %swap3A_1534 = arith.constant 108 : i32
      %swap3A_1535 = arith.index_cast %swap3A_1534 : i32 to index
      %swap3A_1536 = arith.constant 0 : index
      %swap3A_1537 = tpu.vector_load %arg12[%swap3A_1535, %swap3A_1536] {strides = array<i32>} : memref<128x16xf32, #tpu.memory_space<vmem>>, vector<1x16xf32>,
      %swap3A_1538 = vector.shape_cast %swap3A_1537 : vector<1x16xf32> to vector<16xf32>
      %swap3A_1539 = vector.shape_cast %broadcast_in_dim3A_1533 : vector<16xf32> to vector<1x16xf32>
      tpu.vector_store %arg12[%swap3A_1535, %swap3A_1536], %swap3A_1539 {strides = array<i32>} : memref<128x16xf32, #tpu.memory_space<vmem>>, vector<1x16xf32>,
      %broadcast_in_dim3A_1540 = arith.constant 0.000000e+00 : f32
      %broadcast_in_dim3A_1541 = vector.broadcast %broadcast_in_dim3A_1540 : f32 to vector<16xf32>
      %swap3A_1542 = arith.constant 109 : i32
      %swap3A_1543 = arith.index_cast %swap3A_1542 : i32 to index
      %swap3A_1544 = arith.constant 0 : index
      %swap3A_1545 = tpu.vector_load %arg12[%swap3A_1543, %swap3A_1544] {strides = array<i32>} : memref<128x16xf32, #tpu.memory_space<vmem>>, vector<1x16xf32>,
      %swap3A_1546 = vector.shape_cast %swap3A_1545 : vector<1x16xf32> to vector<16xf32>
      %swap3A_1547 = vector.shape_cast %broadcast_in_dim3A_1541 : vector<16xf32> to vector<1x16xf32>
      tpu.vector_store %arg12[%swap3A_1543, %swap3A_1544], %swap3A_1547 {strides = array<i32>} : memref<128x16xf32, #tpu.memory_space<vmem>>, vector<1x16xf32>,
      %broadcast_in_dim3A_1548 = arith.constant 0.000000e+00 : f32
      %broadcast_in_dim3A_1549 = vector.broadcast %broadcast_in_dim3A_1548 : f32 to vector<16xf32>
      %swap3A_1550 = arith.constant 110 : i32
      %swap3A_1551 = arith.index_cast %swap3A_1550 : i32 to index
      %swap3A_1552 = arith.constant 0 : index
      %swap3A_1553 = tpu.vector_load %arg12[%swap3A_1551, %swap3A_1552] {strides = array<i32>} : memref<128x16xf32, #tpu.memory_space<vmem>>, vector<1x16xf32>,
      %swap3A_1554 = vector.shape_cast %swap3A_1553 : vector<1x16xf32> to vector<16xf32>
      %swap3A_1555 = vector.shape_cast %broadcast_in_dim3A_1549 : vector<16xf32> to vector<1x16xf32>
      tpu.vector_store %arg12[%swap3A_1551, %swap3A_1552], %swap3A_1555 {strides = array<i32>} : memref<128x16xf32, #tpu.memory_space<vmem>>, vector<1x16xf32>,
      %broadcast_in_dim3A_1556 = arith.constant 0.000000e+00 : f32
      %broadcast_in_dim3A_1557 = vector.broadcast %broadcast_in_dim3A_1556 : f32 to vector<16xf32>
      %swap3A_1558 = arith.constant 111 : i32
      %swap3A_1559 = arith.index_cast %swap3A_1558 : i32 to index
      %swap3A_1560 = arith.constant 0 : index
      %swap3A_1561 = tpu.vector_load %arg12[%swap3A_1559, %swap3A_1560] {strides = array<i32>} : memref<128x16xf32, #tpu.memory_space<vmem>>, vector<1x16xf32>,
      %swap3A_1562 = vector.shape_cast %swap3A_1561 : vector<1x16xf32> to vector<16xf32>
      %swap3A_1563 = vector.shape_cast %broadcast_in_dim3A_1557 : vector<16xf32> to vector<1x16xf32>
      tpu.vector_store %arg12[%swap3A_1559, %swap3A_1560], %swap3A_1563 {strides = array<i32>} : memref<128x16xf32, #tpu.memory_space<vmem>>, vector<1x16xf32>,
      %broadcast_in_dim3A_1564 = arith.constant 0.000000e+00 : f32
      %broadcast_in_dim3A_1565 = vector.broadcast %broadcast_in_dim3A_1564 : f32 to vector<16xf32>
      %swap3A_1566 = arith.constant 112 : i32
      %swap3A_1567 = arith.index_cast %swap3A_1566 : i32 to index
      %swap3A_1568 = arith.constant 0 : index
      %swap3A_1569 = tpu.vector_load %arg12[%swap3A_1567, %swap3A_1568] {strides = array<i32>} : memref<128x16xf32, #tpu.memory_space<vmem>>, vector<1x16xf32>,
      %swap3A_1570 = vector.shape_cast %swap3A_1569 : vector<1x16xf32> to vector<16xf32>
      %swap3A_1571 = vector.shape_cast %broadcast_in_dim3A_1565 : vector<16xf32> to vector<1x16xf32>
      tpu.vector_store %arg12[%swap3A_1567, %swap3A_1568], %swap3A_1571 {strides = array<i32>} : memref<128x16xf32, #tpu.memory_space<vmem>>, vector<1x16xf32>,
      %broadcast_in_dim3A_1572 = arith.constant 0.000000e+00 : f32
      %broadcast_in_dim3A_1573 = vector.broadcast %broadcast_in_dim3A_1572 : f32 to vector<16xf32>
      %swap3A_1574 = arith.constant 113 : i32
      %swap3A_1575 = arith.index_cast %swap3A_1574 : i32 to index
      %swap3A_1576 = arith.constant 0 : index
      %swap3A_1577 = tpu.vector_load %arg12[%swap3A_1575, %swap3A_1576] {strides = array<i32>} : memref<128x16xf32, #tpu.memory_space<vmem>>, vector<1x16xf32>,
      %swap3A_1578 = vector.shape_cast %swap3A_1577 : vector<1x16xf32> to vector<16xf32>
      %swap3A_1579 = vector.shape_cast %broadcast_in_dim3A_1573 : vector<16xf32> to vector<1x16xf32>
      tpu.vector_store %arg12[%swap3A_1575, %swap3A_1576], %swap3A_1579 {strides = array<i32>} : memref<128x16xf32, #tpu.memory_space<vmem>>, vector<1x16xf32>,
      %broadcast_in_dim3A_1580 = arith.constant 0.000000e+00 : f32
      %broadcast_in_dim3A_1581 = vector.broadcast %broadcast_in_dim3A_1580 : f32 to vector<16xf32>
      %swap3A_1582 = arith.constant 114 : i32
      %swap3A_1583 = arith.index_cast %swap3A_1582 : i32 to index
      %swap3A_1584 = arith.constant 0 : index
      %swap3A_1585 = tpu.vector_load %arg12[%swap3A_1583, %swap3A_1584] {strides = array<i32>} : memref<128x16xf32, #tpu.memory_space<vmem>>, vector<1x16xf32>,
      %swap3A_1586 = vector.shape_cast %swap3A_1585 : vector<1x16xf32> to vector<16xf32>
      %swap3A_1587 = vector.shape_cast %broadcast_in_dim3A_1581 : vector<16xf32> to vector<1x16xf32>
      tpu.vector_store %arg12[%swap3A_1583, %swap3A_1584], %swap3A_1587 {strides = array<i32>} : memref<128x16xf32, #tpu.memory_space<vmem>>, vector<1x16xf32>,
      %broadcast_in_dim3A_1588 = arith.constant 0.000000e+00 : f32
      %broadcast_in_dim3A_1589 = vector.broadcast %broadcast_in_dim3A_1588 : f32 to vector<16xf32>
      %swap3A_1590 = arith.constant 115 : i32
      %swap3A_1591 = arith.index_cast %swap3A_1590 : i32 to index
      %swap3A_1592 = arith.constant 0 : index
      %swap3A_1593 = tpu.vector_load %arg12[%swap3A_1591, %swap3A_1592] {strides = array<i32>} : memref<128x16xf32, #tpu.memory_space<vmem>>, vector<1x16xf32>,
      %swap3A_1594 = vector.shape_cast %swap3A_1593 : vector<1x16xf32> to vector<16xf32>
      %swap3A_1595 = vector.shape_cast %broadcast_in_dim3A_1589 : vector<16xf32> to vector<1x16xf32>
      tpu.vector_store %arg12[%swap3A_1591, %swap3A_1592], %swap3A_1595 {strides = array<i32>} : memref<128x16xf32, #tpu.memory_space<vmem>>, vector<1x16xf32>,
      %broadcast_in_dim3A_1596 = arith.constant 0.000000e+00 : f32
      %broadcast_in_dim3A_1597 = vector.broadcast %broadcast_in_dim3A_1596 : f32 to vector<16xf32>
      %swap3A_1598 = arith.constant 116 : i32
      %swap3A_1599 = arith.index_cast %swap3A_1598 : i32 to index
      %swap3A_1600 = arith.constant 0 : index
      %swap3A_1601 = tpu.vector_load %arg12[%swap3A_1599, %swap3A_1600] {strides = array<i32>} : memref<128x16xf32, #tpu.memory_space<vmem>>, vector<1x16xf32>,
      %swap3A_1602 = vector.shape_cast %swap3A_1601 : vector<1x16xf32> to vector<16xf32>
      %swap3A_1603 = vector.shape_cast %broadcast_in_dim3A_1597 : vector<16xf32> to vector<1x16xf32>
      tpu.vector_store %arg12[%swap3A_1599, %swap3A_1600], %swap3A_1603 {strides = array<i32>} : memref<128x16xf32, #tpu.memory_space<vmem>>, vector<1x16xf32>,
      %broadcast_in_dim3A_1604 = arith.constant 0.000000e+00 : f32
      %broadcast_in_dim3A_1605 = vector.broadcast %broadcast_in_dim3A_1604 : f32 to vector<16xf32>
      %swap3A_1606 = arith.constant 117 : i32
      %swap3A_1607 = arith.index_cast %swap3A_1606 : i32 to index
      %swap3A_1608 = arith.constant 0 : index
      %swap3A_1609 = tpu.vector_load %arg12[%swap3A_1607, %swap3A_1608] {strides = array<i32>} : memref<128x16xf32, #tpu.memory_space<vmem>>, vector<1x16xf32>,
      %swap3A_1610 = vector.shape_cast %swap3A_1609 : vector<1x16xf32> to vector<16xf32>
      %swap3A_1611 = vector.shape_cast %broadcast_in_dim3A_1605 : vector<16xf32> to vector<1x16xf32>
      tpu.vector_store %arg12[%swap3A_1607, %swap3A_1608], %swap3A_1611 {strides = array<i32>} : memref<128x16xf32, #tpu.memory_space<vmem>>, vector<1x16xf32>,
      %broadcast_in_dim3A_1612 = arith.constant 0.000000e+00 : f32
      %broadcast_in_dim3A_1613 = vector.broadcast %broadcast_in_dim3A_1612 : f32 to vector<16xf32>
      %swap3A_1614 = arith.constant 118 : i32
      %swap3A_1615 = arith.index_cast %swap3A_1614 : i32 to index
      %swap3A_1616 = arith.constant 0 : index
      %swap3A_1617 = tpu.vector_load %arg12[%swap3A_1615, %swap3A_1616] {strides = array<i32>} : memref<128x16xf32, #tpu.memory_space<vmem>>, vector<1x16xf32>,
      %swap3A_1618 = vector.shape_cast %swap3A_1617 : vector<1x16xf32> to vector<16xf32>
      %swap3A_1619 = vector.shape_cast %broadcast_in_dim3A_1613 : vector<16xf32> to vector<1x16xf32>
      tpu.vector_store %arg12[%swap3A_1615, %swap3A_1616], %swap3A_1619 {strides = array<i32>} : memref<128x16xf32, #tpu.memory_space<vmem>>, vector<1x16xf32>,
      %broadcast_in_dim3A_1620 = arith.constant 0.000000e+00 : f32
      %broadcast_in_dim3A_1621 = vector.broadcast %broadcast_in_dim3A_1620 : f32 to vector<16xf32>
      %swap3A_1622 = arith.constant 119 : i32
      %swap3A_1623 = arith.index_cast %swap3A_1622 : i32 to index
      %swap3A_1624 = arith.constant 0 : index
      %swap3A_1625 = tpu.vector_load %arg12[%swap3A_1623, %swap3A_1624] {strides = array<i32>} : memref<128x16xf32, #tpu.memory_space<vmem>>, vector<1x16xf32>,
      %swap3A_1626 = vector.shape_cast %swap3A_1625 : vector<1x16xf32> to vector<16xf32>
      %swap3A_1627 = vector.shape_cast %broadcast_in_dim3A_1621 : vector<16xf32> to vector<1x16xf32>
      tpu.vector_store %arg12[%swap3A_1623, %swap3A_1624], %swap3A_1627 {strides = array<i32>} : memref<128x16xf32, #tpu.memory_space<vmem>>, vector<1x16xf32>,
      %broadcast_in_dim3A_1628 = arith.constant 0.000000e+00 : f32
      %broadcast_in_dim3A_1629 = vector.broadcast %broadcast_in_dim3A_1628 : f32 to vector<16xf32>
      %swap3A_1630 = arith.constant 120 : i32
      %swap3A_1631 = arith.index_cast %swap3A_1630 : i32 to index
      %swap3A_1632 = arith.constant 0 : index
      %swap3A_1633 = tpu.vector_load %arg12[%swap3A_1631, %swap3A_1632] {strides = array<i32>} : memref<128x16xf32, #tpu.memory_space<vmem>>, vector<1x16xf32>,
      %swap3A_1634 = vector.shape_cast %swap3A_1633 : vector<1x16xf32> to vector<16xf32>
      %swap3A_1635 = vector.shape_cast %broadcast_in_dim3A_1629 : vector<16xf32> to vector<1x16xf32>
      tpu.vector_store %arg12[%swap3A_1631, %swap3A_1632], %swap3A_1635 {strides = array<i32>} : memref<128x16xf32, #tpu.memory_space<vmem>>, vector<1x16xf32>,
      %broadcast_in_dim3A_1636 = arith.constant 0.000000e+00 : f32
      %broadcast_in_dim3A_1637 = vector.broadcast %broadcast_in_dim3A_1636 : f32 to vector<16xf32>
      %swap3A_1638 = arith.constant 121 : i32
      %swap3A_1639 = arith.index_cast %swap3A_1638 : i32 to index
      %swap3A_1640 = arith.constant 0 : index
      %swap3A_1641 = tpu.vector_load %arg12[%swap3A_1639, %swap3A_1640] {strides = array<i32>} : memref<128x16xf32, #tpu.memory_space<vmem>>, vector<1x16xf32>,
      %swap3A_1642 = vector.shape_cast %swap3A_1641 : vector<1x16xf32> to vector<16xf32>
      %swap3A_1643 = vector.shape_cast %broadcast_in_dim3A_1637 : vector<16xf32> to vector<1x16xf32>
      tpu.vector_store %arg12[%swap3A_1639, %swap3A_1640], %swap3A_1643 {strides = array<i32>} : memref<128x16xf32, #tpu.memory_space<vmem>>, vector<1x16xf32>,
      %broadcast_in_dim3A_1644 = arith.constant 0.000000e+00 : f32
      %broadcast_in_dim3A_1645 = vector.broadcast %broadcast_in_dim3A_1644 : f32 to vector<16xf32>
      %swap3A_1646 = arith.constant 122 : i32
      %swap3A_1647 = arith.index_cast %swap3A_1646 : i32 to index
      %swap3A_1648 = arith.constant 0 : index
      %swap3A_1649 = tpu.vector_load %arg12[%swap3A_1647, %swap3A_1648] {strides = array<i32>} : memref<128x16xf32, #tpu.memory_space<vmem>>, vector<1x16xf32>,
      %swap3A_1650 = vector.shape_cast %swap3A_1649 : vector<1x16xf32> to vector<16xf32>
      %swap3A_1651 = vector.shape_cast %broadcast_in_dim3A_1645 : vector<16xf32> to vector<1x16xf32>
      tpu.vector_store %arg12[%swap3A_1647, %swap3A_1648], %swap3A_1651 {strides = array<i32>} : memref<128x16xf32, #tpu.memory_space<vmem>>, vector<1x16xf32>,
      %broadcast_in_dim3A_1652 = arith.constant 0.000000e+00 : f32
      %broadcast_in_dim3A_1653 = vector.broadcast %broadcast_in_dim3A_1652 : f32 to vector<16xf32>
      %swap3A_1654 = arith.constant 123 : i32
      %swap3A_1655 = arith.index_cast %swap3A_1654 : i32 to index
      %swap3A_1656 = arith.constant 0 : index
      %swap3A_1657 = tpu.vector_load %arg12[%swap3A_1655, %swap3A_1656] {strides = array<i32>} : memref<128x16xf32, #tpu.memory_space<vmem>>, vector<1x16xf32>,
      %swap3A_1658 = vector.shape_cast %swap3A_1657 : vector<1x16xf32> to vector<16xf32>
      %swap3A_1659 = vector.shape_cast %broadcast_in_dim3A_1653 : vector<16xf32> to vector<1x16xf32>
      tpu.vector_store %arg12[%swap3A_1655, %swap3A_1656], %swap3A_1659 {strides = array<i32>} : memref<128x16xf32, #tpu.memory_space<vmem>>, vector<1x16xf32>,
      %broadcast_in_dim3A_1660 = arith.constant 0.000000e+00 : f32
      %broadcast_in_dim3A_1661 = vector.broadcast %broadcast_in_dim3A_1660 : f32 to vector<16xf32>
      %swap3A_1662 = arith.constant 124 : i32
      %swap3A_1663 = arith.index_cast %swap3A_1662 : i32 to index
      %swap3A_1664 = arith.constant 0 : index
      %swap3A_1665 = tpu.vector_load %arg12[%swap3A_1663, %swap3A_1664] {strides = array<i32>} : memref<128x16xf32, #tpu.memory_space<vmem>>, vector<1x16xf32>,
      %swap3A_1666 = vector.shape_cast %swap3A_1665 : vector<1x16xf32> to vector<16xf32>
      %swap3A_1667 = vector.shape_cast %broadcast_in_dim3A_1661 : vector<16xf32> to vector<1x16xf32>
      tpu.vector_store %arg12[%swap3A_1663, %swap3A_1664], %swap3A_1667 {strides = array<i32>} : memref<128x16xf32, #tpu.memory_space<vmem>>, vector<1x16xf32>,
      %broadcast_in_dim3A_1668 = arith.constant 0.000000e+00 : f32
      %broadcast_in_dim3A_1669 = vector.broadcast %broadcast_in_dim3A_1668 : f32 to vector<16xf32>
      %swap3A_1670 = arith.constant 125 : i32
      %swap3A_1671 = arith.index_cast %swap3A_1670 : i32 to index
      %swap3A_1672 = arith.constant 0 : index
      %swap3A_1673 = tpu.vector_load %arg12[%swap3A_1671, %swap3A_1672] {strides = array<i32>} : memref<128x16xf32, #tpu.memory_space<vmem>>, vector<1x16xf32>,
      %swap3A_1674 = vector.shape_cast %swap3A_1673 : vector<1x16xf32> to vector<16xf32>
      %swap3A_1675 = vector.shape_cast %broadcast_in_dim3A_1669 : vector<16xf32> to vector<1x16xf32>
      tpu.vector_store %arg12[%swap3A_1671, %swap3A_1672], %swap3A_1675 {strides = array<i32>} : memref<128x16xf32, #tpu.memory_space<vmem>>, vector<1x16xf32>,
      %broadcast_in_dim3A_1676 = arith.constant 0.000000e+00 : f32
      %broadcast_in_dim3A_1677 = vector.broadcast %broadcast_in_dim3A_1676 : f32 to vector<16xf32>
      %swap3A_1678 = arith.constant 126 : i32
      %swap3A_1679 = arith.index_cast %swap3A_1678 : i32 to index
      %swap3A_1680 = arith.constant 0 : index
      %swap3A_1681 = tpu.vector_load %arg12[%swap3A_1679, %swap3A_1680] {strides = array<i32>} : memref<128x16xf32, #tpu.memory_space<vmem>>, vector<1x16xf32>,
      %swap3A_1682 = vector.shape_cast %swap3A_1681 : vector<1x16xf32> to vector<16xf32>
      %swap3A_1683 = vector.shape_cast %broadcast_in_dim3A_1677 : vector<16xf32> to vector<1x16xf32>
      tpu.vector_store %arg12[%swap3A_1679, %swap3A_1680], %swap3A_1683 {strides = array<i32>} : memref<128x16xf32, #tpu.memory_space<vmem>>, vector<1x16xf32>,
      %broadcast_in_dim3A_1684 = arith.constant 0.000000e+00 : f32
      %broadcast_in_dim3A_1685 = vector.broadcast %broadcast_in_dim3A_1684 : f32 to vector<16xf32>
      %swap3A_1686 = arith.constant 127 : i32
      %swap3A_1687 = arith.index_cast %swap3A_1686 : i32 to index
      %swap3A_1688 = arith.constant 0 : index
      %swap3A_1689 = tpu.vector_load %arg12[%swap3A_1687, %swap3A_1688] {strides = array<i32>} : memref<128x16xf32, #tpu.memory_space<vmem>>, vector<1x16xf32>,
      %swap3A_1690 = vector.shape_cast %swap3A_1689 : vector<1x16xf32> to vector<16xf32>
      %swap3A_1691 = vector.shape_cast %broadcast_in_dim3A_1685 : vector<16xf32> to vector<1x16xf32>
      tpu.vector_store %arg12[%swap3A_1687, %swap3A_1688], %swap3A_1691 {strides = array<i32>} : memref<128x16xf32, #tpu.memory_space<vmem>>, vector<1x16xf32>,
      %add3A_1692 = arith.constant 0 : i32
      %add3A_1693 = arith.addi %mul3A_0, %add3A_1692 : i32
      "tpu.region"() ({
        %run_scoped3A = tpu.sem_alloc : memref<!tpu.dma_semaphore, #tpu.memory_space<semaphore_mem>>
        %dma_start3A_1702 = arith.constant 0 : i32
        %dma_start3A_1703 = tpu.memref_slice %arg14[%add3A_1693, %dma_start3A_1702] : memref<10240x16xf32, #tpu.memory_space<vmem_shared>> -> memref<128x16xf32, #tpu.memory_space<vmem_shared>>
        %dma_start3A_1704 = arith.constant 0 : i32
        %dma_start3A_1705 = tpu.memref_slice %arg14[%add3A_1693, %dma_start3A_1704] : memref<10240x16xf32, #tpu.memory_space<vmem_shared>> -> memref<128x16xf32, #tpu.memory_space<vmem_shared>>
        tpu.enqueue_dma source(%arg12 : memref<128x16xf32, #tpu.memory_space<vmem>>) target(%dma_start3A_1705 : memref<128x16xf32, #tpu.memory_space<vmem_shared>>) target_semaphore(%run_scoped3A : memref<!tpu.dma_semaphore, #tpu.memory_space<semaphore_mem>>)
        %dma_wait3A = arith.constant 0 : i32
        %dma_wait3A_1706 = tpu.memref_slice %arg14[%add3A_1693, %dma_wait3A] : memref<10240x16xf32, #tpu.memory_space<vmem_shared>> -> memref<128x16xf32, #tpu.memory_space<vmem_shared>>
        %dma_wait3A_1707 = arith.constant 0 : i32
        %dma_wait3A_1708 = tpu.memref_slice %arg14[%add3A_1693, %dma_wait3A_1707] : memref<10240x16xf32, #tpu.memory_space<vmem_shared>> -> memref<128x16xf32, #tpu.memory_space<vmem_shared>>
        tpu.wait_dma2 semaphore(%run_scoped3A : memref<!tpu.dma_semaphore, #tpu.memory_space<semaphore_mem>>) src(%arg12 : memref<128x16xf32, #tpu.memory_space<vmem>>) dst(%dma_wait3A_1708 : memref<128x16xf32, #tpu.memory_space<vmem_shared>>)
        tpu.yield
      }) : () -> ()
      %add3A_1694 = arith.constant 128 : i32
      %add3A_1695 = arith.addi %mul3A_0, %add3A_1694 : i32
      "tpu.region"() ({
        %run_scoped3A = tpu.sem_alloc : memref<!tpu.dma_semaphore, #tpu.memory_space<semaphore_mem>>
        %dma_start3A_1702 = arith.constant 0 : i32
        %dma_start3A_1703 = tpu.memref_slice %arg14[%add3A_1695, %dma_start3A_1702] : memref<10240x16xf32, #tpu.memory_space<vmem_shared>> -> memref<128x16xf32, #tpu.memory_space<vmem_shared>>
        %dma_start3A_1704 = arith.constant 0 : i32
        %dma_start3A_1705 = tpu.memref_slice %arg14[%add3A_1695, %dma_start3A_1704] : memref<10240x16xf32, #tpu.memory_space<vmem_shared>> -> memref<128x16xf32, #tpu.memory_space<vmem_shared>>
        tpu.enqueue_dma source(%arg12 : memref<128x16xf32, #tpu.memory_space<vmem>>) target(%dma_start3A_1705 : memref<128x16xf32, #tpu.memory_space<vmem_shared>>) target_semaphore(%run_scoped3A : memref<!tpu.dma_semaphore, #tpu.memory_space<semaphore_mem>>)
        %dma_wait3A = arith.constant 0 : i32
        %dma_wait3A_1706 = tpu.memref_slice %arg14[%add3A_1695, %dma_wait3A] : memref<10240x16xf32, #tpu.memory_space<vmem_shared>> -> memref<128x16xf32, #tpu.memory_space<vmem_shared>>
        %dma_wait3A_1707 = arith.constant 0 : i32
        %dma_wait3A_1708 = tpu.memref_slice %arg14[%add3A_1695, %dma_wait3A_1707] : memref<10240x16xf32, #tpu.memory_space<vmem_shared>> -> memref<128x16xf32, #tpu.memory_space<vmem_shared>>
        tpu.wait_dma2 semaphore(%run_scoped3A : memref<!tpu.dma_semaphore, #tpu.memory_space<semaphore_mem>>) src(%arg12 : memref<128x16xf32, #tpu.memory_space<vmem>>) dst(%dma_wait3A_1708 : memref<128x16xf32, #tpu.memory_space<vmem_shared>>)
        tpu.yield
      }) : () -> ()
      %add3A_1696 = arith.constant 256 : i32
      %add3A_1697 = arith.addi %mul3A_0, %add3A_1696 : i32
      "tpu.region"() ({
        %run_scoped3A = tpu.sem_alloc : memref<!tpu.dma_semaphore, #tpu.memory_space<semaphore_mem>>
        %dma_start3A_1702 = arith.constant 0 : i32
        %dma_start3A_1703 = tpu.memref_slice %arg14[%add3A_1697, %dma_start3A_1702] : memref<10240x16xf32, #tpu.memory_space<vmem_shared>> -> memref<128x16xf32, #tpu.memory_space<vmem_shared>>
        %dma_start3A_1704 = arith.constant 0 : i32
        %dma_start3A_1705 = tpu.memref_slice %arg14[%add3A_1697, %dma_start3A_1704] : memref<10240x16xf32, #tpu.memory_space<vmem_shared>> -> memref<128x16xf32, #tpu.memory_space<vmem_shared>>
        tpu.enqueue_dma source(%arg12 : memref<128x16xf32, #tpu.memory_space<vmem>>) target(%dma_start3A_1705 : memref<128x16xf32, #tpu.memory_space<vmem_shared>>) target_semaphore(%run_scoped3A : memref<!tpu.dma_semaphore, #tpu.memory_space<semaphore_mem>>)
        %dma_wait3A = arith.constant 0 : i32
        %dma_wait3A_1706 = tpu.memref_slice %arg14[%add3A_1697, %dma_wait3A] : memref<10240x16xf32, #tpu.memory_space<vmem_shared>> -> memref<128x16xf32, #tpu.memory_space<vmem_shared>>
        %dma_wait3A_1707 = arith.constant 0 : i32
        %dma_wait3A_1708 = tpu.memref_slice %arg14[%add3A_1697, %dma_wait3A_1707] : memref<10240x16xf32, #tpu.memory_space<vmem_shared>> -> memref<128x16xf32, #tpu.memory_space<vmem_shared>>
        tpu.wait_dma2 semaphore(%run_scoped3A : memref<!tpu.dma_semaphore, #tpu.memory_space<semaphore_mem>>) src(%arg12 : memref<128x16xf32, #tpu.memory_space<vmem>>) dst(%dma_wait3A_1708 : memref<128x16xf32, #tpu.memory_space<vmem_shared>>)
        tpu.yield
      }) : () -> ()
      %add3A_1698 = arith.constant 384 : i32
      %add3A_1699 = arith.addi %mul3A_0, %add3A_1698 : i32
      "tpu.region"() ({
        %run_scoped3A = tpu.sem_alloc : memref<!tpu.dma_semaphore, #tpu.memory_space<semaphore_mem>>
        %dma_start3A_1702 = arith.constant 0 : i32
        %dma_start3A_1703 = tpu.memref_slice %arg14[%add3A_1699, %dma_start3A_1702] : memref<10240x16xf32, #tpu.memory_space<vmem_shared>> -> memref<128x16xf32, #tpu.memory_space<vmem_shared>>
        %dma_start3A_1704 = arith.constant 0 : i32
        %dma_start3A_1705 = tpu.memref_slice %arg14[%add3A_1699, %dma_start3A_1704] : memref<10240x16xf32, #tpu.memory_space<vmem_shared>> -> memref<128x16xf32, #tpu.memory_space<vmem_shared>>
        tpu.enqueue_dma source(%arg12 : memref<128x16xf32, #tpu.memory_space<vmem>>) target(%dma_start3A_1705 : memref<128x16xf32, #tpu.memory_space<vmem_shared>>) target_semaphore(%run_scoped3A : memref<!tpu.dma_semaphore, #tpu.memory_space<semaphore_mem>>)
        %dma_wait3A = arith.constant 0 : i32
        %dma_wait3A_1706 = tpu.memref_slice %arg14[%add3A_1699, %dma_wait3A] : memref<10240x16xf32, #tpu.memory_space<vmem_shared>> -> memref<128x16xf32, #tpu.memory_space<vmem_shared>>
        %dma_wait3A_1707 = arith.constant 0 : i32
        %dma_wait3A_1708 = tpu.memref_slice %arg14[%add3A_1699, %dma_wait3A_1707] : memref<10240x16xf32, #tpu.memory_space<vmem_shared>> -> memref<128x16xf32, #tpu.memory_space<vmem_shared>>
        tpu.wait_dma2 semaphore(%run_scoped3A : memref<!tpu.dma_semaphore, #tpu.memory_space<semaphore_mem>>) src(%arg12 : memref<128x16xf32, #tpu.memory_space<vmem>>) dst(%dma_wait3A_1708 : memref<128x16xf32, #tpu.memory_space<vmem_shared>>)
        tpu.yield
      }) : () -> ()
      %add3A_1700 = arith.constant 512 : i32
      %add3A_1701 = arith.addi %mul3A_0, %add3A_1700 : i32
      "tpu.region"() ({
        %run_scoped3A = tpu.sem_alloc : memref<!tpu.dma_semaphore, #tpu.memory_space<semaphore_mem>>
        %dma_start3A_1702 = arith.constant 0 : i32
        %dma_start3A_1703 = tpu.memref_slice %arg14[%add3A_1701, %dma_start3A_1702] : memref<10240x16xf32, #tpu.memory_space<vmem_shared>> -> memref<128x16xf32, #tpu.memory_space<vmem_shared>>
        %dma_start3A_1704 = arith.constant 0 : i32
        %dma_start3A_1705 = tpu.memref_slice %arg14[%add3A_1701, %dma_start3A_1704] : memref<10240x16xf32, #tpu.memory_space<vmem_shared>> -> memref<128x16xf32, #tpu.memory_space<vmem_shared>>
        tpu.enqueue_dma source(%arg12 : memref<128x16xf32, #tpu.memory_space<vmem>>) target(%dma_start3A_1705 : memref<128x16xf32, #tpu.memory_space<vmem_shared>>) target_semaphore(%run_scoped3A : memref<!tpu.dma_semaphore, #tpu.memory_space<semaphore_mem>>)
        %dma_wait3A = arith.constant 0 : i32
        %dma_wait3A_1706 = tpu.memref_slice %arg14[%add3A_1701, %dma_wait3A] : memref<10240x16xf32, #tpu.memory_space<vmem_shared>> -> memref<128x16xf32, #tpu.memory_space<vmem_shared>>
        %dma_wait3A_1707 = arith.constant 0 : i32
        %dma_wait3A_1708 = tpu.memref_slice %arg14[%add3A_1701, %dma_wait3A_1707] : memref<10240x16xf32, #tpu.memory_space<vmem_shared>> -> memref<128x16xf32, #tpu.memory_space<vmem_shared>>
        tpu.wait_dma2 semaphore(%run_scoped3A : memref<!tpu.dma_semaphore, #tpu.memory_space<semaphore_mem>>) src(%arg12 : memref<128x16xf32, #tpu.memory_space<vmem>>) dst(%dma_wait3A_1708 : memref<128x16xf32, #tpu.memory_space<vmem_shared>>)
        tpu.yield
      }) : () -> ()
    } else {
    }
    %barrier3A = arith.constant 0 : index
    tpu.barrier barrier_id(%barrier3A)
    %dma_start3A = arith.constant 0 : i32
    %dma_start3A_642 = arith.constant 0 : i32
    %dma_start3A_643 = tpu.memref_slice %arg7[%dma_start3A, %dma_start3A_642] : memref<250x80xi32, #tpu.memory_space<vmem>> -> memref<1x80xi32, #tpu.memory_space<vmem>>
    %dma_start3A_644 = tpu.memref_squeeze %dma_start3A_643 : memref<1x80xi32, #tpu.memory_space<vmem>> -> memref<80xi32, #tpu.memory_space<vmem>>
    %dma_start3A_645 = arith.constant 0 : i32
    %dma_start3A_646 = arith.constant 0 : i32
    %dma_start3A_647 = tpu.memref_slice %arg2[%arg0, %dma_start3A_645, %dma_start3A_646] : memref<2x20480x64xf32, #tpu.memory_space<hbm>> -> memref<1x20480x64xf32, #tpu.memory_space<hbm>>
    %dma_start3A_648 = tpu.memref_squeeze %dma_start3A_647 : memref<1x20480x64xf32, #tpu.memory_space<hbm>> -> memref<20480x64xf32, #tpu.memory_space<hbm>>
    %dma_start3A_649 = arith.constant 0 : i32
    %dma_start3A_650 = arith.constant 0 : i32
    %dma_start3A_651 = tpu.memref_slice %dma_start3A_648[%dma_start3A_649, %dma_start3A_650] : memref<20480x64xf32, #tpu.memory_space<hbm>> -> memref<20480x64xf32, #tpu.memory_space<hbm>>
    tpu.enqueue_indirect_dma source(%dma_start3A_651 : memref<20480x64xf32, #tpu.memory_space<hbm>>) target(%arg9 : memref<80x64xf32, #tpu.memory_space<vmem>>) offsets(%dma_start3A_644 : memref<80xi32, #tpu.memory_space<vmem>>) semaphore(%arg15 : memref<!tpu.dma_semaphore, #tpu.memory_space<semaphore_mem>>)
    %scan3A = arith.constant 0 : i32
    %scan3A_652 = arith.constant 0 : i32
    %scan3A_653 = arith.constant 125 : i32
    %scan3A_654 = arith.addi %scan3A_652, %scan3A_653 : i32
    %scan3A_655 = arith.constant 1 : i32
    scf.for %scan3A_668 = %scan3A_652 to %scan3A_654 step %scan3A_655  : i32 {
      %mul3A_669 = arith.constant 2 : i32
      %mul3A_670 = arith.muli %mul3A_669, %scan3A_668 : i32
      %add3A_671 = arith.constant 1 : i32
      %add3A_672 = arith.addi %mul3A_670, %add3A_671 : i32
      %dma_start3A_673 = arith.constant 0 : i32
      %dma_start3A_674 = tpu.memref_slice %arg7[%add3A_672, %dma_start3A_673] : memref<250x80xi32, #tpu.memory_space<vmem>> -> memref<1x80xi32, #tpu.memory_space<vmem>>
      %dma_start3A_675 = tpu.memref_squeeze %dma_start3A_674 : memref<1x80xi32, #tpu.memory_space<vmem>> -> memref<80xi32, #tpu.memory_space<vmem>>
      %dma_start3A_676 = arith.constant 0 : i32
      %dma_start3A_677 = arith.constant 0 : i32
      %dma_start3A_678 = tpu.memref_slice %arg2[%arg0, %dma_start3A_676, %dma_start3A_677] : memref<2x20480x64xf32, #tpu.memory_space<hbm>> -> memref<1x20480x64xf32, #tpu.memory_space<hbm>>
      %dma_start3A_679 = tpu.memref_squeeze %dma_start3A_678 : memref<1x20480x64xf32, #tpu.memory_space<hbm>> -> memref<20480x64xf32, #tpu.memory_space<hbm>>
      %dma_start3A_680 = arith.constant 0 : i32
      %dma_start3A_681 = arith.constant 0 : i32
      %dma_start3A_682 = tpu.memref_slice %dma_start3A_679[%dma_start3A_680, %dma_start3A_681] : memref<20480x64xf32, #tpu.memory_space<hbm>> -> memref<20480x64xf32, #tpu.memory_space<hbm>>
      tpu.enqueue_indirect_dma source(%dma_start3A_682 : memref<20480x64xf32, #tpu.memory_space<hbm>>) target(%arg10 : memref<80x64xf32, #tpu.memory_space<vmem>>) offsets(%dma_start3A_675 : memref<80xi32, #tpu.memory_space<vmem>>) semaphore(%arg16 : memref<!tpu.dma_semaphore, #tpu.memory_space<semaphore_mem>>)
      %dma_wait3A = arith.constant 0 : i32
      %dma_wait3A_683 = tpu.memref_slice %arg7[%mul3A_670, %dma_wait3A] : memref<250x80xi32, #tpu.memory_space<vmem>> -> memref<1x80xi32, #tpu.memory_space<vmem>>
      %dma_wait3A_684 = tpu.memref_squeeze %dma_wait3A_683 : memref<1x80xi32, #tpu.memory_space<vmem>> -> memref<80xi32, #tpu.memory_space<vmem>>
      %dma_wait3A_685 = arith.constant 0 : i32
      %dma_wait3A_686 = arith.constant 0 : i32
      %dma_wait3A_687 = tpu.memref_slice %arg2[%arg0, %dma_wait3A_685, %dma_wait3A_686] : memref<2x20480x64xf32, #tpu.memory_space<hbm>> -> memref<1x20480x64xf32, #tpu.memory_space<hbm>>
      %dma_wait3A_688 = tpu.memref_squeeze %dma_wait3A_687 : memref<1x20480x64xf32, #tpu.memory_space<hbm>> -> memref<20480x64xf32, #tpu.memory_space<hbm>>
      %dma_wait3A_689 = arith.constant 0 : i32
      %dma_wait3A_690 = arith.constant 0 : i32
      %dma_wait3A_691 = tpu.memref_slice %dma_wait3A_688[%dma_wait3A_689, %dma_wait3A_690] : memref<20480x64xf32, #tpu.memory_space<hbm>> -> memref<20480x64xf32, #tpu.memory_space<hbm>>
      tpu.wait_indirect_dma semaphore(%arg15 : memref<!tpu.dma_semaphore, #tpu.memory_space<semaphore_mem>>) src(%dma_wait3A_691 : memref<20480x64xf32, #tpu.memory_space<hbm>>) dst(%arg9 : memref<80x64xf32, #tpu.memory_space<vmem>>)
      "tpu.region"() ({
        %run_scoped3A = tpu.sem_alloc : memref<!tpu.dma_semaphore, #tpu.memory_space<semaphore_mem>>
        %dma_start3A_720 = arith.constant 0 : i32
        %dma_start3A_721 = tpu.memref_slice %arg8[%mul3A_670, %dma_start3A_720] : memref<250x80xi32, #tpu.memory_space<vmem>> -> memref<1x80xi32, #tpu.memory_space<vmem>>
        %dma_start3A_722 = tpu.memref_squeeze %dma_start3A_721 : memref<1x80xi32, #tpu.memory_space<vmem>> -> memref<80xi32, #tpu.memory_space<vmem>>
        %dma_start3A_723 = arith.constant 0 : i32
        %dma_start3A_724 = arith.constant 0 : i32
        %dma_start3A_725 = tpu.memref_slice %arg13[%dma_start3A_723, %dma_start3A_724] : memref<10240x64xf32, #tpu.memory_space<vmem_shared>> -> memref<10240x64xf32, #tpu.memory_space<vmem_shared>>
        tpu.enqueue_indirect_dma source(%arg9 : memref<80x64xf32, #tpu.memory_space<vmem>>) target(%dma_start3A_725 : memref<10240x64xf32, #tpu.memory_space<vmem_shared>>) offsets(%dma_start3A_722 : memref<80xi32, #tpu.memory_space<vmem>>) semaphore(%run_scoped3A : memref<!tpu.dma_semaphore, #tpu.memory_space<semaphore_mem>>) {add = true}
        %dma_wait3A_726 = arith.constant 0 : i32
        %dma_wait3A_727 = tpu.memref_slice %arg8[%mul3A_670, %dma_wait3A_726] : memref<250x80xi32, #tpu.memory_space<vmem>> -> memref<1x80xi32, #tpu.memory_space<vmem>>
        %dma_wait3A_728 = tpu.memref_squeeze %dma_wait3A_727 : memref<1x80xi32, #tpu.memory_space<vmem>> -> memref<80xi32, #tpu.memory_space<vmem>>
        %dma_wait3A_729 = arith.constant 0 : i32
        %dma_wait3A_730 = arith.constant 0 : i32
        %dma_wait3A_731 = tpu.memref_slice %arg13[%dma_wait3A_729, %dma_wait3A_730] : memref<10240x64xf32, #tpu.memory_space<vmem_shared>> -> memref<10240x64xf32, #tpu.memory_space<vmem_shared>>
        tpu.wait_indirect_dma semaphore(%run_scoped3A : memref<!tpu.dma_semaphore, #tpu.memory_space<semaphore_mem>>) src(%arg9 : memref<80x64xf32, #tpu.memory_space<vmem>>) dst(%dma_wait3A_731 : memref<10240x64xf32, #tpu.memory_space<vmem_shared>>)
        tpu.yield
      }) : () -> ()
      %eq3A_692 = arith.constant 1 : i32
      %eq3A_693 = arith.cmpi eq, %arg0, %eq3A_692 : i32
      %convert_element_type3A_694 = arith.extui %eq3A_693 : i1 to i32
      %cond3A_695 = arith.constant 0 : i32
      %cond3A_696 = arith.cmpi ne, %convert_element_type3A_694, %cond3A_695 : i32
      scf.if %cond3A_696 {
        %gt3A = arith.constant 0 : i32
        %gt3A_720 = arith.cmpi sgt, %mul3A_670, %gt3A : i32
        %convert_element_type3A_721 = arith.extui %gt3A_720 : i1 to i32
        %cond3A_722 = arith.constant 0 : i32
        %cond3A_723 = arith.cmpi ne, %convert_element_type3A_721, %cond3A_722 : i32
        scf.if %cond3A_723 {
          %dma_wait3A_730 = arith.constant 0 : i32
          %dma_wait3A_731 = arith.constant 0 : i32
          %dma_wait3A_732 = tpu.memref_slice %arg8[%dma_wait3A_730, %dma_wait3A_731] : memref<250x80xi32, #tpu.memory_space<vmem>> -> memref<1x80xi32, #tpu.memory_space<vmem>>
          %dma_wait3A_733 = tpu.memref_squeeze %dma_wait3A_732 : memref<1x80xi32, #tpu.memory_space<vmem>> -> memref<80xi32, #tpu.memory_space<vmem>>
          %dma_wait3A_734 = arith.constant 0 : i32
          %dma_wait3A_735 = arith.constant 0 : i32
          %dma_wait3A_736 = tpu.memref_slice %arg14[%dma_wait3A_734, %dma_wait3A_735] : memref<10240x16xf32, #tpu.memory_space<vmem_shared>> -> memref<10240x16xf32, #tpu.memory_space<vmem_shared>>
          tpu.wait_indirect_dma semaphore(%arg17 : memref<!tpu.dma_semaphore, #tpu.memory_space<semaphore_mem>>) src(%arg11 : memref<80x16xf32, #tpu.memory_space<vmem>>) dst(%dma_wait3A_736 : memref<10240x16xf32, #tpu.memory_space<vmem_shared>>)
        } else {
        }
        %dma_start3A_724 = arith.constant 0 : i32
        %dma_start3A_725 = tpu.memref_slice %arg8[%mul3A_670, %dma_start3A_724] : memref<250x80xi32, #tpu.memory_space<vmem>> -> memref<1x80xi32, #tpu.memory_space<vmem>>
        %dma_start3A_726 = tpu.memref_squeeze %dma_start3A_725 : memref<1x80xi32, #tpu.memory_space<vmem>> -> memref<80xi32, #tpu.memory_space<vmem>>
        %dma_start3A_727 = arith.constant 0 : i32
        %dma_start3A_728 = arith.constant 0 : i32
        %dma_start3A_729 = tpu.memref_slice %arg14[%dma_start3A_727, %dma_start3A_728] : memref<10240x16xf32, #tpu.memory_space<vmem_shared>> -> memref<10240x16xf32, #tpu.memory_space<vmem_shared>>
        tpu.enqueue_indirect_dma source(%arg11 : memref<80x16xf32, #tpu.memory_space<vmem>>) target(%dma_start3A_729 : memref<10240x16xf32, #tpu.memory_space<vmem_shared>>) offsets(%dma_start3A_726 : memref<80xi32, #tpu.memory_space<vmem>>) semaphore(%arg17 : memref<!tpu.dma_semaphore, #tpu.memory_space<semaphore_mem>>) {add = true}
      } else {
      }
      %add3A_697 = arith.constant 2 : i32
      %add3A_698 = arith.addi %mul3A_670, %add3A_697 : i32
      %lt3A = arith.constant 250 : i32
      %lt3A_699 = arith.cmpi slt, %add3A_698, %lt3A : i32
      %convert_element_type3A_700 = arith.extui %lt3A_699 : i1 to i32
      %cond3A_701 = arith.constant 0 : i32
      %cond3A_702 = arith.cmpi ne, %convert_element_type3A_700, %cond3A_701 : i32
      scf.if %cond3A_702 {
        %add3A_720 = arith.constant 2 : i32
        %add3A_721 = arith.addi %mul3A_670, %add3A_720 : i32
        %dma_start3A_722 = arith.constant 0 : i32
        %dma_start3A_723 = tpu.memref_slice %arg7[%add3A_721, %dma_start3A_722] : memref<250x80xi32, #tpu.memory_space<vmem>> -> memref<1x80xi32, #tpu.memory_space<vmem>>
        %dma_start3A_724 = tpu.memref_squeeze %dma_start3A_723 : memref<1x80xi32, #tpu.memory_space<vmem>> -> memref<80xi32, #tpu.memory_space<vmem>>
        %dma_start3A_725 = arith.constant 0 : i32
        %dma_start3A_726 = arith.constant 0 : i32
        %dma_start3A_727 = tpu.memref_slice %arg2[%arg0, %dma_start3A_725, %dma_start3A_726] : memref<2x20480x64xf32, #tpu.memory_space<hbm>> -> memref<1x20480x64xf32, #tpu.memory_space<hbm>>
        %dma_start3A_728 = tpu.memref_squeeze %dma_start3A_727 : memref<1x20480x64xf32, #tpu.memory_space<hbm>> -> memref<20480x64xf32, #tpu.memory_space<hbm>>
        %dma_start3A_729 = arith.constant 0 : i32
        %dma_start3A_730 = arith.constant 0 : i32
        %dma_start3A_731 = tpu.memref_slice %dma_start3A_728[%dma_start3A_729, %dma_start3A_730] : memref<20480x64xf32, #tpu.memory_space<hbm>> -> memref<20480x64xf32, #tpu.memory_space<hbm>>
        tpu.enqueue_indirect_dma source(%dma_start3A_731 : memref<20480x64xf32, #tpu.memory_space<hbm>>) target(%arg9 : memref<80x64xf32, #tpu.memory_space<vmem>>) offsets(%dma_start3A_724 : memref<80xi32, #tpu.memory_space<vmem>>) semaphore(%arg15 : memref<!tpu.dma_semaphore, #tpu.memory_space<semaphore_mem>>)
      } else {
      }
      %add3A_703 = arith.constant 1 : i32
      %add3A_704 = arith.addi %mul3A_670, %add3A_703 : i32
      %dma_wait3A_705 = arith.constant 0 : i32
      %dma_wait3A_706 = tpu.memref_slice %arg7[%add3A_704, %dma_wait3A_705] : memref<250x80xi32, #tpu.memory_space<vmem>> -> memref<1x80xi32, #tpu.memory_space<vmem>>
      %dma_wait3A_707 = tpu.memref_squeeze %dma_wait3A_706 : memref<1x80xi32, #tpu.memory_space<vmem>> -> memref<80xi32, #tpu.memory_space<vmem>>
      %dma_wait3A_708 = arith.constant 0 : i32
      %dma_wait3A_709 = arith.constant 0 : i32
      %dma_wait3A_710 = tpu.memref_slice %arg2[%arg0, %dma_wait3A_708, %dma_wait3A_709] : memref<2x20480x64xf32, #tpu.memory_space<hbm>> -> memref<1x20480x64xf32, #tpu.memory_space<hbm>>
      %dma_wait3A_711 = tpu.memref_squeeze %dma_wait3A_710 : memref<1x20480x64xf32, #tpu.memory_space<hbm>> -> memref<20480x64xf32, #tpu.memory_space<hbm>>
      %dma_wait3A_712 = arith.constant 0 : i32
      %dma_wait3A_713 = arith.constant 0 : i32
      %dma_wait3A_714 = tpu.memref_slice %dma_wait3A_711[%dma_wait3A_712, %dma_wait3A_713] : memref<20480x64xf32, #tpu.memory_space<hbm>> -> memref<20480x64xf32, #tpu.memory_space<hbm>>
      tpu.wait_indirect_dma semaphore(%arg16 : memref<!tpu.dma_semaphore, #tpu.memory_space<semaphore_mem>>) src(%dma_wait3A_714 : memref<20480x64xf32, #tpu.memory_space<hbm>>) dst(%arg10 : memref<80x64xf32, #tpu.memory_space<vmem>>)
      "tpu.region"() ({
        %run_scoped3A = tpu.sem_alloc : memref<!tpu.dma_semaphore, #tpu.memory_space<semaphore_mem>>
        %dma_start3A_720 = arith.constant 0 : i32
        %dma_start3A_721 = tpu.memref_slice %arg8[%add3A_704, %dma_start3A_720] : memref<250x80xi32, #tpu.memory_space<vmem>> -> memref<1x80xi32, #tpu.memory_space<vmem>>
        %dma_start3A_722 = tpu.memref_squeeze %dma_start3A_721 : memref<1x80xi32, #tpu.memory_space<vmem>> -> memref<80xi32, #tpu.memory_space<vmem>>
        %dma_start3A_723 = arith.constant 0 : i32
        %dma_start3A_724 = arith.constant 0 : i32
        %dma_start3A_725 = tpu.memref_slice %arg13[%dma_start3A_723, %dma_start3A_724] : memref<10240x64xf32, #tpu.memory_space<vmem_shared>> -> memref<10240x64xf32, #tpu.memory_space<vmem_shared>>
        tpu.enqueue_indirect_dma source(%arg10 : memref<80x64xf32, #tpu.memory_space<vmem>>) target(%dma_start3A_725 : memref<10240x64xf32, #tpu.memory_space<vmem_shared>>) offsets(%dma_start3A_722 : memref<80xi32, #tpu.memory_space<vmem>>) semaphore(%run_scoped3A : memref<!tpu.dma_semaphore, #tpu.memory_space<semaphore_mem>>) {add = true}
        %dma_wait3A_726 = arith.constant 0 : i32
        %dma_wait3A_727 = tpu.memref_slice %arg8[%add3A_704, %dma_wait3A_726] : memref<250x80xi32, #tpu.memory_space<vmem>> -> memref<1x80xi32, #tpu.memory_space<vmem>>
        %dma_wait3A_728 = tpu.memref_squeeze %dma_wait3A_727 : memref<1x80xi32, #tpu.memory_space<vmem>> -> memref<80xi32, #tpu.memory_space<vmem>>
        %dma_wait3A_729 = arith.constant 0 : i32
        %dma_wait3A_730 = arith.constant 0 : i32
        %dma_wait3A_731 = tpu.memref_slice %arg13[%dma_wait3A_729, %dma_wait3A_730] : memref<10240x64xf32, #tpu.memory_space<vmem_shared>> -> memref<10240x64xf32, #tpu.memory_space<vmem_shared>>
        tpu.wait_indirect_dma semaphore(%run_scoped3A : memref<!tpu.dma_semaphore, #tpu.memory_space<semaphore_mem>>) src(%arg10 : memref<80x64xf32, #tpu.memory_space<vmem>>) dst(%dma_wait3A_731 : memref<10240x64xf32, #tpu.memory_space<vmem_shared>>)
        tpu.yield
      }) : () -> ()
      %eq3A_715 = arith.constant 1 : i32
      %eq3A_716 = arith.cmpi eq, %arg0, %eq3A_715 : i32
      %convert_element_type3A_717 = arith.extui %eq3A_716 : i1 to i32
      %cond3A_718 = arith.constant 0 : i32
      %cond3A_719 = arith.cmpi ne, %convert_element_type3A_717, %cond3A_718 : i32
      scf.if %cond3A_719 {
        %gt3A = arith.constant 0 : i32
        %gt3A_720 = arith.cmpi sgt, %add3A_704, %gt3A : i32
        %convert_element_type3A_721 = arith.extui %gt3A_720 : i1 to i32
        %cond3A_722 = arith.constant 0 : i32
        %cond3A_723 = arith.cmpi ne, %convert_element_type3A_721, %cond3A_722 : i32
        scf.if %cond3A_723 {
          %dma_wait3A_730 = arith.constant 0 : i32
          %dma_wait3A_731 = arith.constant 0 : i32
          %dma_wait3A_732 = tpu.memref_slice %arg8[%dma_wait3A_730, %dma_wait3A_731] : memref<250x80xi32, #tpu.memory_space<vmem>> -> memref<1x80xi32, #tpu.memory_space<vmem>>
          %dma_wait3A_733 = tpu.memref_squeeze %dma_wait3A_732 : memref<1x80xi32, #tpu.memory_space<vmem>> -> memref<80xi32, #tpu.memory_space<vmem>>
          %dma_wait3A_734 = arith.constant 0 : i32
          %dma_wait3A_735 = arith.constant 0 : i32
          %dma_wait3A_736 = tpu.memref_slice %arg14[%dma_wait3A_734, %dma_wait3A_735] : memref<10240x16xf32, #tpu.memory_space<vmem_shared>> -> memref<10240x16xf32, #tpu.memory_space<vmem_shared>>
          tpu.wait_indirect_dma semaphore(%arg17 : memref<!tpu.dma_semaphore, #tpu.memory_space<semaphore_mem>>) src(%arg11 : memref<80x16xf32, #tpu.memory_space<vmem>>) dst(%dma_wait3A_736 : memref<10240x16xf32, #tpu.memory_space<vmem_shared>>)
        } else {
        }
        %dma_start3A_724 = arith.constant 0 : i32
        %dma_start3A_725 = tpu.memref_slice %arg8[%add3A_704, %dma_start3A_724] : memref<250x80xi32, #tpu.memory_space<vmem>> -> memref<1x80xi32, #tpu.memory_space<vmem>>
        %dma_start3A_726 = tpu.memref_squeeze %dma_start3A_725 : memref<1x80xi32, #tpu.memory_space<vmem>> -> memref<80xi32, #tpu.memory_space<vmem>>
        %dma_start3A_727 = arith.constant 0 : i32
        %dma_start3A_728 = arith.constant 0 : i32
        %dma_start3A_729 = tpu.memref_slice %arg14[%dma_start3A_727, %dma_start3A_728] : memref<10240x16xf32, #tpu.memory_space<vmem_shared>> -> memref<10240x16xf32, #tpu.memory_space<vmem_shared>>
        tpu.enqueue_indirect_dma source(%arg11 : memref<80x16xf32, #tpu.memory_space<vmem>>) target(%dma_start3A_729 : memref<10240x16xf32, #tpu.memory_space<vmem_shared>>) offsets(%dma_start3A_726 : memref<80xi32, #tpu.memory_space<vmem>>) semaphore(%arg17 : memref<!tpu.dma_semaphore, #tpu.memory_space<semaphore_mem>>) {add = true}
      } else {
      }
    }
    %scan3A_656 = arith.constant 125 : i32
    %eq3A_657 = arith.constant 1 : i32
    %eq3A_658 = arith.cmpi eq, %arg0, %eq3A_657 : i32
    %convert_element_type3A_659 = arith.extui %eq3A_658 : i1 to i32
    %cond3A_660 = arith.constant 0 : i32
    %cond3A_661 = arith.cmpi ne, %convert_element_type3A_659, %cond3A_660 : i32
    scf.if %cond3A_661 {
      %dma_wait3A = arith.constant 0 : i32
      %dma_wait3A_668 = arith.constant 0 : i32
      %dma_wait3A_669 = tpu.memref_slice %arg8[%dma_wait3A, %dma_wait3A_668] : memref<250x80xi32, #tpu.memory_space<vmem>> -> memref<1x80xi32, #tpu.memory_space<vmem>>
      %dma_wait3A_670 = tpu.memref_squeeze %dma_wait3A_669 : memref<1x80xi32, #tpu.memory_space<vmem>> -> memref<80xi32, #tpu.memory_space<vmem>>
      %dma_wait3A_671 = arith.constant 0 : i32
      %dma_wait3A_672 = arith.constant 0 : i32
      %dma_wait3A_673 = tpu.memref_slice %arg14[%dma_wait3A_671, %dma_wait3A_672] : memref<10240x16xf32, #tpu.memory_space<vmem_shared>> -> memref<10240x16xf32, #tpu.memory_space<vmem_shared>>
      tpu.wait_indirect_dma semaphore(%arg17 : memref<!tpu.dma_semaphore, #tpu.memory_space<semaphore_mem>>) src(%arg11 : memref<80x16xf32, #tpu.memory_space<vmem>>) dst(%dma_wait3A_673 : memref<10240x16xf32, #tpu.memory_space<vmem_shared>>)
    } else {
    }
    %barrier3A_662 = arith.constant 0 : index
    tpu.barrier barrier_id(%barrier3A_662)
    "tpu.region"() ({
      %run_scoped3A = tpu.sem_alloc : memref<!tpu.dma_semaphore, #tpu.memory_space<semaphore_mem>>
      %dma_start3A_668 = arith.constant 0 : i32
      %dma_start3A_669 = tpu.memref_slice %arg5[%arg0, %mul3A_0, %dma_start3A_668] : memref<2x10240x64xf32, #tpu.memory_space<hbm>> -> memref<1x640x64xf32, #tpu.memory_space<hbm>>
      %dma_start3A_670 = tpu.memref_squeeze %dma_start3A_669 : memref<1x640x64xf32, #tpu.memory_space<hbm>> -> memref<640x64xf32, #tpu.memory_space<hbm>>
      %dma_start3A_671 = arith.constant 0 : i32
      %dma_start3A_672 = tpu.memref_slice %arg13[%mul3A_0, %dma_start3A_671] : memref<10240x64xf32, #tpu.memory_space<vmem_shared>> -> memref<640x64xf32, #tpu.memory_space<vmem_shared>>
      tpu.enqueue_dma source(%dma_start3A_672 : memref<640x64xf32, #tpu.memory_space<vmem_shared>>) target(%dma_start3A_670 : memref<640x64xf32, #tpu.memory_space<hbm>>) target_semaphore(%run_scoped3A : memref<!tpu.dma_semaphore, #tpu.memory_space<semaphore_mem>>)
      %dma_wait3A = arith.constant 0 : i32
      %dma_wait3A_673 = tpu.memref_slice %arg5[%arg0, %mul3A_0, %dma_wait3A] : memref<2x10240x64xf32, #tpu.memory_space<hbm>> -> memref<1x640x64xf32, #tpu.memory_space<hbm>>
      %dma_wait3A_674 = tpu.memref_squeeze %dma_wait3A_673 : memref<1x640x64xf32, #tpu.memory_space<hbm>> -> memref<640x64xf32, #tpu.memory_space<hbm>>
      %dma_wait3A_675 = arith.constant 0 : i32
      %dma_wait3A_676 = tpu.memref_slice %arg13[%mul3A_0, %dma_wait3A_675] : memref<10240x64xf32, #tpu.memory_space<vmem_shared>> -> memref<640x64xf32, #tpu.memory_space<vmem_shared>>
      tpu.wait_dma2 semaphore(%run_scoped3A : memref<!tpu.dma_semaphore, #tpu.memory_space<semaphore_mem>>) src(%dma_wait3A_676 : memref<640x64xf32, #tpu.memory_space<vmem_shared>>) dst(%dma_wait3A_674 : memref<640x64xf32, #tpu.memory_space<hbm>>)
      tpu.yield
    }) : () -> ()
    %eq3A_663 = arith.constant 1 : i32
    %eq3A_664 = arith.cmpi eq, %arg0, %eq3A_663 : i32
    %convert_element_type3A_665 = arith.extui %eq3A_664 : i1 to i32
    %cond3A_666 = arith.constant 0 : i32
    %cond3A_667 = arith.cmpi ne, %convert_element_type3A_665, %cond3A_666 : i32
    scf.if %cond3A_667 {
      "tpu.region"() ({
        %run_scoped3A = tpu.sem_alloc : memref<!tpu.dma_semaphore, #tpu.memory_space<semaphore_mem>>
        %dma_start3A_668 = arith.constant 0 : i32
        %dma_start3A_669 = tpu.memref_slice %arg6[%mul3A_0, %dma_start3A_668] : memref<10240x16xf32, #tpu.memory_space<hbm>> -> memref<640x16xf32, #tpu.memory_space<hbm>>
        %dma_start3A_670 = arith.constant 0 : i32
        %dma_start3A_671 = tpu.memref_slice %arg14[%mul3A_0, %dma_start3A_670] : memref<10240x16xf32, #tpu.memory_space<vmem_shared>> -> memref<640x16xf32, #tpu.memory_space<vmem_shared>>
        tpu.enqueue_dma source(%dma_start3A_671 : memref<640x16xf32, #tpu.memory_space<vmem_shared>>) target(%dma_start3A_669 : memref<640x16xf32, #tpu.memory_space<hbm>>) target_semaphore(%run_scoped3A : memref<!tpu.dma_semaphore, #tpu.memory_space<semaphore_mem>>)
        %dma_wait3A = arith.constant 0 : i32
        %dma_wait3A_672 = tpu.memref_slice %arg6[%mul3A_0, %dma_wait3A] : memref<10240x16xf32, #tpu.memory_space<hbm>> -> memref<640x16xf32, #tpu.memory_space<hbm>>
        %dma_wait3A_673 = arith.constant 0 : i32
        %dma_wait3A_674 = tpu.memref_slice %arg14[%mul3A_0, %dma_wait3A_673] : memref<10240x16xf32, #tpu.memory_space<vmem_shared>> -> memref<640x16xf32, #tpu.memory_space<vmem_shared>>
        tpu.wait_dma2 semaphore(%run_scoped3A : memref<!tpu.dma_semaphore, #tpu.memory_space<semaphore_mem>>) src(%dma_wait3A_674 : memref<640x16xf32, #tpu.memory_space<vmem_shared>>) dst(%dma_wait3A_672 : memref<640x16xf32, #tpu.memory_space<hbm>>)
        tpu.yield
      }) : () -> ()
    } else {
    }
    return
  }
}

#map = affine_map<(d0, d1) -> (0, 0, 0)>
module attributes {stable_mosaic.version = 14 : i64} {
  func.func @_sc_agg_body(%arg0: i32, %arg1: i32, %arg2: memref<2x10240x64xf32, #tpu.memory_space<hbm>>, %arg3: memref<16x250x80xi32, #tpu.memory_space<hbm>>, %arg4: memref<16x250x80xi32, #tpu.memory_space<hbm>>, %arg5: memref<2x10240x64xf32, #tpu.memory_space<hbm>>, %arg6: memref<250x80xi32, #tpu.memory_space<vmem>>, %arg7: memref<250x80xi32, #tpu.memory_space<vmem>>, %arg8: memref<80x64xf32, #tpu.memory_space<vmem>>, %arg9: memref<80x64xf32, #tpu.memory_space<vmem>>, %arg10: memref<10240x64xf32, #tpu.memory_space<vmem_shared>>, %arg11: memref<!tpu.dma_semaphore, #tpu.memory_space<semaphore_mem>>, %arg12: memref<!tpu.dma_semaphore, #tpu.memory_space<semaphore_mem>>) attributes {dimension_semantics = [#tpu.dimension_semantics<core_parallel>, #tpu.dimension_semantics<subcore_parallel>], iteration_bounds = array<i64: 2, 16>, scalar_prefetch = 0 : i64, scratch_operands = 7 : i64, tpu.core_type = #tpu.core_type<sc_vector_subcore>, window_params = [{transform_indices = #map}, {transform_indices = #map}, {transform_indices = #map}, {transform_indices = #map}]} {
    %mul3A = arith.constant 640 : i32
    %mul3A_0 = arith.muli %arg1, %mul3A : i32
    "tpu.region"() ({
      %run_scoped3A = tpu.sem_alloc : memref<!tpu.dma_semaphore, #tpu.memory_space<semaphore_mem>>
      %dma_start3A_18 = arith.constant 0 : i32
      %dma_start3A_19 = arith.constant 0 : i32
      %dma_start3A_20 = tpu.memref_slice %arg3[%arg1, %dma_start3A_18, %dma_start3A_19] : memref<16x250x80xi32, #tpu.memory_space<hbm>> -> memref<1x250x80xi32, #tpu.memory_space<hbm>>
      %dma_start3A_21 = tpu.memref_squeeze %dma_start3A_20 : memref<1x250x80xi32, #tpu.memory_space<hbm>> -> memref<250x80xi32, #tpu.memory_space<hbm>>
      %dma_start3A_22 = arith.constant 0 : i32
      %dma_start3A_23 = arith.constant 0 : i32
      %dma_start3A_24 = tpu.memref_slice %arg3[%arg1, %dma_start3A_22, %dma_start3A_23] : memref<16x250x80xi32, #tpu.memory_space<hbm>> -> memref<1x250x80xi32, #tpu.memory_space<hbm>>
      %dma_start3A_25 = tpu.memref_squeeze %dma_start3A_24 : memref<1x250x80xi32, #tpu.memory_space<hbm>> -> memref<250x80xi32, #tpu.memory_space<hbm>>
      tpu.enqueue_dma source(%dma_start3A_25 : memref<250x80xi32, #tpu.memory_space<hbm>>) target(%arg6 : memref<250x80xi32, #tpu.memory_space<vmem>>) target_semaphore(%run_scoped3A : memref<!tpu.dma_semaphore, #tpu.memory_space<semaphore_mem>>)
      %dma_wait3A = arith.constant 0 : i32
      %dma_wait3A_26 = arith.constant 0 : i32
      %dma_wait3A_27 = tpu.memref_slice %arg3[%arg1, %dma_wait3A, %dma_wait3A_26] : memref<16x250x80xi32, #tpu.memory_space<hbm>> -> memref<1x250x80xi32, #tpu.memory_space<hbm>>
      %dma_wait3A_28 = tpu.memref_squeeze %dma_wait3A_27 : memref<1x250x80xi32, #tpu.memory_space<hbm>> -> memref<250x80xi32, #tpu.memory_space<hbm>>
      %dma_wait3A_29 = arith.constant 0 : i32
      %dma_wait3A_30 = arith.constant 0 : i32
      %dma_wait3A_31 = tpu.memref_slice %arg3[%arg1, %dma_wait3A_29, %dma_wait3A_30] : memref<16x250x80xi32, #tpu.memory_space<hbm>> -> memref<1x250x80xi32, #tpu.memory_space<hbm>>
      %dma_wait3A_32 = tpu.memref_squeeze %dma_wait3A_31 : memref<1x250x80xi32, #tpu.memory_space<hbm>> -> memref<250x80xi32, #tpu.memory_space<hbm>>
      tpu.wait_dma2 semaphore(%run_scoped3A : memref<!tpu.dma_semaphore, #tpu.memory_space<semaphore_mem>>) src(%dma_wait3A_32 : memref<250x80xi32, #tpu.memory_space<hbm>>) dst(%arg6 : memref<250x80xi32, #tpu.memory_space<vmem>>)
      tpu.yield
    }) : () -> ()
    "tpu.region"() ({
      %run_scoped3A = tpu.sem_alloc : memref<!tpu.dma_semaphore, #tpu.memory_space<semaphore_mem>>
      %dma_start3A_18 = arith.constant 0 : i32
      %dma_start3A_19 = arith.constant 0 : i32
      %dma_start3A_20 = tpu.memref_slice %arg4[%arg1, %dma_start3A_18, %dma_start3A_19] : memref<16x250x80xi32, #tpu.memory_space<hbm>> -> memref<1x250x80xi32, #tpu.memory_space<hbm>>
      %dma_start3A_21 = tpu.memref_squeeze %dma_start3A_20 : memref<1x250x80xi32, #tpu.memory_space<hbm>> -> memref<250x80xi32, #tpu.memory_space<hbm>>
      %dma_start3A_22 = arith.constant 0 : i32
      %dma_start3A_23 = arith.constant 0 : i32
      %dma_start3A_24 = tpu.memref_slice %arg4[%arg1, %dma_start3A_22, %dma_start3A_23] : memref<16x250x80xi32, #tpu.memory_space<hbm>> -> memref<1x250x80xi32, #tpu.memory_space<hbm>>
      %dma_start3A_25 = tpu.memref_squeeze %dma_start3A_24 : memref<1x250x80xi32, #tpu.memory_space<hbm>> -> memref<250x80xi32, #tpu.memory_space<hbm>>
      tpu.enqueue_dma source(%dma_start3A_25 : memref<250x80xi32, #tpu.memory_space<hbm>>) target(%arg7 : memref<250x80xi32, #tpu.memory_space<vmem>>) target_semaphore(%run_scoped3A : memref<!tpu.dma_semaphore, #tpu.memory_space<semaphore_mem>>)
      %dma_wait3A = arith.constant 0 : i32
      %dma_wait3A_26 = arith.constant 0 : i32
      %dma_wait3A_27 = tpu.memref_slice %arg4[%arg1, %dma_wait3A, %dma_wait3A_26] : memref<16x250x80xi32, #tpu.memory_space<hbm>> -> memref<1x250x80xi32, #tpu.memory_space<hbm>>
      %dma_wait3A_28 = tpu.memref_squeeze %dma_wait3A_27 : memref<1x250x80xi32, #tpu.memory_space<hbm>> -> memref<250x80xi32, #tpu.memory_space<hbm>>
      %dma_wait3A_29 = arith.constant 0 : i32
      %dma_wait3A_30 = arith.constant 0 : i32
      %dma_wait3A_31 = tpu.memref_slice %arg4[%arg1, %dma_wait3A_29, %dma_wait3A_30] : memref<16x250x80xi32, #tpu.memory_space<hbm>> -> memref<1x250x80xi32, #tpu.memory_space<hbm>>
      %dma_wait3A_32 = tpu.memref_squeeze %dma_wait3A_31 : memref<1x250x80xi32, #tpu.memory_space<hbm>> -> memref<250x80xi32, #tpu.memory_space<hbm>>
      tpu.wait_dma2 semaphore(%run_scoped3A : memref<!tpu.dma_semaphore, #tpu.memory_space<semaphore_mem>>) src(%dma_wait3A_32 : memref<250x80xi32, #tpu.memory_space<hbm>>) dst(%arg7 : memref<250x80xi32, #tpu.memory_space<vmem>>)
      tpu.yield
    }) : () -> ()
    %add3A = arith.constant 0 : i32
    %add3A_1 = arith.addi %add3A, %mul3A_0 : i32
    "tpu.region"() ({
      %run_scoped3A = tpu.sem_alloc : memref<!tpu.dma_semaphore, #tpu.memory_space<semaphore_mem>>
      %dma_start3A_18 = arith.constant 0 : i32
      %dma_start3A_19 = tpu.memref_slice %arg10[%mul3A_0, %dma_start3A_18] : memref<10240x64xf32, #tpu.memory_space<vmem_shared>> -> memref<640x64xf32, #tpu.memory_space<vmem_shared>>
      %dma_start3A_20 = arith.constant 0 : i32
      %dma_start3A_21 = tpu.memref_slice %arg2[%arg0, %add3A_1, %dma_start3A_20] : memref<2x10240x64xf32, #tpu.memory_space<hbm>> -> memref<1x640x64xf32, #tpu.memory_space<hbm>>
      %dma_start3A_22 = tpu.memref_squeeze %dma_start3A_21 : memref<1x640x64xf32, #tpu.memory_space<hbm>> -> memref<640x64xf32, #tpu.memory_space<hbm>>
      tpu.enqueue_dma source(%dma_start3A_22 : memref<640x64xf32, #tpu.memory_space<hbm>>) target(%dma_start3A_19 : memref<640x64xf32, #tpu.memory_space<vmem_shared>>) target_semaphore(%run_scoped3A : memref<!tpu.dma_semaphore, #tpu.memory_space<semaphore_mem>>)
      %dma_wait3A = arith.constant 0 : i32
      %dma_wait3A_23 = tpu.memref_slice %arg10[%mul3A_0, %dma_wait3A] : memref<10240x64xf32, #tpu.memory_space<vmem_shared>> -> memref<640x64xf32, #tpu.memory_space<vmem_shared>>
      %dma_wait3A_24 = arith.constant 0 : i32
      %dma_wait3A_25 = tpu.memref_slice %arg2[%arg0, %add3A_1, %dma_wait3A_24] : memref<2x10240x64xf32, #tpu.memory_space<hbm>> -> memref<1x640x64xf32, #tpu.memory_space<hbm>>
      %dma_wait3A_26 = tpu.memref_squeeze %dma_wait3A_25 : memref<1x640x64xf32, #tpu.memory_space<hbm>> -> memref<640x64xf32, #tpu.memory_space<hbm>>
      tpu.wait_dma2 semaphore(%run_scoped3A : memref<!tpu.dma_semaphore, #tpu.memory_space<semaphore_mem>>) src(%dma_wait3A_26 : memref<640x64xf32, #tpu.memory_space<hbm>>) dst(%dma_wait3A_23 : memref<640x64xf32, #tpu.memory_space<vmem_shared>>)
      tpu.yield
    }) : () -> ()
    %barrier3A = arith.constant 0 : index
    tpu.barrier barrier_id(%barrier3A)
    %dma_start3A = arith.constant 0 : i32
    %dma_start3A_2 = arith.constant 0 : i32
    %dma_start3A_3 = tpu.memref_slice %arg6[%dma_start3A, %dma_start3A_2] : memref<250x80xi32, #tpu.memory_space<vmem>> -> memref<1x80xi32, #tpu.memory_space<vmem>>
    %dma_start3A_4 = tpu.memref_squeeze %dma_start3A_3 : memref<1x80xi32, #tpu.memory_space<vmem>> -> memref<80xi32, #tpu.memory_space<vmem>>
    %dma_start3A_5 = arith.constant 0 : i32
    %dma_start3A_6 = arith.constant 0 : i32
    %dma_start3A_7 = tpu.memref_slice %arg2[%arg0, %dma_start3A_5, %dma_start3A_6] : memref<2x10240x64xf32, #tpu.memory_space<hbm>> -> memref<1x10240x64xf32, #tpu.memory_space<hbm>>
    %dma_start3A_8 = tpu.memref_squeeze %dma_start3A_7 : memref<1x10240x64xf32, #tpu.memory_space<hbm>> -> memref<10240x64xf32, #tpu.memory_space<hbm>>
    %dma_start3A_9 = arith.constant 0 : i32
    %dma_start3A_10 = arith.constant 0 : i32
    %dma_start3A_11 = tpu.memref_slice %dma_start3A_8[%dma_start3A_9, %dma_start3A_10] : memref<10240x64xf32, #tpu.memory_space<hbm>> -> memref<10240x64xf32, #tpu.memory_space<hbm>>
    tpu.enqueue_indirect_dma source(%dma_start3A_11 : memref<10240x64xf32, #tpu.memory_space<hbm>>) target(%arg8 : memref<80x64xf32, #tpu.memory_space<vmem>>) offsets(%dma_start3A_4 : memref<80xi32, #tpu.memory_space<vmem>>) semaphore(%arg11 : memref<!tpu.dma_semaphore, #tpu.memory_space<semaphore_mem>>)
    %scan3A = arith.constant 0 : i32
    %scan3A_12 = arith.constant 0 : i32
    %scan3A_13 = arith.constant 125 : i32
    %scan3A_14 = arith.addi %scan3A_12, %scan3A_13 : i32
    %scan3A_15 = arith.constant 1 : i32
    scf.for %scan3A_18 = %scan3A_12 to %scan3A_14 step %scan3A_15  : i32 {
      %mul3A_19 = arith.constant 2 : i32
      %mul3A_20 = arith.muli %mul3A_19, %scan3A_18 : i32
      %add3A_21 = arith.constant 1 : i32
      %add3A_22 = arith.addi %mul3A_20, %add3A_21 : i32
      %dma_start3A_23 = arith.constant 0 : i32
      %dma_start3A_24 = tpu.memref_slice %arg6[%add3A_22, %dma_start3A_23] : memref<250x80xi32, #tpu.memory_space<vmem>> -> memref<1x80xi32, #tpu.memory_space<vmem>>
      %dma_start3A_25 = tpu.memref_squeeze %dma_start3A_24 : memref<1x80xi32, #tpu.memory_space<vmem>> -> memref<80xi32, #tpu.memory_space<vmem>>
      %dma_start3A_26 = arith.constant 0 : i32
      %dma_start3A_27 = arith.constant 0 : i32
      %dma_start3A_28 = tpu.memref_slice %arg2[%arg0, %dma_start3A_26, %dma_start3A_27] : memref<2x10240x64xf32, #tpu.memory_space<hbm>> -> memref<1x10240x64xf32, #tpu.memory_space<hbm>>
      %dma_start3A_29 = tpu.memref_squeeze %dma_start3A_28 : memref<1x10240x64xf32, #tpu.memory_space<hbm>> -> memref<10240x64xf32, #tpu.memory_space<hbm>>
      %dma_start3A_30 = arith.constant 0 : i32
      %dma_start3A_31 = arith.constant 0 : i32
      %dma_start3A_32 = tpu.memref_slice %dma_start3A_29[%dma_start3A_30, %dma_start3A_31] : memref<10240x64xf32, #tpu.memory_space<hbm>> -> memref<10240x64xf32, #tpu.memory_space<hbm>>
      tpu.enqueue_indirect_dma source(%dma_start3A_32 : memref<10240x64xf32, #tpu.memory_space<hbm>>) target(%arg9 : memref<80x64xf32, #tpu.memory_space<vmem>>) offsets(%dma_start3A_25 : memref<80xi32, #tpu.memory_space<vmem>>) semaphore(%arg12 : memref<!tpu.dma_semaphore, #tpu.memory_space<semaphore_mem>>)
      %dma_wait3A = arith.constant 0 : i32
      %dma_wait3A_33 = tpu.memref_slice %arg6[%mul3A_20, %dma_wait3A] : memref<250x80xi32, #tpu.memory_space<vmem>> -> memref<1x80xi32, #tpu.memory_space<vmem>>
      %dma_wait3A_34 = tpu.memref_squeeze %dma_wait3A_33 : memref<1x80xi32, #tpu.memory_space<vmem>> -> memref<80xi32, #tpu.memory_space<vmem>>
      %dma_wait3A_35 = arith.constant 0 : i32
      %dma_wait3A_36 = arith.constant 0 : i32
      %dma_wait3A_37 = tpu.memref_slice %arg2[%arg0, %dma_wait3A_35, %dma_wait3A_36] : memref<2x10240x64xf32, #tpu.memory_space<hbm>> -> memref<1x10240x64xf32, #tpu.memory_space<hbm>>
      %dma_wait3A_38 = tpu.memref_squeeze %dma_wait3A_37 : memref<1x10240x64xf32, #tpu.memory_space<hbm>> -> memref<10240x64xf32, #tpu.memory_space<hbm>>
      %dma_wait3A_39 = arith.constant 0 : i32
      %dma_wait3A_40 = arith.constant 0 : i32
      %dma_wait3A_41 = tpu.memref_slice %dma_wait3A_38[%dma_wait3A_39, %dma_wait3A_40] : memref<10240x64xf32, #tpu.memory_space<hbm>> -> memref<10240x64xf32, #tpu.memory_space<hbm>>
      tpu.wait_indirect_dma semaphore(%arg11 : memref<!tpu.dma_semaphore, #tpu.memory_space<semaphore_mem>>) src(%dma_wait3A_41 : memref<10240x64xf32, #tpu.memory_space<hbm>>) dst(%arg8 : memref<80x64xf32, #tpu.memory_space<vmem>>)
      "tpu.region"() ({
        %run_scoped3A = tpu.sem_alloc : memref<!tpu.dma_semaphore, #tpu.memory_space<semaphore_mem>>
        %dma_start3A_58 = arith.constant 0 : i32
        %dma_start3A_59 = tpu.memref_slice %arg7[%mul3A_20, %dma_start3A_58] : memref<250x80xi32, #tpu.memory_space<vmem>> -> memref<1x80xi32, #tpu.memory_space<vmem>>
        %dma_start3A_60 = tpu.memref_squeeze %dma_start3A_59 : memref<1x80xi32, #tpu.memory_space<vmem>> -> memref<80xi32, #tpu.memory_space<vmem>>
        %dma_start3A_61 = arith.constant 0 : i32
        %dma_start3A_62 = arith.constant 0 : i32
        %dma_start3A_63 = tpu.memref_slice %arg10[%dma_start3A_61, %dma_start3A_62] : memref<10240x64xf32, #tpu.memory_space<vmem_shared>> -> memref<10240x64xf32, #tpu.memory_space<vmem_shared>>
        tpu.enqueue_indirect_dma source(%arg8 : memref<80x64xf32, #tpu.memory_space<vmem>>) target(%dma_start3A_63 : memref<10240x64xf32, #tpu.memory_space<vmem_shared>>) offsets(%dma_start3A_60 : memref<80xi32, #tpu.memory_space<vmem>>) semaphore(%run_scoped3A : memref<!tpu.dma_semaphore, #tpu.memory_space<semaphore_mem>>) {add = true}
        %dma_wait3A_64 = arith.constant 0 : i32
        %dma_wait3A_65 = tpu.memref_slice %arg7[%mul3A_20, %dma_wait3A_64] : memref<250x80xi32, #tpu.memory_space<vmem>> -> memref<1x80xi32, #tpu.memory_space<vmem>>
        %dma_wait3A_66 = tpu.memref_squeeze %dma_wait3A_65 : memref<1x80xi32, #tpu.memory_space<vmem>> -> memref<80xi32, #tpu.memory_space<vmem>>
        %dma_wait3A_67 = arith.constant 0 : i32
        %dma_wait3A_68 = arith.constant 0 : i32
        %dma_wait3A_69 = tpu.memref_slice %arg10[%dma_wait3A_67, %dma_wait3A_68] : memref<10240x64xf32, #tpu.memory_space<vmem_shared>> -> memref<10240x64xf32, #tpu.memory_space<vmem_shared>>
        tpu.wait_indirect_dma semaphore(%run_scoped3A : memref<!tpu.dma_semaphore, #tpu.memory_space<semaphore_mem>>) src(%arg8 : memref<80x64xf32, #tpu.memory_space<vmem>>) dst(%dma_wait3A_69 : memref<10240x64xf32, #tpu.memory_space<vmem_shared>>)
        tpu.yield
      }) : () -> ()
      %add3A_42 = arith.constant 2 : i32
      %add3A_43 = arith.addi %mul3A_20, %add3A_42 : i32
      %lt3A = arith.constant 250 : i32
      %lt3A_44 = arith.cmpi slt, %add3A_43, %lt3A : i32
      %convert_element_type3A = arith.extui %lt3A_44 : i1 to i32
      %cond3A = arith.constant 0 : i32
      %cond3A_45 = arith.cmpi ne, %convert_element_type3A, %cond3A : i32
      scf.if %cond3A_45 {
        %add3A_58 = arith.constant 2 : i32
        %add3A_59 = arith.addi %mul3A_20, %add3A_58 : i32
        %dma_start3A_60 = arith.constant 0 : i32
        %dma_start3A_61 = tpu.memref_slice %arg6[%add3A_59, %dma_start3A_60] : memref<250x80xi32, #tpu.memory_space<vmem>> -> memref<1x80xi32, #tpu.memory_space<vmem>>
        %dma_start3A_62 = tpu.memref_squeeze %dma_start3A_61 : memref<1x80xi32, #tpu.memory_space<vmem>> -> memref<80xi32, #tpu.memory_space<vmem>>
        %dma_start3A_63 = arith.constant 0 : i32
        %dma_start3A_64 = arith.constant 0 : i32
        %dma_start3A_65 = tpu.memref_slice %arg2[%arg0, %dma_start3A_63, %dma_start3A_64] : memref<2x10240x64xf32, #tpu.memory_space<hbm>> -> memref<1x10240x64xf32, #tpu.memory_space<hbm>>
        %dma_start3A_66 = tpu.memref_squeeze %dma_start3A_65 : memref<1x10240x64xf32, #tpu.memory_space<hbm>> -> memref<10240x64xf32, #tpu.memory_space<hbm>>
        %dma_start3A_67 = arith.constant 0 : i32
        %dma_start3A_68 = arith.constant 0 : i32
        %dma_start3A_69 = tpu.memref_slice %dma_start3A_66[%dma_start3A_67, %dma_start3A_68] : memref<10240x64xf32, #tpu.memory_space<hbm>> -> memref<10240x64xf32, #tpu.memory_space<hbm>>
        tpu.enqueue_indirect_dma source(%dma_start3A_69 : memref<10240x64xf32, #tpu.memory_space<hbm>>) target(%arg8 : memref<80x64xf32, #tpu.memory_space<vmem>>) offsets(%dma_start3A_62 : memref<80xi32, #tpu.memory_space<vmem>>) semaphore(%arg11 : memref<!tpu.dma_semaphore, #tpu.memory_space<semaphore_mem>>)
      } else {
      }
      %add3A_46 = arith.constant 1 : i32
      %add3A_47 = arith.addi %mul3A_20, %add3A_46 : i32
      %dma_wait3A_48 = arith.constant 0 : i32
      %dma_wait3A_49 = tpu.memref_slice %arg6[%add3A_47, %dma_wait3A_48] : memref<250x80xi32, #tpu.memory_space<vmem>> -> memref<1x80xi32, #tpu.memory_space<vmem>>
      %dma_wait3A_50 = tpu.memref_squeeze %dma_wait3A_49 : memref<1x80xi32, #tpu.memory_space<vmem>> -> memref<80xi32, #tpu.memory_space<vmem>>
      %dma_wait3A_51 = arith.constant 0 : i32
      %dma_wait3A_52 = arith.constant 0 : i32
      %dma_wait3A_53 = tpu.memref_slice %arg2[%arg0, %dma_wait3A_51, %dma_wait3A_52] : memref<2x10240x64xf32, #tpu.memory_space<hbm>> -> memref<1x10240x64xf32, #tpu.memory_space<hbm>>
      %dma_wait3A_54 = tpu.memref_squeeze %dma_wait3A_53 : memref<1x10240x64xf32, #tpu.memory_space<hbm>> -> memref<10240x64xf32, #tpu.memory_space<hbm>>
      %dma_wait3A_55 = arith.constant 0 : i32
      %dma_wait3A_56 = arith.constant 0 : i32
      %dma_wait3A_57 = tpu.memref_slice %dma_wait3A_54[%dma_wait3A_55, %dma_wait3A_56] : memref<10240x64xf32, #tpu.memory_space<hbm>> -> memref<10240x64xf32, #tpu.memory_space<hbm>>
      tpu.wait_indirect_dma semaphore(%arg12 : memref<!tpu.dma_semaphore, #tpu.memory_space<semaphore_mem>>) src(%dma_wait3A_57 : memref<10240x64xf32, #tpu.memory_space<hbm>>) dst(%arg9 : memref<80x64xf32, #tpu.memory_space<vmem>>)
      "tpu.region"() ({
        %run_scoped3A = tpu.sem_alloc : memref<!tpu.dma_semaphore, #tpu.memory_space<semaphore_mem>>
        %dma_start3A_58 = arith.constant 0 : i32
        %dma_start3A_59 = tpu.memref_slice %arg7[%add3A_47, %dma_start3A_58] : memref<250x80xi32, #tpu.memory_space<vmem>> -> memref<1x80xi32, #tpu.memory_space<vmem>>
        %dma_start3A_60 = tpu.memref_squeeze %dma_start3A_59 : memref<1x80xi32, #tpu.memory_space<vmem>> -> memref<80xi32, #tpu.memory_space<vmem>>
        %dma_start3A_61 = arith.constant 0 : i32
        %dma_start3A_62 = arith.constant 0 : i32
        %dma_start3A_63 = tpu.memref_slice %arg10[%dma_start3A_61, %dma_start3A_62] : memref<10240x64xf32, #tpu.memory_space<vmem_shared>> -> memref<10240x64xf32, #tpu.memory_space<vmem_shared>>
        tpu.enqueue_indirect_dma source(%arg9 : memref<80x64xf32, #tpu.memory_space<vmem>>) target(%dma_start3A_63 : memref<10240x64xf32, #tpu.memory_space<vmem_shared>>) offsets(%dma_start3A_60 : memref<80xi32, #tpu.memory_space<vmem>>) semaphore(%run_scoped3A : memref<!tpu.dma_semaphore, #tpu.memory_space<semaphore_mem>>) {add = true}
        %dma_wait3A_64 = arith.constant 0 : i32
        %dma_wait3A_65 = tpu.memref_slice %arg7[%add3A_47, %dma_wait3A_64] : memref<250x80xi32, #tpu.memory_space<vmem>> -> memref<1x80xi32, #tpu.memory_space<vmem>>
        %dma_wait3A_66 = tpu.memref_squeeze %dma_wait3A_65 : memref<1x80xi32, #tpu.memory_space<vmem>> -> memref<80xi32, #tpu.memory_space<vmem>>
        %dma_wait3A_67 = arith.constant 0 : i32
        %dma_wait3A_68 = arith.constant 0 : i32
        %dma_wait3A_69 = tpu.memref_slice %arg10[%dma_wait3A_67, %dma_wait3A_68] : memref<10240x64xf32, #tpu.memory_space<vmem_shared>> -> memref<10240x64xf32, #tpu.memory_space<vmem_shared>>
        tpu.wait_indirect_dma semaphore(%run_scoped3A : memref<!tpu.dma_semaphore, #tpu.memory_space<semaphore_mem>>) src(%arg9 : memref<80x64xf32, #tpu.memory_space<vmem>>) dst(%dma_wait3A_69 : memref<10240x64xf32, #tpu.memory_space<vmem_shared>>)
        tpu.yield
      }) : () -> ()
    }
    %scan3A_16 = arith.constant 125 : i32
    %barrier3A_17 = arith.constant 0 : index
    tpu.barrier barrier_id(%barrier3A_17)
    "tpu.region"() ({
      %run_scoped3A = tpu.sem_alloc : memref<!tpu.dma_semaphore, #tpu.memory_space<semaphore_mem>>
      %dma_start3A_18 = arith.constant 0 : i32
      %dma_start3A_19 = tpu.memref_slice %arg5[%arg0, %mul3A_0, %dma_start3A_18] : memref<2x10240x64xf32, #tpu.memory_space<hbm>> -> memref<1x640x64xf32, #tpu.memory_space<hbm>>
      %dma_start3A_20 = tpu.memref_squeeze %dma_start3A_19 : memref<1x640x64xf32, #tpu.memory_space<hbm>> -> memref<640x64xf32, #tpu.memory_space<hbm>>
      %dma_start3A_21 = arith.constant 0 : i32
      %dma_start3A_22 = tpu.memref_slice %arg10[%mul3A_0, %dma_start3A_21] : memref<10240x64xf32, #tpu.memory_space<vmem_shared>> -> memref<640x64xf32, #tpu.memory_space<vmem_shared>>
      tpu.enqueue_dma source(%dma_start3A_22 : memref<640x64xf32, #tpu.memory_space<vmem_shared>>) target(%dma_start3A_20 : memref<640x64xf32, #tpu.memory_space<hbm>>) target_semaphore(%run_scoped3A : memref<!tpu.dma_semaphore, #tpu.memory_space<semaphore_mem>>)
      %dma_wait3A = arith.constant 0 : i32
      %dma_wait3A_23 = tpu.memref_slice %arg5[%arg0, %mul3A_0, %dma_wait3A] : memref<2x10240x64xf32, #tpu.memory_space<hbm>> -> memref<1x640x64xf32, #tpu.memory_space<hbm>>
      %dma_wait3A_24 = tpu.memref_squeeze %dma_wait3A_23 : memref<1x640x64xf32, #tpu.memory_space<hbm>> -> memref<640x64xf32, #tpu.memory_space<hbm>>
      %dma_wait3A_25 = arith.constant 0 : i32
      %dma_wait3A_26 = tpu.memref_slice %arg10[%mul3A_0, %dma_wait3A_25] : memref<10240x64xf32, #tpu.memory_space<vmem_shared>> -> memref<640x64xf32, #tpu.memory_space<vmem_shared>>
      tpu.wait_dma2 semaphore(%run_scoped3A : memref<!tpu.dma_semaphore, #tpu.memory_space<semaphore_mem>>) src(%dma_wait3A_26 : memref<640x64xf32, #tpu.memory_space<vmem_shared>>) dst(%dma_wait3A_24 : memref<640x64xf32, #tpu.memory_space<hbm>>)
      tpu.yield
    }) : () -> ()
    return
  }
}

module attributes {stable_mosaic.version = 14 : i64} {
  func.func @_tc_pre_body(%arg0: memref<10000x128xf32, #tpu.memory_space<vmem>>, %arg1: memref<10000x128xf32, #tpu.memory_space<vmem>>, %arg2: memref<2x128x128xf32, #tpu.memory_space<vmem>>, %arg3: memref<2x128xf32, #tpu.memory_space<vmem>>, %arg4: memref<2x128xf32, #tpu.memory_space<vmem>>, %arg5: memref<2x20480x64xf32, #tpu.memory_space<vmem>>) attributes {dimension_semantics = [], scalar_prefetch = 0 : i64, scratch_operands = 0 : i64, tpu.core_type = #tpu.core_type<tc>} {
    %get3A = arith.constant 0 : index
    %get3A_0 = arith.constant 0 : index
    %get3A_1 = vector.load %arg0[%get3A, %get3A_0] : memref<10000x128xf32, #tpu.memory_space<vmem>>, vector<10000x128xf32>
    %convert_element_type3A = arith.truncf %get3A_1 : vector<10000x128xf32> to vector<10000x128xbf16>
    %get3A_2 = arith.constant 0 : index
    %get3A_3 = arith.constant 0 : index
    %get3A_4 = arith.constant 0 : index
    %get3A_5 = vector.load %arg2[%get3A_2, %get3A_3, %get3A_4] : memref<2x128x128xf32, #tpu.memory_space<vmem>>, vector<1x128x128xf32>
    %get3A_6 = vector.shape_cast %get3A_5 : vector<1x128x128xf32> to vector<128x128xf32>
    %convert_element_type3A_7 = arith.truncf %get3A_6 : vector<128x128xf32> to vector<128x128xbf16>
    %dot_general3A = arith.constant dense<0.000000e+00> : vector<10000x128xf32>
    %dot_general3A_8 = tpu.matmul %convert_element_type3A, %convert_element_type3A_7, %dot_general3A {dimension_numbers = #tpu.dot_dimension_numbers<[1], [0], [0], [1], [0, 0, 1, 1], [], []>, transpose_lhs_hint = false} : vector<10000x128xbf16>, vector<128x128xbf16>, vector<10000x128xf32> -> vector<10000x128xf32>
    %reduce_sum3A = arith.constant dense<0.000000e+00> : vector<128xf32>
    %reduce_sum3A_9 = vector.multi_reduction <add>, %dot_general3A_8, %reduce_sum3A [0] : vector<10000x128xf32> to vector<128xf32>
    %broadcast_in_dim3A = vector.shape_cast %reduce_sum3A_9 : vector<128xf32> to vector<1x128xf32>
    %div3A = arith.constant 1.000000e+04 : f32
    %div3A_10 = vector.broadcast %div3A : f32 to vector<1x128xf32>
    %div3A_11 = arith.divf %broadcast_in_dim3A, %div3A_10 : vector<1x128xf32>
    %sub3A = vector.broadcast %div3A_11 : vector<1x128xf32> to vector<10000x128xf32>
    %sub3A_12 = arith.subf %dot_general3A_8, %sub3A : vector<10000x128xf32>
    %square3A = arith.mulf %sub3A_12, %sub3A_12 : vector<10000x128xf32>
    %reduce_sum3A_13 = arith.constant dense<0.000000e+00> : vector<128xf32>
    %reduce_sum3A_14 = vector.multi_reduction <add>, %square3A, %reduce_sum3A_13 [0] : vector<10000x128xf32> to vector<128xf32>
    %broadcast_in_dim3A_15 = vector.shape_cast %reduce_sum3A_14 : vector<128xf32> to vector<1x128xf32>
    %div3A_16 = arith.constant 1.000000e+04 : f32
    %div3A_17 = vector.broadcast %div3A_16 : f32 to vector<1x128xf32>
    %div3A_18 = arith.divf %broadcast_in_dim3A_15, %div3A_17 : vector<1x128xf32>
    %sub3A_19 = vector.broadcast %div3A_11 : vector<1x128xf32> to vector<10000x128xf32>
    %sub3A_20 = arith.subf %dot_general3A_8, %sub3A_19 : vector<10000x128xf32>
    %add3A = arith.constant 9.99999974E-6 : f32
    %add3A_21 = vector.broadcast %add3A : f32 to vector<1x128xf32>
    %add3A_22 = arith.addf %div3A_18, %add3A_21 : vector<1x128xf32>
    %rsqrt3A = math.rsqrt %add3A_22 : vector<1x128xf32>
    %mul3A = vector.broadcast %rsqrt3A : vector<1x128xf32> to vector<10000x128xf32>
    %mul3A_23 = arith.mulf %sub3A_20, %mul3A : vector<10000x128xf32>
    %get3A_24 = arith.constant 0 : index
    %get3A_25 = arith.constant 0 : index
    %get3A_26 = vector.load %arg3[%get3A_24, %get3A_25] : memref<2x128xf32, #tpu.memory_space<vmem>>, vector<1x128xf32>
    %get3A_27 = vector.shape_cast %get3A_26 : vector<1x128xf32> to vector<128xf32>
    %broadcast_in_dim3A_28 = vector.shape_cast %get3A_27 : vector<128xf32> to vector<1x128xf32>
    %mul3A_29 = vector.broadcast %broadcast_in_dim3A_28 : vector<1x128xf32> to vector<10000x128xf32>
    %mul3A_30 = arith.mulf %mul3A_23, %mul3A_29 : vector<10000x128xf32>
    %get3A_31 = arith.constant 0 : index
    %get3A_32 = arith.constant 0 : index
    %get3A_33 = vector.load %arg4[%get3A_31, %get3A_32] : memref<2x128xf32, #tpu.memory_space<vmem>>, vector<1x128xf32>
    %get3A_34 = vector.shape_cast %get3A_33 : vector<1x128xf32> to vector<128xf32>
    %broadcast_in_dim3A_35 = vector.shape_cast %get3A_34 : vector<128xf32> to vector<1x128xf32>
    %add3A_36 = vector.broadcast %broadcast_in_dim3A_35 : vector<1x128xf32> to vector<10000x128xf32>
    %add3A_37 = arith.addf %mul3A_30, %add3A_36 : vector<10000x128xf32>
    %max3A = arith.constant 0.000000e+00 : f32
    %max3A_38 = vector.broadcast %max3A : f32 to vector<10000x128xf32>
    %max3A_39 = arith.maximumf %add3A_37, %max3A_38 : vector<10000x128xf32>
    %slice3A = vector.extract_strided_slice %max3A_39 {offsets = [0, 0], sizes = [10000, 64], strides = [1, 1]} : vector<10000x128xf32> to vector<10000x64xf32>
    %swap3A = arith.constant 0 : index
    %swap3A_40 = arith.constant 0 : index
    %swap3A_41 = arith.constant 0 : index
    %swap3A_42 = vector.load %arg5[%swap3A, %swap3A_40, %swap3A_41] : memref<2x20480x64xf32, #tpu.memory_space<vmem>>, vector<1x10000x64xf32>
    %swap3A_43 = vector.shape_cast %swap3A_42 : vector<1x10000x64xf32> to vector<10000x64xf32>
    %swap3A_44 = vector.shape_cast %slice3A : vector<10000x64xf32> to vector<1x10000x64xf32>
    tpu.vector_store %arg5[%swap3A, %swap3A_40, %swap3A_41], %swap3A_44 {strides = array<i32>} : memref<2x20480x64xf32, #tpu.memory_space<vmem>>, vector<1x10000x64xf32>,
    %slice3A_45 = vector.extract_strided_slice %max3A_39 {offsets = [0, 64], sizes = [10000, 64], strides = [1, 1]} : vector<10000x128xf32> to vector<10000x64xf32>
    %swap3A_46 = arith.constant 1 : index
    %swap3A_47 = arith.constant 0 : index
    %swap3A_48 = arith.constant 0 : index
    %swap3A_49 = vector.load %arg5[%swap3A_46, %swap3A_47, %swap3A_48] : memref<2x20480x64xf32, #tpu.memory_space<vmem>>, vector<1x10000x64xf32>
    %swap3A_50 = vector.shape_cast %swap3A_49 : vector<1x10000x64xf32> to vector<10000x64xf32>
    %swap3A_51 = vector.shape_cast %slice3A_45 : vector<10000x64xf32> to vector<1x10000x64xf32>
    tpu.vector_store %arg5[%swap3A_46, %swap3A_47, %swap3A_48], %swap3A_51 {strides = array<i32>} : memref<2x20480x64xf32, #tpu.memory_space<vmem>>, vector<1x10000x64xf32>,
    %get3A_52 = arith.constant 0 : index
    %get3A_53 = arith.constant 0 : index
    %get3A_54 = vector.load %arg1[%get3A_52, %get3A_53] : memref<10000x128xf32, #tpu.memory_space<vmem>>, vector<10000x128xf32>
    %convert_element_type3A_55 = arith.truncf %get3A_54 : vector<10000x128xf32> to vector<10000x128xbf16>
    %get3A_56 = arith.constant 1 : index
    %get3A_57 = arith.constant 0 : index
    %get3A_58 = arith.constant 0 : index
    %get3A_59 = vector.load %arg2[%get3A_56, %get3A_57, %get3A_58] : memref<2x128x128xf32, #tpu.memory_space<vmem>>, vector<1x128x128xf32>
    %get3A_60 = vector.shape_cast %get3A_59 : vector<1x128x128xf32> to vector<128x128xf32>
    %convert_element_type3A_61 = arith.truncf %get3A_60 : vector<128x128xf32> to vector<128x128xbf16>
    %dot_general3A_62 = arith.constant dense<0.000000e+00> : vector<10000x128xf32>
    %dot_general3A_63 = tpu.matmul %convert_element_type3A_55, %convert_element_type3A_61, %dot_general3A_62 {dimension_numbers = #tpu.dot_dimension_numbers<[1], [0], [0], [1], [0, 0, 1, 1], [], []>, transpose_lhs_hint = false} : vector<10000x128xbf16>, vector<128x128xbf16>, vector<10000x128xf32> -> vector<10000x128xf32>
    %reduce_sum3A_64 = arith.constant dense<0.000000e+00> : vector<128xf32>
    %reduce_sum3A_65 = vector.multi_reduction <add>, %dot_general3A_63, %reduce_sum3A_64 [0] : vector<10000x128xf32> to vector<128xf32>
    %broadcast_in_dim3A_66 = vector.shape_cast %reduce_sum3A_65 : vector<128xf32> to vector<1x128xf32>
    %div3A_67 = arith.constant 1.000000e+04 : f32
    %div3A_68 = vector.broadcast %div3A_67 : f32 to vector<1x128xf32>
    %div3A_69 = arith.divf %broadcast_in_dim3A_66, %div3A_68 : vector<1x128xf32>
    %sub3A_70 = vector.broadcast %div3A_69 : vector<1x128xf32> to vector<10000x128xf32>
    %sub3A_71 = arith.subf %dot_general3A_63, %sub3A_70 : vector<10000x128xf32>
    %square3A_72 = arith.mulf %sub3A_71, %sub3A_71 : vector<10000x128xf32>
    %reduce_sum3A_73 = arith.constant dense<0.000000e+00> : vector<128xf32>
    %reduce_sum3A_74 = vector.multi_reduction <add>, %square3A_72, %reduce_sum3A_73 [0] : vector<10000x128xf32> to vector<128xf32>
    %broadcast_in_dim3A_75 = vector.shape_cast %reduce_sum3A_74 : vector<128xf32> to vector<1x128xf32>
    %div3A_76 = arith.constant 1.000000e+04 : f32
    %div3A_77 = vector.broadcast %div3A_76 : f32 to vector<1x128xf32>
    %div3A_78 = arith.divf %broadcast_in_dim3A_75, %div3A_77 : vector<1x128xf32>
    %sub3A_79 = vector.broadcast %div3A_69 : vector<1x128xf32> to vector<10000x128xf32>
    %sub3A_80 = arith.subf %dot_general3A_63, %sub3A_79 : vector<10000x128xf32>
    %add3A_81 = arith.constant 9.99999974E-6 : f32
    %add3A_82 = vector.broadcast %add3A_81 : f32 to vector<1x128xf32>
    %add3A_83 = arith.addf %div3A_78, %add3A_82 : vector<1x128xf32>
    %rsqrt3A_84 = math.rsqrt %add3A_83 : vector<1x128xf32>
    %mul3A_85 = vector.broadcast %rsqrt3A_84 : vector<1x128xf32> to vector<10000x128xf32>
    %mul3A_86 = arith.mulf %sub3A_80, %mul3A_85 : vector<10000x128xf32>
    %get3A_87 = arith.constant 1 : index
    %get3A_88 = arith.constant 0 : index
    %get3A_89 = vector.load %arg3[%get3A_87, %get3A_88] : memref<2x128xf32, #tpu.memory_space<vmem>>, vector<1x128xf32>
    %get3A_90 = vector.shape_cast %get3A_89 : vector<1x128xf32> to vector<128xf32>
    %broadcast_in_dim3A_91 = vector.shape_cast %get3A_90 : vector<128xf32> to vector<1x128xf32>
    %mul3A_92 = vector.broadcast %broadcast_in_dim3A_91 : vector<1x128xf32> to vector<10000x128xf32>
    %mul3A_93 = arith.mulf %mul3A_86, %mul3A_92 : vector<10000x128xf32>
    %get3A_94 = arith.constant 1 : index
    %get3A_95 = arith.constant 0 : index
    %get3A_96 = vector.load %arg4[%get3A_94, %get3A_95] : memref<2x128xf32, #tpu.memory_space<vmem>>, vector<1x128xf32>
    %get3A_97 = vector.shape_cast %get3A_96 : vector<1x128xf32> to vector<128xf32>
    %broadcast_in_dim3A_98 = vector.shape_cast %get3A_97 : vector<128xf32> to vector<1x128xf32>
    %add3A_99 = vector.broadcast %broadcast_in_dim3A_98 : vector<1x128xf32> to vector<10000x128xf32>
    %add3A_100 = arith.addf %mul3A_93, %add3A_99 : vector<10000x128xf32>
    %max3A_101 = arith.constant 0.000000e+00 : f32
    %max3A_102 = vector.broadcast %max3A_101 : f32 to vector<10000x128xf32>
    %max3A_103 = arith.maximumf %add3A_100, %max3A_102 : vector<10000x128xf32>
    %slice3A_104 = vector.extract_strided_slice %max3A_103 {offsets = [0, 0], sizes = [10000, 64], strides = [1, 1]} : vector<10000x128xf32> to vector<10000x64xf32>
    %swap3A_105 = arith.constant 0 : index
    %swap3A_106 = arith.constant 10240 : index
    %swap3A_107 = arith.constant 0 : index
    %swap3A_108 = vector.load %arg5[%swap3A_105, %swap3A_106, %swap3A_107] : memref<2x20480x64xf32, #tpu.memory_space<vmem>>, vector<1x10000x64xf32>
    %swap3A_109 = vector.shape_cast %swap3A_108 : vector<1x10000x64xf32> to vector<10000x64xf32>
    %swap3A_110 = vector.shape_cast %slice3A_104 : vector<10000x64xf32> to vector<1x10000x64xf32>
    tpu.vector_store %arg5[%swap3A_105, %swap3A_106, %swap3A_107], %swap3A_110 {strides = array<i32>} : memref<2x20480x64xf32, #tpu.memory_space<vmem>>, vector<1x10000x64xf32>,
    %slice3A_111 = vector.extract_strided_slice %max3A_103 {offsets = [0, 64], sizes = [10000, 64], strides = [1, 1]} : vector<10000x128xf32> to vector<10000x64xf32>
    %swap3A_112 = arith.constant 1 : index
    %swap3A_113 = arith.constant 10240 : index
    %swap3A_114 = arith.constant 0 : index
    %swap3A_115 = vector.load %arg5[%swap3A_112, %swap3A_113, %swap3A_114] : memref<2x20480x64xf32, #tpu.memory_space<vmem>>, vector<1x10000x64xf32>
    %swap3A_116 = vector.shape_cast %swap3A_115 : vector<1x10000x64xf32> to vector<10000x64xf32>
    %swap3A_117 = vector.shape_cast %slice3A_111 : vector<10000x64xf32> to vector<1x10000x64xf32>
    tpu.vector_store %arg5[%swap3A_112, %swap3A_113, %swap3A_114], %swap3A_117 {strides = array<i32>} : memref<2x20480x64xf32, #tpu.memory_space<vmem>>, vector<1x10000x64xf32>,
    return
  }
}

module attributes {stable_mosaic.version = 14 : i64} {
  func.func @_tc_mid_body(%arg0: i32, %arg1: memref<2x1x1000x64xf32, #tpu.memory_space<vmem>>, %arg2: memref<2x1x1000x64xf32, #tpu.memory_space<vmem>>, %arg3: memref<2x1000x64xf32, #tpu.memory_space<vmem>>, %arg4: memref<2x1000x64xf32, #tpu.memory_space<vmem>>, %arg5: memref<1000x16xf32, #tpu.memory_space<vmem>>, %arg6: memref<3x2x128x128xf32, #tpu.memory_space<vmem>>, %arg7: memref<128x128xf32, #tpu.memory_space<vmem>>, %arg8: memref<2x1000x64xf32, #tpu.memory_space<vmem>>, %arg9: memref<1000x128xf32, #tpu.memory_space<vmem>>, %arg10: memref<1000x128xf32, #tpu.memory_space<vmem>>) attributes {dimension_semantics = [#tpu.dimension_semantics<arbitrary>], iteration_bounds = array<i64: 10>, scalar_prefetch = 0 : i64, scratch_operands = 0 : i64, tpu.core_type = #tpu.core_type<tc>, window_params = [{transform_indices = @transform_0, window_bounds = array<i64: 2, 1, 1000, 64>}, {transform_indices = @transform_1, window_bounds = array<i64: 2, 1, 1000, 64>}, {transform_indices = @transform_2, window_bounds = array<i64: 2, 1000, 64>}, {transform_indices = @transform_3, window_bounds = array<i64: 2, 1000, 64>}, {transform_indices = @transform_4, window_bounds = array<i64: 1000, 16>}, {pipeline_mode = #tpu.pipeline_mode<synchronous>, transform_indices = @transform_5, window_bounds = array<i64: 3, 2, 128, 128>}, {pipeline_mode = #tpu.pipeline_mode<synchronous>, transform_indices = @transform_6, window_bounds = array<i64: 128, 128>}, {transform_indices = @transform_7, window_bounds = array<i64: 2, 1000, 64>}, {transform_indices = @transform_8, window_bounds = array<i64: 1000, 128>}, {transform_indices = @transform_9, window_bounds = array<i64: 1000, 128>}]} {
    %get3A = arith.constant 0 : index
    %get3A_0 = arith.constant 0 : index
    %get3A_1 = vector.load %arg5[%get3A, %get3A_0] : memref<1000x16xf32, #tpu.memory_space<vmem>>, vector<1000x1xf32>
    %add3A = arith.constant 1.000000e+00 : f32
    %add3A_2 = vector.broadcast %add3A : f32 to vector<1000x1xf32>
    %add3A_3 = arith.addf %get3A_1, %add3A_2 : vector<1000x1xf32>
    %div3A = arith.constant 1.000000e+00 : f32
    %div3A_4 = vector.broadcast %div3A : f32 to vector<1000x1xf32>
    %div3A_5 = arith.divf %div3A_4, %add3A_3 : vector<1000x1xf32>
    %get3A_6 = arith.constant 0 : index
    %get3A_7 = arith.constant 0 : index
    %get3A_8 = arith.constant 0 : index
    %get3A_9 = arith.constant 0 : index
    %get3A_10 = vector.load %arg1[%get3A_6, %get3A_7, %get3A_8, %get3A_9] : memref<2x1x1000x64xf32, #tpu.memory_space<vmem>>, vector<1x1x1000x64xf32>
    %get3A_11 = vector.shape_cast %get3A_10 : vector<1x1x1000x64xf32> to vector<1000x64xf32>
    %get3A_12 = arith.constant 1 : index
    %get3A_13 = arith.constant 0 : index
    %get3A_14 = arith.constant 0 : index
    %get3A_15 = arith.constant 0 : index
    %get3A_16 = vector.load %arg1[%get3A_12, %get3A_13, %get3A_14, %get3A_15] : memref<2x1x1000x64xf32, #tpu.memory_space<vmem>>, vector<1x1x1000x64xf32>
    %get3A_17 = vector.shape_cast %get3A_16 : vector<1x1x1000x64xf32> to vector<1000x64xf32>
    %concatenate3A = tpu.concatenate %get3A_11, %get3A_17 in 1 : vector<1000x64xf32>, vector<1000x64xf32> -> vector<1000x128xf32>
    %get3A_18 = arith.constant 0 : index
    %get3A_19 = arith.constant 0 : index
    %get3A_20 = arith.constant 0 : index
    %get3A_21 = arith.constant 0 : index
    %get3A_22 = vector.load %arg2[%get3A_18, %get3A_19, %get3A_20, %get3A_21] : memref<2x1x1000x64xf32, #tpu.memory_space<vmem>>, vector<1x1x1000x64xf32>
    %get3A_23 = vector.shape_cast %get3A_22 : vector<1x1x1000x64xf32> to vector<1000x64xf32>
    %get3A_24 = arith.constant 1 : index
    %get3A_25 = arith.constant 0 : index
    %get3A_26 = arith.constant 0 : index
    %get3A_27 = arith.constant 0 : index
    %get3A_28 = vector.load %arg2[%get3A_24, %get3A_25, %get3A_26, %get3A_27] : memref<2x1x1000x64xf32, #tpu.memory_space<vmem>>, vector<1x1x1000x64xf32>
    %get3A_29 = vector.shape_cast %get3A_28 : vector<1x1x1000x64xf32> to vector<1000x64xf32>
    %concatenate3A_30 = tpu.concatenate %get3A_23, %get3A_29 in 1 : vector<1000x64xf32>, vector<1000x64xf32> -> vector<1000x128xf32>
    %get3A_31 = arith.constant 0 : index
    %get3A_32 = arith.constant 0 : index
    %get3A_33 = arith.constant 0 : index
    %get3A_34 = vector.load %arg3[%get3A_31, %get3A_32, %get3A_33] : memref<2x1000x64xf32, #tpu.memory_space<vmem>>, vector<1x1000x64xf32>
    %get3A_35 = vector.shape_cast %get3A_34 : vector<1x1000x64xf32> to vector<1000x64xf32>
    %get3A_36 = arith.constant 1 : index
    %get3A_37 = arith.constant 0 : index
    %get3A_38 = arith.constant 0 : index
    %get3A_39 = vector.load %arg3[%get3A_36, %get3A_37, %get3A_38] : memref<2x1000x64xf32, #tpu.memory_space<vmem>>, vector<1x1000x64xf32>
    %get3A_40 = vector.shape_cast %get3A_39 : vector<1x1000x64xf32> to vector<1000x64xf32>
    %concatenate3A_41 = tpu.concatenate %get3A_35, %get3A_40 in 1 : vector<1000x64xf32>, vector<1000x64xf32> -> vector<1000x128xf32>
    %mul3A = vector.broadcast %div3A_5 : vector<1000x1xf32> to vector<1000x128xf32>
    %mul3A_42 = arith.mulf %concatenate3A_41, %mul3A : vector<1000x128xf32>
    %get3A_43 = arith.constant 0 : index
    %get3A_44 = arith.constant 0 : index
    %get3A_45 = arith.constant 0 : index
    %get3A_46 = vector.load %arg4[%get3A_43, %get3A_44, %get3A_45] : memref<2x1000x64xf32, #tpu.memory_space<vmem>>, vector<1x1000x64xf32>
    %get3A_47 = vector.shape_cast %get3A_46 : vector<1x1000x64xf32> to vector<1000x64xf32>
    %get3A_48 = arith.constant 1 : index
    %get3A_49 = arith.constant 0 : index
    %get3A_50 = arith.constant 0 : index
    %get3A_51 = vector.load %arg4[%get3A_48, %get3A_49, %get3A_50] : memref<2x1000x64xf32, #tpu.memory_space<vmem>>, vector<1x1000x64xf32>
    %get3A_52 = vector.shape_cast %get3A_51 : vector<1x1000x64xf32> to vector<1000x64xf32>
    %concatenate3A_53 = tpu.concatenate %get3A_47, %get3A_52 in 1 : vector<1000x64xf32>, vector<1000x64xf32> -> vector<1000x128xf32>
    %mul3A_54 = vector.broadcast %div3A_5 : vector<1000x1xf32> to vector<1000x128xf32>
    %mul3A_55 = arith.mulf %concatenate3A_53, %mul3A_54 : vector<1000x128xf32>
    %get3A_56 = arith.constant 0 : index
    %get3A_57 = arith.constant 0 : index
    %get3A_58 = arith.constant 0 : index
    %get3A_59 = arith.constant 0 : index
    %get3A_60 = vector.load %arg6[%get3A_56, %get3A_57, %get3A_58, %get3A_59] : memref<3x2x128x128xf32, #tpu.memory_space<vmem>>, vector<1x1x128x128xf32>
    %get3A_61 = vector.shape_cast %get3A_60 : vector<1x1x128x128xf32> to vector<128x128xf32>
    %convert_element_type3A = arith.truncf %concatenate3A : vector<1000x128xf32> to vector<1000x128xbf16>
    %convert_element_type3A_62 = arith.truncf %get3A_61 : vector<128x128xf32> to vector<128x128xbf16>
    %dot_general3A = arith.constant dense<0.000000e+00> : vector<1000x128xf32>
    %dot_general3A_63 = tpu.matmul %convert_element_type3A, %convert_element_type3A_62, %dot_general3A {dimension_numbers = #tpu.dot_dimension_numbers<[1], [0], [0], [1], [0, 0, 1, 1], [], []>, transpose_lhs_hint = false} : vector<1000x128xbf16>, vector<128x128xbf16>, vector<1000x128xf32> -> vector<1000x128xf32>
    %get3A_64 = arith.constant 0 : index
    %get3A_65 = arith.constant 1 : index
    %get3A_66 = arith.constant 0 : index
    %get3A_67 = arith.constant 0 : index
    %get3A_68 = vector.load %arg6[%get3A_64, %get3A_65, %get3A_66, %get3A_67] : memref<3x2x128x128xf32, #tpu.memory_space<vmem>>, vector<1x1x128x128xf32>
    %get3A_69 = vector.shape_cast %get3A_68 : vector<1x1x128x128xf32> to vector<128x128xf32>
    %convert_element_type3A_70 = arith.truncf %mul3A_42 : vector<1000x128xf32> to vector<1000x128xbf16>
    %convert_element_type3A_71 = arith.truncf %get3A_69 : vector<128x128xf32> to vector<128x128xbf16>
    %dot_general3A_72 = arith.constant dense<0.000000e+00> : vector<1000x128xf32>
    %dot_general3A_73 = tpu.matmul %convert_element_type3A_70, %convert_element_type3A_71, %dot_general3A_72 {dimension_numbers = #tpu.dot_dimension_numbers<[1], [0], [0], [1], [0, 0, 1, 1], [], []>, transpose_lhs_hint = false} : vector<1000x128xbf16>, vector<128x128xbf16>, vector<1000x128xf32> -> vector<1000x128xf32>
    %add3A_74 = arith.addf %dot_general3A_63, %dot_general3A_73 : vector<1000x128xf32>
    %max3A = arith.constant 0.000000e+00 : f32
    %max3A_75 = vector.broadcast %max3A : f32 to vector<1000x128xf32>
    %max3A_76 = arith.maximumf %add3A_74, %max3A_75 : vector<1000x128xf32>
    %get3A_77 = arith.constant 0 : index
    %get3A_78 = arith.constant 0 : index
    %get3A_79 = vector.load %arg7[%get3A_77, %get3A_78] : memref<128x128xf32, #tpu.memory_space<vmem>>, vector<128x128xf32>
    %convert_element_type3A_80 = arith.truncf %mul3A_55 : vector<1000x128xf32> to vector<1000x128xbf16>
    %convert_element_type3A_81 = arith.truncf %get3A_79 : vector<128x128xf32> to vector<128x128xbf16>
    %dot_general3A_82 = arith.constant dense<0.000000e+00> : vector<1000x128xf32>
    %dot_general3A_83 = tpu.matmul %convert_element_type3A_80, %convert_element_type3A_81, %dot_general3A_82 {dimension_numbers = #tpu.dot_dimension_numbers<[1], [0], [0], [1], [0, 0, 1, 1], [], []>, transpose_lhs_hint = false} : vector<1000x128xbf16>, vector<128x128xbf16>, vector<1000x128xf32> -> vector<1000x128xf32>
    %max3A_84 = arith.constant 0.000000e+00 : f32
    %max3A_85 = vector.broadcast %max3A_84 : f32 to vector<1000x128xf32>
    %max3A_86 = arith.maximumf %dot_general3A_83, %max3A_85 : vector<1000x128xf32>
    %add3A_87 = arith.addf %max3A_76, %max3A_86 : vector<1000x128xf32>
    %slice3A = vector.extract_strided_slice %add3A_87 {offsets = [0, 0], sizes = [1000, 64], strides = [1, 1]} : vector<1000x128xf32> to vector<1000x64xf32>
    %swap3A = arith.constant 0 : index
    %swap3A_88 = arith.constant 0 : index
    %swap3A_89 = arith.constant 0 : index
    %swap3A_90 = vector.load %arg8[%swap3A, %swap3A_88, %swap3A_89] : memref<2x1000x64xf32, #tpu.memory_space<vmem>>, vector<1x1000x64xf32>
    %swap3A_91 = vector.shape_cast %swap3A_90 : vector<1x1000x64xf32> to vector<1000x64xf32>
    %swap3A_92 = vector.shape_cast %slice3A : vector<1000x64xf32> to vector<1x1000x64xf32>
    tpu.vector_store %arg8[%swap3A, %swap3A_88, %swap3A_89], %swap3A_92 {strides = array<i32>} : memref<2x1000x64xf32, #tpu.memory_space<vmem>>, vector<1x1000x64xf32>,
    %slice3A_93 = vector.extract_strided_slice %add3A_87 {offsets = [0, 64], sizes = [1000, 64], strides = [1, 1]} : vector<1000x128xf32> to vector<1000x64xf32>
    %swap3A_94 = arith.constant 1 : index
    %swap3A_95 = arith.constant 0 : index
    %swap3A_96 = arith.constant 0 : index
    %swap3A_97 = vector.load %arg8[%swap3A_94, %swap3A_95, %swap3A_96] : memref<2x1000x64xf32, #tpu.memory_space<vmem>>, vector<1x1000x64xf32>
    %swap3A_98 = vector.shape_cast %swap3A_97 : vector<1x1000x64xf32> to vector<1000x64xf32>
    %swap3A_99 = vector.shape_cast %slice3A_93 : vector<1000x64xf32> to vector<1x1000x64xf32>
    tpu.vector_store %arg8[%swap3A_94, %swap3A_95, %swap3A_96], %swap3A_99 {strides = array<i32>} : memref<2x1000x64xf32, #tpu.memory_space<vmem>>, vector<1x1000x64xf32>,
    %get3A_100 = arith.constant 1 : index
    %get3A_101 = arith.constant 0 : index
    %get3A_102 = arith.constant 0 : index
    %get3A_103 = arith.constant 0 : index
    %get3A_104 = vector.load %arg6[%get3A_100, %get3A_101, %get3A_102, %get3A_103] : memref<3x2x128x128xf32, #tpu.memory_space<vmem>>, vector<1x1x128x128xf32>
    %get3A_105 = vector.shape_cast %get3A_104 : vector<1x1x128x128xf32> to vector<128x128xf32>
    %convert_element_type3A_106 = arith.truncf %concatenate3A_30 : vector<1000x128xf32> to vector<1000x128xbf16>
    %convert_element_type3A_107 = arith.truncf %get3A_105 : vector<128x128xf32> to vector<128x128xbf16>
    %dot_general3A_108 = arith.constant dense<0.000000e+00> : vector<1000x128xf32>
    %dot_general3A_109 = tpu.matmul %convert_element_type3A_106, %convert_element_type3A_107, %dot_general3A_108 {dimension_numbers = #tpu.dot_dimension_numbers<[1], [0], [0], [1], [0, 0, 1, 1], [], []>, transpose_lhs_hint = false} : vector<1000x128xbf16>, vector<128x128xbf16>, vector<1000x128xf32> -> vector<1000x128xf32>
    %get3A_110 = arith.constant 1 : index
    %get3A_111 = arith.constant 1 : index
    %get3A_112 = arith.constant 0 : index
    %get3A_113 = arith.constant 0 : index
    %get3A_114 = vector.load %arg6[%get3A_110, %get3A_111, %get3A_112, %get3A_113] : memref<3x2x128x128xf32, #tpu.memory_space<vmem>>, vector<1x1x128x128xf32>
    %get3A_115 = vector.shape_cast %get3A_114 : vector<1x1x128x128xf32> to vector<128x128xf32>
    %convert_element_type3A_116 = arith.truncf %mul3A_55 : vector<1000x128xf32> to vector<1000x128xbf16>
    %convert_element_type3A_117 = arith.truncf %get3A_115 : vector<128x128xf32> to vector<128x128xbf16>
    %dot_general3A_118 = arith.constant dense<0.000000e+00> : vector<1000x128xf32>
    %dot_general3A_119 = tpu.matmul %convert_element_type3A_116, %convert_element_type3A_117, %dot_general3A_118 {dimension_numbers = #tpu.dot_dimension_numbers<[1], [0], [0], [1], [0, 0, 1, 1], [], []>, transpose_lhs_hint = false} : vector<1000x128xbf16>, vector<128x128xbf16>, vector<1000x128xf32> -> vector<1000x128xf32>
    %add3A_120 = arith.addf %dot_general3A_109, %dot_general3A_119 : vector<1000x128xf32>
    %max3A_121 = arith.constant 0.000000e+00 : f32
    %max3A_122 = vector.broadcast %max3A_121 : f32 to vector<1000x128xf32>
    %max3A_123 = arith.maximumf %add3A_120, %max3A_122 : vector<1000x128xf32>
    %add3A_124 = arith.addf %max3A_123, %concatenate3A : vector<1000x128xf32>
    %swap3A_125 = arith.constant 0 : index
    %swap3A_126 = arith.constant 0 : index
    %swap3A_127 = vector.load %arg9[%swap3A_125, %swap3A_126] : memref<1000x128xf32, #tpu.memory_space<vmem>>, vector<1000x128xf32>
    tpu.vector_store %arg9[%swap3A_125, %swap3A_126], %add3A_124 {strides = array<i32>} : memref<1000x128xf32, #tpu.memory_space<vmem>>, vector<1000x128xf32>,
    %get3A_128 = arith.constant 2 : index
    %get3A_129 = arith.constant 0 : index
    %get3A_130 = arith.constant 0 : index
    %get3A_131 = arith.constant 0 : index
    %get3A_132 = vector.load %arg6[%get3A_128, %get3A_129, %get3A_130, %get3A_131] : memref<3x2x128x128xf32, #tpu.memory_space<vmem>>, vector<1x1x128x128xf32>
    %get3A_133 = vector.shape_cast %get3A_132 : vector<1x1x128x128xf32> to vector<128x128xf32>
    %convert_element_type3A_134 = arith.truncf %concatenate3A_30 : vector<1000x128xf32> to vector<1000x128xbf16>
    %convert_element_type3A_135 = arith.truncf %get3A_133 : vector<128x128xf32> to vector<128x128xbf16>
    %dot_general3A_136 = arith.constant dense<0.000000e+00> : vector<1000x128xf32>
    %dot_general3A_137 = tpu.matmul %convert_element_type3A_134, %convert_element_type3A_135, %dot_general3A_136 {dimension_numbers = #tpu.dot_dimension_numbers<[1], [0], [0], [1], [0, 0, 1, 1], [], []>, transpose_lhs_hint = false} : vector<1000x128xbf16>, vector<128x128xbf16>, vector<1000x128xf32> -> vector<1000x128xf32>
    %get3A_138 = arith.constant 2 : index
    %get3A_139 = arith.constant 1 : index
    %get3A_140 = arith.constant 0 : index
    %get3A_141 = arith.constant 0 : index
    %get3A_142 = vector.load %arg6[%get3A_138, %get3A_139, %get3A_140, %get3A_141] : memref<3x2x128x128xf32, #tpu.memory_space<vmem>>, vector<1x1x128x128xf32>
    %get3A_143 = vector.shape_cast %get3A_142 : vector<1x1x128x128xf32> to vector<128x128xf32>
    %convert_element_type3A_144 = arith.truncf %mul3A_55 : vector<1000x128xf32> to vector<1000x128xbf16>
    %convert_element_type3A_145 = arith.truncf %get3A_143 : vector<128x128xf32> to vector<128x128xbf16>
    %dot_general3A_146 = arith.constant dense<0.000000e+00> : vector<1000x128xf32>
    %dot_general3A_147 = tpu.matmul %convert_element_type3A_144, %convert_element_type3A_145, %dot_general3A_146 {dimension_numbers = #tpu.dot_dimension_numbers<[1], [0], [0], [1], [0, 0, 1, 1], [], []>, transpose_lhs_hint = false} : vector<1000x128xbf16>, vector<128x128xbf16>, vector<1000x128xf32> -> vector<1000x128xf32>
    %add3A_148 = arith.addf %dot_general3A_137, %dot_general3A_147 : vector<1000x128xf32>
    %max3A_149 = arith.constant 0.000000e+00 : f32
    %max3A_150 = vector.broadcast %max3A_149 : f32 to vector<1000x128xf32>
    %max3A_151 = arith.maximumf %add3A_148, %max3A_150 : vector<1000x128xf32>
    %swap3A_152 = arith.constant 0 : index
    %swap3A_153 = arith.constant 0 : index
    %swap3A_154 = vector.load %arg10[%swap3A_152, %swap3A_153] : memref<1000x128xf32, #tpu.memory_space<vmem>>, vector<1000x128xf32>
    tpu.vector_store %arg10[%swap3A_152, %swap3A_153], %max3A_151 {strides = array<i32>} : memref<1000x128xf32, #tpu.memory_space<vmem>>, vector<1000x128xf32>,
    return
  }
  func.func @transform_0(%arg0: i32) -> (i32, i32, i32, i32) {
    %c0_i32 = arith.constant 0 : i32
    %c0_i32_0 = arith.constant 0 : i32
    %c0_i32_1 = arith.constant 0 : i32
    %c0_i32_2 = arith.constant 0 : i32
    return %c0_i32, %c0_i32_0, %arg0, %c0_i32_1 : i32, i32, i32, i32
  }
  func.func @transform_1(%arg0: i32) -> (i32, i32, i32, i32) {
    %c0_i32 = arith.constant 0 : i32
    %c1_i32 = arith.constant 1 : i32
    %c0_i32_0 = arith.constant 0 : i32
    %c0_i32_1 = arith.constant 0 : i32
    return %c0_i32, %c1_i32, %arg0, %c0_i32_0 : i32, i32, i32, i32
  }
  func.func @transform_2(%arg0: i32) -> (i32, i32, i32) {
    %c0_i32 = arith.constant 0 : i32
    %c0_i32_0 = arith.constant 0 : i32
    %c0_i32_1 = arith.constant 0 : i32
    return %c0_i32, %arg0, %c0_i32_0 : i32, i32, i32
  }
  func.func @transform_3(%arg0: i32) -> (i32, i32, i32) {
    %c0_i32 = arith.constant 0 : i32
    %c0_i32_0 = arith.constant 0 : i32
    %c0_i32_1 = arith.constant 0 : i32
    return %c0_i32, %arg0, %c0_i32_0 : i32, i32, i32
  }
  func.func @transform_4(%arg0: i32) -> (i32, i32) {
    %c0_i32 = arith.constant 0 : i32
    %c0_i32_0 = arith.constant 0 : i32
    return %arg0, %c0_i32 : i32, i32
  }
  func.func @transform_5(%arg0: i32) -> (i32, i32, i32, i32) {
    %c0_i32 = arith.constant 0 : i32
    %c0_i32_0 = arith.constant 0 : i32
    %c0_i32_1 = arith.constant 0 : i32
    %c0_i32_2 = arith.constant 0 : i32
    %c0_i32_3 = arith.constant 0 : i32
    return %c0_i32, %c0_i32_0, %c0_i32_1, %c0_i32_2 : i32, i32, i32, i32
  }
  func.func @transform_6(%arg0: i32) -> (i32, i32) {
    %c0_i32 = arith.constant 0 : i32
    %c0_i32_0 = arith.constant 0 : i32
    %c0_i32_1 = arith.constant 0 : i32
    return %c0_i32, %c0_i32_0 : i32, i32
  }
  func.func @transform_7(%arg0: i32) -> (i32, i32, i32) {
    %c0_i32 = arith.constant 0 : i32
    %c0_i32_0 = arith.constant 0 : i32
    %c0_i32_1 = arith.constant 0 : i32
    return %c0_i32, %arg0, %c0_i32_0 : i32, i32, i32
  }
  func.func @transform_8(%arg0: i32) -> (i32, i32) {
    %c0_i32 = arith.constant 0 : i32
    %c0_i32_0 = arith.constant 0 : i32
    return %arg0, %c0_i32 : i32, i32
  }
  func.func @transform_9(%arg0: i32) -> (i32, i32) {
    %c0_i32 = arith.constant 0 : i32
    %c0_i32_0 = arith.constant 0 : i32
    return %arg0, %c0_i32 : i32, i32
  }
}

module attributes {stable_mosaic.version = 14 : i64} {
  func.func @_tc_fin_body(%arg0: i32, %arg1: memref<2x1000x64xf32, #tpu.memory_space<vmem>>, %arg2: memref<2x1000x64xf32, #tpu.memory_space<vmem>>, %arg3: memref<1000x128xf32, #tpu.memory_space<vmem>>, %arg4: memref<1000x128xf32, #tpu.memory_space<vmem>>, %arg5: memref<1000x16xf32, #tpu.memory_space<vmem>>, %arg6: memref<128x128xf32, #tpu.memory_space<vmem>>, %arg7: memref<128x128xf32, #tpu.memory_space<vmem>>, %arg8: memref<1000x512xf32, #tpu.memory_space<vmem>>) attributes {dimension_semantics = [#tpu.dimension_semantics<arbitrary>], iteration_bounds = array<i64: 10>, scalar_prefetch = 0 : i64, scratch_operands = 0 : i64, tpu.core_type = #tpu.core_type<tc>, window_params = [{transform_indices = @transform_0, window_bounds = array<i64: 2, 1000, 64>}, {transform_indices = @transform_1, window_bounds = array<i64: 2, 1000, 64>}, {transform_indices = @transform_2, window_bounds = array<i64: 1000, 128>}, {transform_indices = @transform_3, window_bounds = array<i64: 1000, 128>}, {transform_indices = @transform_4, window_bounds = array<i64: 1000, 16>}, {pipeline_mode = #tpu.pipeline_mode<synchronous>, transform_indices = @transform_5, window_bounds = array<i64: 128, 128>}, {pipeline_mode = #tpu.pipeline_mode<synchronous>, transform_indices = @transform_6, window_bounds = array<i64: 128, 128>}, {transform_indices = @transform_7, window_bounds = array<i64: 1000, 512>}]} {
    %get3A = arith.constant 0 : index
    %get3A_0 = arith.constant 0 : index
    %get3A_1 = vector.load %arg5[%get3A, %get3A_0] : memref<1000x16xf32, #tpu.memory_space<vmem>>, vector<1000x1xf32>
    %add3A = arith.constant 1.000000e+00 : f32
    %add3A_2 = vector.broadcast %add3A : f32 to vector<1000x1xf32>
    %add3A_3 = arith.addf %get3A_1, %add3A_2 : vector<1000x1xf32>
    %div3A = arith.constant 1.000000e+00 : f32
    %div3A_4 = vector.broadcast %div3A : f32 to vector<1000x1xf32>
    %div3A_5 = arith.divf %div3A_4, %add3A_3 : vector<1000x1xf32>
    %get3A_6 = arith.constant 0 : index
    %get3A_7 = arith.constant 0 : index
    %get3A_8 = arith.constant 0 : index
    %get3A_9 = vector.load %arg2[%get3A_6, %get3A_7, %get3A_8] : memref<2x1000x64xf32, #tpu.memory_space<vmem>>, vector<1x1000x64xf32>
    %get3A_10 = vector.shape_cast %get3A_9 : vector<1x1000x64xf32> to vector<1000x64xf32>
    %get3A_11 = arith.constant 1 : index
    %get3A_12 = arith.constant 0 : index
    %get3A_13 = arith.constant 0 : index
    %get3A_14 = vector.load %arg2[%get3A_11, %get3A_12, %get3A_13] : memref<2x1000x64xf32, #tpu.memory_space<vmem>>, vector<1x1000x64xf32>
    %get3A_15 = vector.shape_cast %get3A_14 : vector<1x1000x64xf32> to vector<1000x64xf32>
    %concatenate3A = tpu.concatenate %get3A_10, %get3A_15 in 1 : vector<1000x64xf32>, vector<1000x64xf32> -> vector<1000x128xf32>
    %get3A_16 = arith.constant 0 : index
    %get3A_17 = arith.constant 0 : index
    %get3A_18 = arith.constant 0 : index
    %get3A_19 = vector.load %arg1[%get3A_16, %get3A_17, %get3A_18] : memref<2x1000x64xf32, #tpu.memory_space<vmem>>, vector<1x1000x64xf32>
    %get3A_20 = vector.shape_cast %get3A_19 : vector<1x1000x64xf32> to vector<1000x64xf32>
    %get3A_21 = arith.constant 1 : index
    %get3A_22 = arith.constant 0 : index
    %get3A_23 = arith.constant 0 : index
    %get3A_24 = vector.load %arg1[%get3A_21, %get3A_22, %get3A_23] : memref<2x1000x64xf32, #tpu.memory_space<vmem>>, vector<1x1000x64xf32>
    %get3A_25 = vector.shape_cast %get3A_24 : vector<1x1000x64xf32> to vector<1000x64xf32>
    %concatenate3A_26 = tpu.concatenate %get3A_20, %get3A_25 in 1 : vector<1000x64xf32>, vector<1000x64xf32> -> vector<1000x128xf32>
    %mul3A = vector.broadcast %div3A_5 : vector<1000x1xf32> to vector<1000x128xf32>
    %mul3A_27 = arith.mulf %concatenate3A_26, %mul3A : vector<1000x128xf32>
    %get3A_28 = arith.constant 0 : index
    %get3A_29 = arith.constant 0 : index
    %get3A_30 = vector.load %arg6[%get3A_28, %get3A_29] : memref<128x128xf32, #tpu.memory_space<vmem>>, vector<128x128xf32>
    %convert_element_type3A = arith.truncf %mul3A_27 : vector<1000x128xf32> to vector<1000x128xbf16>
    %convert_element_type3A_31 = arith.truncf %get3A_30 : vector<128x128xf32> to vector<128x128xbf16>
    %dot_general3A = arith.constant dense<0.000000e+00> : vector<1000x128xf32>
    %dot_general3A_32 = tpu.matmul %convert_element_type3A, %convert_element_type3A_31, %dot_general3A {dimension_numbers = #tpu.dot_dimension_numbers<[1], [0], [0], [1], [0, 0, 1, 1], [], []>, transpose_lhs_hint = false} : vector<1000x128xbf16>, vector<128x128xbf16>, vector<1000x128xf32> -> vector<1000x128xf32>
    %max3A = arith.constant 0.000000e+00 : f32
    %max3A_33 = vector.broadcast %max3A : f32 to vector<1000x128xf32>
    %max3A_34 = arith.maximumf %dot_general3A_32, %max3A_33 : vector<1000x128xf32>
    %get3A_35 = arith.constant 0 : index
    %get3A_36 = arith.constant 0 : index
    %get3A_37 = vector.load %arg4[%get3A_35, %get3A_36] : memref<1000x128xf32, #tpu.memory_space<vmem>>, vector<1000x128xf32>
    %add3A_38 = arith.addf %max3A_34, %get3A_37 : vector<1000x128xf32>
    %get3A_39 = arith.constant 0 : index
    %get3A_40 = arith.constant 0 : index
    %get3A_41 = vector.load %arg3[%get3A_39, %get3A_40] : memref<1000x128xf32, #tpu.memory_space<vmem>>, vector<1000x128xf32>
    %get3A_42 = arith.constant 0 : index
    %get3A_43 = arith.constant 0 : index
    %get3A_44 = vector.load %arg7[%get3A_42, %get3A_43] : memref<128x128xf32, #tpu.memory_space<vmem>>, vector<128x128xf32>
    %convert_element_type3A_45 = arith.truncf %mul3A_27 : vector<1000x128xf32> to vector<1000x128xbf16>
    %convert_element_type3A_46 = arith.truncf %get3A_44 : vector<128x128xf32> to vector<128x128xbf16>
    %dot_general3A_47 = arith.constant dense<0.000000e+00> : vector<1000x128xf32>
    %dot_general3A_48 = tpu.matmul %convert_element_type3A_45, %convert_element_type3A_46, %dot_general3A_47 {dimension_numbers = #tpu.dot_dimension_numbers<[1], [0], [0], [1], [0, 0, 1, 1], [], []>, transpose_lhs_hint = false} : vector<1000x128xbf16>, vector<128x128xbf16>, vector<1000x128xf32> -> vector<1000x128xf32>
    %max3A_49 = arith.constant 0.000000e+00 : f32
    %max3A_50 = vector.broadcast %max3A_49 : f32 to vector<1000x128xf32>
    %max3A_51 = arith.maximumf %dot_general3A_48, %max3A_50 : vector<1000x128xf32>
    %add3A_52 = arith.addf %get3A_41, %max3A_51 : vector<1000x128xf32>
    %get3A_53 = arith.constant 0 : index
    %get3A_54 = arith.constant 0 : index
    %get3A_55 = vector.load %arg3[%get3A_53, %get3A_54] : memref<1000x128xf32, #tpu.memory_space<vmem>>, vector<1000x128xf32>
    %concatenate3A_56 = tpu.concatenate %concatenate3A, %get3A_55, %add3A_38, %add3A_52 in 1 : vector<1000x128xf32>, vector<1000x128xf32>, vector<1000x128xf32>, vector<1000x128xf32> -> vector<1000x512xf32>
    %swap3A = arith.constant 0 : index
    %swap3A_57 = arith.constant 0 : index
    %swap3A_58 = vector.load %arg8[%swap3A, %swap3A_57] : memref<1000x512xf32, #tpu.memory_space<vmem>>, vector<1000x512xf32>
    tpu.vector_store %arg8[%swap3A, %swap3A_57], %concatenate3A_56 {strides = array<i32>} : memref<1000x512xf32, #tpu.memory_space<vmem>>, vector<1000x512xf32>,
    return
  }
  func.func @transform_0(%arg0: i32) -> (i32, i32, i32) {
    %c0_i32 = arith.constant 0 : i32
    %c0_i32_0 = arith.constant 0 : i32
    %c0_i32_1 = arith.constant 0 : i32
    return %c0_i32, %arg0, %c0_i32_0 : i32, i32, i32
  }
  func.func @transform_1(%arg0: i32) -> (i32, i32, i32) {
    %c0_i32 = arith.constant 0 : i32
    %c0_i32_0 = arith.constant 0 : i32
    %c0_i32_1 = arith.constant 0 : i32
    return %c0_i32, %arg0, %c0_i32_0 : i32, i32, i32
  }
  func.func @transform_2(%arg0: i32) -> (i32, i32) {
    %c0_i32 = arith.constant 0 : i32
    %c0_i32_0 = arith.constant 0 : i32
    return %arg0, %c0_i32 : i32, i32
  }
  func.func @transform_3(%arg0: i32) -> (i32, i32) {
    %c0_i32 = arith.constant 0 : i32
    %c0_i32_0 = arith.constant 0 : i32
    return %arg0, %c0_i32 : i32, i32
  }
  func.func @transform_4(%arg0: i32) -> (i32, i32) {
    %c0_i32 = arith.constant 0 : i32
    %c0_i32_0 = arith.constant 0 : i32
    return %arg0, %c0_i32 : i32, i32
  }
  func.func @transform_5(%arg0: i32) -> (i32, i32) {
    %c0_i32 = arith.constant 0 : i32
    %c0_i32_0 = arith.constant 0 : i32
    %c0_i32_1 = arith.constant 0 : i32
    return %c0_i32, %c0_i32_0 : i32, i32
  }
  func.func @transform_6(%arg0: i32) -> (i32, i32) {
    %c0_i32 = arith.constant 0 : i32
    %c0_i32_0 = arith.constant 0 : i32
    %c0_i32_1 = arith.constant 0 : i32
    return %c0_i32, %c0_i32_0 : i32, i32
  }
  func.func @transform_7(%arg0: i32) -> (i32, i32) {
    %c0_i32 = arith.constant 0 : i32
    %c0_i32_0 = arith.constant 0 : i32
    return %arg0, %c0_i32 : i32, i32
  }
}

</mosaic_0001>

<sc_bundles>
// kernel: _run.11.cloned.1.call-start
scs
__scs_entry_jumppad:
0x0: {  	(pc) =	sbr.rel $0x88, $3  }
0x1: {  	(tag) =	ssettag $0x0;
	lr =	simm.s32 $0x1  }
0x2: {  	[smem:$0x3F99] =	sst lr;
	_ =	strace $0xD0000000  }
0x3: {  	_ = 	snop  }
0x4: {  	_ = 	snop  }
0x5: {  	_ = 	snop  }
0x6: {  	_ = 	snop  }
0x7: {  	_ = 	snop  }
__scs_overlays_trampoline_lowered:
0x8: {  	[smem:$0x3FA8] =	sst s0  }
0x9: {  	[smem:$0x3FA9] =	sst s1  }
0xa: {  	[smem:$0x3FAA] =	sst s2  }
0xb: {  	[smem:$0x3FAB] =	sst s3  }
0xc: {  	[smem:$0x3FAC] =	sst s4  }
0xd: {  	[smem:$0x3FAD] =	sst s5  }
0xe: {  	[smem:$0x3FAE] =	sst s6  }
0xf: {  	[smem:$0x3FAF] =	sst s7  }
0x10: {  	[smem:$0x3FB0] =	sst s8  }
0x11: {  	[smem:$0x3FB1] =	sst s9;
	s0 =	simm.s32 @!p0 $0x0  }
0x12: {  	s1 =	sld [smem:$0x3F97];
	s0 =	simm.s32 @p0 $0x1  }
0x13: {  	[smem:$0x3FB2] =	sst s0;
	s0 =	simm.s32 @!p1 $0x0  }
0x14: {  	s2 =	sld [smem:$0x3F96];
	s0 =	simm.s32 @p1 $0x1  }
0x15: {  	[smem:$0x3FB3] =	sst s0;
	s0 =	simm.s32 @!p2 $0x0  }
0x16: {  	s3 =	sld [smem:$0x3FDB];
	s0 =	simm.s32 @p2 $0x1  }
0x17: {  	s4 =	simm.s32 $0x1BF5;
	[smem:$0x3FB5] =	sst s0  }
0x18: {  	s0 =	sld [smem:$0x3F98];
	_ =	swait.ge [sflag:s4], $0x0  }
0x19: {  	s7 =	sld [smem:$0x3F99]  }
0x1a: {  	s8 =	sadd.s32 $0xFFFFE003, lr  }
0x1b: {  	s9 =	sadd.s32 $0xFFFFFEF7, lr;
	s5 =	simm.s32 $0xFFFFFFFF;
	p2 =	slt.u32 s8, $0xFFFFF086  }
0x1c: {  	p1 =	slt.u32 s9, $0xF7A;
	s5 =	simm.s32 @!p2 $0x0  }
0x1d: {  	s5 =	simm.s32 @p1 $0x1;
	p0 =	seq.s32 s7, s2  }
0x1e: {  	s7 =	smul.u32 @!p0 $0xF7A, s2;
	p2 =	seq.s32 @!p0 s5, $0x0  }
0x1f: {  	s9 =	smul.u32 $0xF7A, s1;
	s8 =	simm.s32 @!p0 $0x1BF5;
	p2 =	por !p2, p0  }
0x20: {  	[sflag:s8] =	ssyncset.s32 @!p0 $0xFFFFF086;
	s6 =	sadd.s32 @!p0 s3, s7;
	s7 =	simm.s32 @!p0 $0x108  }
0x21: {  	s3 =	sadd.s32 s3, s9;
	s6 =	sadd.s32 @!p0 $0x88, s6;
	s7 =	simm.s32 @p2 $0x1082  }
0x22: {  	[simem:s7], [sflag:s8] =	dma.local @!p0 [hbm:s6], $0xF7A  }
0x23: {  	s9 =	sor.u32 $0xD0000000, s2;
	s6 =	simm.s32 $0x108;
	_ =	swait.ge @!p0 [sflag:s8], $0x0  }
0x24: {  	s3 =	sadd.s32 $0x88, s3;
	s6 =	simm.s32 @!p1 $0x1082;
	[sflag:s4] =	ssyncset.s32 $0xFFFFF086  }
0x25: {  	[simem:s6], [sflag:s4] =	dma.local [hbm:s3], $0xF7A  }
0x26: {  	[smem:$0x3F99] =	sst s1;
	(tag) =	ssettag s2;
	_ =	strace s9  }
0x27: {  	s1 =	sld [smem:$0x3FA9]  }
0x28: {  	s2 =	sld [smem:$0x3FAA]  }
0x29: {  	s4 =	sld [smem:$0x3FAC]  }
0x2a: {  	p0 =	seq.s32 s5, $0x0;
	s5 =	sld [smem:$0x3FAD]  }
0x2b: {  	s6 =	sld [smem:$0x3FAE]  }
0x2c: {  	s7 =	sld [smem:$0x3FAF]  }
0x2d: {  	s3 =	simm.s32 $0x108;
	s8 =	sld [smem:$0x3FB0]  }
0x2e: {  	s3 =	simm.s32 @!p0 $0x1082;
	s9 =	sld [smem:$0x3FB1]  }
0x2f: {  	lr =	sadd.s32 s0, s3;
	s0 =	sld [smem:$0x3FA8]  }
0x30: {  	s3 =	sld [smem:$0x3FAB]  }
0x31: {  	[smem:$0x3FB4] =	sst s10  }
0x32: {  	s10 =	sld [smem:$0x3FB2];
	_ =	sdelay $0x3  }
0x33: {  	p0 =	seq.s32 s10, $0x1;
	s10 =	sld [smem:$0x3FB4];
	_ =	sdelay $0x3  }
0x34: {  	[smem:$0x3FB4] =	sst s10  }
0x35: {  	s10 =	sld [smem:$0x3FB3];
	_ =	sdelay $0x3  }
0x36: {  	p1 =	seq.s32 s10, $0x1;
	s10 =	sld [smem:$0x3FB4];
	_ =	sdelay $0x3  }
0x37: {  	[smem:$0x3FB4] =	sst s10  }
0x38: {  	s10 =	sld [smem:$0x3FB5]  }
0x39: {  	_ = 	snop;
	(pc) =	sbr.ind lr, $3  }
0x3a: {  	_ = 	snop  }
0x3b: {  	_ = 	snop  }
0x3c: {  	p2 =	seq.s32 s10, $0x1;
	s10 =	sld [smem:$0x3FB4]  }
0x3d: {  	_ =	shalt  }
0x3e: {  	_ =	shalt  }
0x3f: {  	_ =	shalt  }
0x40: {  	_ =	shalt  }
0x41: {  	_ =	shalt  }
0x42: {  	_ =	shalt  }
0x43: {  	_ =	shalt  }
0x44: {  	_ =	shalt  }
0x45: {  	_ =	shalt  }
0x46: {  	_ =	shalt  }
0x47: {  	_ =	shalt  }
0x48: {  	_ =	shalt  }
0x49: {  	_ =	shalt  }
0x4a: {  	_ =	shalt  }
0x4b: {  	_ =	shalt  }
0x4c: {  	_ =	shalt  }
0x4d: {  	_ =	shalt  }
0x4e: {  	_ =	shalt  }
0x4f: {  	_ =	shalt  }
0x50: {  	_ =	shalt  }
0x51: {  	_ =	shalt  }
0x52: {  	_ =	shalt  }
0x53: {  	_ =	shalt  }
0x54: {  	_ =	shalt  }
0x55: {  	_ =	shalt  }
0x56: {  	_ =	shalt  }
0x57: {  	_ =	shalt  }
0x58: {  	_ =	shalt  }
0x59: {  	_ =	shalt  }
0x5a: {  	_ =	shalt  }
0x5b: {  	_ =	shalt  }
0x5c: {  	_ =	shalt  }
0x5d: {  	_ =	shalt  }
0x5e: {  	_ =	shalt  }
0x5f: {  	_ =	shalt  }
0x60: {  	_ =	shalt  }
0x61: {  	_ =	shalt  }
0x62: {  	_ =	shalt  }
0x63: {  	_ =	shalt  }
0x64: {  	_ =	shalt  }
0x65: {  	_ =	shalt  }
0x66: {  	_ =	shalt  }
0x67: {  	_ =	shalt  }
0x68: {  	_ =	shalt  }
0x69: {  	_ =	shalt  }
0x6a: {  	_ =	shalt  }
0x6b: {  	_ =	shalt  }
0x6c: {  	_ =	shalt  }
0x6d: {  	_ =	shalt  }
0x6e: {  	_ =	shalt  }
0x6f: {  	_ =	shalt  }
0x70: {  	_ =	shalt  }
0x71: {  	_ =	shalt  }
0x72: {  	_ =	shalt  }
0x73: {  	_ =	shalt  }
0x74: {  	_ =	shalt  }
0x75: {  	_ =	shalt  }
0x76: {  	_ =	shalt  }
0x77: {  	_ =	shalt  }
0x78: {  	_ =	shalt  }
0x79: {  	_ =	shalt  }
0x7a: {  	_ =	shalt  }
0x7b: {  	_ =	shalt  }
0x7c: {  	_ =	shalt  }
0x7d: {  	_ =	shalt  }
0x7e: {  	_ =	shalt  }
0x7f: {  	_ =	shalt  }
0x80: {  	_ =	shalt  }
0x81: {  	_ =	shalt  }
0x82: {  	_ =	shalt  }
0x83: {  	_ =	shalt  }
0x84: {  	_ =	shalt  }
0x85: {  	_ =	shalt  }
0x86: {  	_ =	shalt  }
0x87: {  	_ =	shalt  }
.Lfunc_end0:
.L_simem_size_0:
called_computation.1_lowered:
.L_overlay_start_0:
0x88: {  	s2 =	sld [smem:$0x3FD9]  }
0x89: {  	s3 =	sld [smem:$0x3FFE];
	_ =	sdelay $0x1  }
0x8a: {  	s1 =	srdreg.scid  }
0x8b: {  	s0 =	sand.u32 $0x1, s1  }
0x8c: {  	s17 =	sshll.u32 s0, $0xA;
	s2 =	sadd.s32 s3, s2  }
0x8d: {  	s2 =	sadd.s32 s2, s17  }
0x8e: {  	[smem:$0x3FC0] =	sst s2  }
0x8f: {  	_ = 	snop  }
0x90: {  	s2 =	sld [smem:$0x3FD0];
	(tm) =	ssettm $0x1  }
0x91: {  	s18 =	sld [smem:$0x3FFB];
	_ =	sdelay $0x3  }
0x92: {  	_ =	strace s18  }
0x93: {  	s3 =	sld [smem:$0x3FFC];
	_ =	sdelay $0x3  }
0x94: {  	_ =	strace s3  }
0x95: {  	s3 =	sld [smem:$0x3FFD];
	_ =	sdelay $0x3  }
0x96: {  	_ =	strace s3  }
0x97: {  	_ =	strace $0x8FFFFFFF  }
0x98: {  	s19 =	sld [smem:$0x3FDB];
	_ =	sdelay $0x1  }
0x99: {  	s4 =	simm.s32 $_scs_section_size  }
0x9a: {  	s5 =	simm.s32 $_size__tile_overlayer_lowered;
	s6 =	simm.s32 $_tile_overlayer_lowered  }
0x9b: {  	s22 =	simm.s32 $0x1BFF;
	s21 =	sshll.u32 s6, $0x1;
	s3 =	sadd.s32 s4, s19  }
0x9c: {  	s7 =	simm.s32 $0x0;
	s20 =	sshll.u32 s5, $0x1;
	s5 =	sadd.s32 s21, s3  }
0x9d: {  	[timem:s7], [sflag:s22] =	dma.local [hbm:s5], s20  }
0x9e: {  	_ =	swait.ge [sflag:s22], s20  }
0x9f: {  	s4 =	ssub.s32 $0x0, s20;
	[sflag:s22] =	ssyncset.done $0x0  }
0xa0: {  	[sflag:s22] =	ssyncadd.s32 s4;
	_ =	sdelay $0x1  }
0xa1: {  	s23 =	simm.s32 $0x1B8B  }
0xa2: {  	_ =	swait.ge [sflag:s23], $0x1  }
0xa3: {  	[sflag:s23] =	ssyncset.done $0x0  }
0xa4: {  	s25 =	simm.s32 $0x1B8E;
	s24 =	sld [smem:$0x3FFE];
	[sflag:s23] =	ssyncadd.s32 $0xFFFFFFFF  }
0xa5: {  	s26 =	simm.s32 $execute0_lowered;
	[smem:$0x3FD2] =	sst s25  }
0xa6: {  	s5 =	sshll.u32 s26, $0x1;
	_ =	strace $0x80000046;
	[dreg:$0x1] =	wrdreg $0xFFFFFFFF  }
0xa7: {  	s28 =	simm.s32 $_size_execute0_lowered;
	s3 =	sadd.s32 s3, s5;
	[dreg:$0x0] =	wrdreg $0x0  }
0xa8: {  	s5 =	sshll.u32 s28, $0x1;
	[dreg:$0x2] =	wrdreg s3  }
0xa9: {  	[dreg:$0x3] =	wrdreg s5  }
0xaa: {  	[dreg:$0x4] =	wrdreg $0xC0  }
0xab: {  	_ =	task [dreg:s7], $0x5FFFF  }
0xac: {  	[dreg:$0x1] =	wrdreg $0xFFFFFFFF  }
0xad: {  	[dreg:$0x0] =	wrdreg $0x60  }
0xae: {  	[dreg:$0x2] =	wrdreg s2  }
0xaf: {  	[dreg:$0x3] =	wrdreg s24  }
0xb0: {  	[dreg:$0x4] =	wrdreg $0xC4400  }
0xb1: {  	[dreg:$0x5] =	wrdreg $0xA  }
0xb2: {  	_ =	task.clear_ibuf [dreg:s7], $0x6FFFF;
	_ =	strace $0x90000046  }
0xb3: {  	s29 =	simm.s32 $0xA;
	_ =	strace $0x80000048  }
0xb4: {  	_ =	swait.ge [sflag:s29], $0x1  }
0xb5: {  	[sflag:s29] =	ssyncadd.s32 $0xFFFFFFFF  }
0xb6: {  	_ =	strace $0x90000048  }
0xb7: {  	_ =	sfence  }
0xb8: {  	s30 =	sld [smem:$0x0];
	_ =	sdelay $0x2  }
0xb9: {  	s31 =	sshll.u32 s1, $0xD;
	s1 =	sshrl.u32 s1, $0x2  }
0xba: {  	s3 =	sand.u32 $0x4000, s31;
	s1 =	sadd.s32 s1, s30  }
0xbb: {  	s0 =	sor.u32 s3, s0;
	s1 =	sshll.u32 s1, $0x11  }
0xbc: {  	s0 =	sor.u32 s1, s0  }
0xbd: {  	s0 =	sadd.s32 $0x8F2B, s0  }
0xbe: {  	[sflag:s0] =	ssyncadd.remote.s32 $0x1  }
0xbf: {  	_ =	sfence.sel $0xFFFF  }
0xc0: {  	[dreg:$0x0] =	wrdreg $0xFFFFFFFF;
	(pc) =	sbr.abs _section_cstart, $3  }
0xc1: {  	[dreg:$0x1] =	wrdreg $0xFFFFFFFF  }
0xc2: {  	_ =	task.clear_ibuf [dreg:s7], $0x2FFFF;
	_ =	strace $0x9FFFFFFF  }
0xc3: {  	(tm) =	ssettm $0x7FFFFFFF  }
tec
execute0_lowered:
.L_overlay_start_1:
0x0: {  	(tag) =	ssettag $0x1  }
0x1: {  	s7 =	rddreg [dreg:$0x0]  }
0x2: {  	s4 =	rddreg [dreg:$0x1]  }
0x3: {  	s2 =	rddreg [dreg:$0x2]  }
0x4: {  	s0 =	rddreg [dreg:$0x3]  }
0x5: {  	s1 =	stileid.u32;
	s5 =	srdreg.scid;
	s3 =	simm.s32 $0x0  }
0x6: {  	s14 =	simm.s32 $0x50;
	s15 =	simm.s32 $0x9C40;
	s16 =	simm.s32 $0xB040  }
0x7: {  	s17 =	simm.s32 $0x1;
	s18 =	simm.s32 $0x2;
	s19 =	simm.s32 $0x4DD0  }
0x8: {  	s20 =	simm.s32 $0x9BA0;
	s21 =	simm.s32 $0x9BF0;
	s6 =	smul.u32 $0xA000, s1  }
0x9: {  	s22 =	simm.s32 $0x0;
	s5 =	sand.u32 $0x1, s5;
	s9 =	smul.u32 $0x9C4, s1  }
0xa: {  	[smem:$0x7FF] =	sst s3;
	s12 =	sshll.u32 s1, $0x6;
	s8 =	smul.u32 $0xA0000, s5  }
0xb: {  	_ =	strace $0x80000047;
	s10 =	ssub.s32 $0x2, s5;
	s11 =	smul.u32 $0x140000, s5  }
0xc: {  	s12 =	sor.u32 $0x1C03, s12;
	s26 =	sadd.s32 s9, s4;
	s28 =	sshrl.u32 s10, $0x1  }
0xd: {  	s13 =	sadd.s32 s6, s2;
	s8 =	sadd.s32 s6, s8;
	s9 =	ssub.s32 s10, s28  }
0xe: {  	s29 =	sadd.s32 s11, s6;
	s5 =	sadd.s32 $0x2400, s26;
	s31 =	sshrl.u32 s11, $0x3  }
0xf: {  	s11 =	simm.s32 $0x4E20;
	s13 =	sshrl.u32 s13, $0x3;
	s8 =	sshrl.u32 s8, $0x3  }
0x10: {  	s10 =	sshrl.u32 s29, $0x3;
	s9 =	smax.u32 s9, $0x1;
	s8 =	sadd.s32 s8, s4  }
0x11: {  	s4 =	sadd.s32 $0x16000, s26;
	s30 =	sadd.s32 s7, s10;
	s7 =	sadd.s32 s7, s31  }
0x12: {  	s10 =	simm.s32 $0x3;
	s6 =	sadd.s32 $0x14000, s30;
	s8 =	sadd.s32 $0xBFE00, s8  }
.LBB2_1:
0x13: {  	[tilespmem:s3], [sflag:$0x3] =	stream.linear.gather [hbm4b:s4+s3], $0x4E20, $0x38;
	[tilespmem:$0x16440] =	vst v63  }
0x14: {  	_ =	swait.ge [sflag:s10], $0x4E20  }
0x15: {  	[sflag:s10] =	ssyncset.done $0x0  }
0x16: {  	[sflag:s10] =	ssyncadd.s32 $0xFFFFB1E0  }
0x17: {  	[tilespmem:s11], [sflag:$0x3] =	stream.linear.gather [hbm4b:s5+s3], $0x4E20, $0x38;
	[tilespmem:$0x16440] =	vst v63  }
0x18: {  	_ =	swait.ge [sflag:s10], $0x4E20  }
0x19: {  	[sflag:s10] =	ssyncset.done $0x0  }
0x1a: {  	[sflag:s10] =	ssyncadd.s32 $0xFFFFB1E0  }
0x1b: {  	[spmem:s13], [sflag:s12] =	dma.local [hbm:s6], $0x1400  }
0x1c: {  	_ =	swait.ge [sflag:s10], $0x1400  }
0x1d: {  	[sflag:s10] =	ssyncset.done $0x0  }
0x1e: {  	[sflag:s10] =	ssyncadd.s32 $0xFFFFEC00  }
0x1f: {  	[bflag:$0x0] =	sbarrier.arrive $0xFFFF  }
0x20: {  	[tilespmem:s15], [sflag:$0x1] =	stream.indirect.gather [hbm4b:s7+s14], $0x40, s3, s14, $0xb8;
	[tilespmem:$0x16440] =	vst v63  }
0x21: {  	s23 =	simm.s32 $0x50  }
0x22: {  	[tilespmem:s16], [sflag:$0x2] =	stream.indirect.gather [hbm4b:s7+s14], $0x40, s23, s14, $0xb8;
	[tilespmem:$0x16440] =	vst v63  }
0x23: {  	_ =	swait.ge [sflag:s17], $0x1400  }
0x24: {  	[sflag:s17] =	ssyncset.done $0x0  }
0x25: {  	s29 =	simm.s32 $0x4E20;
	[sflag:s17] =	ssyncadd.s32 $0xFFFFEC00  }
0x26: {  	[spmem:s2] =	stream.indirect.scatter.add.f32 [tilespmem:s15], [sflag:$0x3], $0x40, s29, s14, $0xb8;
	[tilespmem:$0x16440] =	vst v63  }
0x27: {  	_ =	swait.ge [sflag:s10], $0x1400  }
0x28: {  	[sflag:s10] =	ssyncset.done $0x0  }
0x29: {  	s30 =	simm.s32 $0xA0;
	[sflag:s10] =	ssyncadd.s32 $0xFFFFEC00  }
0x2a: {  	[tilespmem:s15], [sflag:$0x1] =	stream.indirect.gather [hbm4b:s7+s14], $0x40, s30, s14, $0xb8;
	[tilespmem:$0x16440] =	vst v63  }
0x2b: {  	_ =	swait.ge [sflag:s18], $0x1400  }
0x2c: {  	[sflag:s18] =	ssyncset.done $0x0  }
0x2d: {  	s31 =	simm.s32 $0x4E70;
	[sflag:s18] =	ssyncadd.s32 $0xFFFFEC00  }
0x2e: {  	[spmem:s2] =	stream.indirect.scatter.add.f32 [tilespmem:s16], [sflag:$0x3], $0x40, s31, s14, $0xb8;
	[tilespmem:$0x16440] =	vst v63  }
0x2f: {  	_ =	swait.ge [sflag:s10], $0x1400  }
0x30: {  	s24 =	simm.s32 $0x500;
	s23 =	simm.s32 $0xA0;
	[sflag:s10] =	ssyncset.done $0x0  }
.LBB2_2:
0x31: {  	s25 =	sadd.s32 $0x50, s23  }
0x32: {  	[sflag:s10] =	ssyncadd.s32 $0xFFFFEC00;
	s26 =	smov.u32 s24;
	s28 =	sadd.s32 $0x280, s24  }
0x33: {  	[tilespmem:s16], [sflag:$0x2] =	stream.indirect.gather [hbm4b:s7+s14], $0x40, s25, s14, $0xb8;
	[tilespmem:$0x16440] =	vst v63  }
0x34: {  	p0 =	sne.s32 s24, $0x13380;
	_ =	swait.ge [sflag:s17], $0x1400  }
0x35: {  	[sflag:s17] =	ssyncset.done $0x0  }
0x36: {  	s24 =	sadd.s32 $0x4E20, s23;
	[sflag:s17] =	ssyncadd.s32 $0xFFFFEC00  }
0x37: {  	[spmem:s2] =	stream.indirect.scatter.add.f32 [tilespmem:s15], [sflag:$0x3], $0x40, s24, s14, $0xb8;
	[tilespmem:$0x16440] =	vst v63  }
0x38: {  	_ =	swait.ge [sflag:s10], $0x1400  }
0x39: {  	[sflag:s10] =	ssyncset.done $0x0  }
0x3a: {  	s24 =	sadd.s32 $0xA0, s23;
	[sflag:s10] =	ssyncadd.s32 $0xFFFFEC00  }
0x3b: {  	[tilespmem:s15], [sflag:$0x1] =	stream.indirect.gather [hbm4b:s7+s14], $0x40, s24, s14, $0xb8;
	[tilespmem:$0x16440] =	vst v63  }
0x3c: {  	_ =	swait.ge [sflag:s18], $0x1400  }
.Ltmp0:
0x3d: {  	[sflag:s18] =	ssyncset.done $0x0;
	(pc) =	sbr.rel @p0 .LBB2_2-.Ltmp0, $4  }
0x3e: {  	s23 =	sadd.s32 $0x4E70, s23;
	[sflag:s18] =	ssyncadd.s32 $0xFFFFEC00  }
0x3f: {  	[spmem:s2] =	stream.indirect.scatter.add.f32 [tilespmem:s16], [sflag:$0x3], $0x40, s23, s14, $0xb8;
	[tilespmem:$0x16440] =	vst v63  }
0x40: {  	_ =	swait.ge [sflag:s10], $0x1400  }
0x41: {  	s24 =	smov.u32 s28;
	s23 =	sshra.s32 s26, $0x2;
	[sflag:s10] =	ssyncset.done $0x0  }
0x42: {  	s24 =	sadd.s32 $0x50, s23;
	[sflag:s10] =	ssyncadd.s32 $0xFFFFEC00  }
0x43: {  	[tilespmem:s16], [sflag:$0x2] =	stream.indirect.gather [hbm4b:s7+s14], $0x40, s24, s14, $0xb8;
	[tilespmem:$0x16440] =	vst v63  }
0x44: {  	_ =	swait.ge [sflag:s17], $0x1400  }
0x45: {  	[sflag:s17] =	ssyncset.done $0x0  }
0x46: {  	s29 =	sadd.s32 $0x4E20, s23;
	[sflag:s17] =	ssyncadd.s32 $0xFFFFEC00  }
0x47: {  	[spmem:s2] =	stream.indirect.scatter.add.f32 [tilespmem:s15], [sflag:$0x3], $0x40, s29, s14, $0xb8;
	[tilespmem:$0x16440] =	vst v63  }
0x48: {  	_ =	swait.ge [sflag:s10], $0x1400  }
0x49: {  	[sflag:s10] =	ssyncset.done $0x0  }
0x4a: {  	s30 =	sadd.s32 $0xA0, s23;
	[sflag:s10] =	ssyncadd.s32 $0xFFFFEC00  }
0x4b: {  	[tilespmem:s15], [sflag:$0x1] =	stream.indirect.gather [hbm4b:s7+s14], $0x40, s30, s14, $0xb8;
	[tilespmem:$0x16440] =	vst v63  }
0x4c: {  	_ =	swait.ge [sflag:s18], $0x1400  }
0x4d: {  	[sflag:s18] =	ssyncset.done $0x0  }
0x4e: {  	s31 =	sadd.s32 $0x4E70, s23;
	[sflag:s18] =	ssyncadd.s32 $0xFFFFEC00  }
0x4f: {  	[spmem:s2] =	stream.indirect.scatter.add.f32 [tilespmem:s16], [sflag:$0x3], $0x40, s31, s14, $0xb8;
	[tilespmem:$0x16440] =	vst v63  }
0x50: {  	_ =	swait.ge [sflag:s10], $0x1400  }
0x51: {  	[sflag:s10] =	ssyncset.done $0x0  }
0x52: {  	[sflag:s10] =	ssyncadd.s32 $0xFFFFEC00  }
0x53: {  	[tilespmem:s16], [sflag:$0x2] =	stream.indirect.gather [hbm4b:s7+s14], $0x40, s19, s14, $0xb8;
	[tilespmem:$0x16440] =	vst v63  }
0x54: {  	_ =	swait.ge [sflag:s17], $0x1400  }
0x55: {  	[sflag:s17] =	ssyncset.done $0x0  }
0x56: {  	[sflag:s17] =	ssyncadd.s32 $0xFFFFEC00  }
0x57: {  	[spmem:s2] =	stream.indirect.scatter.add.f32 [tilespmem:s15], [sflag:$0x3], $0x40, s20, s14, $0xb8;
	[tilespmem:$0x16440] =	vst v63  }
0x58: {  	_ =	swait.ge [sflag:s10], $0x1400  }
0x59: {  	[sflag:s10] =	ssyncset.done $0x0  }
0x5a: {  	[sflag:s10] =	ssyncadd.s32 $0xFFFFEC00  }
0x5b: {  	_ =	swait.ge [sflag:s18], $0x1400  }
0x5c: {  	[sflag:s18] =	ssyncset.done $0x0  }
0x5d: {  	[sflag:s18] =	ssyncadd.s32 $0xFFFFEC00  }
0x5e: {  	[spmem:s2] =	stream.indirect.scatter.add.f32 [tilespmem:s16], [sflag:$0x3], $0x40, s21, s14, $0xb8;
	[tilespmem:$0x16440] =	vst v63  }
0x5f: {  	_ =	swait.ge [sflag:s10], $0x1400  }
0x60: {  	s22 =	sadd.s32 $0x1, s22;
	[sflag:s10] =	ssyncset.done $0x0  }
0x61: {  	p0 =	sne.s32 s22, s9;
	[sflag:s10] =	ssyncadd.s32 $0xFFFFEC00  }
.Ltmp1:
0x62: {  	[bflag:$0x0] =	sbarrier.arrive $0xFFFF;
	(pc) =	sbr.rel @p0 .LBB2_1-.Ltmp1, $4  }
0x63: {  	[hbm:s8], [sflag:s12] =	dma.local [spmem:s13], $0x1400  }
0x64: {  	_ =	swait.ge [sflag:s10], $0x1400  }
0x65: {  	[sflag:s10] =	ssyncset.done $0x0  }
0x66: {  	[sflag:s10] =	ssyncadd.s32 $0xFFFFEC00  }
0x67: {  	_ =	sfence.sel $0x180000  }
0x68: {  	[bflag:$0x0] =	sbarrier.arrive $0xFFFF  }
0x69: {  	p0 =	sne.s32 s1, $0x0;
	_ =	strace $0x90000047  }
0x6a: {  	s0 =	sadd.s32 @!p0 $0x100000, s0;
	[bflag:$0x2] =	sbarrier.arrive $0xFFFF  }
0x6b: {  	[sflag:s0] =	ssyncadd.tile.s32 @!p0 $0x1;
	_ =	shalt  }
.Lfunc_end2:
_tile_overlayer_lowered:
.L_overlay_start_2:
0x6c: {  	(tag) =	ssettag $0x2  }
0x6d: {  	s0 =	rddreg [dreg:$0x0];
	s2 =	stileid.u32  }
0x6e: {  	s1 =	rddreg [dreg:$0x1];
	p0 =	sne.s32 s2, $0x0  }
0x6f: {  	s3 =	rddreg [dreg:$0x2];
	[bflag:$0x3] =	sbarrier.arrive $0xFFFF;
	s2 =	simm.s32 @!p0 $0x1C03  }
0x70: {  	[timem:s3], [sflag:s2] =	dma.local @!p0 [hbm:s0], s1  }
0x71: {  	s0 =	simm.s32 @!p0 $0x3  }
0x72: {  	_ =	swait.ge @!p0 [sflag:s0], s1  }
0x73: {  	s1 =	ssub.s32 @!p0 $0x0, s1;
	[sflag:s0] =	ssyncset.done @!p0 $0x0  }
0x74: {  	[sflag:s0] =	ssyncadd.s32 @!p0 s1  }
0x75: {  	[bflag:$0x3] =	sbarrier.arrive $0xFFFF  }
0x76: {  	_ =	shalt  }

// kernel: _run.14.cloned.1.call-start
scs
__scs_entry_jumppad:
0x0: {  	(pc) =	sbr.rel $0x88, $3  }
0x1: {  	(tag) =	ssettag $0x0;
	lr =	simm.s32 $0x1  }
0x2: {  	[smem:$0x3F99] =	sst lr;
	_ =	strace $0xD0000000  }
0x3: {  	_ = 	snop  }
0x4: {  	_ = 	snop  }
0x5: {  	_ = 	snop  }
0x6: {  	_ = 	snop  }
0x7: {  	_ = 	snop  }
__scs_overlays_trampoline_lowered:
0x8: {  	[smem:$0x3FA8] =	sst s0  }
0x9: {  	[smem:$0x3FA9] =	sst s1  }
0xa: {  	[smem:$0x3FAA] =	sst s2  }
0xb: {  	[smem:$0x3FAB] =	sst s3  }
0xc: {  	[smem:$0x3FAC] =	sst s4  }
0xd: {  	[smem:$0x3FAD] =	sst s5  }
0xe: {  	[smem:$0x3FAE] =	sst s6  }
0xf: {  	[smem:$0x3FAF] =	sst s7  }
0x10: {  	[smem:$0x3FB0] =	sst s8  }
0x11: {  	[smem:$0x3FB1] =	sst s9;
	s0 =	simm.s32 @!p0 $0x0  }
0x12: {  	s1 =	sld [smem:$0x3F97];
	s0 =	simm.s32 @p0 $0x1  }
0x13: {  	[smem:$0x3FB2] =	sst s0;
	s0 =	simm.s32 @!p1 $0x0  }
0x14: {  	s2 =	sld [smem:$0x3F96];
	s0 =	simm.s32 @p1 $0x1  }
0x15: {  	[smem:$0x3FB3] =	sst s0;
	s0 =	simm.s32 @!p2 $0x0  }
0x16: {  	s3 =	sld [smem:$0x3FDB];
	s0 =	simm.s32 @p2 $0x1  }
0x17: {  	s4 =	simm.s32 $0x1BF5;
	[smem:$0x3FB5] =	sst s0  }
0x18: {  	s0 =	sld [smem:$0x3F98];
	_ =	swait.ge [sflag:s4], $0x0  }
0x19: {  	s7 =	sld [smem:$0x3F99]  }
0x1a: {  	s8 =	sadd.s32 $0xFFFFE003, lr  }
0x1b: {  	s9 =	sadd.s32 $0xFFFFFEF7, lr;
	s5 =	simm.s32 $0xFFFFFFFF;
	p2 =	slt.u32 s8, $0xFFFFF086  }
0x1c: {  	p1 =	slt.u32 s9, $0xF7A;
	s5 =	simm.s32 @!p2 $0x0  }
0x1d: {  	s5 =	simm.s32 @p1 $0x1;
	p0 =	seq.s32 s7, s2  }
0x1e: {  	s7 =	smul.u32 @!p0 $0xF7A, s2;
	p2 =	seq.s32 @!p0 s5, $0x0  }
0x1f: {  	s9 =	smul.u32 $0xF7A, s1;
	s8 =	simm.s32 @!p0 $0x1BF5;
	p2 =	por !p2, p0  }
0x20: {  	[sflag:s8] =	ssyncset.s32 @!p0 $0xFFFFF086;
	s6 =	sadd.s32 @!p0 s3, s7;
	s7 =	simm.s32 @!p0 $0x108  }
0x21: {  	s3 =	sadd.s32 s3, s9;
	s6 =	sadd.s32 @!p0 $0x88, s6;
	s7 =	simm.s32 @p2 $0x1082  }
0x22: {  	[simem:s7], [sflag:s8] =	dma.local @!p0 [hbm:s6], $0xF7A  }
0x23: {  	s9 =	sor.u32 $0xD0000000, s2;
	s6 =	simm.s32 $0x108;
	_ =	swait.ge @!p0 [sflag:s8], $0x0  }
0x24: {  	s3 =	sadd.s32 $0x88, s3;
	s6 =	simm.s32 @!p1 $0x1082;
	[sflag:s4] =	ssyncset.s32 $0xFFFFF086  }
0x25: {  	[simem:s6], [sflag:s4] =	dma.local [hbm:s3], $0xF7A  }
0x26: {  	[smem:$0x3F99] =	sst s1;
	(tag) =	ssettag s2;
	_ =	strace s9  }
0x27: {  	s1 =	sld [smem:$0x3FA9]  }
0x28: {  	s2 =	sld [smem:$0x3FAA]  }
0x29: {  	s4 =	sld [smem:$0x3FAC]  }
0x2a: {  	p0 =	seq.s32 s5, $0x0;
	s5 =	sld [smem:$0x3FAD]  }
0x2b: {  	s6 =	sld [smem:$0x3FAE]  }
0x2c: {  	s7 =	sld [smem:$0x3FAF]  }
0x2d: {  	s3 =	simm.s32 $0x108;
	s8 =	sld [smem:$0x3FB0]  }
0x2e: {  	s3 =	simm.s32 @!p0 $0x1082;
	s9 =	sld [smem:$0x3FB1]  }
0x2f: {  	lr =	sadd.s32 s0, s3;
	s0 =	sld [smem:$0x3FA8]  }
0x30: {  	s3 =	sld [smem:$0x3FAB]  }
0x31: {  	[smem:$0x3FB4] =	sst s10  }
0x32: {  	s10 =	sld [smem:$0x3FB2];
	_ =	sdelay $0x3  }
0x33: {  	p0 =	seq.s32 s10, $0x1;
	s10 =	sld [smem:$0x3FB4];
	_ =	sdelay $0x3  }
0x34: {  	[smem:$0x3FB4] =	sst s10  }
0x35: {  	s10 =	sld [smem:$0x3FB3];
	_ =	sdelay $0x3  }
0x36: {  	p1 =	seq.s32 s10, $0x1;
	s10 =	sld [smem:$0x3FB4];
	_ =	sdelay $0x3  }
0x37: {  	[smem:$0x3FB4] =	sst s10  }
0x38: {  	s10 =	sld [smem:$0x3FB5]  }
0x39: {  	_ = 	snop;
	(pc) =	sbr.ind lr, $3  }
0x3a: {  	_ = 	snop  }
0x3b: {  	_ = 	snop  }
0x3c: {  	p2 =	seq.s32 s10, $0x1;
	s10 =	sld [smem:$0x3FB4]  }
0x3d: {  	_ =	shalt  }
0x3e: {  	_ =	shalt  }
0x3f: {  	_ =	shalt  }
0x40: {  	_ =	shalt  }
0x41: {  	_ =	shalt  }
0x42: {  	_ =	shalt  }
0x43: {  	_ =	shalt  }
0x44: {  	_ =	shalt  }
0x45: {  	_ =	shalt  }
0x46: {  	_ =	shalt  }
0x47: {  	_ =	shalt  }
0x48: {  	_ =	shalt  }
0x49: {  	_ =	shalt  }
0x4a: {  	_ =	shalt  }
0x4b: {  	_ =	shalt  }
0x4c: {  	_ =	shalt  }
0x4d: {  	_ =	shalt  }
0x4e: {  	_ =	shalt  }
0x4f: {  	_ =	shalt  }
0x50: {  	_ =	shalt  }
0x51: {  	_ =	shalt  }
0x52: {  	_ =	shalt  }
0x53: {  	_ =	shalt  }
0x54: {  	_ =	shalt  }
0x55: {  	_ =	shalt  }
0x56: {  	_ =	shalt  }
0x57: {  	_ =	shalt  }
0x58: {  	_ =	shalt  }
0x59: {  	_ =	shalt  }
0x5a: {  	_ =	shalt  }
0x5b: {  	_ =	shalt  }
0x5c: {  	_ =	shalt  }
0x5d: {  	_ =	shalt  }
0x5e: {  	_ =	shalt  }
0x5f: {  	_ =	shalt  }
0x60: {  	_ =	shalt  }
0x61: {  	_ =	shalt  }
0x62: {  	_ =	shalt  }
0x63: {  	_ =	shalt  }
0x64: {  	_ =	shalt  }
0x65: {  	_ =	shalt  }
0x66: {  	_ =	shalt  }
0x67: {  	_ =	shalt  }
0x68: {  	_ =	shalt  }
0x69: {  	_ =	shalt  }
0x6a: {  	_ =	shalt  }
0x6b: {  	_ =	shalt  }
0x6c: {  	_ =	shalt  }
0x6d: {  	_ =	shalt  }
0x6e: {  	_ =	shalt  }
0x6f: {  	_ =	shalt  }
0x70: {  	_ =	shalt  }
0x71: {  	_ =	shalt  }
0x72: {  	_ =	shalt  }
0x73: {  	_ =	shalt  }
0x74: {  	_ =	shalt  }
0x75: {  	_ =	shalt  }
0x76: {  	_ =	shalt  }
0x77: {  	_ =	shalt  }
0x78: {  	_ =	shalt  }
0x79: {  	_ =	shalt  }
0x7a: {  	_ =	shalt  }
0x7b: {  	_ =	shalt  }
0x7c: {  	_ =	shalt  }
0x7d: {  	_ =	shalt  }
0x7e: {  	_ =	shalt  }
0x7f: {  	_ =	shalt  }
0x80: {  	_ =	shalt  }
0x81: {  	_ =	shalt  }
0x82: {  	_ =	shalt  }
0x83: {  	_ =	shalt  }
0x84: {  	_ =	shalt  }
0x85: {  	_ =	shalt  }
0x86: {  	_ =	shalt  }
0x87: {  	_ =	shalt  }
.Lfunc_end0:
.L_simem_size_0:
called_computation.2_lowered:
.L_overlay_start_0:
0x88: {  	s2 =	sld [smem:$0x3FD9]  }
0x89: {  	s3 =	sld [smem:$0x3FFE];
	_ =	sdelay $0x1  }
0x8a: {  	s1 =	srdreg.scid  }
0x8b: {  	s0 =	sand.u32 $0x1, s1  }
0x8c: {  	s17 =	sshll.u32 s0, $0xA;
	s2 =	sadd.s32 s3, s2  }
0x8d: {  	s2 =	sadd.s32 s2, s17  }
0x8e: {  	[smem:$0x3FC0] =	sst s2  }
0x8f: {  	_ = 	snop  }
0x90: {  	s2 =	sld [smem:$0x3FD0];
	(tm) =	ssettm $0x1  }
0x91: {  	s18 =	sld [smem:$0x3FFB];
	_ =	sdelay $0x3  }
0x92: {  	_ =	strace s18  }
0x93: {  	s3 =	sld [smem:$0x3FFC];
	_ =	sdelay $0x3  }
0x94: {  	_ =	strace s3  }
0x95: {  	s3 =	sld [smem:$0x3FFD];
	_ =	sdelay $0x3  }
0x96: {  	_ =	strace s3  }
0x97: {  	_ =	strace $0x8FFFFFFF  }
0x98: {  	s19 =	sld [smem:$0x3FDB];
	_ =	sdelay $0x1  }
0x99: {  	s4 =	simm.s32 $_scs_section_size  }
0x9a: {  	s5 =	simm.s32 $_size__tile_overlayer_lowered;
	s6 =	simm.s32 $_tile_overlayer_lowered  }
0x9b: {  	s22 =	simm.s32 $0x1BFF;
	s21 =	sshll.u32 s6, $0x1;
	s3 =	sadd.s32 s4, s19  }
0x9c: {  	s7 =	simm.s32 $0x0;
	s20 =	sshll.u32 s5, $0x1;
	s5 =	sadd.s32 s21, s3  }
0x9d: {  	[timem:s7], [sflag:s22] =	dma.local [hbm:s5], s20  }
0x9e: {  	_ =	swait.ge [sflag:s22], s20  }
0x9f: {  	s4 =	ssub.s32 $0x0, s20;
	[sflag:s22] =	ssyncset.done $0x0  }
0xa0: {  	[sflag:s22] =	ssyncadd.s32 s4;
	_ =	sdelay $0x1  }
0xa1: {  	s23 =	simm.s32 $0x1B8B  }
0xa2: {  	_ =	swait.ge [sflag:s23], $0x1  }
0xa3: {  	[sflag:s23] =	ssyncset.done $0x0  }
0xa4: {  	s25 =	simm.s32 $0x1B8E;
	s24 =	sld [smem:$0x3FFE];
	[sflag:s23] =	ssyncadd.s32 $0xFFFFFFFF  }
0xa5: {  	s26 =	simm.s32 $execute0_lowered;
	[smem:$0x3FD2] =	sst s25  }
0xa6: {  	s5 =	sshll.u32 s26, $0x1;
	_ =	strace $0x8000004C;
	[dreg:$0x1] =	wrdreg $0xFFFFFFFF  }
0xa7: {  	s28 =	simm.s32 $_size_execute0_lowered;
	s3 =	sadd.s32 s3, s5;
	[dreg:$0x0] =	wrdreg $0x0  }
0xa8: {  	s5 =	sshll.u32 s28, $0x1;
	[dreg:$0x2] =	wrdreg s3  }
0xa9: {  	[dreg:$0x3] =	wrdreg s5  }
0xaa: {  	[dreg:$0x4] =	wrdreg $0xC0  }
0xab: {  	_ =	task [dreg:s7], $0x5FFFF  }
0xac: {  	[dreg:$0x1] =	wrdreg $0xFFFFFFFF  }
0xad: {  	[dreg:$0x0] =	wrdreg $0x60  }
0xae: {  	[dreg:$0x2] =	wrdreg s2  }
0xaf: {  	[dreg:$0x3] =	wrdreg s24  }
0xb0: {  	[dreg:$0x4] =	wrdreg $0xC4400  }
0xb1: {  	[dreg:$0x5] =	wrdreg $0x9  }
0xb2: {  	_ =	task.clear_ibuf [dreg:s7], $0x6FFFF;
	_ =	strace $0x9000004C  }
0xb3: {  	s29 =	simm.s32 $0x9;
	_ =	strace $0x8000004E  }
0xb4: {  	_ =	swait.ge [sflag:s29], $0x1  }
0xb5: {  	[sflag:s29] =	ssyncadd.s32 $0xFFFFFFFF  }
0xb6: {  	_ =	strace $0x9000004E  }
0xb7: {  	_ =	sfence  }
0xb8: {  	s30 =	sld [smem:$0x0];
	_ =	sdelay $0x2  }
0xb9: {  	s31 =	sshll.u32 s1, $0xD;
	s1 =	sshrl.u32 s1, $0x2  }
0xba: {  	s3 =	sand.u32 $0x4000, s31;
	s1 =	sadd.s32 s1, s30  }
0xbb: {  	s0 =	sor.u32 s3, s0;
	s1 =	sshll.u32 s1, $0x11  }
0xbc: {  	s0 =	sor.u32 s1, s0  }
0xbd: {  	s0 =	sadd.s32 $0x8F2B, s0  }
0xbe: {  	[sflag:s0] =	ssyncadd.remote.s32 $0x1  }
0xbf: {  	_ =	sfence.sel $0xFFFF  }
0xc0: {  	[dreg:$0x0] =	wrdreg $0xFFFFFFFF;
	(pc) =	sbr.abs _section_cstart, $3  }
0xc1: {  	[dreg:$0x1] =	wrdreg $0xFFFFFFFF  }
0xc2: {  	_ =	task.clear_ibuf [dreg:s7], $0x2FFFF;
	_ =	strace $0x9FFFFFFF  }
0xc3: {  	(tm) =	ssettm $0x7FFFFFFF  }
tec
execute0_lowered:
.L_overlay_start_1:
0x0: {  	(tag) =	ssettag $0x1  }
0x1: {  	s7 =	rddreg [dreg:$0x0]  }
0x2: {  	s4 =	rddreg [dreg:$0x1];
	s0 =	stileid.u32  }
0x3: {  	s1 =	srdreg.scid;
	s2 =	rddreg [dreg:$0x2];
	s3 =	simm.s32 $0x0  }
0x4: {  	s14 =	simm.s32 $0x50;
	s15 =	simm.s32 $0x9C40;
	s16 =	simm.s32 $0xB040  }
0x5: {  	s17 =	simm.s32 $0x1;
	s18 =	simm.s32 $0x2;
	s19 =	simm.s32 $0x4DD0  }
0x6: {  	s20 =	simm.s32 $0x9BA0;
	s21 =	simm.s32 $0x9BF0;
	s22 =	simm.s32 $0x0  }
0x7: {  	s5 =	sand.u32 $0x1, s1;
	s6 =	smul.u32 $0xA000, s0;
	s1 =	rddreg [dreg:$0x3]  }
0x8: {  	[smem:$0x7FF] =	sst s3;
	s9 =	smul.u32 $0x9C4, s0;
	s31 =	sshll.u32 s0, $0x6  }
0x9: {  	s8 =	smul.u32 $0xA0000, s5;
	_ =	strace $0x8000004D;
	s5 =	ssub.s32 $0x2, s5  }
0xa: {  	s9 =	sadd.s32 s9, s4;
	s11 =	sshrl.u32 s5, $0x1;
	s13 =	sadd.s32 s6, s2  }
0xb: {  	s10 =	sadd.s32 s6, s8;
	s11 =	ssub.s32 s5, s11;
	s5 =	sadd.s32 $0x2400, s9  }
0xc: {  	s8 =	sshrl.u32 s8, $0x3;
	s13 =	sshrl.u32 s13, $0x3;
	s10 =	sshrl.u32 s10, $0x3  }
0xd: {  	s12 =	sadd.s32 s10, s4;
	s4 =	sadd.s32 $0xC200, s9;
	s6 =	sadd.s32 s7, s10  }
0xe: {  	s7 =	sadd.s32 s7, s8;
	s9 =	smax.u32 s11, $0x1;
	s10 =	simm.s32 $0x3  }
0xf: {  	s11 =	simm.s32 $0x4E20;
	s8 =	sadd.s32 $0x16000, s12;
	s12 =	sor.u32 $0x1C03, s31  }
.LBB2_1:
0x10: {  	[tilespmem:s3], [sflag:$0x3] =	stream.linear.gather [hbm4b:s4+s3], $0x4E20, $0x38;
	[tilespmem:$0x16440] =	vst v63  }
0x11: {  	_ =	swait.ge [sflag:s10], $0x4E20  }
0x12: {  	[sflag:s10] =	ssyncset.done $0x0  }
0x13: {  	[sflag:s10] =	ssyncadd.s32 $0xFFFFB1E0  }
0x14: {  	[tilespmem:s11], [sflag:$0x3] =	stream.linear.gather [hbm4b:s5+s3], $0x4E20, $0x38;
	[tilespmem:$0x16440] =	vst v63  }
0x15: {  	_ =	swait.ge [sflag:s10], $0x4E20  }
0x16: {  	[sflag:s10] =	ssyncset.done $0x0  }
0x17: {  	[sflag:s10] =	ssyncadd.s32 $0xFFFFB1E0  }
0x18: {  	[spmem:s13], [sflag:s12] =	dma.local [hbm:s6], $0x1400  }
0x19: {  	_ =	swait.ge [sflag:s10], $0x1400  }
0x1a: {  	[sflag:s10] =	ssyncset.done $0x0  }
0x1b: {  	[sflag:s10] =	ssyncadd.s32 $0xFFFFEC00  }
0x1c: {  	[bflag:$0x0] =	sbarrier.arrive $0xFFFF  }
0x1d: {  	[tilespmem:s15], [sflag:$0x1] =	stream.indirect.gather [hbm4b:s7+s14], $0x40, s3, s14, $0xb8;
	[tilespmem:$0x16440] =	vst v63  }
0x1e: {  	s23 =	simm.s32 $0x50  }
0x1f: {  	[tilespmem:s16], [sflag:$0x2] =	stream.indirect.gather [hbm4b:s7+s14], $0x40, s23, s14, $0xb8;
	[tilespmem:$0x16440] =	vst v63  }
0x20: {  	_ =	swait.ge [sflag:s17], $0x1400  }
0x21: {  	[sflag:s17] =	ssyncset.done $0x0  }
0x22: {  	s29 =	simm.s32 $0x4E20;
	[sflag:s17] =	ssyncadd.s32 $0xFFFFEC00  }
0x23: {  	[spmem:s2] =	stream.indirect.scatter.add.f32 [tilespmem:s15], [sflag:$0x3], $0x40, s29, s14, $0xb8;
	[tilespmem:$0x16440] =	vst v63  }
0x24: {  	_ =	swait.ge [sflag:s10], $0x1400  }
0x25: {  	[sflag:s10] =	ssyncset.done $0x0  }
0x26: {  	s30 =	simm.s32 $0xA0;
	[sflag:s10] =	ssyncadd.s32 $0xFFFFEC00  }
0x27: {  	[tilespmem:s15], [sflag:$0x1] =	stream.indirect.gather [hbm4b:s7+s14], $0x40, s30, s14, $0xb8;
	[tilespmem:$0x16440] =	vst v63  }
0x28: {  	_ =	swait.ge [sflag:s18], $0x1400  }
0x29: {  	[sflag:s18] =	ssyncset.done $0x0  }
0x2a: {  	s31 =	simm.s32 $0x4E70;
	[sflag:s18] =	ssyncadd.s32 $0xFFFFEC00  }
0x2b: {  	[spmem:s2] =	stream.indirect.scatter.add.f32 [tilespmem:s16], [sflag:$0x3], $0x40, s31, s14, $0xb8;
	[tilespmem:$0x16440] =	vst v63  }
0x2c: {  	_ =	swait.ge [sflag:s10], $0x1400  }
0x2d: {  	s24 =	simm.s32 $0x500;
	s23 =	simm.s32 $0xA0;
	[sflag:s10] =	ssyncset.done $0x0  }
.LBB2_2:
0x2e: {  	s25 =	sadd.s32 $0x50, s23  }
0x2f: {  	[sflag:s10] =	ssyncadd.s32 $0xFFFFEC00;
	s26 =	smov.u32 s24;
	s28 =	sadd.s32 $0x280, s24  }
0x30: {  	[tilespmem:s16], [sflag:$0x2] =	stream.indirect.gather [hbm4b:s7+s14], $0x40, s25, s14, $0xb8;
	[tilespmem:$0x16440] =	vst v63  }
0x31: {  	p0 =	sne.s32 s24, $0x13380;
	_ =	swait.ge [sflag:s17], $0x1400  }
0x32: {  	[sflag:s17] =	ssyncset.done $0x0  }
0x33: {  	s24 =	sadd.s32 $0x4E20, s23;
	[sflag:s17] =	ssyncadd.s32 $0xFFFFEC00  }
0x34: {  	[spmem:s2] =	stream.indirect.scatter.add.f32 [tilespmem:s15], [sflag:$0x3], $0x40, s24, s14, $0xb8;
	[tilespmem:$0x16440] =	vst v63  }
0x35: {  	_ =	swait.ge [sflag:s10], $0x1400  }
0x36: {  	[sflag:s10] =	ssyncset.done $0x0  }
0x37: {  	s24 =	sadd.s32 $0xA0, s23;
	[sflag:s10] =	ssyncadd.s32 $0xFFFFEC00  }
0x38: {  	[tilespmem:s15], [sflag:$0x1] =	stream.indirect.gather [hbm4b:s7+s14], $0x40, s24, s14, $0xb8;
	[tilespmem:$0x16440] =	vst v63  }
0x39: {  	_ =	swait.ge [sflag:s18], $0x1400  }
.Ltmp0:
0x3a: {  	[sflag:s18] =	ssyncset.done $0x0;
	(pc) =	sbr.rel @p0 .LBB2_2-.Ltmp0, $4  }
0x3b: {  	s23 =	sadd.s32 $0x4E70, s23;
	[sflag:s18] =	ssyncadd.s32 $0xFFFFEC00  }
0x3c: {  	[spmem:s2] =	stream.indirect.scatter.add.f32 [tilespmem:s16], [sflag:$0x3], $0x40, s23, s14, $0xb8;
	[tilespmem:$0x16440] =	vst v63  }
0x3d: {  	_ =	swait.ge [sflag:s10], $0x1400  }
0x3e: {  	s24 =	smov.u32 s28;
	s23 =	sshra.s32 s26, $0x2;
	[sflag:s10] =	ssyncset.done $0x0  }
0x3f: {  	s24 =	sadd.s32 $0x50, s23;
	[sflag:s10] =	ssyncadd.s32 $0xFFFFEC00  }
0x40: {  	[tilespmem:s16], [sflag:$0x2] =	stream.indirect.gather [hbm4b:s7+s14], $0x40, s24, s14, $0xb8;
	[tilespmem:$0x16440] =	vst v63  }
0x41: {  	_ =	swait.ge [sflag:s17], $0x1400  }
0x42: {  	[sflag:s17] =	ssyncset.done $0x0  }
0x43: {  	s29 =	sadd.s32 $0x4E20, s23;
	[sflag:s17] =	ssyncadd.s32 $0xFFFFEC00  }
0x44: {  	[spmem:s2] =	stream.indirect.scatter.add.f32 [tilespmem:s15], [sflag:$0x3], $0x40, s29, s14, $0xb8;
	[tilespmem:$0x16440] =	vst v63  }
0x45: {  	_ =	swait.ge [sflag:s10], $0x1400  }
0x46: {  	[sflag:s10] =	ssyncset.done $0x0  }
0x47: {  	s30 =	sadd.s32 $0xA0, s23;
	[sflag:s10] =	ssyncadd.s32 $0xFFFFEC00  }
0x48: {  	[tilespmem:s15], [sflag:$0x1] =	stream.indirect.gather [hbm4b:s7+s14], $0x40, s30, s14, $0xb8;
	[tilespmem:$0x16440] =	vst v63  }
0x49: {  	_ =	swait.ge [sflag:s18], $0x1400  }
0x4a: {  	[sflag:s18] =	ssyncset.done $0x0  }
0x4b: {  	s31 =	sadd.s32 $0x4E70, s23;
	[sflag:s18] =	ssyncadd.s32 $0xFFFFEC00  }
0x4c: {  	[spmem:s2] =	stream.indirect.scatter.add.f32 [tilespmem:s16], [sflag:$0x3], $0x40, s31, s14, $0xb8;
	[tilespmem:$0x16440] =	vst v63  }
0x4d: {  	_ =	swait.ge [sflag:s10], $0x1400  }
0x4e: {  	[sflag:s10] =	ssyncset.done $0x0  }
0x4f: {  	[sflag:s10] =	ssyncadd.s32 $0xFFFFEC00  }
0x50: {  	[tilespmem:s16], [sflag:$0x2] =	stream.indirect.gather [hbm4b:s7+s14], $0x40, s19, s14, $0xb8;
	[tilespmem:$0x16440] =	vst v63  }
0x51: {  	_ =	swait.ge [sflag:s17], $0x1400  }
0x52: {  	[sflag:s17] =	ssyncset.done $0x0  }
0x53: {  	[sflag:s17] =	ssyncadd.s32 $0xFFFFEC00  }
0x54: {  	[spmem:s2] =	stream.indirect.scatter.add.f32 [tilespmem:s15], [sflag:$0x3], $0x40, s20, s14, $0xb8;
	[tilespmem:$0x16440] =	vst v63  }
0x55: {  	_ =	swait.ge [sflag:s10], $0x1400  }
0x56: {  	[sflag:s10] =	ssyncset.done $0x0  }
0x57: {  	[sflag:s10] =	ssyncadd.s32 $0xFFFFEC00  }
0x58: {  	_ =	swait.ge [sflag:s18], $0x1400  }
0x59: {  	[sflag:s18] =	ssyncset.done $0x0  }
0x5a: {  	[sflag:s18] =	ssyncadd.s32 $0xFFFFEC00  }
0x5b: {  	[spmem:s2] =	stream.indirect.scatter.add.f32 [tilespmem:s16], [sflag:$0x3], $0x40, s21, s14, $0xb8;
	[tilespmem:$0x16440] =	vst v63  }
0x5c: {  	_ =	swait.ge [sflag:s10], $0x1400  }
0x5d: {  	s22 =	sadd.s32 $0x1, s22;
	[sflag:s10] =	ssyncset.done $0x0  }
0x5e: {  	p0 =	sne.s32 s22, s9;
	[sflag:s10] =	ssyncadd.s32 $0xFFFFEC00  }
.Ltmp1:
0x5f: {  	[bflag:$0x0] =	sbarrier.arrive $0xFFFF;
	(pc) =	sbr.rel @p0 .LBB2_1-.Ltmp1, $4  }
0x60: {  	[hbm:s8], [sflag:s12] =	dma.local [spmem:s13], $0x1400  }
0x61: {  	_ =	swait.ge [sflag:s10], $0x1400  }
0x62: {  	[sflag:s10] =	ssyncset.done $0x0  }
0x63: {  	[sflag:s10] =	ssyncadd.s32 $0xFFFFEC00  }
0x64: {  	_ =	sfence.sel $0x180000  }
0x65: {  	[bflag:$0x0] =	sbarrier.arrive $0xFFFF  }
0x66: {  	p0 =	sne.s32 s0, $0x0;
	_ =	strace $0x9000004D  }
0x67: {  	s0 =	sadd.s32 @!p0 $0x100000, s1;
	[bflag:$0x2] =	sbarrier.arrive $0xFFFF  }
0x68: {  	[sflag:s0] =	ssyncadd.tile.s32 @!p0 $0x1;
	_ =	shalt  }
.Lfunc_end2:
_tile_overlayer_lowered:
.L_overlay_start_2:
0x69: {  	(tag) =	ssettag $0x2  }
0x6a: {  	s0 =	rddreg [dreg:$0x0];
	s2 =	stileid.u32  }
0x6b: {  	s1 =	rddreg [dreg:$0x1];
	p0 =	sne.s32 s2, $0x0  }
0x6c: {  	s3 =	rddreg [dreg:$0x2];
	[bflag:$0x3] =	sbarrier.arrive $0xFFFF;
	s2 =	simm.s32 @!p0 $0x1C03  }
0x6d: {  	[timem:s3], [sflag:s2] =	dma.local @!p0 [hbm:s0], s1  }
0x6e: {  	s0 =	simm.s32 @!p0 $0x3  }
0x6f: {  	_ =	swait.ge @!p0 [sflag:s0], s1  }
0x70: {  	s1 =	ssub.s32 @!p0 $0x0, s1;
	[sflag:s0] =	ssyncset.done @!p0 $0x0  }
0x71: {  	[sflag:s0] =	ssyncadd.s32 @!p0 s1  }
0x72: {  	[bflag:$0x3] =	sbarrier.arrive $0xFFFF  }
0x73: {  	_ =	shalt  }

// kernel: _run.8.cloned.1.call-start
scs
__scs_entry_jumppad:
0x0: {  	(pc) =	sbr.rel $0x88, $3  }
0x1: {  	(tag) =	ssettag $0x0;
	lr =	simm.s32 $0x1  }
0x2: {  	[smem:$0x3F99] =	sst lr;
	_ =	strace $0xD0000000  }
0x3: {  	_ = 	snop  }
0x4: {  	_ = 	snop  }
0x5: {  	_ = 	snop  }
0x6: {  	_ = 	snop  }
0x7: {  	_ = 	snop  }
__scs_overlays_trampoline_lowered:
0x8: {  	[smem:$0x3FA8] =	sst s0  }
0x9: {  	[smem:$0x3FA9] =	sst s1  }
0xa: {  	[smem:$0x3FAA] =	sst s2  }
0xb: {  	[smem:$0x3FAB] =	sst s3  }
0xc: {  	[smem:$0x3FAC] =	sst s4  }
0xd: {  	[smem:$0x3FAD] =	sst s5  }
0xe: {  	[smem:$0x3FAE] =	sst s6  }
0xf: {  	[smem:$0x3FAF] =	sst s7  }
0x10: {  	[smem:$0x3FB0] =	sst s8  }
0x11: {  	[smem:$0x3FB1] =	sst s9;
	s0 =	simm.s32 @!p0 $0x0  }
0x12: {  	s1 =	sld [smem:$0x3F97];
	s0 =	simm.s32 @p0 $0x1  }
0x13: {  	[smem:$0x3FB2] =	sst s0;
	s0 =	simm.s32 @!p1 $0x0  }
0x14: {  	s2 =	sld [smem:$0x3F96];
	s0 =	simm.s32 @p1 $0x1  }
0x15: {  	[smem:$0x3FB3] =	sst s0;
	s0 =	simm.s32 @!p2 $0x0  }
0x16: {  	s3 =	sld [smem:$0x3FDB];
	s0 =	simm.s32 @p2 $0x1  }
0x17: {  	s4 =	simm.s32 $0x1BF5;
	[smem:$0x3FB5] =	sst s0  }
0x18: {  	s0 =	sld [smem:$0x3F98];
	_ =	swait.ge [sflag:s4], $0x0  }
0x19: {  	s7 =	sld [smem:$0x3F99]  }
0x1a: {  	s8 =	sadd.s32 $0xFFFFE003, lr  }
0x1b: {  	s9 =	sadd.s32 $0xFFFFFEF7, lr;
	s5 =	simm.s32 $0xFFFFFFFF;
	p2 =	slt.u32 s8, $0xFFFFF086  }
0x1c: {  	p1 =	slt.u32 s9, $0xF7A;
	s5 =	simm.s32 @!p2 $0x0  }
0x1d: {  	s5 =	simm.s32 @p1 $0x1;
	p0 =	seq.s32 s7, s2  }
0x1e: {  	s7 =	smul.u32 @!p0 $0xF7A, s2;
	p2 =	seq.s32 @!p0 s5, $0x0  }
0x1f: {  	s9 =	smul.u32 $0xF7A, s1;
	s8 =	simm.s32 @!p0 $0x1BF5;
	p2 =	por !p2, p0  }
0x20: {  	[sflag:s8] =	ssyncset.s32 @!p0 $0xFFFFF086;
	s6 =	sadd.s32 @!p0 s3, s7;
	s7 =	simm.s32 @!p0 $0x108  }
0x21: {  	s3 =	sadd.s32 s3, s9;
	s6 =	sadd.s32 @!p0 $0x88, s6;
	s7 =	simm.s32 @p2 $0x1082  }
0x22: {  	[simem:s7], [sflag:s8] =	dma.local @!p0 [hbm:s6], $0xF7A  }
0x23: {  	s9 =	sor.u32 $0xD0000000, s2;
	s6 =	simm.s32 $0x108;
	_ =	swait.ge @!p0 [sflag:s8], $0x0  }
0x24: {  	s3 =	sadd.s32 $0x88, s3;
	s6 =	simm.s32 @!p1 $0x1082;
	[sflag:s4] =	ssyncset.s32 $0xFFFFF086  }
0x25: {  	[simem:s6], [sflag:s4] =	dma.local [hbm:s3], $0xF7A  }
0x26: {  	[smem:$0x3F99] =	sst s1;
	(tag) =	ssettag s2;
	_ =	strace s9  }
0x27: {  	s1 =	sld [smem:$0x3FA9]  }
0x28: {  	s2 =	sld [smem:$0x3FAA]  }
0x29: {  	s4 =	sld [smem:$0x3FAC]  }
0x2a: {  	p0 =	seq.s32 s5, $0x0;
	s5 =	sld [smem:$0x3FAD]  }
0x2b: {  	s6 =	sld [smem:$0x3FAE]  }
0x2c: {  	s7 =	sld [smem:$0x3FAF]  }
0x2d: {  	s3 =	simm.s32 $0x108;
	s8 =	sld [smem:$0x3FB0]  }
0x2e: {  	s3 =	simm.s32 @!p0 $0x1082;
	s9 =	sld [smem:$0x3FB1]  }
0x2f: {  	lr =	sadd.s32 s0, s3;
	s0 =	sld [smem:$0x3FA8]  }
0x30: {  	s3 =	sld [smem:$0x3FAB]  }
0x31: {  	[smem:$0x3FB4] =	sst s10  }
0x32: {  	s10 =	sld [smem:$0x3FB2];
	_ =	sdelay $0x3  }
0x33: {  	p0 =	seq.s32 s10, $0x1;
	s10 =	sld [smem:$0x3FB4];
	_ =	sdelay $0x3  }
0x34: {  	[smem:$0x3FB4] =	sst s10  }
0x35: {  	s10 =	sld [smem:$0x3FB3];
	_ =	sdelay $0x3  }
0x36: {  	p1 =	seq.s32 s10, $0x1;
	s10 =	sld [smem:$0x3FB4];
	_ =	sdelay $0x3  }
0x37: {  	[smem:$0x3FB4] =	sst s10  }
0x38: {  	s10 =	sld [smem:$0x3FB5]  }
0x39: {  	_ = 	snop;
	(pc) =	sbr.ind lr, $3  }
0x3a: {  	_ = 	snop  }
0x3b: {  	_ = 	snop  }
0x3c: {  	p2 =	seq.s32 s10, $0x1;
	s10 =	sld [smem:$0x3FB4]  }
0x3d: {  	_ =	shalt  }
0x3e: {  	_ =	shalt  }
0x3f: {  	_ =	shalt  }
0x40: {  	_ =	shalt  }
0x41: {  	_ =	shalt  }
0x42: {  	_ =	shalt  }
0x43: {  	_ =	shalt  }
0x44: {  	_ =	shalt  }
0x45: {  	_ =	shalt  }
0x46: {  	_ =	shalt  }
0x47: {  	_ =	shalt  }
0x48: {  	_ =	shalt  }
0x49: {  	_ =	shalt  }
0x4a: {  	_ =	shalt  }
0x4b: {  	_ =	shalt  }
0x4c: {  	_ =	shalt  }
0x4d: {  	_ =	shalt  }
0x4e: {  	_ =	shalt  }
0x4f: {  	_ =	shalt  }
0x50: {  	_ =	shalt  }
0x51: {  	_ =	shalt  }
0x52: {  	_ =	shalt  }
0x53: {  	_ =	shalt  }
0x54: {  	_ =	shalt  }
0x55: {  	_ =	shalt  }
0x56: {  	_ =	shalt  }
0x57: {  	_ =	shalt  }
0x58: {  	_ =	shalt  }
0x59: {  	_ =	shalt  }
0x5a: {  	_ =	shalt  }
0x5b: {  	_ =	shalt  }
0x5c: {  	_ =	shalt  }
0x5d: {  	_ =	shalt  }
0x5e: {  	_ =	shalt  }
0x5f: {  	_ =	shalt  }
0x60: {  	_ =	shalt  }
0x61: {  	_ =	shalt  }
0x62: {  	_ =	shalt  }
0x63: {  	_ =	shalt  }
0x64: {  	_ =	shalt  }
0x65: {  	_ =	shalt  }
0x66: {  	_ =	shalt  }
0x67: {  	_ =	shalt  }
0x68: {  	_ =	shalt  }
0x69: {  	_ =	shalt  }
0x6a: {  	_ =	shalt  }
0x6b: {  	_ =	shalt  }
0x6c: {  	_ =	shalt  }
0x6d: {  	_ =	shalt  }
0x6e: {  	_ =	shalt  }
0x6f: {  	_ =	shalt  }
0x70: {  	_ =	shalt  }
0x71: {  	_ =	shalt  }
0x72: {  	_ =	shalt  }
0x73: {  	_ =	shalt  }
0x74: {  	_ =	shalt  }
0x75: {  	_ =	shalt  }
0x76: {  	_ =	shalt  }
0x77: {  	_ =	shalt  }
0x78: {  	_ =	shalt  }
0x79: {  	_ =	shalt  }
0x7a: {  	_ =	shalt  }
0x7b: {  	_ =	shalt  }
0x7c: {  	_ =	shalt  }
0x7d: {  	_ =	shalt  }
0x7e: {  	_ =	shalt  }
0x7f: {  	_ =	shalt  }
0x80: {  	_ =	shalt  }
0x81: {  	_ =	shalt  }
0x82: {  	_ =	shalt  }
0x83: {  	_ =	shalt  }
0x84: {  	_ =	shalt  }
0x85: {  	_ =	shalt  }
0x86: {  	_ =	shalt  }
0x87: {  	_ =	shalt  }
.Lfunc_end0:
.L_simem_size_0:
called_computation_lowered:
.L_overlay_start_0:
0x88: {  	s2 =	sld [smem:$0x3FD9]  }
0x89: {  	s3 =	sld [smem:$0x3FFE];
	_ =	sdelay $0x1  }
0x8a: {  	s1 =	srdreg.scid  }
0x8b: {  	s0 =	sand.u32 $0x1, s1  }
0x8c: {  	s17 =	sshll.u32 s0, $0xA;
	s2 =	sadd.s32 s3, s2  }
0x8d: {  	s2 =	sadd.s32 s2, s17  }
0x8e: {  	[smem:$0x3FC0] =	sst s2  }
0x8f: {  	_ = 	snop  }
0x90: {  	s18 =	sld [smem:$0x3FD0];
	(tm) =	ssettm $0x1  }
0x91: {  	s19 =	sld [smem:$0x3FFB];
	_ =	sdelay $0x3  }
0x92: {  	_ =	strace s19  }
0x93: {  	s2 =	sld [smem:$0x3FFC];
	_ =	sdelay $0x3  }
0x94: {  	_ =	strace s2  }
0x95: {  	s2 =	sld [smem:$0x3FFD];
	_ =	sdelay $0x3  }
0x96: {  	_ =	strace s2  }
0x97: {  	_ =	strace $0x8FFFFFFF  }
0x98: {  	s20 =	sld [smem:$0x3FDB];
	_ =	sdelay $0x1  }
0x99: {  	s4 =	simm.s32 $_scs_section_size  }
0x9a: {  	s5 =	simm.s32 $_size__tile_overlayer_lowered;
	s6 =	simm.s32 $_tile_overlayer_lowered  }
0x9b: {  	s7 =	simm.s32 $0x1BFF;
	s21 =	sshll.u32 s6, $0x1;
	s4 =	sadd.s32 s4, s20  }
0x9c: {  	s22 =	simm.s32 $0x0;
	s5 =	sshll.u32 s5, $0x1;
	s6 =	sadd.s32 s21, s4  }
0x9d: {  	[timem:s22], [sflag:s7] =	dma.local [hbm:s6], s5  }
0x9e: {  	_ =	swait.ge [sflag:s7], s5  }
0x9f: {  	s5 =	ssub.s32 $0x0, s5;
	[sflag:s7] =	ssyncset.done $0x0  }
0xa0: {  	[sflag:s7] =	ssyncadd.s32 s5;
	_ =	sdelay $0x1  }
0xa1: {  	s23 =	simm.s32 $0x1B8B  }
0xa2: {  	_ =	swait.ge [sflag:s23], $0x1  }
0xa3: {  	[sflag:s23] =	ssyncset.done $0x0  }
0xa4: {  	[sflag:s23] =	ssyncadd.s32 $0xFFFFFFFF  }
0xa5: {  	s5 =	sld [smem:$0x0]  }
0xa6: {  	s6 =	sand.u32 $0xFFFFFFFE, s1  }
0xa7: {  	p0 =	sne.s32 s1, s6  }
0xa8: {  	s6 =	sshll.u32 @p0 s6, $0xE  }
0xa9: {  	s6 =	sadd.s32 @p0 $0x11B8D, s6;
	s7 =	sshll.u32 @p0 s5, $0x11  }
0xaa: {  	s6 =	sor.u32 @p0 s7, s6  }
0xab: {  	[sflag:s6] =	ssyncadd.remote.s32 @p0 $0x1;
	_ =	sdelay $0x1  }
0xac: {  	s6 =	simm.s32 @p0 $0x1B8D  }
0xad: {  	_ =	swait.eq @p0 [sflag:s6], $0x1  }
0xae: {  	[sflag:s6] =	ssyncadd.s32 @p0 $0xFFFFFFFF  }
0xaf: {  	s7 =	sshll.u32 @!p0 s1, $0xE  }
0xb0: {  	s7 =	sor.u32 @!p0 $0x4000, s7;
	s6 =	simm.s32 @!p0 $0x1B8D  }
0xb1: {  	s5 =	sshll.u32 @!p0 s5, $0x11;
	s7 =	sadd.s32 @!p0 $0x11B8D, s7;
	_ =	swait.eq @!p0 [sflag:s6], $0x1  }
0xb2: {  	s5 =	sor.u32 @!p0 s5, s7;
	[sflag:s6] =	ssyncadd.s32 @!p0 $0xFFFFFFFF  }
0xb3: {  	s25 =	simm.s32 $0x1B8E;
	s24 =	sld [smem:$0x3FFE];
	[sflag:s5] =	ssyncadd.remote.s32 @!p0 $0x1  }
0xb4: {  	s26 =	simm.s32 $execute0_lowered;
	[smem:$0x3FD2] =	sst s25  }
0xb5: {  	s6 =	sshll.u32 s26, $0x1;
	_ =	strace $0x80000049;
	[dreg:$0x1] =	wrdreg $0xFFFFFFFF  }
0xb6: {  	s28 =	simm.s32 $_size_execute0_lowered;
	s4 =	sadd.s32 s4, s6;
	[dreg:$0x0] =	wrdreg $0x0  }
0xb7: {  	s6 =	sshll.u32 s28, $0x1;
	[dreg:$0x2] =	wrdreg s4  }
0xb8: {  	[dreg:$0x3] =	wrdreg s6  }
0xb9: {  	[dreg:$0x4] =	wrdreg $0xC0  }
0xba: {  	_ =	task [dreg:s22], $0x5FFFF  }
0xbb: {  	[dreg:$0x1] =	wrdreg $0xFFFFFFFF  }
0xbc: {  	[dreg:$0x0] =	wrdreg $0x60  }
0xbd: {  	[dreg:$0x2] =	wrdreg s18  }
0xbe: {  	[dreg:$0x3] =	wrdreg s24  }
0xbf: {  	[dreg:$0x4] =	wrdreg $0xD1400  }
0xc0: {  	[dreg:$0x5] =	wrdreg $0x171400  }
0xc1: {  	[dreg:$0x6] =	wrdreg $0x9  }
0xc2: {  	_ =	task.clear_ibuf [dreg:s22], $0x7FFFF;
	_ =	strace $0x90000049  }
0xc3: {  	s29 =	simm.s32 $0x9;
	_ =	strace $0x8000004B  }
0xc4: {  	_ =	swait.ge [sflag:s29], $0x1  }
0xc5: {  	[sflag:s29] =	ssyncadd.s32 $0xFFFFFFFF  }
0xc6: {  	_ =	strace $0x9000004B  }
0xc7: {  	_ =	sfence  }
0xc8: {  	s30 =	sld [smem:$0x0];
	_ =	sdelay $0x2  }
0xc9: {  	s31 =	sshll.u32 s1, $0xD;
	s1 =	sshrl.u32 s1, $0x2  }
0xca: {  	s4 =	sand.u32 $0x4000, s31;
	s1 =	sadd.s32 s1, s30  }
0xcb: {  	s0 =	sor.u32 s4, s0;
	s1 =	sshll.u32 s1, $0x11  }
0xcc: {  	s0 =	sor.u32 s1, s0  }
0xcd: {  	s0 =	sadd.s32 $0x8F2B, s0  }
0xce: {  	[sflag:s0] =	ssyncadd.remote.s32 $0x1  }
0xcf: {  	_ =	sfence.sel $0xFFFF  }
0xd0: {  	[dreg:$0x0] =	wrdreg $0xFFFFFFFF;
	(pc) =	sbr.abs _section_cstart, $3  }
0xd1: {  	[dreg:$0x1] =	wrdreg $0xFFFFFFFF  }
0xd2: {  	_ =	task.clear_ibuf [dreg:s22], $0x2FFFF;
	_ =	strace $0x9FFFFFFF  }
0xd3: {  	(tm) =	ssettm $0x7FFFFFFF  }
tec
execute0_lowered:
.L_overlay_start_1:
0x0: {  	(tag) =	ssettag $0x1  }
0x1: {  	s0 =	rddreg [dreg:$0x0]  }
0x2: {  	s1 =	rddreg [dreg:$0x1]  }
0x3: {  	s2 =	rddreg [dreg:$0x2]  }
0x4: {  	s3 =	rddreg [dreg:$0x3];
	s4 =	simm.s32 $0x0  }
0x5: {  	s7 =	stileid.u32;
	s6 =	srdreg.scid;
	s28 =	simm.s32 $0x3  }
0x6: {  	s29 =	simm.s32 $0xC440;
	s30 =	simm.s32 $0xC940;
	s5 =	smul.u32 $0x9C4, s7  }
0x7: {  	s31 =	simm.s32 $0x0;
	[smem:$0x7FF] =	sst s4;
	s8 =	smul.u32 $0xA000, s7  }
0x8: {  	s10 =	smul.u32 $0x2800, s7;
	s11 =	sand.u32 $0x1, s6;
	_ =	strace $0x8000004A  }
0x9: {  	s16 =	ssub.s32 $0x2, s11;
	s13 =	smul.u32 $0x140000, s11;
	p0 =	seq.s32 s11, $0x0  }
0xa: {  	p1 =	sne.s32 s11, $0x0;
	s14 =	sadd.s32 s5, s1;
	s15 =	sshrl.u32 s8, $0x3  }
0xb: {  	s9 =	sshrl.u32 s10, $0x3;
	s12 =	sshrl.u32 s16, $0x1;
	s18 =	sshrl.u32 s8, $0x2  }
0xc: {  	s25 =	sadd.s32 s10, s3;
	s15 =	sadd.s32 s15, s1;
	s1 =	sadd.s32 s9, s1  }
0xd: {  	s12 =	ssub.s32 s16, s12;
	s5 =	sadd.s32 $0xC200, s14;
	s17 =	sadd.s32 s8, s13  }
0xe: {  	s6 =	sadd.s32 $0x2400, s14;
	s19 =	sadd.s32 s18, s3;
	s8 =	sadd.s32 s8, s2  }
0xf: {  	s13 =	sshrl.u32 s13, $0x3;
	s20 =	sadd.s32 $0x800, s19;
	[dreg:$0x5] =	wrdreg s19  }
0x10: {  	s14 =	sshrl.u32 s17, $0x3;
	s21 =	sadd.s32 $0x1000, s19;
	[dreg:$0x6] =	wrdreg s20  }
0x11: {  	s22 =	sadd.s32 $0x1800, s19;
	s7 =	sadd.s32 $0x2000, s19;
	[dreg:$0x7] =	wrdreg s21  }
0x12: {  	s23 =	sadd.s32 $0x100E00, s15;
	s24 =	sadd.s32 $0xE7E00, s1;
	[dreg:$0x8] =	wrdreg s22  }
0x13: {  	s26 =	sadd.s32 $0xECE00, s15;
	s18 =	smax.u32 s12, $0x1;
	[dreg:$0x9] =	wrdreg s7  }
.Ltmp0:
0x14: {  	s19 =	simm.s32 $0x4;
	[dreg:$0xa] =	wrdreg s23;
	(pc) =	sbr.rel .LBB2_1-.Ltmp0, $4  }
0x15: {  	s9 =	sadd.s32 s0, s14;
	s14 =	sadd.s32 s0, s13;
	[dreg:$0xb] =	wrdreg s24  }
0x16: {  	[dreg:$0xc] =	wrdreg s26;
	s20 =	simm.s32 $0x4E20;
	s21 =	simm.s32 $0x50  }
0x17: {  	s22 =	simm.s32 $0x9C40;
	s23 =	simm.s32 $0xB040;
	s0 =	sshrl.u32 s25, $0x3  }
0x18: {  	v0 =	vimm.f32 $1.000000000e+00;
	v1 =	vimm.f32 $0.0e+00;
	s24 =	simm.s32 $0x1;
	s26 =	simm.s32 $0x2;
	[dreg:$0xd] =	wrdreg s0  }
.LBB2_9:
0x19: {  	[bflag:$0x0] =	sbarrier.arrive $0xFFFF  }
0x1a: {  	s1 =	rddreg [dreg:$0xc]  }
0x1b: {  	[hbm:s1], [sflag:s0] =	dma.local [spmem:s10], $0x1400  }
0x1c: {  	_ =	swait.ge [sflag:s19], $0x1400  }
0x1d: {  	[sflag:s19] =	ssyncset.done $0x0  }
0x1e: {  	[sflag:s19] =	ssyncadd.s32 $0xFFFFEC00  }
.LBB2_10:
0x1f: {  	s31 =	sadd.s32 $0x1, s31  }
0x20: {  	p2 =	sne.s32 s31, s18  }
.Ltmp1:
0x21: {  	_ = 	snop;
	(pc) =	sbr.rel @!p2 .LBB2_11-.Ltmp1, $1  }
0x22: {  	_ =	sdelay $0x3  }
.LBB2_1:
0x23: {  	[tilespmem:s4], [sflag:$0x4] =	stream.linear.gather [hbm4b:s5+s4], $0x4E20, $0x38;
	[tilespmem:$0x19940] =	vst v63  }
0x24: {  	_ =	swait.ge [sflag:s19], $0x4E20  }
0x25: {  	[sflag:s19] =	ssyncset.done $0x0  }
0x26: {  	[sflag:s19] =	ssyncadd.s32 $0xFFFFB1E0  }
0x27: {  	[tilespmem:s20], [sflag:$0x4] =	stream.linear.gather [hbm4b:s6+s4], $0x4E20, $0x38;
	[tilespmem:$0x19940] =	vst v63  }
0x28: {  	s0 =	stileid.u32;
	_ =	swait.ge [sflag:s19], $0x4E20  }
0x29: {  	s0 =	sshll.u32 s0, $0x6;
	[sflag:s19] =	ssyncset.done $0x0  }
0x2a: {  	s10 =	sshrl.u32 s8, $0x3;
	s0 =	sor.u32 $0x1C04, s0;
	[sflag:s19] =	ssyncadd.s32 $0xFFFFB1E0  }
0x2b: {  	[spmem:s10], [sflag:s0] =	dma.local [hbm:s9], $0x1400  }
0x2c: {  	_ =	swait.ge [sflag:s19], $0x1400  }
0x2d: {  	[sflag:s19] =	ssyncset.done $0x0  }
0x2e: {  	[sflag:s19] =	ssyncadd.s32 $0xFFFFEC00  }
0x2f: {  	[tilespmem:$0xC440] =	vst v0  }
0x30: {  	[tilespmem:$0xC450] =	vst v0  }
0x31: {  	[tilespmem:$0xC460] =	vst v0  }
0x32: {  	[tilespmem:$0xC470] =	vst v0  }
0x33: {  	[tilespmem:$0xC480] =	vst v0  }
0x34: {  	[tilespmem:$0xC490] =	vst v0  }
0x35: {  	[tilespmem:$0xC4A0] =	vst v0  }
0x36: {  	[tilespmem:$0xC4B0] =	vst v0  }
0x37: {  	[tilespmem:$0xC4C0] =	vst v0  }
0x38: {  	[tilespmem:$0xC4D0] =	vst v0  }
0x39: {  	[tilespmem:$0xC4E0] =	vst v0  }
0x3a: {  	[tilespmem:$0xC4F0] =	vst v0  }
0x3b: {  	[tilespmem:$0xC500] =	vst v0  }
0x3c: {  	[tilespmem:$0xC510] =	vst v0  }
0x3d: {  	[tilespmem:$0xC520] =	vst v0  }
0x3e: {  	[tilespmem:$0xC530] =	vst v0  }
0x3f: {  	[tilespmem:$0xC540] =	vst v0  }
0x40: {  	[tilespmem:$0xC550] =	vst v0  }
0x41: {  	[tilespmem:$0xC560] =	vst v0  }
0x42: {  	[tilespmem:$0xC570] =	vst v0  }
0x43: {  	[tilespmem:$0xC580] =	vst v0  }
0x44: {  	[tilespmem:$0xC590] =	vst v0  }
0x45: {  	[tilespmem:$0xC5A0] =	vst v0  }
0x46: {  	[tilespmem:$0xC5B0] =	vst v0  }
0x47: {  	[tilespmem:$0xC5C0] =	vst v0  }
0x48: {  	[tilespmem:$0xC5D0] =	vst v0  }
0x49: {  	[tilespmem:$0xC5E0] =	vst v0  }
0x4a: {  	[tilespmem:$0xC5F0] =	vst v0  }
0x4b: {  	[tilespmem:$0xC600] =	vst v0  }
0x4c: {  	[tilespmem:$0xC610] =	vst v0  }
0x4d: {  	[tilespmem:$0xC620] =	vst v0  }
0x4e: {  	[tilespmem:$0xC630] =	vst v0  }
0x4f: {  	[tilespmem:$0xC640] =	vst v0  }
0x50: {  	[tilespmem:$0xC650] =	vst v0  }
0x51: {  	[tilespmem:$0xC660] =	vst v0  }
0x52: {  	[tilespmem:$0xC670] =	vst v0  }
0x53: {  	[tilespmem:$0xC680] =	vst v0  }
0x54: {  	[tilespmem:$0xC690] =	vst v0  }
0x55: {  	[tilespmem:$0xC6A0] =	vst v0  }
0x56: {  	[tilespmem:$0xC6B0] =	vst v0  }
0x57: {  	[tilespmem:$0xC6C0] =	vst v0  }
0x58: {  	[tilespmem:$0xC6D0] =	vst v0  }
0x59: {  	[tilespmem:$0xC6E0] =	vst v0  }
0x5a: {  	[tilespmem:$0xC6F0] =	vst v0  }
0x5b: {  	[tilespmem:$0xC700] =	vst v0  }
0x5c: {  	[tilespmem:$0xC710] =	vst v0  }
0x5d: {  	[tilespmem:$0xC720] =	vst v0  }
0x5e: {  	[tilespmem:$0xC730] =	vst v0  }
0x5f: {  	[tilespmem:$0xC740] =	vst v0  }
0x60: {  	[tilespmem:$0xC750] =	vst v0  }
0x61: {  	[tilespmem:$0xC760] =	vst v0  }
0x62: {  	[tilespmem:$0xC770] =	vst v0  }
0x63: {  	[tilespmem:$0xC780] =	vst v0  }
0x64: {  	[tilespmem:$0xC790] =	vst v0  }
0x65: {  	[tilespmem:$0xC7A0] =	vst v0  }
0x66: {  	[tilespmem:$0xC7B0] =	vst v0  }
0x67: {  	[tilespmem:$0xC7C0] =	vst v0  }
0x68: {  	[tilespmem:$0xC7D0] =	vst v0  }
0x69: {  	[tilespmem:$0xC7E0] =	vst v0  }
0x6a: {  	[tilespmem:$0xC7F0] =	vst v0  }
0x6b: {  	[tilespmem:$0xC800] =	vst v0  }
0x6c: {  	[tilespmem:$0xC810] =	vst v0  }
0x6d: {  	[tilespmem:$0xC820] =	vst v0  }
0x6e: {  	[tilespmem:$0xC830] =	vst v0  }
0x6f: {  	[tilespmem:$0xC840] =	vst v0  }
0x70: {  	[tilespmem:$0xC850] =	vst v0  }
0x71: {  	[tilespmem:$0xC860] =	vst v0  }
0x72: {  	[tilespmem:$0xC870] =	vst v0  }
0x73: {  	[tilespmem:$0xC880] =	vst v0  }
0x74: {  	[tilespmem:$0xC890] =	vst v0  }
0x75: {  	[tilespmem:$0xC8A0] =	vst v0  }
0x76: {  	[tilespmem:$0xC8B0] =	vst v0  }
0x77: {  	[tilespmem:$0xC8C0] =	vst v0  }
0x78: {  	[tilespmem:$0xC8D0] =	vst v0  }
0x79: {  	[tilespmem:$0xC8E0] =	vst v0  }
.Ltmp2:
0x7a: {  	[tilespmem:$0xC8F0] =	vst v0;
	(pc) =	sbr.rel @p0 .LBB2_3-.Ltmp2, $4  }
0x7b: {  	[tilespmem:$0xC900] =	vst v0  }
0x7c: {  	[tilespmem:$0xC910] =	vst v0  }
0x7d: {  	[tilespmem:$0xC920] =	vst v0  }
0x7e: {  	[tilespmem:$0xC930] =	vst v0  }
0x7f: {  	[tilespmem:$0xC940] =	vst v1  }
0x80: {  	[tilespmem:$0xC950] =	vst v1  }
0x81: {  	[tilespmem:$0xC960] =	vst v1  }
0x82: {  	[tilespmem:$0xC970] =	vst v1  }
0x83: {  	[tilespmem:$0xC980] =	vst v1  }
0x84: {  	[tilespmem:$0xC990] =	vst v1  }
0x85: {  	[tilespmem:$0xC9A0] =	vst v1  }
0x86: {  	[tilespmem:$0xC9B0] =	vst v1  }
0x87: {  	[tilespmem:$0xC9C0] =	vst v1  }
0x88: {  	[tilespmem:$0xC9D0] =	vst v1  }
0x89: {  	[tilespmem:$0xC9E0] =	vst v1  }
0x8a: {  	[tilespmem:$0xC9F0] =	vst v1  }
0x8b: {  	[tilespmem:$0xCA00] =	vst v1  }
0x8c: {  	[tilespmem:$0xCA10] =	vst v1  }
0x8d: {  	[tilespmem:$0xCA20] =	vst v1  }
0x8e: {  	[tilespmem:$0xCA30] =	vst v1  }
0x8f: {  	[tilespmem:$0xCA40] =	vst v1  }
0x90: {  	[tilespmem:$0xCA50] =	vst v1  }
0x91: {  	[tilespmem:$0xCA60] =	vst v1  }
0x92: {  	[tilespmem:$0xCA70] =	vst v1  }
0x93: {  	[tilespmem:$0xCA80] =	vst v1  }
0x94: {  	[tilespmem:$0xCA90] =	vst v1  }
0x95: {  	[tilespmem:$0xCAA0] =	vst v1  }
0x96: {  	[tilespmem:$0xCAB0] =	vst v1  }
0x97: {  	[tilespmem:$0xCAC0] =	vst v1  }
0x98: {  	[tilespmem:$0xCAD0] =	vst v1  }
0x99: {  	[tilespmem:$0xCAE0] =	vst v1  }
0x9a: {  	[tilespmem:$0xCAF0] =	vst v1  }
0x9b: {  	[tilespmem:$0xCB00] =	vst v1  }
0x9c: {  	[tilespmem:$0xCB10] =	vst v1  }
0x9d: {  	[tilespmem:$0xCB20] =	vst v1  }
0x9e: {  	[tilespmem:$0xCB30] =	vst v1  }
0x9f: {  	[tilespmem:$0xCB40] =	vst v1  }
0xa0: {  	[tilespmem:$0xCB50] =	vst v1  }
0xa1: {  	[tilespmem:$0xCB60] =	vst v1  }
0xa2: {  	[tilespmem:$0xCB70] =	vst v1  }
0xa3: {  	[tilespmem:$0xCB80] =	vst v1  }
0xa4: {  	[tilespmem:$0xCB90] =	vst v1  }
0xa5: {  	[tilespmem:$0xCBA0] =	vst v1  }
0xa6: {  	[tilespmem:$0xCBB0] =	vst v1  }
0xa7: {  	[tilespmem:$0xCBC0] =	vst v1  }
0xa8: {  	[tilespmem:$0xCBD0] =	vst v1  }
0xa9: {  	[tilespmem:$0xCBE0] =	vst v1  }
0xaa: {  	[tilespmem:$0xCBF0] =	vst v1  }
0xab: {  	[tilespmem:$0xCC00] =	vst v1  }
0xac: {  	[tilespmem:$0xCC10] =	vst v1  }
0xad: {  	[tilespmem:$0xCC20] =	vst v1  }
0xae: {  	[tilespmem:$0xCC30] =	vst v1  }
0xaf: {  	[tilespmem:$0xCC40] =	vst v1  }
0xb0: {  	[tilespmem:$0xCC50] =	vst v1  }
0xb1: {  	[tilespmem:$0xCC60] =	vst v1  }
0xb2: {  	[tilespmem:$0xCC70] =	vst v1  }
0xb3: {  	[tilespmem:$0xCC80] =	vst v1  }
0xb4: {  	[tilespmem:$0xCC90] =	vst v1  }
0xb5: {  	[tilespmem:$0xCCA0] =	vst v1  }
0xb6: {  	[tilespmem:$0xCCB0] =	vst v1  }
0xb7: {  	[tilespmem:$0xCCC0] =	vst v1  }
0xb8: {  	[tilespmem:$0xCCD0] =	vst v1  }
0xb9: {  	[tilespmem:$0xCCE0] =	vst v1  }
0xba: {  	[tilespmem:$0xCCF0] =	vst v1  }
0xbb: {  	[tilespmem:$0xCD00] =	vst v1  }
0xbc: {  	[tilespmem:$0xCD10] =	vst v1  }
0xbd: {  	[tilespmem:$0xCD20] =	vst v1  }
0xbe: {  	[tilespmem:$0xCD30] =	vst v1  }
0xbf: {  	[tilespmem:$0xCD40] =	vst v1  }
0xc0: {  	[tilespmem:$0xCD50] =	vst v1  }
0xc1: {  	[tilespmem:$0xCD60] =	vst v1  }
0xc2: {  	[tilespmem:$0xCD70] =	vst v1  }
0xc3: {  	[tilespmem:$0xCD80] =	vst v1  }
0xc4: {  	[tilespmem:$0xCD90] =	vst v1  }
0xc5: {  	[tilespmem:$0xCDA0] =	vst v1  }
0xc6: {  	[tilespmem:$0xCDB0] =	vst v1  }
0xc7: {  	[tilespmem:$0xCDC0] =	vst v1  }
0xc8: {  	[tilespmem:$0xCDD0] =	vst v1  }
0xc9: {  	[tilespmem:$0xCDE0] =	vst v1  }
0xca: {  	[tilespmem:$0xCDF0] =	vst v1  }
0xcb: {  	[tilespmem:$0xCE00] =	vst v1  }
0xcc: {  	[tilespmem:$0xCE10] =	vst v1  }
0xcd: {  	[tilespmem:$0xCE20] =	vst v1  }
0xce: {  	[tilespmem:$0xCE30] =	vst v1  }
0xcf: {  	[tilespmem:$0xCE40] =	vst v1  }
0xd0: {  	[tilespmem:$0xCE50] =	vst v1  }
0xd1: {  	[tilespmem:$0xCE60] =	vst v1  }
0xd2: {  	[tilespmem:$0xCE70] =	vst v1  }
0xd3: {  	[tilespmem:$0xCE80] =	vst v1  }
0xd4: {  	[tilespmem:$0xCE90] =	vst v1  }
0xd5: {  	[tilespmem:$0xCEA0] =	vst v1  }
0xd6: {  	[tilespmem:$0xCEB0] =	vst v1  }
0xd7: {  	[tilespmem:$0xCEC0] =	vst v1  }
0xd8: {  	[tilespmem:$0xCED0] =	vst v1  }
0xd9: {  	[tilespmem:$0xCEE0] =	vst v1  }
0xda: {  	[tilespmem:$0xCEF0] =	vst v1  }
0xdb: {  	[tilespmem:$0xCF00] =	vst v1  }
0xdc: {  	[tilespmem:$0xCF10] =	vst v1  }
0xdd: {  	[tilespmem:$0xCF20] =	vst v1  }
0xde: {  	[tilespmem:$0xCF30] =	vst v1  }
0xdf: {  	[tilespmem:$0xCF40] =	vst v1  }
0xe0: {  	[tilespmem:$0xCF50] =	vst v1  }
0xe1: {  	[tilespmem:$0xCF60] =	vst v1  }
0xe2: {  	[tilespmem:$0xCF70] =	vst v1  }
0xe3: {  	[tilespmem:$0xCF80] =	vst v1  }
0xe4: {  	[tilespmem:$0xCF90] =	vst v1  }
0xe5: {  	[tilespmem:$0xCFA0] =	vst v1  }
0xe6: {  	[tilespmem:$0xCFB0] =	vst v1  }
0xe7: {  	[tilespmem:$0xCFC0] =	vst v1  }
0xe8: {  	[tilespmem:$0xCFD0] =	vst v1  }
0xe9: {  	[tilespmem:$0xCFE0] =	vst v1  }
0xea: {  	[tilespmem:$0xCFF0] =	vst v1  }
0xeb: {  	[tilespmem:$0xD000] =	vst v1  }
0xec: {  	[tilespmem:$0xD010] =	vst v1  }
0xed: {  	[tilespmem:$0xD020] =	vst v1  }
0xee: {  	[tilespmem:$0xD030] =	vst v1  }
0xef: {  	[tilespmem:$0xD040] =	vst v1  }
0xf0: {  	[tilespmem:$0xD050] =	vst v1  }
0xf1: {  	[tilespmem:$0xD060] =	vst v1  }
0xf2: {  	[tilespmem:$0xD070] =	vst v1  }
0xf3: {  	[tilespmem:$0xD080] =	vst v1  }
0xf4: {  	[tilespmem:$0xD090] =	vst v1  }
0xf5: {  	[tilespmem:$0xD0A0] =	vst v1  }
0xf6: {  	[tilespmem:$0xD0B0] =	vst v1  }
0xf7: {  	[tilespmem:$0xD0C0] =	vst v1  }
0xf8: {  	[tilespmem:$0xD0D0] =	vst v1  }
0xf9: {  	[tilespmem:$0xD0E0] =	vst v1  }
0xfa: {  	[tilespmem:$0xD0F0] =	vst v1  }
0xfb: {  	[tilespmem:$0xD100] =	vst v1  }
0xfc: {  	[tilespmem:$0xD110] =	vst v1  }
0xfd: {  	[tilespmem:$0xD120] =	vst v1  }
0xfe: {  	[tilespmem:$0xD130] =	vst v1;
	s1 =	rddreg [dreg:$0x5]  }
0xff: {  	[spmem:s1] =	stream.linear.scatter [tilespmem:s30], [sflag:$0x4], $0x800, $0x38;
	[tilespmem:$0x19940] =	vst v63  }
0x100: {  	_ =	swait.ge [sflag:s19], $0x800  }
0x101: {  	[sflag:s19] =	ssyncset.done $0x0  }
0x102: {  	s15 =	rddreg [dreg:$0x6];
	[sflag:s19] =	ssyncadd.s32 $0xFFFFF800  }
0x103: {  	[spmem:s15] =	stream.linear.scatter [tilespmem:s30], [sflag:$0x4], $0x800, $0x38;
	[tilespmem:$0x19940] =	vst v63  }
0x104: {  	_ =	swait.ge [sflag:s19], $0x800  }
0x105: {  	[sflag:s19] =	ssyncset.done $0x0  }
0x106: {  	s16 =	rddreg [dreg:$0x7];
	[sflag:s19] =	ssyncadd.s32 $0xFFFFF800  }
0x107: {  	[spmem:s16] =	stream.linear.scatter [tilespmem:s30], [sflag:$0x4], $0x800, $0x38;
	[tilespmem:$0x19940] =	vst v63  }
0x108: {  	_ =	swait.ge [sflag:s19], $0x800  }
0x109: {  	[sflag:s19] =	ssyncset.done $0x0  }
0x10a: {  	s17 =	rddreg [dreg:$0x8];
	[sflag:s19] =	ssyncadd.s32 $0xFFFFF800  }
0x10b: {  	[spmem:s17] =	stream.linear.scatter [tilespmem:s30], [sflag:$0x4], $0x800, $0x38;
	[tilespmem:$0x19940] =	vst v63  }
0x10c: {  	_ =	swait.ge [sflag:s19], $0x800  }
0x10d: {  	[sflag:s19] =	ssyncset.done $0x0  }
0x10e: {  	s25 =	rddreg [dreg:$0x9];
	[sflag:s19] =	ssyncadd.s32 $0xFFFFF800  }
0x10f: {  	[spmem:s25] =	stream.linear.scatter [tilespmem:s30], [sflag:$0x4], $0x800, $0x38;
	[tilespmem:$0x19940] =	vst v63  }
0x110: {  	_ =	swait.ge [sflag:s19], $0x800  }
0x111: {  	[sflag:s19] =	ssyncset.done $0x0  }
0x112: {  	[sflag:s19] =	ssyncadd.s32 $0xFFFFF800  }
.LBB2_3:
0x113: {  	[bflag:$0x0] =	sbarrier.arrive $0xFFFF  }
0x114: {  	[tilespmem:s22], [sflag:$0x1] =	stream.indirect.gather [hbm4b:s14+s21], $0x40, s4, s21, $0xb8;
	[tilespmem:$0x19940] =	vst v63  }
0x115: {  	_ = 	snop  }
0x116: {  	[tilespmem:s23], [sflag:$0x2] =	stream.indirect.gather [hbm4b:s14+s21], $0x40, s21, s21, $0xb8;
	[tilespmem:$0x19940] =	vst v63  }
0x117: {  	_ =	swait.ge [sflag:s24], $0x1400  }
0x118: {  	[sflag:s24] =	ssyncset.done $0x0  }
0x119: {  	[sflag:s24] =	ssyncadd.s32 $0xFFFFEC00  }
0x11a: {  	[spmem:s2] =	stream.indirect.scatter.add.f32 [tilespmem:s22], [sflag:$0x4], $0x40, s20, s21, $0xb8;
	[tilespmem:$0x19940] =	vst v63  }
0x11b: {  	_ =	swait.ge [sflag:s19], $0x1400  }
0x11c: {  	s1 =	simm.s32 @p0 $0x50;
	[sflag:s19] =	ssyncset.done $0x0  }
0x11d: {  	s11 =	simm.s32 @p0 $0xA0;
	s12 =	simm.s32 @p0 $0x9C40;
	[sflag:s19] =	ssyncadd.s32 $0xFFFFEC00  }
0x11e: {  	[tilespmem:s12], [sflag:$0x1] =	stream.indirect.gather @p0 [hbm4b:s14+s1], $0x40, s11, s1, $0xb8;
	[tilespmem:$0x19940] =	vst v63  }
0x11f: {  	s11 =	simm.s32 @p0 $0x2  }
0x120: {  	_ =	swait.ge @p0 [sflag:s11], $0x1400  }
0x121: {  	[sflag:s11] =	ssyncset.done @p0 $0x0  }
0x122: {  	s12 =	simm.s32 @p0 $0xB040;
	[sflag:s11] =	ssyncadd.s32 @p0 $0xFFFFEC00;
	s11 =	simm.s32 @p0 $0x4E70  }
0x123: {  	[spmem:s2] =	stream.indirect.scatter.add.f32 @p0 [tilespmem:s12], [sflag:$0x4], $0x40, s11, s1, $0xb8;
	[tilespmem:$0x19940] =	vst v63  }
0x124: {  	s1 =	simm.s32 @p0 $0x4  }
0x125: {  	_ =	swait.ge @p0 [sflag:s1], $0x1400  }
0x126: {  	s11 =	simm.s32 @!p0 $0x50;
	[sflag:s1] =	ssyncset.done @p0 $0x0  }
0x127: {  	s12 =	simm.s32 @!p0 $0xC440;
	[sflag:s1] =	ssyncadd.s32 @p0 $0xFFFFEC00;
	s1 =	simm.s32 @!p0 $0x4E20  }
0x128: {  	[spmem:s3] =	stream.indirect.scatter.add.f32 @!p0 [tilespmem:s12], [sflag:$0x3], $0x10, s1, s11, $0xb8;
	[tilespmem:$0x19940] =	vst v63  }
0x129: {  	s13 =	simm.s32 @!p0 $0x9C40;
	s1 =	simm.s32 @!p0 $0xA0  }
0x12a: {  	[tilespmem:s13], [sflag:$0x1] =	stream.indirect.gather @!p0 [hbm4b:s14+s11], $0x40, s1, s11, $0xb8;
	[tilespmem:$0x19940] =	vst v63  }
0x12b: {  	s1 =	simm.s32 @!p0 $0x2  }
0x12c: {  	_ =	swait.ge @!p0 [sflag:s1], $0x1400  }
0x12d: {  	[sflag:s1] =	ssyncset.done @!p0 $0x0  }
0x12e: {  	s13 =	simm.s32 @!p0 $0xB040;
	[sflag:s1] =	ssyncadd.s32 @!p0 $0xFFFFEC00;
	s1 =	simm.s32 @!p0 $0x4E70  }
0x12f: {  	[spmem:s2] =	stream.indirect.scatter.add.f32 @!p0 [tilespmem:s13], [sflag:$0x4], $0x40, s1, s11, $0xb8;
	[tilespmem:$0x19940] =	vst v63  }
0x130: {  	s13 =	simm.s32 @!p0 $0x4  }
0x131: {  	_ =	swait.ge @!p0 [sflag:s13], $0x1400  }
0x132: {  	[sflag:s13] =	ssyncset.done @!p0 $0x0  }
0x133: {  	[sflag:s13] =	ssyncadd.s32 @!p0 $0xFFFFEC00;
	s13 =	simm.s32 @!p0 $0x3  }
.Ltmp3:
0x134: {  	_ =	swait.ge @!p0 [sflag:s13], $0x500;
	(pc) =	sbr.rel .LBB2_4-.Ltmp3, $4  }
0x135: {  	[sflag:s13] =	ssyncset.done @!p0 $0x0  }
0x136: {  	s15 =	simm.s32 $0x1;
	[sflag:s13] =	ssyncadd.s32 @!p0 $0xFFFFFB00  }
0x137: {  	[spmem:s3] =	stream.indirect.scatter.add.f32 @!p0 [tilespmem:s12], [sflag:$0x3], $0x10, s1, s11, $0xb8;
	[tilespmem:$0x19940] =	vst v63  }
0x138: {  	s16 =	simm.s32 $0x7B;
	s17 =	simm.s32 $0x4EC0;
	s1 =	simm.s32 $0x140  }
.LBB2_5:
.Ltmp4:
0x139: {  	(pc) =	sbr.rel @p2 .LBB2_9-.Ltmp4, $1  }
0x13a: {  	_ =	sdelay $0x3  }
.LBB2_6:
0x13b: {  	s16 =	sadd.s32 $0xFFFFFFFF, s16;
	s1 =	sadd.s32 $0xA0, s1;
	s17 =	sadd.s32 $0xA0, s17  }
.LBB2_4:
0x13c: {  	s25 =	sadd.s32 $0xFFFFFFB0, s1  }
0x13d: {  	[tilespmem:s23], [sflag:$0x2] =	stream.indirect.gather [hbm4b:s14+s21], $0x40, s25, s21, $0xb8;
	[tilespmem:$0x19940] =	vst v63  }
0x13e: {  	_ =	swait.ge [sflag:s24], $0x1400  }
0x13f: {  	[sflag:s24] =	ssyncset.done $0x0  }
0x140: {  	[sflag:s24] =	ssyncadd.s32 $0xFFFFEC00  }
0x141: {  	[spmem:s2] =	stream.indirect.scatter.add.f32 [tilespmem:s22], [sflag:$0x4], $0x40, s17, s21, $0xb8;
	[tilespmem:$0x19940] =	vst v63  }
0x142: {  	_ =	swait.ge [sflag:s19], $0x1400  }
0x143: {  	[sflag:s19] =	ssyncset.done $0x0  }
0x144: {  	[sflag:s19] =	ssyncadd.s32 $0xFFFFEC00  }
0x145: {  	_ =	swait.ge @!p0 [sflag:s13], $0x500  }
0x146: {  	[sflag:s13] =	ssyncset.done @!p0 $0x0  }
0x147: {  	p2 =	seq.s32 s16, $0x0;
	[sflag:s13] =	ssyncadd.s32 @!p0 $0xFFFFFB00  }
0x148: {  	[spmem:s3] =	stream.indirect.scatter.add.f32 @!p0 [tilespmem:s12], [sflag:$0x3], $0x10, s17, s11, $0xb8;
	[tilespmem:$0x19940] =	vst v63  }
0x149: {  	s25 =	simm.s32 @!p2 $0x50;
	s7 =	simm.s32 @!p2 $0x9C40  }
0x14a: {  	[tilespmem:s7], [sflag:$0x1] =	stream.indirect.gather @!p2 [hbm4b:s14+s25], $0x40, s1, s25, $0xb8;
	[tilespmem:$0x19940] =	vst v63  }
0x14b: {  	_ =	swait.ge [sflag:s26], $0x1400  }
0x14c: {  	[sflag:s26] =	ssyncset.done $0x0  }
.Ltmp5:
0x14d: {  	s25 =	sadd.s32 $0x50, s17;
	[sflag:s26] =	ssyncadd.s32 $0xFFFFEC00;
	(pc) =	sbr.rel @!p1 .LBB2_5-.Ltmp5, $4  }
0x14e: {  	[spmem:s2] =	stream.indirect.scatter.add.f32 [tilespmem:s23], [sflag:$0x4], $0x40, s25, s21, $0xb8;
	[tilespmem:$0x19940] =	vst v63  }
0x14f: {  	_ =	swait.ge [sflag:s19], $0x1400  }
0x150: {  	[sflag:s19] =	ssyncset.done $0x0  }
0x151: {  	s15 =	sadd.s32 $0x1, s15;
	[sflag:s19] =	ssyncadd.s32 $0xFFFFEC00  }
0x152: {  	p2 =	sne.s32 s16, $0x0  }
.Ltmp6:
0x153: {  	_ = 	snop;
	(pc) =	sbr.rel @p2 .LBB2_6-.Ltmp6, $4  }
0x154: {  	_ =	swait.ge [sflag:s28], $0x500  }
0x155: {  	[sflag:s28] =	ssyncset.done $0x0  }
0x156: {  	[sflag:s28] =	ssyncadd.s32 $0xFFFFFB00  }
0x157: {  	[spmem:s3] =	stream.indirect.scatter.add.f32 [tilespmem:s29], [sflag:$0x3], $0x10, s25, s21, $0xb8;
	[tilespmem:$0x19940] =	vst v63  }
0x158: {  	_ =	swait.ge [sflag:s28], $0x500  }
0x159: {  	[sflag:s28] =	ssyncset.done $0x0  }
0x15a: {  	[sflag:s28] =	ssyncadd.s32 $0xFFFFFB00  }
0x15b: {  	[bflag:$0x0] =	sbarrier.arrive $0xFFFF  }
0x15c: {  	s1 =	rddreg [dreg:$0xa]  }
0x15d: {  	[hbm:s1], [sflag:s0] =	dma.local [spmem:s10], $0x1400  }
0x15e: {  	_ =	swait.ge [sflag:s19], $0x1400  }
0x15f: {  	[sflag:s19] =	ssyncset.done $0x0;
	s25 =	rddreg [dreg:$0xb]  }
.Ltmp7:
0x160: {  	s7 =	rddreg [dreg:$0xd];
	[sflag:s19] =	ssyncadd.s32 $0xFFFFEC00;
	(pc) =	sbr.rel .LBB2_10-.Ltmp7, $4  }
0x161: {  	[hbm:s25], [sflag:s0] =	dma.local [spmem:s7], $0x500  }
0x162: {  	_ =	swait.ge [sflag:s19], $0x500  }
0x163: {  	[sflag:s19] =	ssyncset.done $0x0  }
0x164: {  	[sflag:s19] =	ssyncadd.s32 $0xFFFFFB00  }
.LBB2_11:
0x165: {  	_ =	sfence.sel $0x180000  }
0x166: {  	[bflag:$0x0] =	sbarrier.arrive $0xFFFF  }
0x167: {  	_ =	strace $0x9000004A  }
0x168: {  	s0 =	stileid.u32;
	[bflag:$0x2] =	sbarrier.arrive $0xFFFF  }
0x169: {  	p0 =	sne.s32 s0, $0x0;
	s0 =	rddreg [dreg:$0x4]  }
0x16a: {  	s0 =	sadd.s32 @!p0 $0x100000, s0  }
0x16b: {  	[sflag:s0] =	ssyncadd.tile.s32 @!p0 $0x1;
	_ =	shalt  }
.Lfunc_end2:
_tile_overlayer_lowered:
.L_overlay_start_2:
0x16c: {  	(tag) =	ssettag $0x2  }
0x16d: {  	s0 =	rddreg [dreg:$0x0];
	s2 =	stileid.u32  }
0x16e: {  	s1 =	rddreg [dreg:$0x1];
	p0 =	sne.s32 s2, $0x0  }
0x16f: {  	s3 =	rddreg [dreg:$0x2];
	[bflag:$0x3] =	sbarrier.arrive $0xFFFF;
	s2 =	simm.s32 @!p0 $0x1C04  }
0x170: {  	[timem:s3], [sflag:s2] =	dma.local @!p0 [hbm:s0], s1  }
0x171: {  	s0 =	simm.s32 @!p0 $0x4  }
0x172: {  	_ =	swait.ge @!p0 [sflag:s0], s1  }
0x173: {  	s1 =	ssub.s32 @!p0 $0x0, s1;
	[sflag:s0] =	ssyncset.done @!p0 $0x0  }
0x174: {  	[sflag:s0] =	ssyncadd.s32 @!p0 s1  }
0x175: {  	[bflag:$0x3] =	sbarrier.arrive $0xFFFF  }
0x176: {  	_ =	shalt  }

</sc_bundles>
